<compile_context>
chip_gen: v7x
topology: tpu7x:2x2x1
jax: 0.10.2.dev20260603
libtpu: 0.0.44.dev20260713+nightly
codegen_flags: <defaults>
</compile_context>

<pallas_src>
import functools

import jax
import jax.numpy as jnp
from jax import lax
from jax.experimental import pallas as pl
from jax.experimental.pallas import tpu as pltpu
from jax.experimental.pallas import tpu_sc as plsc

_VOCAB = 100000
_DIM = 64
_B = 1024
_M = 200
_T = 4
_BM = _B * _M
_CC = 128

_NSPLIT = 2
_BH = _B // _NSPLIT
_BMH = _BM // _NSPLIT

_NC = 2
_NS = 16
_NW = _NC * _NS
_SLOTS_PER_W = _BMH // _NW
_SCH = 128
_NSCH = _SLOTS_PER_W // _SCH
_TOK = 128
_SUB = _TOK // _T
_NSUB = _SCH // _SUB


def _sc_gather_pool_body(story_hbm, ccat_hbm, m01_hbm,
                         idx_v, stage_v, out01_v, gsem, wsem):
    wid = lax.axis_index("s") * _NC + lax.axis_index("c")
    base_slot = wid * _SLOTS_PER_W
    base_chunk = wid * _NSCH

    def sch_body(sc, carry):
        pltpu.sync_copy(story_hbm.at[base_chunk + sc], idx_v)
        slot0 = base_slot + sc * _SCH
        gath = [None, None, None]
        wb = [None, None]
        gath[0] = pltpu.async_copy(ccat_hbm.at[idx_v.at[0]],
                                   stage_v.at[0], gsem)
        gath[1] = pltpu.async_copy(ccat_hbm.at[idx_v.at[1]],
                                   stage_v.at[1], gsem)
        for j in range(_NSUB):
            p = j % 3
            if j + 2 < _NSUB:
                gath[(j + 2) % 3] = pltpu.async_copy(
                    ccat_hbm.at[idx_v.at[j + 2]],
                    stage_v.at[(j + 2) % 3], gsem)
            gath[p].wait()
            po = j & 1
            if wb[po] is not None:
                wb[po].wait()

            def pool_body(s, c, p=p, po=po):
                r = s * _T
                for q in range(4):
                    sl = pl.ds(q * 16, 16)
                    out01_v[po, s, sl] = (
                        stage_v[p, r, sl] + stage_v[p, r + 1, sl]
                        + stage_v[p, r + 2, sl] + stage_v[p, r + 3, sl])
                hi = jnp.uint32(0xFFFF0000)
                for q in range(4, 8):
                    sl = pl.ds(q * 16, 16)
                    m1a = None
                    m2a = None
                    for t in range(_T):
                        x = plsc.bitcast(stage_v[p, r + t, sl], jnp.uint32)
                        a = plsc.bitcast(x << 16, jnp.float32)
                        b = plsc.bitcast(x & hi, jnp.float32)
                        m1a = a if m1a is None else m1a + a
                        m2a = b if m2a is None else m2a + b
                    rnd = jnp.uint32(0x8000)
                    out01_v[po, s, sl] = plsc.bitcast(
                        ((plsc.bitcast(m1a, jnp.uint32) + rnd) >> 16)
                        | ((plsc.bitcast(m2a, jnp.uint32) + rnd) & hi),
                        jnp.float32)
                return c
            lax.fori_loop(0, _SUB, pool_body, 0)
            dst = slot0 + j * _SUB
            wb[po] = pltpu.async_copy(out01_v.at[po],
                                      m01_hbm.at[pl.ds(dst, _SUB)], wsem)
        for d in wb:
            if d is not None:
                d.wait()
        return carry

    lax.fori_loop(0, _NSCH, sch_body, 0)


@functools.cache
def _sc_gather_pool():
    return pl.kernel(
        _sc_gather_pool_body,
        mesh=plsc.VectorSubcoreMesh(core_axis_name="c", subcore_axis_name="s",
                                    num_cores=_NC, num_subcores=_NS),
        out_type=jax.ShapeDtypeStruct((_BMH, _CC), jnp.float32),
        scratch_types=[
            pltpu.VMEM((_NSUB, 128), jnp.int32),
            pltpu.VMEM((3, _TOK, _CC), jnp.float32),
            pltpu.VMEM((2, _SUB, _CC), jnp.float32),
            pltpu.SemaphoreType.DMA,
            pltpu.SemaphoreType.DMA,
        ],
        compiler_params=pltpu.CompilerParams(needs_layout_passes=False),
    )


def _attn_body(q_ref, mp_ref, pptr_ref, u1_ref):
    bb = q_ref.shape[0]
    mp = mp_ref[...].reshape(bb, _M, _CC)
    m0 = mp[:, :, :_DIM]
    u = jax.lax.bitcast_convert_type(mp[:, :, _DIM:], jnp.uint32)
    m1 = jax.lax.bitcast_convert_type(u << 16, jnp.float32)
    m2 = jax.lax.bitcast_convert_type(u & jnp.uint32(0xFFFF0000),
                                      jnp.float32)
    u0 = q_ref[...]
    lg0 = jnp.sum(m0 * u0[:, None, :], axis=2)
    p0 = jax.nn.softmax(lg0, axis=1)
    o0 = jnp.sum(m1 * p0[:, :, None], axis=1)
    u1 = u0 + o0
    u1_ref[...] = u1
    lg1 = jnp.sum(m1 * u1[:, None, :], axis=2)
    p1 = jax.nn.softmax(lg1, axis=1)
    o1 = jnp.sum(m2 * p1[:, :, None], axis=1)
    u2 = u1 + o1
    pptr_ref[...] = jnp.sum(m2 * u2[:, None, :], axis=2)


def _tc_attention(enc_query, mp):
    bb = 64
    grid = (_BH // bb,)
    return pl.pallas_call(
        _attn_body,
        grid=grid,
        in_specs=[pl.BlockSpec((bb, _DIM), lambda i: (i, 0)),
                  pl.BlockSpec((bb * _M, _CC), lambda i: (i, 0))],
        out_specs=[pl.BlockSpec((bb, _M), lambda i: (i, 0)),
                   pl.BlockSpec((bb, _DIM), lambda i: (i, 0))],
        out_shape=[jax.ShapeDtypeStruct((_BH, _M), jnp.float32),
                   jax.ShapeDtypeStruct((_BH, _DIM), jnp.float32)],
    )(enc_query, mp)


def _ccat_body(c0_ref, c1_ref, c2_ref, out_ref):
    rnd = jnp.uint32(0x8000)
    b1 = (jax.lax.bitcast_convert_type(c1_ref[0], jnp.uint32) + rnd) >> 16
    b2 = ((jax.lax.bitcast_convert_type(c2_ref[0], jnp.uint32) + rnd)
          & jnp.uint32(0xFFFF0000))
    packed = jax.lax.bitcast_convert_type(b1 | b2, jnp.float32)
    out_ref[...] = jnp.concatenate([c0_ref[0], packed], axis=1)


def _build_ccat(C):
    vb = 5000
    grid = (_VOCAB // vb,)
    return pl.pallas_call(
        _ccat_body,
        grid=grid,
        in_specs=[pl.BlockSpec((1, vb, _DIM), lambda i, h=h: (h, i, 0))
                  for h in range(3)],
        out_specs=pl.BlockSpec((vb, _CC), lambda i: (i, 0)),
        out_shape=jax.ShapeDtypeStruct((_VOCAB, _CC), jnp.float32),
    )(C, C, C)


def kernel(story, enc_query, C):
    story3d = story.astype(jnp.int32).reshape(
        _NSPLIT, _BMH // _SCH, _NSUB, 128)
    ccat = _build_ccat(C)
    pptrs, u1s = [], []
    for h in range(_NSPLIT):
        mp = _sc_gather_pool()(story3d[h], ccat)
        pp, u1 = _tc_attention(enc_query[h * _BH:(h + 1) * _BH], mp)
        pptrs.append(pp)
        u1s.append(u1)
    return (jnp.concatenate(pptrs, axis=0), jnp.concatenate(u1s, axis=0))

# --- scband reference (transcript-rebuilt; emitter-appended) ---
"""Pipeline reference for scband-decoderr-kbmem-nn-27917287424596 (READ-ONLY COPY).

The authoritative reference and input builder live on the scoring server;
editing this copy changes nothing except your own understanding.
"""

import jax, jax.numpy as jnp
import numpy as np

VOCAB = 100000
DIM = 64
HOPS = 3
PAD_token = 1
B = 1024
M = 200
T = 4


def setup_inputs(seed: int = 0) -> dict:
    key = jax.random.key(seed)
    k1, k2, k3 = jax.random.split(key, 3)
    story = jax.random.randint(k1, (B, M, T), 0, VOCAB)
    # hop+1 embedding tables, N(0, 0.1), padding row zeroed (padding_idx=PAD_token)
    C = jax.random.normal(k2, (HOPS + 1, VOCAB, DIM), dtype=jnp.float32) * 0.1
    C = C.at[:, PAD_token, :].set(0.0)
    enc_query = jax.random.normal(k3, (B, DIM), dtype=jnp.float32)
    return {"story": story, "enc_query": enc_query, "C": C}


def reference(story, enc_query, C):
    # load_memory (eval mode: unk_mask dropout inactive since not training)
    # m_story[h] = sum over token axis of embedding lookup with table C[h]
    m_story = []
    for h in range(HOPS + 1):
        emb = jnp.take(C[h], story, axis=0)  # [B, M, T, DIM] gather
        m_story.append(jnp.sum(emb, axis=2))  # [B, M, DIM]
    # ptrMemQuery
    u = [enc_query]
    prob_lg = None
    for hop in range(HOPS):
        m_A = m_story[hop]
        u_temp = u[-1][:, None, :]
        prob_lg = jnp.sum(m_A * u_temp, axis=2)  # [B, M]
        prob_ = jax.nn.softmax(prob_lg, axis=1)
        m_C = m_story[hop + 1]
        o_k = jnp.sum(m_C * prob_[:, :, None], axis=1)  # [B, DIM]
        u.append(u[-1] + o_k)
    p_ptr = prob_lg
    return p_ptr, u[1]

if __name__ == "__main__":
    import jax
    _d = setup_inputs()
    print(jax.jit(kernel)(*tuple(_d.values())))

</pallas_src>

<mosaic_0001>
#map = affine_map<(d0, d1) -> (0, 0, 0)>
#map1 = affine_map<(d0, d1) -> (0, 0)>
module attributes {stable_mosaic.version = 14 : i64} {
  func.func @_sc_gather_pool_body(%arg0: i32, %arg1: i32, %arg2: memref<800x4x128xi32, #tpu.memory_space<hbm>>, %arg3: memref<100000x128xf32, #tpu.memory_space<hbm>>, %arg4: memref<102400x128xf32, #tpu.memory_space<hbm>>, %arg5: memref<4x128xi32, #tpu.memory_space<vmem>>, %arg6: memref<3x128x128xf32, #tpu.memory_space<vmem>>, %arg7: memref<2x32x128xf32, #tpu.memory_space<vmem>>, %arg8: memref<!tpu.dma_semaphore, #tpu.memory_space<semaphore_mem>>, %arg9: memref<!tpu.dma_semaphore, #tpu.memory_space<semaphore_mem>>) attributes {dimension_semantics = [#tpu.dimension_semantics<core_parallel>, #tpu.dimension_semantics<subcore_parallel>], iteration_bounds = array<i64: 2, 16>, scalar_prefetch = 0 : i64, scratch_operands = 5 : i64, tpu.core_type = #tpu.core_type<sc_vector_subcore>, window_params = [{transform_indices = #map}, {transform_indices = #map1}, {transform_indices = #map1}]} {
    %mul3A = arith.constant 2 : i32
    %mul3A_0 = arith.muli %arg1, %mul3A : i32
    %add3A = arith.addi %mul3A_0, %arg0 : i32
    %mul3A_1 = arith.constant 3200 : i32
    %mul3A_2 = arith.muli %add3A, %mul3A_1 : i32
    %mul3A_3 = arith.constant 25 : i32
    %mul3A_4 = arith.muli %add3A, %mul3A_3 : i32
    %scan3A = arith.constant 0 : i32
    %scan3A_5 = arith.constant 0 : i32
    %scan3A_6 = arith.constant 25 : i32
    %scan3A_7 = arith.addi %scan3A_5, %scan3A_6 : i32
    %scan3A_8 = arith.constant 1 : i32
    scf.for %scan3A_10 = %scan3A_5 to %scan3A_7 step %scan3A_8  : i32 {
      %add3A_11 = arith.addi %mul3A_4, %scan3A_10 : i32
      "tpu.region"() ({
        %run_scoped3A = tpu.sem_alloc : memref<!tpu.dma_semaphore, #tpu.memory_space<semaphore_mem>>
        %dma_start3A_245 = arith.constant 0 : i32
        %dma_start3A_246 = arith.constant 0 : i32
        %dma_start3A_247 = tpu.memref_slice %arg2[%add3A_11, %dma_start3A_245, %dma_start3A_246] : memref<800x4x128xi32, #tpu.memory_space<hbm>> -> memref<1x4x128xi32, #tpu.memory_space<hbm>>
        %dma_start3A_248 = tpu.memref_squeeze %dma_start3A_247 : memref<1x4x128xi32, #tpu.memory_space<hbm>> -> memref<4x128xi32, #tpu.memory_space<hbm>>
        %dma_start3A_249 = arith.constant 0 : i32
        %dma_start3A_250 = arith.constant 0 : i32
        %dma_start3A_251 = tpu.memref_slice %arg2[%add3A_11, %dma_start3A_249, %dma_start3A_250] : memref<800x4x128xi32, #tpu.memory_space<hbm>> -> memref<1x4x128xi32, #tpu.memory_space<hbm>>
        %dma_start3A_252 = tpu.memref_squeeze %dma_start3A_251 : memref<1x4x128xi32, #tpu.memory_space<hbm>> -> memref<4x128xi32, #tpu.memory_space<hbm>>
        tpu.enqueue_dma source(%dma_start3A_252 : memref<4x128xi32, #tpu.memory_space<hbm>>) target(%arg5 : memref<4x128xi32, #tpu.memory_space<vmem>>) target_semaphore(%run_scoped3A : memref<!tpu.dma_semaphore, #tpu.memory_space<semaphore_mem>>)
        %dma_wait3A_253 = arith.constant 0 : i32
        %dma_wait3A_254 = arith.constant 0 : i32
        %dma_wait3A_255 = tpu.memref_slice %arg2[%add3A_11, %dma_wait3A_253, %dma_wait3A_254] : memref<800x4x128xi32, #tpu.memory_space<hbm>> -> memref<1x4x128xi32, #tpu.memory_space<hbm>>
        %dma_wait3A_256 = tpu.memref_squeeze %dma_wait3A_255 : memref<1x4x128xi32, #tpu.memory_space<hbm>> -> memref<4x128xi32, #tpu.memory_space<hbm>>
        %dma_wait3A_257 = arith.constant 0 : i32
        %dma_wait3A_258 = arith.constant 0 : i32
        %dma_wait3A_259 = tpu.memref_slice %arg2[%add3A_11, %dma_wait3A_257, %dma_wait3A_258] : memref<800x4x128xi32, #tpu.memory_space<hbm>> -> memref<1x4x128xi32, #tpu.memory_space<hbm>>
        %dma_wait3A_260 = tpu.memref_squeeze %dma_wait3A_259 : memref<1x4x128xi32, #tpu.memory_space<hbm>> -> memref<4x128xi32, #tpu.memory_space<hbm>>
        tpu.wait_dma2 semaphore(%run_scoped3A : memref<!tpu.dma_semaphore, #tpu.memory_space<semaphore_mem>>) src(%dma_wait3A_260 : memref<4x128xi32, #tpu.memory_space<hbm>>) dst(%arg5 : memref<4x128xi32, #tpu.memory_space<vmem>>)
        tpu.yield
      }) : () -> ()
      %mul3A_12 = arith.constant 128 : i32
      %mul3A_13 = arith.muli %scan3A_10, %mul3A_12 : i32
      %add3A_14 = arith.addi %mul3A_2, %mul3A_13 : i32
      %dma_start3A = arith.constant 0 : i32
      %dma_start3A_15 = arith.constant 0 : i32
      %dma_start3A_16 = arith.constant 0 : i32
      %dma_start3A_17 = arith.constant 0 : i32
      %dma_start3A_18 = tpu.memref_slice %arg6[%dma_start3A_15, %dma_start3A_16, %dma_start3A_17] : memref<3x128x128xf32, #tpu.memory_space<vmem>> -> memref<1x128x128xf32, #tpu.memory_space<vmem>>
      %dma_start3A_19 = tpu.memref_squeeze %dma_start3A_18 : memref<1x128x128xf32, #tpu.memory_space<vmem>> -> memref<128x128xf32, #tpu.memory_space<vmem>>
      %dma_start3A_20 = arith.constant 0 : i32
      %dma_start3A_21 = tpu.memref_slice %arg5[%dma_start3A, %dma_start3A_20] : memref<4x128xi32, #tpu.memory_space<vmem>> -> memref<1x128xi32, #tpu.memory_space<vmem>>
      %dma_start3A_22 = tpu.memref_squeeze %dma_start3A_21 : memref<1x128xi32, #tpu.memory_space<vmem>> -> memref<128xi32, #tpu.memory_space<vmem>>
      %dma_start3A_23 = arith.constant 0 : i32
      %dma_start3A_24 = arith.constant 0 : i32
      %dma_start3A_25 = tpu.memref_slice %arg3[%dma_start3A_23, %dma_start3A_24] : memref<100000x128xf32, #tpu.memory_space<hbm>> -> memref<100000x128xf32, #tpu.memory_space<hbm>>
      tpu.enqueue_indirect_dma source(%dma_start3A_25 : memref<100000x128xf32, #tpu.memory_space<hbm>>) target(%dma_start3A_19 : memref<128x128xf32, #tpu.memory_space<vmem>>) offsets(%dma_start3A_22 : memref<128xi32, #tpu.memory_space<vmem>>) semaphore(%arg8 : memref<!tpu.dma_semaphore, #tpu.memory_space<semaphore_mem>>)
      %dma_start3A_26 = arith.constant 1 : i32
      %dma_start3A_27 = arith.constant 1 : i32
      %dma_start3A_28 = arith.constant 0 : i32
      %dma_start3A_29 = arith.constant 0 : i32
      %dma_start3A_30 = tpu.memref_slice %arg6[%dma_start3A_27, %dma_start3A_28, %dma_start3A_29] : memref<3x128x128xf32, #tpu.memory_space<vmem>> -> memref<1x128x128xf32, #tpu.memory_space<vmem>>
      %dma_start3A_31 = tpu.memref_squeeze %dma_start3A_30 : memref<1x128x128xf32, #tpu.memory_space<vmem>> -> memref<128x128xf32, #tpu.memory_space<vmem>>
      %dma_start3A_32 = arith.constant 0 : i32
      %dma_start3A_33 = tpu.memref_slice %arg5[%dma_start3A_26, %dma_start3A_32] : memref<4x128xi32, #tpu.memory_space<vmem>> -> memref<1x128xi32, #tpu.memory_space<vmem>>
      %dma_start3A_34 = tpu.memref_squeeze %dma_start3A_33 : memref<1x128xi32, #tpu.memory_space<vmem>> -> memref<128xi32, #tpu.memory_space<vmem>>
      %dma_start3A_35 = arith.constant 0 : i32
      %dma_start3A_36 = arith.constant 0 : i32
      %dma_start3A_37 = tpu.memref_slice %arg3[%dma_start3A_35, %dma_start3A_36] : memref<100000x128xf32, #tpu.memory_space<hbm>> -> memref<100000x128xf32, #tpu.memory_space<hbm>>
      tpu.enqueue_indirect_dma source(%dma_start3A_37 : memref<100000x128xf32, #tpu.memory_space<hbm>>) target(%dma_start3A_31 : memref<128x128xf32, #tpu.memory_space<vmem>>) offsets(%dma_start3A_34 : memref<128xi32, #tpu.memory_space<vmem>>) semaphore(%arg8 : memref<!tpu.dma_semaphore, #tpu.memory_space<semaphore_mem>>)
      %dma_start3A_38 = arith.constant 2 : i32
      %dma_start3A_39 = arith.constant 2 : i32
      %dma_start3A_40 = arith.constant 0 : i32
      %dma_start3A_41 = arith.constant 0 : i32
      %dma_start3A_42 = tpu.memref_slice %arg6[%dma_start3A_39, %dma_start3A_40, %dma_start3A_41] : memref<3x128x128xf32, #tpu.memory_space<vmem>> -> memref<1x128x128xf32, #tpu.memory_space<vmem>>
      %dma_start3A_43 = tpu.memref_squeeze %dma_start3A_42 : memref<1x128x128xf32, #tpu.memory_space<vmem>> -> memref<128x128xf32, #tpu.memory_space<vmem>>
      %dma_start3A_44 = arith.constant 0 : i32
      %dma_start3A_45 = tpu.memref_slice %arg5[%dma_start3A_38, %dma_start3A_44] : memref<4x128xi32, #tpu.memory_space<vmem>> -> memref<1x128xi32, #tpu.memory_space<vmem>>
      %dma_start3A_46 = tpu.memref_squeeze %dma_start3A_45 : memref<1x128xi32, #tpu.memory_space<vmem>> -> memref<128xi32, #tpu.memory_space<vmem>>
      %dma_start3A_47 = arith.constant 0 : i32
      %dma_start3A_48 = arith.constant 0 : i32
      %dma_start3A_49 = tpu.memref_slice %arg3[%dma_start3A_47, %dma_start3A_48] : memref<100000x128xf32, #tpu.memory_space<hbm>> -> memref<100000x128xf32, #tpu.memory_space<hbm>>
      tpu.enqueue_indirect_dma source(%dma_start3A_49 : memref<100000x128xf32, #tpu.memory_space<hbm>>) target(%dma_start3A_43 : memref<128x128xf32, #tpu.memory_space<vmem>>) offsets(%dma_start3A_46 : memref<128xi32, #tpu.memory_space<vmem>>) semaphore(%arg8 : memref<!tpu.dma_semaphore, #tpu.memory_space<semaphore_mem>>)
      %dma_wait3A = arith.constant 0 : i32
      %dma_wait3A_50 = arith.constant 0 : i32
      %dma_wait3A_51 = arith.constant 0 : i32
      %dma_wait3A_52 = arith.constant 0 : i32
      %dma_wait3A_53 = tpu.memref_slice %arg6[%dma_wait3A_50, %dma_wait3A_51, %dma_wait3A_52] : memref<3x128x128xf32, #tpu.memory_space<vmem>> -> memref<1x128x128xf32, #tpu.memory_space<vmem>>
      %dma_wait3A_54 = tpu.memref_squeeze %dma_wait3A_53 : memref<1x128x128xf32, #tpu.memory_space<vmem>> -> memref<128x128xf32, #tpu.memory_space<vmem>>
      %dma_wait3A_55 = arith.constant 0 : i32
      %dma_wait3A_56 = tpu.memref_slice %arg5[%dma_wait3A, %dma_wait3A_55] : memref<4x128xi32, #tpu.memory_space<vmem>> -> memref<1x128xi32, #tpu.memory_space<vmem>>
      %dma_wait3A_57 = tpu.memref_squeeze %dma_wait3A_56 : memref<1x128xi32, #tpu.memory_space<vmem>> -> memref<128xi32, #tpu.memory_space<vmem>>
      %dma_wait3A_58 = arith.constant 0 : i32
      %dma_wait3A_59 = arith.constant 0 : i32
      %dma_wait3A_60 = tpu.memref_slice %arg3[%dma_wait3A_58, %dma_wait3A_59] : memref<100000x128xf32, #tpu.memory_space<hbm>> -> memref<100000x128xf32, #tpu.memory_space<hbm>>
      tpu.wait_indirect_dma semaphore(%arg8 : memref<!tpu.dma_semaphore, #tpu.memory_space<semaphore_mem>>) src(%dma_wait3A_60 : memref<100000x128xf32, #tpu.memory_space<hbm>>) dst(%dma_wait3A_54 : memref<128x128xf32, #tpu.memory_space<vmem>>)
      %scan3A_61 = arith.constant 0 : i32
      %scan3A_62 = arith.constant 0 : i32
      %scan3A_63 = arith.constant 32 : i32
      %scan3A_64 = arith.addi %scan3A_62, %scan3A_63 : i32
      %scan3A_65 = arith.constant 1 : i32
      scf.for %scan3A_245 = %scan3A_62 to %scan3A_64 step %scan3A_65  : i32 {
        %mul3A_246 = arith.constant 4 : i32
        %mul3A_247 = arith.muli %scan3A_245, %mul3A_246 : i32
        %get3A = arith.constant 0 : i32
        %get3A_248 = arith.index_cast %get3A : i32 to index
        %get3A_249 = arith.index_cast %mul3A_247 : i32 to index
        %get3A_250 = arith.constant 0 : index
        %get3A_251 = tpu.vector_load %arg6[%get3A_248, %get3A_249, %get3A_250] {strides = array<i32>} : memref<3x128x128xf32, #tpu.memory_space<vmem>>, vector<16xf32>,
        %add3A_252 = arith.constant 1 : i32
        %add3A_253 = arith.addi %mul3A_247, %add3A_252 : i32
        %get3A_254 = arith.constant 0 : i32
        %get3A_255 = arith.index_cast %get3A_254 : i32 to index
        %get3A_256 = arith.index_cast %add3A_253 : i32 to index
        %get3A_257 = arith.constant 0 : index
        %get3A_258 = tpu.vector_load %arg6[%get3A_255, %get3A_256, %get3A_257] {strides = array<i32>} : memref<3x128x128xf32, #tpu.memory_space<vmem>>, vector<16xf32>,
        %add3A_259 = arith.addf %get3A_251, %get3A_258 : vector<16xf32>
        %add3A_260 = arith.constant 2 : i32
        %add3A_261 = arith.addi %mul3A_247, %add3A_260 : i32
        %get3A_262 = arith.constant 0 : i32
        %get3A_263 = arith.index_cast %get3A_262 : i32 to index
        %get3A_264 = arith.index_cast %add3A_261 : i32 to index
        %get3A_265 = arith.constant 0 : index
        %get3A_266 = tpu.vector_load %arg6[%get3A_263, %get3A_264, %get3A_265] {strides = array<i32>} : memref<3x128x128xf32, #tpu.memory_space<vmem>>, vector<16xf32>,
        %add3A_267 = arith.addf %add3A_259, %get3A_266 : vector<16xf32>
        %add3A_268 = arith.constant 3 : i32
        %add3A_269 = arith.addi %mul3A_247, %add3A_268 : i32
        %get3A_270 = arith.constant 0 : i32
        %get3A_271 = arith.index_cast %get3A_270 : i32 to index
        %get3A_272 = arith.index_cast %add3A_269 : i32 to index
        %get3A_273 = arith.constant 0 : index
        %get3A_274 = tpu.vector_load %arg6[%get3A_271, %get3A_272, %get3A_273] {strides = array<i32>} : memref<3x128x128xf32, #tpu.memory_space<vmem>>, vector<16xf32>,
        %add3A_275 = arith.addf %add3A_267, %get3A_274 : vector<16xf32>
        %swap3A = arith.constant 0 : i32
        %swap3A_276 = arith.index_cast %swap3A : i32 to index
        %swap3A_277 = arith.index_cast %scan3A_245 : i32 to index
        %swap3A_278 = arith.constant 0 : index
        %swap3A_279 = tpu.vector_load %arg7[%swap3A_276, %swap3A_277, %swap3A_278] {strides = array<i32>} : memref<2x32x128xf32, #tpu.memory_space<vmem>>, vector<16xf32>,
        tpu.vector_store %arg7[%swap3A_276, %swap3A_277, %swap3A_278], %add3A_275 {strides = array<i32>} : memref<2x32x128xf32, #tpu.memory_space<vmem>>, vector<16xf32>,
        %get3A_280 = arith.constant 0 : i32
        %get3A_281 = arith.index_cast %get3A_280 : i32 to index
        %get3A_282 = arith.index_cast %mul3A_247 : i32 to index
        %get3A_283 = arith.constant 16 : index
        %get3A_284 = tpu.vector_load %arg6[%get3A_281, %get3A_282, %get3A_283] {strides = array<i32>} : memref<3x128x128xf32, #tpu.memory_space<vmem>>, vector<16xf32>,
        %add3A_285 = arith.constant 1 : i32
        %add3A_286 = arith.addi %mul3A_247, %add3A_285 : i32
        %get3A_287 = arith.constant 0 : i32
        %get3A_288 = arith.index_cast %get3A_287 : i32 to index
        %get3A_289 = arith.index_cast %add3A_286 : i32 to index
        %get3A_290 = arith.constant 16 : index
        %get3A_291 = tpu.vector_load %arg6[%get3A_288, %get3A_289, %get3A_290] {strides = array<i32>} : memref<3x128x128xf32, #tpu.memory_space<vmem>>, vector<16xf32>,
        %add3A_292 = arith.addf %get3A_284, %get3A_291 : vector<16xf32>
        %add3A_293 = arith.constant 2 : i32
        %add3A_294 = arith.addi %mul3A_247, %add3A_293 : i32
        %get3A_295 = arith.constant 0 : i32
        %get3A_296 = arith.index_cast %get3A_295 : i32 to index
        %get3A_297 = arith.index_cast %add3A_294 : i32 to index
        %get3A_298 = arith.constant 16 : index
        %get3A_299 = tpu.vector_load %arg6[%get3A_296, %get3A_297, %get3A_298] {strides = array<i32>} : memref<3x128x128xf32, #tpu.memory_space<vmem>>, vector<16xf32>,
        %add3A_300 = arith.addf %add3A_292, %get3A_299 : vector<16xf32>
        %add3A_301 = arith.constant 3 : i32
        %add3A_302 = arith.addi %mul3A_247, %add3A_301 : i32
        %get3A_303 = arith.constant 0 : i32
        %get3A_304 = arith.index_cast %get3A_303 : i32 to index
        %get3A_305 = arith.index_cast %add3A_302 : i32 to index
        %get3A_306 = arith.constant 16 : index
        %get3A_307 = tpu.vector_load %arg6[%get3A_304, %get3A_305, %get3A_306] {strides = array<i32>} : memref<3x128x128xf32, #tpu.memory_space<vmem>>, vector<16xf32>,
        %add3A_308 = arith.addf %add3A_300, %get3A_307 : vector<16xf32>
        %swap3A_309 = arith.constant 0 : i32
        %swap3A_310 = arith.index_cast %swap3A_309 : i32 to index
        %swap3A_311 = arith.index_cast %scan3A_245 : i32 to index
        %swap3A_312 = arith.constant 16 : index
        %swap3A_313 = tpu.vector_load %arg7[%swap3A_310, %swap3A_311, %swap3A_312] {strides = array<i32>} : memref<2x32x128xf32, #tpu.memory_space<vmem>>, vector<16xf32>,
        tpu.vector_store %arg7[%swap3A_310, %swap3A_311, %swap3A_312], %add3A_308 {strides = array<i32>} : memref<2x32x128xf32, #tpu.memory_space<vmem>>, vector<16xf32>,
        %get3A_314 = arith.constant 0 : i32
        %get3A_315 = arith.index_cast %get3A_314 : i32 to index
        %get3A_316 = arith.index_cast %mul3A_247 : i32 to index
        %get3A_317 = arith.constant 32 : index
        %get3A_318 = tpu.vector_load %arg6[%get3A_315, %get3A_316, %get3A_317] {strides = array<i32>} : memref<3x128x128xf32, #tpu.memory_space<vmem>>, vector<16xf32>,
        %add3A_319 = arith.constant 1 : i32
        %add3A_320 = arith.addi %mul3A_247, %add3A_319 : i32
        %get3A_321 = arith.constant 0 : i32
        %get3A_322 = arith.index_cast %get3A_321 : i32 to index
        %get3A_323 = arith.index_cast %add3A_320 : i32 to index
        %get3A_324 = arith.constant 32 : index
        %get3A_325 = tpu.vector_load %arg6[%get3A_322, %get3A_323, %get3A_324] {strides = array<i32>} : memref<3x128x128xf32, #tpu.memory_space<vmem>>, vector<16xf32>,
        %add3A_326 = arith.addf %get3A_318, %get3A_325 : vector<16xf32>
        %add3A_327 = arith.constant 2 : i32
        %add3A_328 = arith.addi %mul3A_247, %add3A_327 : i32
        %get3A_329 = arith.constant 0 : i32
        %get3A_330 = arith.index_cast %get3A_329 : i32 to index
        %get3A_331 = arith.index_cast %add3A_328 : i32 to index
        %get3A_332 = arith.constant 32 : index
        %get3A_333 = tpu.vector_load %arg6[%get3A_330, %get3A_331, %get3A_332] {strides = array<i32>} : memref<3x128x128xf32, #tpu.memory_space<vmem>>, vector<16xf32>,
        %add3A_334 = arith.addf %add3A_326, %get3A_333 : vector<16xf32>
        %add3A_335 = arith.constant 3 : i32
        %add3A_336 = arith.addi %mul3A_247, %add3A_335 : i32
        %get3A_337 = arith.constant 0 : i32
        %get3A_338 = arith.index_cast %get3A_337 : i32 to index
        %get3A_339 = arith.index_cast %add3A_336 : i32 to index
        %get3A_340 = arith.constant 32 : index
        %get3A_341 = tpu.vector_load %arg6[%get3A_338, %get3A_339, %get3A_340] {strides = array<i32>} : memref<3x128x128xf32, #tpu.memory_space<vmem>>, vector<16xf32>,
        %add3A_342 = arith.addf %add3A_334, %get3A_341 : vector<16xf32>
        %swap3A_343 = arith.constant 0 : i32
        %swap3A_344 = arith.index_cast %swap3A_343 : i32 to index
        %swap3A_345 = arith.index_cast %scan3A_245 : i32 to index
        %swap3A_346 = arith.constant 32 : index
        %swap3A_347 = tpu.vector_load %arg7[%swap3A_344, %swap3A_345, %swap3A_346] {strides = array<i32>} : memref<2x32x128xf32, #tpu.memory_space<vmem>>, vector<16xf32>,
        tpu.vector_store %arg7[%swap3A_344, %swap3A_345, %swap3A_346], %add3A_342 {strides = array<i32>} : memref<2x32x128xf32, #tpu.memory_space<vmem>>, vector<16xf32>,
        %get3A_348 = arith.constant 0 : i32
        %get3A_349 = arith.index_cast %get3A_348 : i32 to index
        %get3A_350 = arith.index_cast %mul3A_247 : i32 to index
        %get3A_351 = arith.constant 48 : index
        %get3A_352 = tpu.vector_load %arg6[%get3A_349, %get3A_350, %get3A_351] {strides = array<i32>} : memref<3x128x128xf32, #tpu.memory_space<vmem>>, vector<16xf32>,
        %add3A_353 = arith.constant 1 : i32
        %add3A_354 = arith.addi %mul3A_247, %add3A_353 : i32
        %get3A_355 = arith.constant 0 : i32
        %get3A_356 = arith.index_cast %get3A_355 : i32 to index
        %get3A_357 = arith.index_cast %add3A_354 : i32 to index
        %get3A_358 = arith.constant 48 : index
        %get3A_359 = tpu.vector_load %arg6[%get3A_356, %get3A_357, %get3A_358] {strides = array<i32>} : memref<3x128x128xf32, #tpu.memory_space<vmem>>, vector<16xf32>,
        %add3A_360 = arith.addf %get3A_352, %get3A_359 : vector<16xf32>
        %add3A_361 = arith.constant 2 : i32
        %add3A_362 = arith.addi %mul3A_247, %add3A_361 : i32
        %get3A_363 = arith.constant 0 : i32
        %get3A_364 = arith.index_cast %get3A_363 : i32 to index
        %get3A_365 = arith.index_cast %add3A_362 : i32 to index
        %get3A_366 = arith.constant 48 : index
        %get3A_367 = tpu.vector_load %arg6[%get3A_364, %get3A_365, %get3A_366] {strides = array<i32>} : memref<3x128x128xf32, #tpu.memory_space<vmem>>, vector<16xf32>,
        %add3A_368 = arith.addf %add3A_360, %get3A_367 : vector<16xf32>
        %add3A_369 = arith.constant 3 : i32
        %add3A_370 = arith.addi %mul3A_247, %add3A_369 : i32
        %get3A_371 = arith.constant 0 : i32
        %get3A_372 = arith.index_cast %get3A_371 : i32 to index
        %get3A_373 = arith.index_cast %add3A_370 : i32 to index
        %get3A_374 = arith.constant 48 : index
        %get3A_375 = tpu.vector_load %arg6[%get3A_372, %get3A_373, %get3A_374] {strides = array<i32>} : memref<3x128x128xf32, #tpu.memory_space<vmem>>, vector<16xf32>,
        %add3A_376 = arith.addf %add3A_368, %get3A_375 : vector<16xf32>
        %swap3A_377 = arith.constant 0 : i32
        %swap3A_378 = arith.index_cast %swap3A_377 : i32 to index
        %swap3A_379 = arith.index_cast %scan3A_245 : i32 to index
        %swap3A_380 = arith.constant 48 : index
        %swap3A_381 = tpu.vector_load %arg7[%swap3A_378, %swap3A_379, %swap3A_380] {strides = array<i32>} : memref<2x32x128xf32, #tpu.memory_space<vmem>>, vector<16xf32>,
        tpu.vector_store %arg7[%swap3A_378, %swap3A_379, %swap3A_380], %add3A_376 {strides = array<i32>} : memref<2x32x128xf32, #tpu.memory_space<vmem>>, vector<16xf32>,
        %add3A_382 = arith.constant 0 : i32
        %add3A_383 = arith.addi %mul3A_247, %add3A_382 : i32
        %get3A_384 = arith.constant 0 : i32
        %get3A_385 = arith.index_cast %get3A_384 : i32 to index
        %get3A_386 = arith.index_cast %add3A_383 : i32 to index
        %get3A_387 = arith.constant 64 : index
        %get3A_388 = tpu.vector_load %arg6[%get3A_385, %get3A_386, %get3A_387] {strides = array<i32>} : memref<3x128x128xf32, #tpu.memory_space<vmem>>, vector<16xf32>,
        %bitcast3A = vector.bitcast %get3A_388 : vector<16xf32> to vector<16xi32>
        %shift_left3A = arith.constant 16 : i32
        %shift_left3A_389 = vector.broadcast %shift_left3A : i32 to vector<16xi32>
        %shift_left3A_390 = arith.shli %bitcast3A, %shift_left3A_389 : vector<16xi32>
        %bitcast3A_391 = vector.bitcast %shift_left3A_390 : vector<16xi32> to vector<16xf32>
        %and3A = arith.constant -65536 : i32
        %and3A_392 = vector.broadcast %and3A : i32 to vector<16xi32>
        %and3A_393 = arith.andi %bitcast3A, %and3A_392 : vector<16xi32>
        %bitcast3A_394 = vector.bitcast %and3A_393 : vector<16xi32> to vector<16xf32>
        %add3A_395 = arith.constant 1 : i32
        %add3A_396 = arith.addi %mul3A_247, %add3A_395 : i32
        %get3A_397 = arith.constant 0 : i32
        %get3A_398 = arith.index_cast %get3A_397 : i32 to index
        %get3A_399 = arith.index_cast %add3A_396 : i32 to index
        %get3A_400 = arith.constant 64 : index
        %get3A_401 = tpu.vector_load %arg6[%get3A_398, %get3A_399, %get3A_400] {strides = array<i32>} : memref<3x128x128xf32, #tpu.memory_space<vmem>>, vector<16xf32>,
        %bitcast3A_402 = vector.bitcast %get3A_401 : vector<16xf32> to vector<16xi32>
        %shift_left3A_403 = arith.constant 16 : i32
        %shift_left3A_404 = vector.broadcast %shift_left3A_403 : i32 to vector<16xi32>
        %shift_left3A_405 = arith.shli %bitcast3A_402, %shift_left3A_404 : vector<16xi32>
        %bitcast3A_406 = vector.bitcast %shift_left3A_405 : vector<16xi32> to vector<16xf32>
        %and3A_407 = arith.constant -65536 : i32
        %and3A_408 = vector.broadcast %and3A_407 : i32 to vector<16xi32>
        %and3A_409 = arith.andi %bitcast3A_402, %and3A_408 : vector<16xi32>
        %bitcast3A_410 = vector.bitcast %and3A_409 : vector<16xi32> to vector<16xf32>
        %add3A_411 = arith.addf %bitcast3A_391, %bitcast3A_406 : vector<16xf32>
        %add3A_412 = arith.addf %bitcast3A_394, %bitcast3A_410 : vector<16xf32>
        %add3A_413 = arith.constant 2 : i32
        %add3A_414 = arith.addi %mul3A_247, %add3A_413 : i32
        %get3A_415 = arith.constant 0 : i32
        %get3A_416 = arith.index_cast %get3A_415 : i32 to index
        %get3A_417 = arith.index_cast %add3A_414 : i32 to index
        %get3A_418 = arith.constant 64 : index
        %get3A_419 = tpu.vector_load %arg6[%get3A_416, %get3A_417, %get3A_418] {strides = array<i32>} : memref<3x128x128xf32, #tpu.memory_space<vmem>>, vector<16xf32>,
        %bitcast3A_420 = vector.bitcast %get3A_419 : vector<16xf32> to vector<16xi32>
        %shift_left3A_421 = arith.constant 16 : i32
        %shift_left3A_422 = vector.broadcast %shift_left3A_421 : i32 to vector<16xi32>
        %shift_left3A_423 = arith.shli %bitcast3A_420, %shift_left3A_422 : vector<16xi32>
        %bitcast3A_424 = vector.bitcast %shift_left3A_423 : vector<16xi32> to vector<16xf32>
        %and3A_425 = arith.constant -65536 : i32
        %and3A_426 = vector.broadcast %and3A_425 : i32 to vector<16xi32>
        %and3A_427 = arith.andi %bitcast3A_420, %and3A_426 : vector<16xi32>
        %bitcast3A_428 = vector.bitcast %and3A_427 : vector<16xi32> to vector<16xf32>
        %add3A_429 = arith.addf %add3A_411, %bitcast3A_424 : vector<16xf32>
        %add3A_430 = arith.addf %add3A_412, %bitcast3A_428 : vector<16xf32>
        %add3A_431 = arith.constant 3 : i32
        %add3A_432 = arith.addi %mul3A_247, %add3A_431 : i32
        %get3A_433 = arith.constant 0 : i32
        %get3A_434 = arith.index_cast %get3A_433 : i32 to index
        %get3A_435 = arith.index_cast %add3A_432 : i32 to index
        %get3A_436 = arith.constant 64 : index
        %get3A_437 = tpu.vector_load %arg6[%get3A_434, %get3A_435, %get3A_436] {strides = array<i32>} : memref<3x128x128xf32, #tpu.memory_space<vmem>>, vector<16xf32>,
        %bitcast3A_438 = vector.bitcast %get3A_437 : vector<16xf32> to vector<16xi32>
        %shift_left3A_439 = arith.constant 16 : i32
        %shift_left3A_440 = vector.broadcast %shift_left3A_439 : i32 to vector<16xi32>
        %shift_left3A_441 = arith.shli %bitcast3A_438, %shift_left3A_440 : vector<16xi32>
        %bitcast3A_442 = vector.bitcast %shift_left3A_441 : vector<16xi32> to vector<16xf32>
        %and3A_443 = arith.constant -65536 : i32
        %and3A_444 = vector.broadcast %and3A_443 : i32 to vector<16xi32>
        %and3A_445 = arith.andi %bitcast3A_438, %and3A_444 : vector<16xi32>
        %bitcast3A_446 = vector.bitcast %and3A_445 : vector<16xi32> to vector<16xf32>
        %add3A_447 = arith.addf %add3A_429, %bitcast3A_442 : vector<16xf32>
        %add3A_448 = arith.addf %add3A_430, %bitcast3A_446 : vector<16xf32>
        %bitcast3A_449 = vector.bitcast %add3A_447 : vector<16xf32> to vector<16xi32>
        %add3A_450 = arith.constant 32768 : i32
        %add3A_451 = vector.broadcast %add3A_450 : i32 to vector<16xi32>
        %add3A_452 = arith.addi %bitcast3A_449, %add3A_451 : vector<16xi32>
        %shift_right_logical3A = arith.constant 16 : i32
        %shift_right_logical3A_453 = vector.broadcast %shift_right_logical3A : i32 to vector<16xi32>
        %shift_right_logical3A_454 = arith.shrui %add3A_452, %shift_right_logical3A_453 : vector<16xi32>
        %bitcast3A_455 = vector.bitcast %add3A_448 : vector<16xf32> to vector<16xi32>
        %add3A_456 = arith.constant 32768 : i32
        %add3A_457 = vector.broadcast %add3A_456 : i32 to vector<16xi32>
        %add3A_458 = arith.addi %bitcast3A_455, %add3A_457 : vector<16xi32>
        %and3A_459 = arith.constant -65536 : i32
        %and3A_460 = vector.broadcast %and3A_459 : i32 to vector<16xi32>
        %and3A_461 = arith.andi %add3A_458, %and3A_460 : vector<16xi32>
        %or3A = arith.ori %shift_right_logical3A_454, %and3A_461 : vector<16xi32>
        %bitcast3A_462 = vector.bitcast %or3A : vector<16xi32> to vector<16xf32>
        %swap3A_463 = arith.constant 0 : i32
        %swap3A_464 = arith.index_cast %swap3A_463 : i32 to index
        %swap3A_465 = arith.index_cast %scan3A_245 : i32 to index
        %swap3A_466 = arith.constant 64 : index
        %swap3A_467 = tpu.vector_load %arg7[%swap3A_464, %swap3A_465, %swap3A_466] {strides = array<i32>} : memref<2x32x128xf32, #tpu.memory_space<vmem>>, vector<16xf32>,
        tpu.vector_store %arg7[%swap3A_464, %swap3A_465, %swap3A_466], %bitcast3A_462 {strides = array<i32>} : memref<2x32x128xf32, #tpu.memory_space<vmem>>, vector<16xf32>,
        %add3A_468 = arith.constant 0 : i32
        %add3A_469 = arith.addi %mul3A_247, %add3A_468 : i32
        %get3A_470 = arith.constant 0 : i32
        %get3A_471 = arith.index_cast %get3A_470 : i32 to index
        %get3A_472 = arith.index_cast %add3A_469 : i32 to index
        %get3A_473 = arith.constant 80 : index
        %get3A_474 = tpu.vector_load %arg6[%get3A_471, %get3A_472, %get3A_473] {strides = array<i32>} : memref<3x128x128xf32, #tpu.memory_space<vmem>>, vector<16xf32>,
        %bitcast3A_475 = vector.bitcast %get3A_474 : vector<16xf32> to vector<16xi32>
        %shift_left3A_476 = arith.constant 16 : i32
        %shift_left3A_477 = vector.broadcast %shift_left3A_476 : i32 to vector<16xi32>
        %shift_left3A_478 = arith.shli %bitcast3A_475, %shift_left3A_477 : vector<16xi32>
        %bitcast3A_479 = vector.bitcast %shift_left3A_478 : vector<16xi32> to vector<16xf32>
        %and3A_480 = arith.constant -65536 : i32
        %and3A_481 = vector.broadcast %and3A_480 : i32 to vector<16xi32>
        %and3A_482 = arith.andi %bitcast3A_475, %and3A_481 : vector<16xi32>
        %bitcast3A_483 = vector.bitcast %and3A_482 : vector<16xi32> to vector<16xf32>
        %add3A_484 = arith.constant 1 : i32
        %add3A_485 = arith.addi %mul3A_247, %add3A_484 : i32
        %get3A_486 = arith.constant 0 : i32
        %get3A_487 = arith.index_cast %get3A_486 : i32 to index
        %get3A_488 = arith.index_cast %add3A_485 : i32 to index
        %get3A_489 = arith.constant 80 : index
        %get3A_490 = tpu.vector_load %arg6[%get3A_487, %get3A_488, %get3A_489] {strides = array<i32>} : memref<3x128x128xf32, #tpu.memory_space<vmem>>, vector<16xf32>,
        %bitcast3A_491 = vector.bitcast %get3A_490 : vector<16xf32> to vector<16xi32>
        %shift_left3A_492 = arith.constant 16 : i32
        %shift_left3A_493 = vector.broadcast %shift_left3A_492 : i32 to vector<16xi32>
        %shift_left3A_494 = arith.shli %bitcast3A_491, %shift_left3A_493 : vector<16xi32>
        %bitcast3A_495 = vector.bitcast %shift_left3A_494 : vector<16xi32> to vector<16xf32>
        %and3A_496 = arith.constant -65536 : i32
        %and3A_497 = vector.broadcast %and3A_496 : i32 to vector<16xi32>
        %and3A_498 = arith.andi %bitcast3A_491, %and3A_497 : vector<16xi32>
        %bitcast3A_499 = vector.bitcast %and3A_498 : vector<16xi32> to vector<16xf32>
        %add3A_500 = arith.addf %bitcast3A_479, %bitcast3A_495 : vector<16xf32>
        %add3A_501 = arith.addf %bitcast3A_483, %bitcast3A_499 : vector<16xf32>
        %add3A_502 = arith.constant 2 : i32
        %add3A_503 = arith.addi %mul3A_247, %add3A_502 : i32
        %get3A_504 = arith.constant 0 : i32
        %get3A_505 = arith.index_cast %get3A_504 : i32 to index
        %get3A_506 = arith.index_cast %add3A_503 : i32 to index
        %get3A_507 = arith.constant 80 : index
        %get3A_508 = tpu.vector_load %arg6[%get3A_505, %get3A_506, %get3A_507] {strides = array<i32>} : memref<3x128x128xf32, #tpu.memory_space<vmem>>, vector<16xf32>,
        %bitcast3A_509 = vector.bitcast %get3A_508 : vector<16xf32> to vector<16xi32>
        %shift_left3A_510 = arith.constant 16 : i32
        %shift_left3A_511 = vector.broadcast %shift_left3A_510 : i32 to vector<16xi32>
        %shift_left3A_512 = arith.shli %bitcast3A_509, %shift_left3A_511 : vector<16xi32>
        %bitcast3A_513 = vector.bitcast %shift_left3A_512 : vector<16xi32> to vector<16xf32>
        %and3A_514 = arith.constant -65536 : i32
        %and3A_515 = vector.broadcast %and3A_514 : i32 to vector<16xi32>
        %and3A_516 = arith.andi %bitcast3A_509, %and3A_515 : vector<16xi32>
        %bitcast3A_517 = vector.bitcast %and3A_516 : vector<16xi32> to vector<16xf32>
        %add3A_518 = arith.addf %add3A_500, %bitcast3A_513 : vector<16xf32>
        %add3A_519 = arith.addf %add3A_501, %bitcast3A_517 : vector<16xf32>
        %add3A_520 = arith.constant 3 : i32
        %add3A_521 = arith.addi %mul3A_247, %add3A_520 : i32
        %get3A_522 = arith.constant 0 : i32
        %get3A_523 = arith.index_cast %get3A_522 : i32 to index
        %get3A_524 = arith.index_cast %add3A_521 : i32 to index
        %get3A_525 = arith.constant 80 : index
        %get3A_526 = tpu.vector_load %arg6[%get3A_523, %get3A_524, %get3A_525] {strides = array<i32>} : memref<3x128x128xf32, #tpu.memory_space<vmem>>, vector<16xf32>,
        %bitcast3A_527 = vector.bitcast %get3A_526 : vector<16xf32> to vector<16xi32>
        %shift_left3A_528 = arith.constant 16 : i32
        %shift_left3A_529 = vector.broadcast %shift_left3A_528 : i32 to vector<16xi32>
        %shift_left3A_530 = arith.shli %bitcast3A_527, %shift_left3A_529 : vector<16xi32>
        %bitcast3A_531 = vector.bitcast %shift_left3A_530 : vector<16xi32> to vector<16xf32>
        %and3A_532 = arith.constant -65536 : i32
        %and3A_533 = vector.broadcast %and3A_532 : i32 to vector<16xi32>
        %and3A_534 = arith.andi %bitcast3A_527, %and3A_533 : vector<16xi32>
        %bitcast3A_535 = vector.bitcast %and3A_534 : vector<16xi32> to vector<16xf32>
        %add3A_536 = arith.addf %add3A_518, %bitcast3A_531 : vector<16xf32>
        %add3A_537 = arith.addf %add3A_519, %bitcast3A_535 : vector<16xf32>
        %bitcast3A_538 = vector.bitcast %add3A_536 : vector<16xf32> to vector<16xi32>
        %add3A_539 = arith.constant 32768 : i32
        %add3A_540 = vector.broadcast %add3A_539 : i32 to vector<16xi32>
        %add3A_541 = arith.addi %bitcast3A_538, %add3A_540 : vector<16xi32>
        %shift_right_logical3A_542 = arith.constant 16 : i32
        %shift_right_logical3A_543 = vector.broadcast %shift_right_logical3A_542 : i32 to vector<16xi32>
        %shift_right_logical3A_544 = arith.shrui %add3A_541, %shift_right_logical3A_543 : vector<16xi32>
        %bitcast3A_545 = vector.bitcast %add3A_537 : vector<16xf32> to vector<16xi32>
        %add3A_546 = arith.constant 32768 : i32
        %add3A_547 = vector.broadcast %add3A_546 : i32 to vector<16xi32>
        %add3A_548 = arith.addi %bitcast3A_545, %add3A_547 : vector<16xi32>
        %and3A_549 = arith.constant -65536 : i32
        %and3A_550 = vector.broadcast %and3A_549 : i32 to vector<16xi32>
        %and3A_551 = arith.andi %add3A_548, %and3A_550 : vector<16xi32>
        %or3A_552 = arith.ori %shift_right_logical3A_544, %and3A_551 : vector<16xi32>
        %bitcast3A_553 = vector.bitcast %or3A_552 : vector<16xi32> to vector<16xf32>
        %swap3A_554 = arith.constant 0 : i32
        %swap3A_555 = arith.index_cast %swap3A_554 : i32 to index
        %swap3A_556 = arith.index_cast %scan3A_245 : i32 to index
        %swap3A_557 = arith.constant 80 : index
        %swap3A_558 = tpu.vector_load %arg7[%swap3A_555, %swap3A_556, %swap3A_557] {strides = array<i32>} : memref<2x32x128xf32, #tpu.memory_space<vmem>>, vector<16xf32>,
        tpu.vector_store %arg7[%swap3A_555, %swap3A_556, %swap3A_557], %bitcast3A_553 {strides = array<i32>} : memref<2x32x128xf32, #tpu.memory_space<vmem>>, vector<16xf32>,
        %add3A_559 = arith.constant 0 : i32
        %add3A_560 = arith.addi %mul3A_247, %add3A_559 : i32
        %get3A_561 = arith.constant 0 : i32
        %get3A_562 = arith.index_cast %get3A_561 : i32 to index
        %get3A_563 = arith.index_cast %add3A_560 : i32 to index
        %get3A_564 = arith.constant 96 : index
        %get3A_565 = tpu.vector_load %arg6[%get3A_562, %get3A_563, %get3A_564] {strides = array<i32>} : memref<3x128x128xf32, #tpu.memory_space<vmem>>, vector<16xf32>,
        %bitcast3A_566 = vector.bitcast %get3A_565 : vector<16xf32> to vector<16xi32>
        %shift_left3A_567 = arith.constant 16 : i32
        %shift_left3A_568 = vector.broadcast %shift_left3A_567 : i32 to vector<16xi32>
        %shift_left3A_569 = arith.shli %bitcast3A_566, %shift_left3A_568 : vector<16xi32>
        %bitcast3A_570 = vector.bitcast %shift_left3A_569 : vector<16xi32> to vector<16xf32>
        %and3A_571 = arith.constant -65536 : i32
        %and3A_572 = vector.broadcast %and3A_571 : i32 to vector<16xi32>
        %and3A_573 = arith.andi %bitcast3A_566, %and3A_572 : vector<16xi32>
        %bitcast3A_574 = vector.bitcast %and3A_573 : vector<16xi32> to vector<16xf32>
        %add3A_575 = arith.constant 1 : i32
        %add3A_576 = arith.addi %mul3A_247, %add3A_575 : i32
        %get3A_577 = arith.constant 0 : i32
        %get3A_578 = arith.index_cast %get3A_577 : i32 to index
        %get3A_579 = arith.index_cast %add3A_576 : i32 to index
        %get3A_580 = arith.constant 96 : index
        %get3A_581 = tpu.vector_load %arg6[%get3A_578, %get3A_579, %get3A_580] {strides = array<i32>} : memref<3x128x128xf32, #tpu.memory_space<vmem>>, vector<16xf32>,
        %bitcast3A_582 = vector.bitcast %get3A_581 : vector<16xf32> to vector<16xi32>
        %shift_left3A_583 = arith.constant 16 : i32
        %shift_left3A_584 = vector.broadcast %shift_left3A_583 : i32 to vector<16xi32>
        %shift_left3A_585 = arith.shli %bitcast3A_582, %shift_left3A_584 : vector<16xi32>
        %bitcast3A_586 = vector.bitcast %shift_left3A_585 : vector<16xi32> to vector<16xf32>
        %and3A_587 = arith.constant -65536 : i32
        %and3A_588 = vector.broadcast %and3A_587 : i32 to vector<16xi32>
        %and3A_589 = arith.andi %bitcast3A_582, %and3A_588 : vector<16xi32>
        %bitcast3A_590 = vector.bitcast %and3A_589 : vector<16xi32> to vector<16xf32>
        %add3A_591 = arith.addf %bitcast3A_570, %bitcast3A_586 : vector<16xf32>
        %add3A_592 = arith.addf %bitcast3A_574, %bitcast3A_590 : vector<16xf32>
        %add3A_593 = arith.constant 2 : i32
        %add3A_594 = arith.addi %mul3A_247, %add3A_593 : i32
        %get3A_595 = arith.constant 0 : i32
        %get3A_596 = arith.index_cast %get3A_595 : i32 to index
        %get3A_597 = arith.index_cast %add3A_594 : i32 to index
        %get3A_598 = arith.constant 96 : index
        %get3A_599 = tpu.vector_load %arg6[%get3A_596, %get3A_597, %get3A_598] {strides = array<i32>} : memref<3x128x128xf32, #tpu.memory_space<vmem>>, vector<16xf32>,
        %bitcast3A_600 = vector.bitcast %get3A_599 : vector<16xf32> to vector<16xi32>
        %shift_left3A_601 = arith.constant 16 : i32
        %shift_left3A_602 = vector.broadcast %shift_left3A_601 : i32 to vector<16xi32>
        %shift_left3A_603 = arith.shli %bitcast3A_600, %shift_left3A_602 : vector<16xi32>
        %bitcast3A_604 = vector.bitcast %shift_left3A_603 : vector<16xi32> to vector<16xf32>
        %and3A_605 = arith.constant -65536 : i32
        %and3A_606 = vector.broadcast %and3A_605 : i32 to vector<16xi32>
        %and3A_607 = arith.andi %bitcast3A_600, %and3A_606 : vector<16xi32>
        %bitcast3A_608 = vector.bitcast %and3A_607 : vector<16xi32> to vector<16xf32>
        %add3A_609 = arith.addf %add3A_591, %bitcast3A_604 : vector<16xf32>
        %add3A_610 = arith.addf %add3A_592, %bitcast3A_608 : vector<16xf32>
        %add3A_611 = arith.constant 3 : i32
        %add3A_612 = arith.addi %mul3A_247, %add3A_611 : i32
        %get3A_613 = arith.constant 0 : i32
        %get3A_614 = arith.index_cast %get3A_613 : i32 to index
        %get3A_615 = arith.index_cast %add3A_612 : i32 to index
        %get3A_616 = arith.constant 96 : index
        %get3A_617 = tpu.vector_load %arg6[%get3A_614, %get3A_615, %get3A_616] {strides = array<i32>} : memref<3x128x128xf32, #tpu.memory_space<vmem>>, vector<16xf32>,
        %bitcast3A_618 = vector.bitcast %get3A_617 : vector<16xf32> to vector<16xi32>
        %shift_left3A_619 = arith.constant 16 : i32
        %shift_left3A_620 = vector.broadcast %shift_left3A_619 : i32 to vector<16xi32>
        %shift_left3A_621 = arith.shli %bitcast3A_618, %shift_left3A_620 : vector<16xi32>
        %bitcast3A_622 = vector.bitcast %shift_left3A_621 : vector<16xi32> to vector<16xf32>
        %and3A_623 = arith.constant -65536 : i32
        %and3A_624 = vector.broadcast %and3A_623 : i32 to vector<16xi32>
        %and3A_625 = arith.andi %bitcast3A_618, %and3A_624 : vector<16xi32>
        %bitcast3A_626 = vector.bitcast %and3A_625 : vector<16xi32> to vector<16xf32>
        %add3A_627 = arith.addf %add3A_609, %bitcast3A_622 : vector<16xf32>
        %add3A_628 = arith.addf %add3A_610, %bitcast3A_626 : vector<16xf32>
        %bitcast3A_629 = vector.bitcast %add3A_627 : vector<16xf32> to vector<16xi32>
        %add3A_630 = arith.constant 32768 : i32
        %add3A_631 = vector.broadcast %add3A_630 : i32 to vector<16xi32>
        %add3A_632 = arith.addi %bitcast3A_629, %add3A_631 : vector<16xi32>
        %shift_right_logical3A_633 = arith.constant 16 : i32
        %shift_right_logical3A_634 = vector.broadcast %shift_right_logical3A_633 : i32 to vector<16xi32>
        %shift_right_logical3A_635 = arith.shrui %add3A_632, %shift_right_logical3A_634 : vector<16xi32>
        %bitcast3A_636 = vector.bitcast %add3A_628 : vector<16xf32> to vector<16xi32>
        %add3A_637 = arith.constant 32768 : i32
        %add3A_638 = vector.broadcast %add3A_637 : i32 to vector<16xi32>
        %add3A_639 = arith.addi %bitcast3A_636, %add3A_638 : vector<16xi32>
        %and3A_640 = arith.constant -65536 : i32
        %and3A_641 = vector.broadcast %and3A_640 : i32 to vector<16xi32>
        %and3A_642 = arith.andi %add3A_639, %and3A_641 : vector<16xi32>
        %or3A_643 = arith.ori %shift_right_logical3A_635, %and3A_642 : vector<16xi32>
        %bitcast3A_644 = vector.bitcast %or3A_643 : vector<16xi32> to vector<16xf32>
        %swap3A_645 = arith.constant 0 : i32
        %swap3A_646 = arith.index_cast %swap3A_645 : i32 to index
        %swap3A_647 = arith.index_cast %scan3A_245 : i32 to index
        %swap3A_648 = arith.constant 96 : index
        %swap3A_649 = tpu.vector_load %arg7[%swap3A_646, %swap3A_647, %swap3A_648] {strides = array<i32>} : memref<2x32x128xf32, #tpu.memory_space<vmem>>, vector<16xf32>,
        tpu.vector_store %arg7[%swap3A_646, %swap3A_647, %swap3A_648], %bitcast3A_644 {strides = array<i32>} : memref<2x32x128xf32, #tpu.memory_space<vmem>>, vector<16xf32>,
        %add3A_650 = arith.constant 0 : i32
        %add3A_651 = arith.addi %mul3A_247, %add3A_650 : i32
        %get3A_652 = arith.constant 0 : i32
        %get3A_653 = arith.index_cast %get3A_652 : i32 to index
        %get3A_654 = arith.index_cast %add3A_651 : i32 to index
        %get3A_655 = arith.constant 112 : index
        %get3A_656 = tpu.vector_load %arg6[%get3A_653, %get3A_654, %get3A_655] {strides = array<i32>} : memref<3x128x128xf32, #tpu.memory_space<vmem>>, vector<16xf32>,
        %bitcast3A_657 = vector.bitcast %get3A_656 : vector<16xf32> to vector<16xi32>
        %shift_left3A_658 = arith.constant 16 : i32
        %shift_left3A_659 = vector.broadcast %shift_left3A_658 : i32 to vector<16xi32>
        %shift_left3A_660 = arith.shli %bitcast3A_657, %shift_left3A_659 : vector<16xi32>
        %bitcast3A_661 = vector.bitcast %shift_left3A_660 : vector<16xi32> to vector<16xf32>
        %and3A_662 = arith.constant -65536 : i32
        %and3A_663 = vector.broadcast %and3A_662 : i32 to vector<16xi32>
        %and3A_664 = arith.andi %bitcast3A_657, %and3A_663 : vector<16xi32>
        %bitcast3A_665 = vector.bitcast %and3A_664 : vector<16xi32> to vector<16xf32>
        %add3A_666 = arith.constant 1 : i32
        %add3A_667 = arith.addi %mul3A_247, %add3A_666 : i32
        %get3A_668 = arith.constant 0 : i32
        %get3A_669 = arith.index_cast %get3A_668 : i32 to index
        %get3A_670 = arith.index_cast %add3A_667 : i32 to index
        %get3A_671 = arith.constant 112 : index
        %get3A_672 = tpu.vector_load %arg6[%get3A_669, %get3A_670, %get3A_671] {strides = array<i32>} : memref<3x128x128xf32, #tpu.memory_space<vmem>>, vector<16xf32>,
        %bitcast3A_673 = vector.bitcast %get3A_672 : vector<16xf32> to vector<16xi32>
        %shift_left3A_674 = arith.constant 16 : i32
        %shift_left3A_675 = vector.broadcast %shift_left3A_674 : i32 to vector<16xi32>
        %shift_left3A_676 = arith.shli %bitcast3A_673, %shift_left3A_675 : vector<16xi32>
        %bitcast3A_677 = vector.bitcast %shift_left3A_676 : vector<16xi32> to vector<16xf32>
        %and3A_678 = arith.constant -65536 : i32
        %and3A_679 = vector.broadcast %and3A_678 : i32 to vector<16xi32>
        %and3A_680 = arith.andi %bitcast3A_673, %and3A_679 : vector<16xi32>
        %bitcast3A_681 = vector.bitcast %and3A_680 : vector<16xi32> to vector<16xf32>
        %add3A_682 = arith.addf %bitcast3A_661, %bitcast3A_677 : vector<16xf32>
        %add3A_683 = arith.addf %bitcast3A_665, %bitcast3A_681 : vector<16xf32>
        %add3A_684 = arith.constant 2 : i32
        %add3A_685 = arith.addi %mul3A_247, %add3A_684 : i32
        %get3A_686 = arith.constant 0 : i32
        %get3A_687 = arith.index_cast %get3A_686 : i32 to index
        %get3A_688 = arith.index_cast %add3A_685 : i32 to index
        %get3A_689 = arith.constant 112 : index
        %get3A_690 = tpu.vector_load %arg6[%get3A_687, %get3A_688, %get3A_689] {strides = array<i32>} : memref<3x128x128xf32, #tpu.memory_space<vmem>>, vector<16xf32>,
        %bitcast3A_691 = vector.bitcast %get3A_690 : vector<16xf32> to vector<16xi32>
        %shift_left3A_692 = arith.constant 16 : i32
        %shift_left3A_693 = vector.broadcast %shift_left3A_692 : i32 to vector<16xi32>
        %shift_left3A_694 = arith.shli %bitcast3A_691, %shift_left3A_693 : vector<16xi32>
        %bitcast3A_695 = vector.bitcast %shift_left3A_694 : vector<16xi32> to vector<16xf32>
        %and3A_696 = arith.constant -65536 : i32
        %and3A_697 = vector.broadcast %and3A_696 : i32 to vector<16xi32>
        %and3A_698 = arith.andi %bitcast3A_691, %and3A_697 : vector<16xi32>
        %bitcast3A_699 = vector.bitcast %and3A_698 : vector<16xi32> to vector<16xf32>
        %add3A_700 = arith.addf %add3A_682, %bitcast3A_695 : vector<16xf32>
        %add3A_701 = arith.addf %add3A_683, %bitcast3A_699 : vector<16xf32>
        %add3A_702 = arith.constant 3 : i32
        %add3A_703 = arith.addi %mul3A_247, %add3A_702 : i32
        %get3A_704 = arith.constant 0 : i32
        %get3A_705 = arith.index_cast %get3A_704 : i32 to index
        %get3A_706 = arith.index_cast %add3A_703 : i32 to index
        %get3A_707 = arith.constant 112 : index
        %get3A_708 = tpu.vector_load %arg6[%get3A_705, %get3A_706, %get3A_707] {strides = array<i32>} : memref<3x128x128xf32, #tpu.memory_space<vmem>>, vector<16xf32>,
        %bitcast3A_709 = vector.bitcast %get3A_708 : vector<16xf32> to vector<16xi32>
        %shift_left3A_710 = arith.constant 16 : i32
        %shift_left3A_711 = vector.broadcast %shift_left3A_710 : i32 to vector<16xi32>
        %shift_left3A_712 = arith.shli %bitcast3A_709, %shift_left3A_711 : vector<16xi32>
        %bitcast3A_713 = vector.bitcast %shift_left3A_712 : vector<16xi32> to vector<16xf32>
        %and3A_714 = arith.constant -65536 : i32
        %and3A_715 = vector.broadcast %and3A_714 : i32 to vector<16xi32>
        %and3A_716 = arith.andi %bitcast3A_709, %and3A_715 : vector<16xi32>
        %bitcast3A_717 = vector.bitcast %and3A_716 : vector<16xi32> to vector<16xf32>
        %add3A_718 = arith.addf %add3A_700, %bitcast3A_713 : vector<16xf32>
        %add3A_719 = arith.addf %add3A_701, %bitcast3A_717 : vector<16xf32>
        %bitcast3A_720 = vector.bitcast %add3A_718 : vector<16xf32> to vector<16xi32>
        %add3A_721 = arith.constant 32768 : i32
        %add3A_722 = vector.broadcast %add3A_721 : i32 to vector<16xi32>
        %add3A_723 = arith.addi %bitcast3A_720, %add3A_722 : vector<16xi32>
        %shift_right_logical3A_724 = arith.constant 16 : i32
        %shift_right_logical3A_725 = vector.broadcast %shift_right_logical3A_724 : i32 to vector<16xi32>
        %shift_right_logical3A_726 = arith.shrui %add3A_723, %shift_right_logical3A_725 : vector<16xi32>
        %bitcast3A_727 = vector.bitcast %add3A_719 : vector<16xf32> to vector<16xi32>
        %add3A_728 = arith.constant 32768 : i32
        %add3A_729 = vector.broadcast %add3A_728 : i32 to vector<16xi32>
        %add3A_730 = arith.addi %bitcast3A_727, %add3A_729 : vector<16xi32>
        %and3A_731 = arith.constant -65536 : i32
        %and3A_732 = vector.broadcast %and3A_731 : i32 to vector<16xi32>
        %and3A_733 = arith.andi %add3A_730, %and3A_732 : vector<16xi32>
        %or3A_734 = arith.ori %shift_right_logical3A_726, %and3A_733 : vector<16xi32>
        %bitcast3A_735 = vector.bitcast %or3A_734 : vector<16xi32> to vector<16xf32>
        %swap3A_736 = arith.constant 0 : i32
        %swap3A_737 = arith.index_cast %swap3A_736 : i32 to index
        %swap3A_738 = arith.index_cast %scan3A_245 : i32 to index
        %swap3A_739 = arith.constant 112 : index
        %swap3A_740 = tpu.vector_load %arg7[%swap3A_737, %swap3A_738, %swap3A_739] {strides = array<i32>} : memref<2x32x128xf32, #tpu.memory_space<vmem>>, vector<16xf32>,
        tpu.vector_store %arg7[%swap3A_737, %swap3A_738, %swap3A_739], %bitcast3A_735 {strides = array<i32>} : memref<2x32x128xf32, #tpu.memory_space<vmem>>, vector<16xf32>,
      }
      %scan3A_66 = arith.constant 32 : i32
      %add3A_67 = arith.constant 0 : i32
      %add3A_68 = arith.addi %add3A_14, %add3A_67 : i32
      %dma_start3A_69 = arith.constant 0 : i32
      %dma_start3A_70 = arith.constant 0 : i32
      %dma_start3A_71 = arith.constant 0 : i32
      %dma_start3A_72 = tpu.memref_slice %arg7[%dma_start3A_69, %dma_start3A_70, %dma_start3A_71] : memref<2x32x128xf32, #tpu.memory_space<vmem>> -> memref<1x32x128xf32, #tpu.memory_space<vmem>>
      %dma_start3A_73 = tpu.memref_squeeze %dma_start3A_72 : memref<1x32x128xf32, #tpu.memory_space<vmem>> -> memref<32x128xf32, #tpu.memory_space<vmem>>
      %dma_start3A_74 = arith.constant 0 : i32
      %dma_start3A_75 = tpu.memref_slice %arg4[%add3A_68, %dma_start3A_74] : memref<102400x128xf32, #tpu.memory_space<hbm>> -> memref<32x128xf32, #tpu.memory_space<hbm>>
      %dma_start3A_76 = arith.constant 0 : i32
      %dma_start3A_77 = tpu.memref_slice %arg4[%add3A_68, %dma_start3A_76] : memref<102400x128xf32, #tpu.memory_space<hbm>> -> memref<32x128xf32, #tpu.memory_space<hbm>>
      %dma_start3A_78 = arith.constant 0 : i32
      %dma_start3A_79 = arith.constant 0 : i32
      %dma_start3A_80 = tpu.memref_slice %arg7[%dma_start3A_69, %dma_start3A_78, %dma_start3A_79] : memref<2x32x128xf32, #tpu.memory_space<vmem>> -> memref<1x32x128xf32, #tpu.memory_space<vmem>>
      %dma_start3A_81 = tpu.memref_squeeze %dma_start3A_80 : memref<1x32x128xf32, #tpu.memory_space<vmem>> -> memref<32x128xf32, #tpu.memory_space<vmem>>
      tpu.enqueue_dma source(%dma_start3A_81 : memref<32x128xf32, #tpu.memory_space<vmem>>) target(%dma_start3A_77 : memref<32x128xf32, #tpu.memory_space<hbm>>) target_semaphore(%arg9 : memref<!tpu.dma_semaphore, #tpu.memory_space<semaphore_mem>>)
      %dma_start3A_82 = arith.constant 3 : i32
      %dma_start3A_83 = arith.constant 0 : i32
      %dma_start3A_84 = arith.constant 0 : i32
      %dma_start3A_85 = arith.constant 0 : i32
      %dma_start3A_86 = tpu.memref_slice %arg6[%dma_start3A_83, %dma_start3A_84, %dma_start3A_85] : memref<3x128x128xf32, #tpu.memory_space<vmem>> -> memref<1x128x128xf32, #tpu.memory_space<vmem>>
      %dma_start3A_87 = tpu.memref_squeeze %dma_start3A_86 : memref<1x128x128xf32, #tpu.memory_space<vmem>> -> memref<128x128xf32, #tpu.memory_space<vmem>>
      %dma_start3A_88 = arith.constant 0 : i32
      %dma_start3A_89 = tpu.memref_slice %arg5[%dma_start3A_82, %dma_start3A_88] : memref<4x128xi32, #tpu.memory_space<vmem>> -> memref<1x128xi32, #tpu.memory_space<vmem>>
      %dma_start3A_90 = tpu.memref_squeeze %dma_start3A_89 : memref<1x128xi32, #tpu.memory_space<vmem>> -> memref<128xi32, #tpu.memory_space<vmem>>
      %dma_start3A_91 = arith.constant 0 : i32
      %dma_start3A_92 = arith.constant 0 : i32
      %dma_start3A_93 = tpu.memref_slice %arg3[%dma_start3A_91, %dma_start3A_92] : memref<100000x128xf32, #tpu.memory_space<hbm>> -> memref<100000x128xf32, #tpu.memory_space<hbm>>
      tpu.enqueue_indirect_dma source(%dma_start3A_93 : memref<100000x128xf32, #tpu.memory_space<hbm>>) target(%dma_start3A_87 : memref<128x128xf32, #tpu.memory_space<vmem>>) offsets(%dma_start3A_90 : memref<128xi32, #tpu.memory_space<vmem>>) semaphore(%arg8 : memref<!tpu.dma_semaphore, #tpu.memory_space<semaphore_mem>>)
      %dma_wait3A_94 = arith.constant 1 : i32
      %dma_wait3A_95 = arith.constant 1 : i32
      %dma_wait3A_96 = arith.constant 0 : i32
      %dma_wait3A_97 = arith.constant 0 : i32
      %dma_wait3A_98 = tpu.memref_slice %arg6[%dma_wait3A_95, %dma_wait3A_96, %dma_wait3A_97] : memref<3x128x128xf32, #tpu.memory_space<vmem>> -> memref<1x128x128xf32, #tpu.memory_space<vmem>>
      %dma_wait3A_99 = tpu.memref_squeeze %dma_wait3A_98 : memref<1x128x128xf32, #tpu.memory_space<vmem>> -> memref<128x128xf32, #tpu.memory_space<vmem>>
      %dma_wait3A_100 = arith.constant 0 : i32
      %dma_wait3A_101 = tpu.memref_slice %arg5[%dma_wait3A_94, %dma_wait3A_100] : memref<4x128xi32, #tpu.memory_space<vmem>> -> memref<1x128xi32, #tpu.memory_space<vmem>>
      %dma_wait3A_102 = tpu.memref_squeeze %dma_wait3A_101 : memref<1x128xi32, #tpu.memory_space<vmem>> -> memref<128xi32, #tpu.memory_space<vmem>>
      %dma_wait3A_103 = arith.constant 0 : i32
      %dma_wait3A_104 = arith.constant 0 : i32
      %dma_wait3A_105 = tpu.memref_slice %arg3[%dma_wait3A_103, %dma_wait3A_104] : memref<100000x128xf32, #tpu.memory_space<hbm>> -> memref<100000x128xf32, #tpu.memory_space<hbm>>
      tpu.wait_indirect_dma semaphore(%arg8 : memref<!tpu.dma_semaphore, #tpu.memory_space<semaphore_mem>>) src(%dma_wait3A_105 : memref<100000x128xf32, #tpu.memory_space<hbm>>) dst(%dma_wait3A_99 : memref<128x128xf32, #tpu.memory_space<vmem>>)
      %scan3A_106 = arith.constant 0 : i32
      %scan3A_107 = arith.constant 0 : i32
      %scan3A_108 = arith.constant 32 : i32
      %scan3A_109 = arith.addi %scan3A_107, %scan3A_108 : i32
      %scan3A_110 = arith.constant 1 : i32
      scf.for %scan3A_245 = %scan3A_107 to %scan3A_109 step %scan3A_110  : i32 {
        %mul3A_246 = arith.constant 4 : i32
        %mul3A_247 = arith.muli %scan3A_245, %mul3A_246 : i32
        %get3A = arith.constant 1 : i32
        %get3A_248 = arith.index_cast %get3A : i32 to index
        %get3A_249 = arith.index_cast %mul3A_247 : i32 to index
        %get3A_250 = arith.constant 0 : index
        %get3A_251 = tpu.vector_load %arg6[%get3A_248, %get3A_249, %get3A_250] {strides = array<i32>} : memref<3x128x128xf32, #tpu.memory_space<vmem>>, vector<16xf32>,
        %add3A_252 = arith.constant 1 : i32
        %add3A_253 = arith.addi %mul3A_247, %add3A_252 : i32
        %get3A_254 = arith.constant 1 : i32
        %get3A_255 = arith.index_cast %get3A_254 : i32 to index
        %get3A_256 = arith.index_cast %add3A_253 : i32 to index
        %get3A_257 = arith.constant 0 : index
        %get3A_258 = tpu.vector_load %arg6[%get3A_255, %get3A_256, %get3A_257] {strides = array<i32>} : memref<3x128x128xf32, #tpu.memory_space<vmem>>, vector<16xf32>,
        %add3A_259 = arith.addf %get3A_251, %get3A_258 : vector<16xf32>
        %add3A_260 = arith.constant 2 : i32
        %add3A_261 = arith.addi %mul3A_247, %add3A_260 : i32
        %get3A_262 = arith.constant 1 : i32
        %get3A_263 = arith.index_cast %get3A_262 : i32 to index
        %get3A_264 = arith.index_cast %add3A_261 : i32 to index
        %get3A_265 = arith.constant 0 : index
        %get3A_266 = tpu.vector_load %arg6[%get3A_263, %get3A_264, %get3A_265] {strides = array<i32>} : memref<3x128x128xf32, #tpu.memory_space<vmem>>, vector<16xf32>,
        %add3A_267 = arith.addf %add3A_259, %get3A_266 : vector<16xf32>
        %add3A_268 = arith.constant 3 : i32
        %add3A_269 = arith.addi %mul3A_247, %add3A_268 : i32
        %get3A_270 = arith.constant 1 : i32
        %get3A_271 = arith.index_cast %get3A_270 : i32 to index
        %get3A_272 = arith.index_cast %add3A_269 : i32 to index
        %get3A_273 = arith.constant 0 : index
        %get3A_274 = tpu.vector_load %arg6[%get3A_271, %get3A_272, %get3A_273] {strides = array<i32>} : memref<3x128x128xf32, #tpu.memory_space<vmem>>, vector<16xf32>,
        %add3A_275 = arith.addf %add3A_267, %get3A_274 : vector<16xf32>
        %swap3A = arith.constant 1 : i32
        %swap3A_276 = arith.index_cast %swap3A : i32 to index
        %swap3A_277 = arith.index_cast %scan3A_245 : i32 to index
        %swap3A_278 = arith.constant 0 : index
        %swap3A_279 = tpu.vector_load %arg7[%swap3A_276, %swap3A_277, %swap3A_278] {strides = array<i32>} : memref<2x32x128xf32, #tpu.memory_space<vmem>>, vector<16xf32>,
        tpu.vector_store %arg7[%swap3A_276, %swap3A_277, %swap3A_278], %add3A_275 {strides = array<i32>} : memref<2x32x128xf32, #tpu.memory_space<vmem>>, vector<16xf32>,
        %get3A_280 = arith.constant 1 : i32
        %get3A_281 = arith.index_cast %get3A_280 : i32 to index
        %get3A_282 = arith.index_cast %mul3A_247 : i32 to index
        %get3A_283 = arith.constant 16 : index
        %get3A_284 = tpu.vector_load %arg6[%get3A_281, %get3A_282, %get3A_283] {strides = array<i32>} : memref<3x128x128xf32, #tpu.memory_space<vmem>>, vector<16xf32>,
        %add3A_285 = arith.constant 1 : i32
        %add3A_286 = arith.addi %mul3A_247, %add3A_285 : i32
        %get3A_287 = arith.constant 1 : i32
        %get3A_288 = arith.index_cast %get3A_287 : i32 to index
        %get3A_289 = arith.index_cast %add3A_286 : i32 to index
        %get3A_290 = arith.constant 16 : index
        %get3A_291 = tpu.vector_load %arg6[%get3A_288, %get3A_289, %get3A_290] {strides = array<i32>} : memref<3x128x128xf32, #tpu.memory_space<vmem>>, vector<16xf32>,
        %add3A_292 = arith.addf %get3A_284, %get3A_291 : vector<16xf32>
        %add3A_293 = arith.constant 2 : i32
        %add3A_294 = arith.addi %mul3A_247, %add3A_293 : i32
        %get3A_295 = arith.constant 1 : i32
        %get3A_296 = arith.index_cast %get3A_295 : i32 to index
        %get3A_297 = arith.index_cast %add3A_294 : i32 to index
        %get3A_298 = arith.constant 16 : index
        %get3A_299 = tpu.vector_load %arg6[%get3A_296, %get3A_297, %get3A_298] {strides = array<i32>} : memref<3x128x128xf32, #tpu.memory_space<vmem>>, vector<16xf32>,
        %add3A_300 = arith.addf %add3A_292, %get3A_299 : vector<16xf32>
        %add3A_301 = arith.constant 3 : i32
        %add3A_302 = arith.addi %mul3A_247, %add3A_301 : i32
        %get3A_303 = arith.constant 1 : i32
        %get3A_304 = arith.index_cast %get3A_303 : i32 to index
        %get3A_305 = arith.index_cast %add3A_302 : i32 to index
        %get3A_306 = arith.constant 16 : index
        %get3A_307 = tpu.vector_load %arg6[%get3A_304, %get3A_305, %get3A_306] {strides = array<i32>} : memref<3x128x128xf32, #tpu.memory_space<vmem>>, vector<16xf32>,
        %add3A_308 = arith.addf %add3A_300, %get3A_307 : vector<16xf32>
        %swap3A_309 = arith.constant 1 : i32
        %swap3A_310 = arith.index_cast %swap3A_309 : i32 to index
        %swap3A_311 = arith.index_cast %scan3A_245 : i32 to index
        %swap3A_312 = arith.constant 16 : index
        %swap3A_313 = tpu.vector_load %arg7[%swap3A_310, %swap3A_311, %swap3A_312] {strides = array<i32>} : memref<2x32x128xf32, #tpu.memory_space<vmem>>, vector<16xf32>,
        tpu.vector_store %arg7[%swap3A_310, %swap3A_311, %swap3A_312], %add3A_308 {strides = array<i32>} : memref<2x32x128xf32, #tpu.memory_space<vmem>>, vector<16xf32>,
        %get3A_314 = arith.constant 1 : i32
        %get3A_315 = arith.index_cast %get3A_314 : i32 to index
        %get3A_316 = arith.index_cast %mul3A_247 : i32 to index
        %get3A_317 = arith.constant 32 : index
        %get3A_318 = tpu.vector_load %arg6[%get3A_315, %get3A_316, %get3A_317] {strides = array<i32>} : memref<3x128x128xf32, #tpu.memory_space<vmem>>, vector<16xf32>,
        %add3A_319 = arith.constant 1 : i32
        %add3A_320 = arith.addi %mul3A_247, %add3A_319 : i32
        %get3A_321 = arith.constant 1 : i32
        %get3A_322 = arith.index_cast %get3A_321 : i32 to index
        %get3A_323 = arith.index_cast %add3A_320 : i32 to index
        %get3A_324 = arith.constant 32 : index
        %get3A_325 = tpu.vector_load %arg6[%get3A_322, %get3A_323, %get3A_324] {strides = array<i32>} : memref<3x128x128xf32, #tpu.memory_space<vmem>>, vector<16xf32>,
        %add3A_326 = arith.addf %get3A_318, %get3A_325 : vector<16xf32>
        %add3A_327 = arith.constant 2 : i32
        %add3A_328 = arith.addi %mul3A_247, %add3A_327 : i32
        %get3A_329 = arith.constant 1 : i32
        %get3A_330 = arith.index_cast %get3A_329 : i32 to index
        %get3A_331 = arith.index_cast %add3A_328 : i32 to index
        %get3A_332 = arith.constant 32 : index
        %get3A_333 = tpu.vector_load %arg6[%get3A_330, %get3A_331, %get3A_332] {strides = array<i32>} : memref<3x128x128xf32, #tpu.memory_space<vmem>>, vector<16xf32>,
        %add3A_334 = arith.addf %add3A_326, %get3A_333 : vector<16xf32>
        %add3A_335 = arith.constant 3 : i32
        %add3A_336 = arith.addi %mul3A_247, %add3A_335 : i32
        %get3A_337 = arith.constant 1 : i32
        %get3A_338 = arith.index_cast %get3A_337 : i32 to index
        %get3A_339 = arith.index_cast %add3A_336 : i32 to index
        %get3A_340 = arith.constant 32 : index
        %get3A_341 = tpu.vector_load %arg6[%get3A_338, %get3A_339, %get3A_340] {strides = array<i32>} : memref<3x128x128xf32, #tpu.memory_space<vmem>>, vector<16xf32>,
        %add3A_342 = arith.addf %add3A_334, %get3A_341 : vector<16xf32>
        %swap3A_343 = arith.constant 1 : i32
        %swap3A_344 = arith.index_cast %swap3A_343 : i32 to index
        %swap3A_345 = arith.index_cast %scan3A_245 : i32 to index
        %swap3A_346 = arith.constant 32 : index
        %swap3A_347 = tpu.vector_load %arg7[%swap3A_344, %swap3A_345, %swap3A_346] {strides = array<i32>} : memref<2x32x128xf32, #tpu.memory_space<vmem>>, vector<16xf32>,
        tpu.vector_store %arg7[%swap3A_344, %swap3A_345, %swap3A_346], %add3A_342 {strides = array<i32>} : memref<2x32x128xf32, #tpu.memory_space<vmem>>, vector<16xf32>,
        %get3A_348 = arith.constant 1 : i32
        %get3A_349 = arith.index_cast %get3A_348 : i32 to index
        %get3A_350 = arith.index_cast %mul3A_247 : i32 to index
        %get3A_351 = arith.constant 48 : index
        %get3A_352 = tpu.vector_load %arg6[%get3A_349, %get3A_350, %get3A_351] {strides = array<i32>} : memref<3x128x128xf32, #tpu.memory_space<vmem>>, vector<16xf32>,
        %add3A_353 = arith.constant 1 : i32
        %add3A_354 = arith.addi %mul3A_247, %add3A_353 : i32
        %get3A_355 = arith.constant 1 : i32
        %get3A_356 = arith.index_cast %get3A_355 : i32 to index
        %get3A_357 = arith.index_cast %add3A_354 : i32 to index
        %get3A_358 = arith.constant 48 : index
        %get3A_359 = tpu.vector_load %arg6[%get3A_356, %get3A_357, %get3A_358] {strides = array<i32>} : memref<3x128x128xf32, #tpu.memory_space<vmem>>, vector<16xf32>,
        %add3A_360 = arith.addf %get3A_352, %get3A_359 : vector<16xf32>
        %add3A_361 = arith.constant 2 : i32
        %add3A_362 = arith.addi %mul3A_247, %add3A_361 : i32
        %get3A_363 = arith.constant 1 : i32
        %get3A_364 = arith.index_cast %get3A_363 : i32 to index
        %get3A_365 = arith.index_cast %add3A_362 : i32 to index
        %get3A_366 = arith.constant 48 : index
        %get3A_367 = tpu.vector_load %arg6[%get3A_364, %get3A_365, %get3A_366] {strides = array<i32>} : memref<3x128x128xf32, #tpu.memory_space<vmem>>, vector<16xf32>,
        %add3A_368 = arith.addf %add3A_360, %get3A_367 : vector<16xf32>
        %add3A_369 = arith.constant 3 : i32
        %add3A_370 = arith.addi %mul3A_247, %add3A_369 : i32
        %get3A_371 = arith.constant 1 : i32
        %get3A_372 = arith.index_cast %get3A_371 : i32 to index
        %get3A_373 = arith.index_cast %add3A_370 : i32 to index
        %get3A_374 = arith.constant 48 : index
        %get3A_375 = tpu.vector_load %arg6[%get3A_372, %get3A_373, %get3A_374] {strides = array<i32>} : memref<3x128x128xf32, #tpu.memory_space<vmem>>, vector<16xf32>,
        %add3A_376 = arith.addf %add3A_368, %get3A_375 : vector<16xf32>
        %swap3A_377 = arith.constant 1 : i32
        %swap3A_378 = arith.index_cast %swap3A_377 : i32 to index
        %swap3A_379 = arith.index_cast %scan3A_245 : i32 to index
        %swap3A_380 = arith.constant 48 : index
        %swap3A_381 = tpu.vector_load %arg7[%swap3A_378, %swap3A_379, %swap3A_380] {strides = array<i32>} : memref<2x32x128xf32, #tpu.memory_space<vmem>>, vector<16xf32>,
        tpu.vector_store %arg7[%swap3A_378, %swap3A_379, %swap3A_380], %add3A_376 {strides = array<i32>} : memref<2x32x128xf32, #tpu.memory_space<vmem>>, vector<16xf32>,
        %add3A_382 = arith.constant 0 : i32
        %add3A_383 = arith.addi %mul3A_247, %add3A_382 : i32
        %get3A_384 = arith.constant 1 : i32
        %get3A_385 = arith.index_cast %get3A_384 : i32 to index
        %get3A_386 = arith.index_cast %add3A_383 : i32 to index
        %get3A_387 = arith.constant 64 : index
        %get3A_388 = tpu.vector_load %arg6[%get3A_385, %get3A_386, %get3A_387] {strides = array<i32>} : memref<3x128x128xf32, #tpu.memory_space<vmem>>, vector<16xf32>,
        %bitcast3A = vector.bitcast %get3A_388 : vector<16xf32> to vector<16xi32>
        %shift_left3A = arith.constant 16 : i32
        %shift_left3A_389 = vector.broadcast %shift_left3A : i32 to vector<16xi32>
        %shift_left3A_390 = arith.shli %bitcast3A, %shift_left3A_389 : vector<16xi32>
        %bitcast3A_391 = vector.bitcast %shift_left3A_390 : vector<16xi32> to vector<16xf32>
        %and3A = arith.constant -65536 : i32
        %and3A_392 = vector.broadcast %and3A : i32 to vector<16xi32>
        %and3A_393 = arith.andi %bitcast3A, %and3A_392 : vector<16xi32>
        %bitcast3A_394 = vector.bitcast %and3A_393 : vector<16xi32> to vector<16xf32>
        %add3A_395 = arith.constant 1 : i32
        %add3A_396 = arith.addi %mul3A_247, %add3A_395 : i32
        %get3A_397 = arith.constant 1 : i32
        %get3A_398 = arith.index_cast %get3A_397 : i32 to index
        %get3A_399 = arith.index_cast %add3A_396 : i32 to index
        %get3A_400 = arith.constant 64 : index
        %get3A_401 = tpu.vector_load %arg6[%get3A_398, %get3A_399, %get3A_400] {strides = array<i32>} : memref<3x128x128xf32, #tpu.memory_space<vmem>>, vector<16xf32>,
        %bitcast3A_402 = vector.bitcast %get3A_401 : vector<16xf32> to vector<16xi32>
        %shift_left3A_403 = arith.constant 16 : i32
        %shift_left3A_404 = vector.broadcast %shift_left3A_403 : i32 to vector<16xi32>
        %shift_left3A_405 = arith.shli %bitcast3A_402, %shift_left3A_404 : vector<16xi32>
        %bitcast3A_406 = vector.bitcast %shift_left3A_405 : vector<16xi32> to vector<16xf32>
        %and3A_407 = arith.constant -65536 : i32
        %and3A_408 = vector.broadcast %and3A_407 : i32 to vector<16xi32>
        %and3A_409 = arith.andi %bitcast3A_402, %and3A_408 : vector<16xi32>
        %bitcast3A_410 = vector.bitcast %and3A_409 : vector<16xi32> to vector<16xf32>
        %add3A_411 = arith.addf %bitcast3A_391, %bitcast3A_406 : vector<16xf32>
        %add3A_412 = arith.addf %bitcast3A_394, %bitcast3A_410 : vector<16xf32>
        %add3A_413 = arith.constant 2 : i32
        %add3A_414 = arith.addi %mul3A_247, %add3A_413 : i32
        %get3A_415 = arith.constant 1 : i32
        %get3A_416 = arith.index_cast %get3A_415 : i32 to index
        %get3A_417 = arith.index_cast %add3A_414 : i32 to index
        %get3A_418 = arith.constant 64 : index
        %get3A_419 = tpu.vector_load %arg6[%get3A_416, %get3A_417, %get3A_418] {strides = array<i32>} : memref<3x128x128xf32, #tpu.memory_space<vmem>>, vector<16xf32>,
        %bitcast3A_420 = vector.bitcast %get3A_419 : vector<16xf32> to vector<16xi32>
        %shift_left3A_421 = arith.constant 16 : i32
        %shift_left3A_422 = vector.broadcast %shift_left3A_421 : i32 to vector<16xi32>
        %shift_left3A_423 = arith.shli %bitcast3A_420, %shift_left3A_422 : vector<16xi32>
        %bitcast3A_424 = vector.bitcast %shift_left3A_423 : vector<16xi32> to vector<16xf32>
        %and3A_425 = arith.constant -65536 : i32
        %and3A_426 = vector.broadcast %and3A_425 : i32 to vector<16xi32>
        %and3A_427 = arith.andi %bitcast3A_420, %and3A_426 : vector<16xi32>
        %bitcast3A_428 = vector.bitcast %and3A_427 : vector<16xi32> to vector<16xf32>
        %add3A_429 = arith.addf %add3A_411, %bitcast3A_424 : vector<16xf32>
        %add3A_430 = arith.addf %add3A_412, %bitcast3A_428 : vector<16xf32>
        %add3A_431 = arith.constant 3 : i32
        %add3A_432 = arith.addi %mul3A_247, %add3A_431 : i32
        %get3A_433 = arith.constant 1 : i32
        %get3A_434 = arith.index_cast %get3A_433 : i32 to index
        %get3A_435 = arith.index_cast %add3A_432 : i32 to index
        %get3A_436 = arith.constant 64 : index
        %get3A_437 = tpu.vector_load %arg6[%get3A_434, %get3A_435, %get3A_436] {strides = array<i32>} : memref<3x128x128xf32, #tpu.memory_space<vmem>>, vector<16xf32>,
        %bitcast3A_438 = vector.bitcast %get3A_437 : vector<16xf32> to vector<16xi32>
        %shift_left3A_439 = arith.constant 16 : i32
        %shift_left3A_440 = vector.broadcast %shift_left3A_439 : i32 to vector<16xi32>
        %shift_left3A_441 = arith.shli %bitcast3A_438, %shift_left3A_440 : vector<16xi32>
        %bitcast3A_442 = vector.bitcast %shift_left3A_441 : vector<16xi32> to vector<16xf32>
        %and3A_443 = arith.constant -65536 : i32
        %and3A_444 = vector.broadcast %and3A_443 : i32 to vector<16xi32>
        %and3A_445 = arith.andi %bitcast3A_438, %and3A_444 : vector<16xi32>
        %bitcast3A_446 = vector.bitcast %and3A_445 : vector<16xi32> to vector<16xf32>
        %add3A_447 = arith.addf %add3A_429, %bitcast3A_442 : vector<16xf32>
        %add3A_448 = arith.addf %add3A_430, %bitcast3A_446 : vector<16xf32>
        %bitcast3A_449 = vector.bitcast %add3A_447 : vector<16xf32> to vector<16xi32>
        %add3A_450 = arith.constant 32768 : i32
        %add3A_451 = vector.broadcast %add3A_450 : i32 to vector<16xi32>
        %add3A_452 = arith.addi %bitcast3A_449, %add3A_451 : vector<16xi32>
        %shift_right_logical3A = arith.constant 16 : i32
        %shift_right_logical3A_453 = vector.broadcast %shift_right_logical3A : i32 to vector<16xi32>
        %shift_right_logical3A_454 = arith.shrui %add3A_452, %shift_right_logical3A_453 : vector<16xi32>
        %bitcast3A_455 = vector.bitcast %add3A_448 : vector<16xf32> to vector<16xi32>
        %add3A_456 = arith.constant 32768 : i32
        %add3A_457 = vector.broadcast %add3A_456 : i32 to vector<16xi32>
        %add3A_458 = arith.addi %bitcast3A_455, %add3A_457 : vector<16xi32>
        %and3A_459 = arith.constant -65536 : i32
        %and3A_460 = vector.broadcast %and3A_459 : i32 to vector<16xi32>
        %and3A_461 = arith.andi %add3A_458, %and3A_460 : vector<16xi32>
        %or3A = arith.ori %shift_right_logical3A_454, %and3A_461 : vector<16xi32>
        %bitcast3A_462 = vector.bitcast %or3A : vector<16xi32> to vector<16xf32>
        %swap3A_463 = arith.constant 1 : i32
        %swap3A_464 = arith.index_cast %swap3A_463 : i32 to index
        %swap3A_465 = arith.index_cast %scan3A_245 : i32 to index
        %swap3A_466 = arith.constant 64 : index
        %swap3A_467 = tpu.vector_load %arg7[%swap3A_464, %swap3A_465, %swap3A_466] {strides = array<i32>} : memref<2x32x128xf32, #tpu.memory_space<vmem>>, vector<16xf32>,
        tpu.vector_store %arg7[%swap3A_464, %swap3A_465, %swap3A_466], %bitcast3A_462 {strides = array<i32>} : memref<2x32x128xf32, #tpu.memory_space<vmem>>, vector<16xf32>,
        %add3A_468 = arith.constant 0 : i32
        %add3A_469 = arith.addi %mul3A_247, %add3A_468 : i32
        %get3A_470 = arith.constant 1 : i32
        %get3A_471 = arith.index_cast %get3A_470 : i32 to index
        %get3A_472 = arith.index_cast %add3A_469 : i32 to index
        %get3A_473 = arith.constant 80 : index
        %get3A_474 = tpu.vector_load %arg6[%get3A_471, %get3A_472, %get3A_473] {strides = array<i32>} : memref<3x128x128xf32, #tpu.memory_space<vmem>>, vector<16xf32>,
        %bitcast3A_475 = vector.bitcast %get3A_474 : vector<16xf32> to vector<16xi32>
        %shift_left3A_476 = arith.constant 16 : i32
        %shift_left3A_477 = vector.broadcast %shift_left3A_476 : i32 to vector<16xi32>
        %shift_left3A_478 = arith.shli %bitcast3A_475, %shift_left3A_477 : vector<16xi32>
        %bitcast3A_479 = vector.bitcast %shift_left3A_478 : vector<16xi32> to vector<16xf32>
        %and3A_480 = arith.constant -65536 : i32
        %and3A_481 = vector.broadcast %and3A_480 : i32 to vector<16xi32>
        %and3A_482 = arith.andi %bitcast3A_475, %and3A_481 : vector<16xi32>
        %bitcast3A_483 = vector.bitcast %and3A_482 : vector<16xi32> to vector<16xf32>
        %add3A_484 = arith.constant 1 : i32
        %add3A_485 = arith.addi %mul3A_247, %add3A_484 : i32
        %get3A_486 = arith.constant 1 : i32
        %get3A_487 = arith.index_cast %get3A_486 : i32 to index
        %get3A_488 = arith.index_cast %add3A_485 : i32 to index
        %get3A_489 = arith.constant 80 : index
        %get3A_490 = tpu.vector_load %arg6[%get3A_487, %get3A_488, %get3A_489] {strides = array<i32>} : memref<3x128x128xf32, #tpu.memory_space<vmem>>, vector<16xf32>,
        %bitcast3A_491 = vector.bitcast %get3A_490 : vector<16xf32> to vector<16xi32>
        %shift_left3A_492 = arith.constant 16 : i32
        %shift_left3A_493 = vector.broadcast %shift_left3A_492 : i32 to vector<16xi32>
        %shift_left3A_494 = arith.shli %bitcast3A_491, %shift_left3A_493 : vector<16xi32>
        %bitcast3A_495 = vector.bitcast %shift_left3A_494 : vector<16xi32> to vector<16xf32>
        %and3A_496 = arith.constant -65536 : i32
        %and3A_497 = vector.broadcast %and3A_496 : i32 to vector<16xi32>
        %and3A_498 = arith.andi %bitcast3A_491, %and3A_497 : vector<16xi32>
        %bitcast3A_499 = vector.bitcast %and3A_498 : vector<16xi32> to vector<16xf32>
        %add3A_500 = arith.addf %bitcast3A_479, %bitcast3A_495 : vector<16xf32>
        %add3A_501 = arith.addf %bitcast3A_483, %bitcast3A_499 : vector<16xf32>
        %add3A_502 = arith.constant 2 : i32
        %add3A_503 = arith.addi %mul3A_247, %add3A_502 : i32
        %get3A_504 = arith.constant 1 : i32
        %get3A_505 = arith.index_cast %get3A_504 : i32 to index
        %get3A_506 = arith.index_cast %add3A_503 : i32 to index
        %get3A_507 = arith.constant 80 : index
        %get3A_508 = tpu.vector_load %arg6[%get3A_505, %get3A_506, %get3A_507] {strides = array<i32>} : memref<3x128x128xf32, #tpu.memory_space<vmem>>, vector<16xf32>,
        %bitcast3A_509 = vector.bitcast %get3A_508 : vector<16xf32> to vector<16xi32>
        %shift_left3A_510 = arith.constant 16 : i32
        %shift_left3A_511 = vector.broadcast %shift_left3A_510 : i32 to vector<16xi32>
        %shift_left3A_512 = arith.shli %bitcast3A_509, %shift_left3A_511 : vector<16xi32>
        %bitcast3A_513 = vector.bitcast %shift_left3A_512 : vector<16xi32> to vector<16xf32>
        %and3A_514 = arith.constant -65536 : i32
        %and3A_515 = vector.broadcast %and3A_514 : i32 to vector<16xi32>
        %and3A_516 = arith.andi %bitcast3A_509, %and3A_515 : vector<16xi32>
        %bitcast3A_517 = vector.bitcast %and3A_516 : vector<16xi32> to vector<16xf32>
        %add3A_518 = arith.addf %add3A_500, %bitcast3A_513 : vector<16xf32>
        %add3A_519 = arith.addf %add3A_501, %bitcast3A_517 : vector<16xf32>
        %add3A_520 = arith.constant 3 : i32
        %add3A_521 = arith.addi %mul3A_247, %add3A_520 : i32
        %get3A_522 = arith.constant 1 : i32
        %get3A_523 = arith.index_cast %get3A_522 : i32 to index
        %get3A_524 = arith.index_cast %add3A_521 : i32 to index
        %get3A_525 = arith.constant 80 : index
        %get3A_526 = tpu.vector_load %arg6[%get3A_523, %get3A_524, %get3A_525] {strides = array<i32>} : memref<3x128x128xf32, #tpu.memory_space<vmem>>, vector<16xf32>,
        %bitcast3A_527 = vector.bitcast %get3A_526 : vector<16xf32> to vector<16xi32>
        %shift_left3A_528 = arith.constant 16 : i32
        %shift_left3A_529 = vector.broadcast %shift_left3A_528 : i32 to vector<16xi32>
        %shift_left3A_530 = arith.shli %bitcast3A_527, %shift_left3A_529 : vector<16xi32>
        %bitcast3A_531 = vector.bitcast %shift_left3A_530 : vector<16xi32> to vector<16xf32>
        %and3A_532 = arith.constant -65536 : i32
        %and3A_533 = vector.broadcast %and3A_532 : i32 to vector<16xi32>
        %and3A_534 = arith.andi %bitcast3A_527, %and3A_533 : vector<16xi32>
        %bitcast3A_535 = vector.bitcast %and3A_534 : vector<16xi32> to vector<16xf32>
        %add3A_536 = arith.addf %add3A_518, %bitcast3A_531 : vector<16xf32>
        %add3A_537 = arith.addf %add3A_519, %bitcast3A_535 : vector<16xf32>
        %bitcast3A_538 = vector.bitcast %add3A_536 : vector<16xf32> to vector<16xi32>
        %add3A_539 = arith.constant 32768 : i32
        %add3A_540 = vector.broadcast %add3A_539 : i32 to vector<16xi32>
        %add3A_541 = arith.addi %bitcast3A_538, %add3A_540 : vector<16xi32>
        %shift_right_logical3A_542 = arith.constant 16 : i32
        %shift_right_logical3A_543 = vector.broadcast %shift_right_logical3A_542 : i32 to vector<16xi32>
        %shift_right_logical3A_544 = arith.shrui %add3A_541, %shift_right_logical3A_543 : vector<16xi32>
        %bitcast3A_545 = vector.bitcast %add3A_537 : vector<16xf32> to vector<16xi32>
        %add3A_546 = arith.constant 32768 : i32
        %add3A_547 = vector.broadcast %add3A_546 : i32 to vector<16xi32>
        %add3A_548 = arith.addi %bitcast3A_545, %add3A_547 : vector<16xi32>
        %and3A_549 = arith.constant -65536 : i32
        %and3A_550 = vector.broadcast %and3A_549 : i32 to vector<16xi32>
        %and3A_551 = arith.andi %add3A_548, %and3A_550 : vector<16xi32>
        %or3A_552 = arith.ori %shift_right_logical3A_544, %and3A_551 : vector<16xi32>
        %bitcast3A_553 = vector.bitcast %or3A_552 : vector<16xi32> to vector<16xf32>
        %swap3A_554 = arith.constant 1 : i32
        %swap3A_555 = arith.index_cast %swap3A_554 : i32 to index
        %swap3A_556 = arith.index_cast %scan3A_245 : i32 to index
        %swap3A_557 = arith.constant 80 : index
        %swap3A_558 = tpu.vector_load %arg7[%swap3A_555, %swap3A_556, %swap3A_557] {strides = array<i32>} : memref<2x32x128xf32, #tpu.memory_space<vmem>>, vector<16xf32>,
        tpu.vector_store %arg7[%swap3A_555, %swap3A_556, %swap3A_557], %bitcast3A_553 {strides = array<i32>} : memref<2x32x128xf32, #tpu.memory_space<vmem>>, vector<16xf32>,
        %add3A_559 = arith.constant 0 : i32
        %add3A_560 = arith.addi %mul3A_247, %add3A_559 : i32
        %get3A_561 = arith.constant 1 : i32
        %get3A_562 = arith.index_cast %get3A_561 : i32 to index
        %get3A_563 = arith.index_cast %add3A_560 : i32 to index
        %get3A_564 = arith.constant 96 : index
        %get3A_565 = tpu.vector_load %arg6[%get3A_562, %get3A_563, %get3A_564] {strides = array<i32>} : memref<3x128x128xf32, #tpu.memory_space<vmem>>, vector<16xf32>,
        %bitcast3A_566 = vector.bitcast %get3A_565 : vector<16xf32> to vector<16xi32>
        %shift_left3A_567 = arith.constant 16 : i32
        %shift_left3A_568 = vector.broadcast %shift_left3A_567 : i32 to vector<16xi32>
        %shift_left3A_569 = arith.shli %bitcast3A_566, %shift_left3A_568 : vector<16xi32>
        %bitcast3A_570 = vector.bitcast %shift_left3A_569 : vector<16xi32> to vector<16xf32>
        %and3A_571 = arith.constant -65536 : i32
        %and3A_572 = vector.broadcast %and3A_571 : i32 to vector<16xi32>
        %and3A_573 = arith.andi %bitcast3A_566, %and3A_572 : vector<16xi32>
        %bitcast3A_574 = vector.bitcast %and3A_573 : vector<16xi32> to vector<16xf32>
        %add3A_575 = arith.constant 1 : i32
        %add3A_576 = arith.addi %mul3A_247, %add3A_575 : i32
        %get3A_577 = arith.constant 1 : i32
        %get3A_578 = arith.index_cast %get3A_577 : i32 to index
        %get3A_579 = arith.index_cast %add3A_576 : i32 to index
        %get3A_580 = arith.constant 96 : index
        %get3A_581 = tpu.vector_load %arg6[%get3A_578, %get3A_579, %get3A_580] {strides = array<i32>} : memref<3x128x128xf32, #tpu.memory_space<vmem>>, vector<16xf32>,
        %bitcast3A_582 = vector.bitcast %get3A_581 : vector<16xf32> to vector<16xi32>
        %shift_left3A_583 = arith.constant 16 : i32
        %shift_left3A_584 = vector.broadcast %shift_left3A_583 : i32 to vector<16xi32>
        %shift_left3A_585 = arith.shli %bitcast3A_582, %shift_left3A_584 : vector<16xi32>
        %bitcast3A_586 = vector.bitcast %shift_left3A_585 : vector<16xi32> to vector<16xf32>
        %and3A_587 = arith.constant -65536 : i32
        %and3A_588 = vector.broadcast %and3A_587 : i32 to vector<16xi32>
        %and3A_589 = arith.andi %bitcast3A_582, %and3A_588 : vector<16xi32>
        %bitcast3A_590 = vector.bitcast %and3A_589 : vector<16xi32> to vector<16xf32>
        %add3A_591 = arith.addf %bitcast3A_570, %bitcast3A_586 : vector<16xf32>
        %add3A_592 = arith.addf %bitcast3A_574, %bitcast3A_590 : vector<16xf32>
        %add3A_593 = arith.constant 2 : i32
        %add3A_594 = arith.addi %mul3A_247, %add3A_593 : i32
        %get3A_595 = arith.constant 1 : i32
        %get3A_596 = arith.index_cast %get3A_595 : i32 to index
        %get3A_597 = arith.index_cast %add3A_594 : i32 to index
        %get3A_598 = arith.constant 96 : index
        %get3A_599 = tpu.vector_load %arg6[%get3A_596, %get3A_597, %get3A_598] {strides = array<i32>} : memref<3x128x128xf32, #tpu.memory_space<vmem>>, vector<16xf32>,
        %bitcast3A_600 = vector.bitcast %get3A_599 : vector<16xf32> to vector<16xi32>
        %shift_left3A_601 = arith.constant 16 : i32
        %shift_left3A_602 = vector.broadcast %shift_left3A_601 : i32 to vector<16xi32>
        %shift_left3A_603 = arith.shli %bitcast3A_600, %shift_left3A_602 : vector<16xi32>
        %bitcast3A_604 = vector.bitcast %shift_left3A_603 : vector<16xi32> to vector<16xf32>
        %and3A_605 = arith.constant -65536 : i32
        %and3A_606 = vector.broadcast %and3A_605 : i32 to vector<16xi32>
        %and3A_607 = arith.andi %bitcast3A_600, %and3A_606 : vector<16xi32>
        %bitcast3A_608 = vector.bitcast %and3A_607 : vector<16xi32> to vector<16xf32>
        %add3A_609 = arith.addf %add3A_591, %bitcast3A_604 : vector<16xf32>
        %add3A_610 = arith.addf %add3A_592, %bitcast3A_608 : vector<16xf32>
        %add3A_611 = arith.constant 3 : i32
        %add3A_612 = arith.addi %mul3A_247, %add3A_611 : i32
        %get3A_613 = arith.constant 1 : i32
        %get3A_614 = arith.index_cast %get3A_613 : i32 to index
        %get3A_615 = arith.index_cast %add3A_612 : i32 to index
        %get3A_616 = arith.constant 96 : index
        %get3A_617 = tpu.vector_load %arg6[%get3A_614, %get3A_615, %get3A_616] {strides = array<i32>} : memref<3x128x128xf32, #tpu.memory_space<vmem>>, vector<16xf32>,
        %bitcast3A_618 = vector.bitcast %get3A_617 : vector<16xf32> to vector<16xi32>
        %shift_left3A_619 = arith.constant 16 : i32
        %shift_left3A_620 = vector.broadcast %shift_left3A_619 : i32 to vector<16xi32>
        %shift_left3A_621 = arith.shli %bitcast3A_618, %shift_left3A_620 : vector<16xi32>
        %bitcast3A_622 = vector.bitcast %shift_left3A_621 : vector<16xi32> to vector<16xf32>
        %and3A_623 = arith.constant -65536 : i32
        %and3A_624 = vector.broadcast %and3A_623 : i32 to vector<16xi32>
        %and3A_625 = arith.andi %bitcast3A_618, %and3A_624 : vector<16xi32>
        %bitcast3A_626 = vector.bitcast %and3A_625 : vector<16xi32> to vector<16xf32>
        %add3A_627 = arith.addf %add3A_609, %bitcast3A_622 : vector<16xf32>
        %add3A_628 = arith.addf %add3A_610, %bitcast3A_626 : vector<16xf32>
        %bitcast3A_629 = vector.bitcast %add3A_627 : vector<16xf32> to vector<16xi32>
        %add3A_630 = arith.constant 32768 : i32
        %add3A_631 = vector.broadcast %add3A_630 : i32 to vector<16xi32>
        %add3A_632 = arith.addi %bitcast3A_629, %add3A_631 : vector<16xi32>
        %shift_right_logical3A_633 = arith.constant 16 : i32
        %shift_right_logical3A_634 = vector.broadcast %shift_right_logical3A_633 : i32 to vector<16xi32>
        %shift_right_logical3A_635 = arith.shrui %add3A_632, %shift_right_logical3A_634 : vector<16xi32>
        %bitcast3A_636 = vector.bitcast %add3A_628 : vector<16xf32> to vector<16xi32>
        %add3A_637 = arith.constant 32768 : i32
        %add3A_638 = vector.broadcast %add3A_637 : i32 to vector<16xi32>
        %add3A_639 = arith.addi %bitcast3A_636, %add3A_638 : vector<16xi32>
        %and3A_640 = arith.constant -65536 : i32
        %and3A_641 = vector.broadcast %and3A_640 : i32 to vector<16xi32>
        %and3A_642 = arith.andi %add3A_639, %and3A_641 : vector<16xi32>
        %or3A_643 = arith.ori %shift_right_logical3A_635, %and3A_642 : vector<16xi32>
        %bitcast3A_644 = vector.bitcast %or3A_643 : vector<16xi32> to vector<16xf32>
        %swap3A_645 = arith.constant 1 : i32
        %swap3A_646 = arith.index_cast %swap3A_645 : i32 to index
        %swap3A_647 = arith.index_cast %scan3A_245 : i32 to index
        %swap3A_648 = arith.constant 96 : index
        %swap3A_649 = tpu.vector_load %arg7[%swap3A_646, %swap3A_647, %swap3A_648] {strides = array<i32>} : memref<2x32x128xf32, #tpu.memory_space<vmem>>, vector<16xf32>,
        tpu.vector_store %arg7[%swap3A_646, %swap3A_647, %swap3A_648], %bitcast3A_644 {strides = array<i32>} : memref<2x32x128xf32, #tpu.memory_space<vmem>>, vector<16xf32>,
        %add3A_650 = arith.constant 0 : i32
        %add3A_651 = arith.addi %mul3A_247, %add3A_650 : i32
        %get3A_652 = arith.constant 1 : i32
        %get3A_653 = arith.index_cast %get3A_652 : i32 to index
        %get3A_654 = arith.index_cast %add3A_651 : i32 to index
        %get3A_655 = arith.constant 112 : index
        %get3A_656 = tpu.vector_load %arg6[%get3A_653, %get3A_654, %get3A_655] {strides = array<i32>} : memref<3x128x128xf32, #tpu.memory_space<vmem>>, vector<16xf32>,
        %bitcast3A_657 = vector.bitcast %get3A_656 : vector<16xf32> to vector<16xi32>
        %shift_left3A_658 = arith.constant 16 : i32
        %shift_left3A_659 = vector.broadcast %shift_left3A_658 : i32 to vector<16xi32>
        %shift_left3A_660 = arith.shli %bitcast3A_657, %shift_left3A_659 : vector<16xi32>
        %bitcast3A_661 = vector.bitcast %shift_left3A_660 : vector<16xi32> to vector<16xf32>
        %and3A_662 = arith.constant -65536 : i32
        %and3A_663 = vector.broadcast %and3A_662 : i32 to vector<16xi32>
        %and3A_664 = arith.andi %bitcast3A_657, %and3A_663 : vector<16xi32>
        %bitcast3A_665 = vector.bitcast %and3A_664 : vector<16xi32> to vector<16xf32>
        %add3A_666 = arith.constant 1 : i32
        %add3A_667 = arith.addi %mul3A_247, %add3A_666 : i32
        %get3A_668 = arith.constant 1 : i32
        %get3A_669 = arith.index_cast %get3A_668 : i32 to index
        %get3A_670 = arith.index_cast %add3A_667 : i32 to index
        %get3A_671 = arith.constant 112 : index
        %get3A_672 = tpu.vector_load %arg6[%get3A_669, %get3A_670, %get3A_671] {strides = array<i32>} : memref<3x128x128xf32, #tpu.memory_space<vmem>>, vector<16xf32>,
        %bitcast3A_673 = vector.bitcast %get3A_672 : vector<16xf32> to vector<16xi32>
        %shift_left3A_674 = arith.constant 16 : i32
        %shift_left3A_675 = vector.broadcast %shift_left3A_674 : i32 to vector<16xi32>
        %shift_left3A_676 = arith.shli %bitcast3A_673, %shift_left3A_675 : vector<16xi32>
        %bitcast3A_677 = vector.bitcast %shift_left3A_676 : vector<16xi32> to vector<16xf32>
        %and3A_678 = arith.constant -65536 : i32
        %and3A_679 = vector.broadcast %and3A_678 : i32 to vector<16xi32>
        %and3A_680 = arith.andi %bitcast3A_673, %and3A_679 : vector<16xi32>
        %bitcast3A_681 = vector.bitcast %and3A_680 : vector<16xi32> to vector<16xf32>
        %add3A_682 = arith.addf %bitcast3A_661, %bitcast3A_677 : vector<16xf32>
        %add3A_683 = arith.addf %bitcast3A_665, %bitcast3A_681 : vector<16xf32>
        %add3A_684 = arith.constant 2 : i32
        %add3A_685 = arith.addi %mul3A_247, %add3A_684 : i32
        %get3A_686 = arith.constant 1 : i32
        %get3A_687 = arith.index_cast %get3A_686 : i32 to index
        %get3A_688 = arith.index_cast %add3A_685 : i32 to index
        %get3A_689 = arith.constant 112 : index
        %get3A_690 = tpu.vector_load %arg6[%get3A_687, %get3A_688, %get3A_689] {strides = array<i32>} : memref<3x128x128xf32, #tpu.memory_space<vmem>>, vector<16xf32>,
        %bitcast3A_691 = vector.bitcast %get3A_690 : vector<16xf32> to vector<16xi32>
        %shift_left3A_692 = arith.constant 16 : i32
        %shift_left3A_693 = vector.broadcast %shift_left3A_692 : i32 to vector<16xi32>
        %shift_left3A_694 = arith.shli %bitcast3A_691, %shift_left3A_693 : vector<16xi32>
        %bitcast3A_695 = vector.bitcast %shift_left3A_694 : vector<16xi32> to vector<16xf32>
        %and3A_696 = arith.constant -65536 : i32
        %and3A_697 = vector.broadcast %and3A_696 : i32 to vector<16xi32>
        %and3A_698 = arith.andi %bitcast3A_691, %and3A_697 : vector<16xi32>
        %bitcast3A_699 = vector.bitcast %and3A_698 : vector<16xi32> to vector<16xf32>
        %add3A_700 = arith.addf %add3A_682, %bitcast3A_695 : vector<16xf32>
        %add3A_701 = arith.addf %add3A_683, %bitcast3A_699 : vector<16xf32>
        %add3A_702 = arith.constant 3 : i32
        %add3A_703 = arith.addi %mul3A_247, %add3A_702 : i32
        %get3A_704 = arith.constant 1 : i32
        %get3A_705 = arith.index_cast %get3A_704 : i32 to index
        %get3A_706 = arith.index_cast %add3A_703 : i32 to index
        %get3A_707 = arith.constant 112 : index
        %get3A_708 = tpu.vector_load %arg6[%get3A_705, %get3A_706, %get3A_707] {strides = array<i32>} : memref<3x128x128xf32, #tpu.memory_space<vmem>>, vector<16xf32>,
        %bitcast3A_709 = vector.bitcast %get3A_708 : vector<16xf32> to vector<16xi32>
        %shift_left3A_710 = arith.constant 16 : i32
        %shift_left3A_711 = vector.broadcast %shift_left3A_710 : i32 to vector<16xi32>
        %shift_left3A_712 = arith.shli %bitcast3A_709, %shift_left3A_711 : vector<16xi32>
        %bitcast3A_713 = vector.bitcast %shift_left3A_712 : vector<16xi32> to vector<16xf32>
        %and3A_714 = arith.constant -65536 : i32
        %and3A_715 = vector.broadcast %and3A_714 : i32 to vector<16xi32>
        %and3A_716 = arith.andi %bitcast3A_709, %and3A_715 : vector<16xi32>
        %bitcast3A_717 = vector.bitcast %and3A_716 : vector<16xi32> to vector<16xf32>
        %add3A_718 = arith.addf %add3A_700, %bitcast3A_713 : vector<16xf32>
        %add3A_719 = arith.addf %add3A_701, %bitcast3A_717 : vector<16xf32>
        %bitcast3A_720 = vector.bitcast %add3A_718 : vector<16xf32> to vector<16xi32>
        %add3A_721 = arith.constant 32768 : i32
        %add3A_722 = vector.broadcast %add3A_721 : i32 to vector<16xi32>
        %add3A_723 = arith.addi %bitcast3A_720, %add3A_722 : vector<16xi32>
        %shift_right_logical3A_724 = arith.constant 16 : i32
        %shift_right_logical3A_725 = vector.broadcast %shift_right_logical3A_724 : i32 to vector<16xi32>
        %shift_right_logical3A_726 = arith.shrui %add3A_723, %shift_right_logical3A_725 : vector<16xi32>
        %bitcast3A_727 = vector.bitcast %add3A_719 : vector<16xf32> to vector<16xi32>
        %add3A_728 = arith.constant 32768 : i32
        %add3A_729 = vector.broadcast %add3A_728 : i32 to vector<16xi32>
        %add3A_730 = arith.addi %bitcast3A_727, %add3A_729 : vector<16xi32>
        %and3A_731 = arith.constant -65536 : i32
        %and3A_732 = vector.broadcast %and3A_731 : i32 to vector<16xi32>
        %and3A_733 = arith.andi %add3A_730, %and3A_732 : vector<16xi32>
        %or3A_734 = arith.ori %shift_right_logical3A_726, %and3A_733 : vector<16xi32>
        %bitcast3A_735 = vector.bitcast %or3A_734 : vector<16xi32> to vector<16xf32>
        %swap3A_736 = arith.constant 1 : i32
        %swap3A_737 = arith.index_cast %swap3A_736 : i32 to index
        %swap3A_738 = arith.index_cast %scan3A_245 : i32 to index
        %swap3A_739 = arith.constant 112 : index
        %swap3A_740 = tpu.vector_load %arg7[%swap3A_737, %swap3A_738, %swap3A_739] {strides = array<i32>} : memref<2x32x128xf32, #tpu.memory_space<vmem>>, vector<16xf32>,
        tpu.vector_store %arg7[%swap3A_737, %swap3A_738, %swap3A_739], %bitcast3A_735 {strides = array<i32>} : memref<2x32x128xf32, #tpu.memory_space<vmem>>, vector<16xf32>,
      }
      %scan3A_111 = arith.constant 32 : i32
      %add3A_112 = arith.constant 32 : i32
      %add3A_113 = arith.addi %add3A_14, %add3A_112 : i32
      %dma_start3A_114 = arith.constant 1 : i32
      %dma_start3A_115 = arith.constant 0 : i32
      %dma_start3A_116 = arith.constant 0 : i32
      %dma_start3A_117 = tpu.memref_slice %arg7[%dma_start3A_114, %dma_start3A_115, %dma_start3A_116] : memref<2x32x128xf32, #tpu.memory_space<vmem>> -> memref<1x32x128xf32, #tpu.memory_space<vmem>>
      %dma_start3A_118 = tpu.memref_squeeze %dma_start3A_117 : memref<1x32x128xf32, #tpu.memory_space<vmem>> -> memref<32x128xf32, #tpu.memory_space<vmem>>
      %dma_start3A_119 = arith.constant 0 : i32
      %dma_start3A_120 = tpu.memref_slice %arg4[%add3A_113, %dma_start3A_119] : memref<102400x128xf32, #tpu.memory_space<hbm>> -> memref<32x128xf32, #tpu.memory_space<hbm>>
      %dma_start3A_121 = arith.constant 0 : i32
      %dma_start3A_122 = tpu.memref_slice %arg4[%add3A_113, %dma_start3A_121] : memref<102400x128xf32, #tpu.memory_space<hbm>> -> memref<32x128xf32, #tpu.memory_space<hbm>>
      %dma_start3A_123 = arith.constant 0 : i32
      %dma_start3A_124 = arith.constant 0 : i32
      %dma_start3A_125 = tpu.memref_slice %arg7[%dma_start3A_114, %dma_start3A_123, %dma_start3A_124] : memref<2x32x128xf32, #tpu.memory_space<vmem>> -> memref<1x32x128xf32, #tpu.memory_space<vmem>>
      %dma_start3A_126 = tpu.memref_squeeze %dma_start3A_125 : memref<1x32x128xf32, #tpu.memory_space<vmem>> -> memref<32x128xf32, #tpu.memory_space<vmem>>
      tpu.enqueue_dma source(%dma_start3A_126 : memref<32x128xf32, #tpu.memory_space<vmem>>) target(%dma_start3A_122 : memref<32x128xf32, #tpu.memory_space<hbm>>) target_semaphore(%arg9 : memref<!tpu.dma_semaphore, #tpu.memory_space<semaphore_mem>>)
      %dma_wait3A_127 = arith.constant 2 : i32
      %dma_wait3A_128 = arith.constant 2 : i32
      %dma_wait3A_129 = arith.constant 0 : i32
      %dma_wait3A_130 = arith.constant 0 : i32
      %dma_wait3A_131 = tpu.memref_slice %arg6[%dma_wait3A_128, %dma_wait3A_129, %dma_wait3A_130] : memref<3x128x128xf32, #tpu.memory_space<vmem>> -> memref<1x128x128xf32, #tpu.memory_space<vmem>>
      %dma_wait3A_132 = tpu.memref_squeeze %dma_wait3A_131 : memref<1x128x128xf32, #tpu.memory_space<vmem>> -> memref<128x128xf32, #tpu.memory_space<vmem>>
      %dma_wait3A_133 = arith.constant 0 : i32
      %dma_wait3A_134 = tpu.memref_slice %arg5[%dma_wait3A_127, %dma_wait3A_133] : memref<4x128xi32, #tpu.memory_space<vmem>> -> memref<1x128xi32, #tpu.memory_space<vmem>>
      %dma_wait3A_135 = tpu.memref_squeeze %dma_wait3A_134 : memref<1x128xi32, #tpu.memory_space<vmem>> -> memref<128xi32, #tpu.memory_space<vmem>>
      %dma_wait3A_136 = arith.constant 0 : i32
      %dma_wait3A_137 = arith.constant 0 : i32
      %dma_wait3A_138 = tpu.memref_slice %arg3[%dma_wait3A_136, %dma_wait3A_137] : memref<100000x128xf32, #tpu.memory_space<hbm>> -> memref<100000x128xf32, #tpu.memory_space<hbm>>
      tpu.wait_indirect_dma semaphore(%arg8 : memref<!tpu.dma_semaphore, #tpu.memory_space<semaphore_mem>>) src(%dma_wait3A_138 : memref<100000x128xf32, #tpu.memory_space<hbm>>) dst(%dma_wait3A_132 : memref<128x128xf32, #tpu.memory_space<vmem>>)
      %dma_wait3A_139 = arith.constant 0 : i32
      %dma_wait3A_140 = arith.constant 0 : i32
      %dma_wait3A_141 = arith.constant 0 : i32
      %dma_wait3A_142 = tpu.memref_slice %arg7[%dma_wait3A_139, %dma_wait3A_140, %dma_wait3A_141] : memref<2x32x128xf32, #tpu.memory_space<vmem>> -> memref<1x32x128xf32, #tpu.memory_space<vmem>>
      %dma_wait3A_143 = tpu.memref_squeeze %dma_wait3A_142 : memref<1x32x128xf32, #tpu.memory_space<vmem>> -> memref<32x128xf32, #tpu.memory_space<vmem>>
      %dma_wait3A_144 = arith.constant 0 : i32
      %dma_wait3A_145 = tpu.memref_slice %arg4[%add3A_68, %dma_wait3A_144] : memref<102400x128xf32, #tpu.memory_space<hbm>> -> memref<32x128xf32, #tpu.memory_space<hbm>>
      %dma_wait3A_146 = arith.constant 0 : i32
      %dma_wait3A_147 = tpu.memref_slice %arg4[%add3A_68, %dma_wait3A_146] : memref<102400x128xf32, #tpu.memory_space<hbm>> -> memref<32x128xf32, #tpu.memory_space<hbm>>
      %dma_wait3A_148 = arith.constant 0 : i32
      %dma_wait3A_149 = arith.constant 0 : i32
      %dma_wait3A_150 = tpu.memref_slice %arg7[%dma_wait3A_139, %dma_wait3A_148, %dma_wait3A_149] : memref<2x32x128xf32, #tpu.memory_space<vmem>> -> memref<1x32x128xf32, #tpu.memory_space<vmem>>
      %dma_wait3A_151 = tpu.memref_squeeze %dma_wait3A_150 : memref<1x32x128xf32, #tpu.memory_space<vmem>> -> memref<32x128xf32, #tpu.memory_space<vmem>>
      tpu.wait_dma2 semaphore(%arg9 : memref<!tpu.dma_semaphore, #tpu.memory_space<semaphore_mem>>) src(%dma_wait3A_151 : memref<32x128xf32, #tpu.memory_space<vmem>>) dst(%dma_wait3A_147 : memref<32x128xf32, #tpu.memory_space<hbm>>)
      %scan3A_152 = arith.constant 0 : i32
      %scan3A_153 = arith.constant 0 : i32
      %scan3A_154 = arith.constant 32 : i32
      %scan3A_155 = arith.addi %scan3A_153, %scan3A_154 : i32
      %scan3A_156 = arith.constant 1 : i32
      scf.for %scan3A_245 = %scan3A_153 to %scan3A_155 step %scan3A_156  : i32 {
        %mul3A_246 = arith.constant 4 : i32
        %mul3A_247 = arith.muli %scan3A_245, %mul3A_246 : i32
        %get3A = arith.constant 2 : i32
        %get3A_248 = arith.index_cast %get3A : i32 to index
        %get3A_249 = arith.index_cast %mul3A_247 : i32 to index
        %get3A_250 = arith.constant 0 : index
        %get3A_251 = tpu.vector_load %arg6[%get3A_248, %get3A_249, %get3A_250] {strides = array<i32>} : memref<3x128x128xf32, #tpu.memory_space<vmem>>, vector<16xf32>,
        %add3A_252 = arith.constant 1 : i32
        %add3A_253 = arith.addi %mul3A_247, %add3A_252 : i32
        %get3A_254 = arith.constant 2 : i32
        %get3A_255 = arith.index_cast %get3A_254 : i32 to index
        %get3A_256 = arith.index_cast %add3A_253 : i32 to index
        %get3A_257 = arith.constant 0 : index
        %get3A_258 = tpu.vector_load %arg6[%get3A_255, %get3A_256, %get3A_257] {strides = array<i32>} : memref<3x128x128xf32, #tpu.memory_space<vmem>>, vector<16xf32>,
        %add3A_259 = arith.addf %get3A_251, %get3A_258 : vector<16xf32>
        %add3A_260 = arith.constant 2 : i32
        %add3A_261 = arith.addi %mul3A_247, %add3A_260 : i32
        %get3A_262 = arith.constant 2 : i32
        %get3A_263 = arith.index_cast %get3A_262 : i32 to index
        %get3A_264 = arith.index_cast %add3A_261 : i32 to index
        %get3A_265 = arith.constant 0 : index
        %get3A_266 = tpu.vector_load %arg6[%get3A_263, %get3A_264, %get3A_265] {strides = array<i32>} : memref<3x128x128xf32, #tpu.memory_space<vmem>>, vector<16xf32>,
        %add3A_267 = arith.addf %add3A_259, %get3A_266 : vector<16xf32>
        %add3A_268 = arith.constant 3 : i32
        %add3A_269 = arith.addi %mul3A_247, %add3A_268 : i32
        %get3A_270 = arith.constant 2 : i32
        %get3A_271 = arith.index_cast %get3A_270 : i32 to index
        %get3A_272 = arith.index_cast %add3A_269 : i32 to index
        %get3A_273 = arith.constant 0 : index
        %get3A_274 = tpu.vector_load %arg6[%get3A_271, %get3A_272, %get3A_273] {strides = array<i32>} : memref<3x128x128xf32, #tpu.memory_space<vmem>>, vector<16xf32>,
        %add3A_275 = arith.addf %add3A_267, %get3A_274 : vector<16xf32>
        %swap3A = arith.constant 0 : i32
        %swap3A_276 = arith.index_cast %swap3A : i32 to index
        %swap3A_277 = arith.index_cast %scan3A_245 : i32 to index
        %swap3A_278 = arith.constant 0 : index
        %swap3A_279 = tpu.vector_load %arg7[%swap3A_276, %swap3A_277, %swap3A_278] {strides = array<i32>} : memref<2x32x128xf32, #tpu.memory_space<vmem>>, vector<16xf32>,
        tpu.vector_store %arg7[%swap3A_276, %swap3A_277, %swap3A_278], %add3A_275 {strides = array<i32>} : memref<2x32x128xf32, #tpu.memory_space<vmem>>, vector<16xf32>,
        %get3A_280 = arith.constant 2 : i32
        %get3A_281 = arith.index_cast %get3A_280 : i32 to index
        %get3A_282 = arith.index_cast %mul3A_247 : i32 to index
        %get3A_283 = arith.constant 16 : index
        %get3A_284 = tpu.vector_load %arg6[%get3A_281, %get3A_282, %get3A_283] {strides = array<i32>} : memref<3x128x128xf32, #tpu.memory_space<vmem>>, vector<16xf32>,
        %add3A_285 = arith.constant 1 : i32
        %add3A_286 = arith.addi %mul3A_247, %add3A_285 : i32
        %get3A_287 = arith.constant 2 : i32
        %get3A_288 = arith.index_cast %get3A_287 : i32 to index
        %get3A_289 = arith.index_cast %add3A_286 : i32 to index
        %get3A_290 = arith.constant 16 : index
        %get3A_291 = tpu.vector_load %arg6[%get3A_288, %get3A_289, %get3A_290] {strides = array<i32>} : memref<3x128x128xf32, #tpu.memory_space<vmem>>, vector<16xf32>,
        %add3A_292 = arith.addf %get3A_284, %get3A_291 : vector<16xf32>
        %add3A_293 = arith.constant 2 : i32
        %add3A_294 = arith.addi %mul3A_247, %add3A_293 : i32
        %get3A_295 = arith.constant 2 : i32
        %get3A_296 = arith.index_cast %get3A_295 : i32 to index
        %get3A_297 = arith.index_cast %add3A_294 : i32 to index
        %get3A_298 = arith.constant 16 : index
        %get3A_299 = tpu.vector_load %arg6[%get3A_296, %get3A_297, %get3A_298] {strides = array<i32>} : memref<3x128x128xf32, #tpu.memory_space<vmem>>, vector<16xf32>,
        %add3A_300 = arith.addf %add3A_292, %get3A_299 : vector<16xf32>
        %add3A_301 = arith.constant 3 : i32
        %add3A_302 = arith.addi %mul3A_247, %add3A_301 : i32
        %get3A_303 = arith.constant 2 : i32
        %get3A_304 = arith.index_cast %get3A_303 : i32 to index
        %get3A_305 = arith.index_cast %add3A_302 : i32 to index
        %get3A_306 = arith.constant 16 : index
        %get3A_307 = tpu.vector_load %arg6[%get3A_304, %get3A_305, %get3A_306] {strides = array<i32>} : memref<3x128x128xf32, #tpu.memory_space<vmem>>, vector<16xf32>,
        %add3A_308 = arith.addf %add3A_300, %get3A_307 : vector<16xf32>
        %swap3A_309 = arith.constant 0 : i32
        %swap3A_310 = arith.index_cast %swap3A_309 : i32 to index
        %swap3A_311 = arith.index_cast %scan3A_245 : i32 to index
        %swap3A_312 = arith.constant 16 : index
        %swap3A_313 = tpu.vector_load %arg7[%swap3A_310, %swap3A_311, %swap3A_312] {strides = array<i32>} : memref<2x32x128xf32, #tpu.memory_space<vmem>>, vector<16xf32>,
        tpu.vector_store %arg7[%swap3A_310, %swap3A_311, %swap3A_312], %add3A_308 {strides = array<i32>} : memref<2x32x128xf32, #tpu.memory_space<vmem>>, vector<16xf32>,
        %get3A_314 = arith.constant 2 : i32
        %get3A_315 = arith.index_cast %get3A_314 : i32 to index
        %get3A_316 = arith.index_cast %mul3A_247 : i32 to index
        %get3A_317 = arith.constant 32 : index
        %get3A_318 = tpu.vector_load %arg6[%get3A_315, %get3A_316, %get3A_317] {strides = array<i32>} : memref<3x128x128xf32, #tpu.memory_space<vmem>>, vector<16xf32>,
        %add3A_319 = arith.constant 1 : i32
        %add3A_320 = arith.addi %mul3A_247, %add3A_319 : i32
        %get3A_321 = arith.constant 2 : i32
        %get3A_322 = arith.index_cast %get3A_321 : i32 to index
        %get3A_323 = arith.index_cast %add3A_320 : i32 to index
        %get3A_324 = arith.constant 32 : index
        %get3A_325 = tpu.vector_load %arg6[%get3A_322, %get3A_323, %get3A_324] {strides = array<i32>} : memref<3x128x128xf32, #tpu.memory_space<vmem>>, vector<16xf32>,
        %add3A_326 = arith.addf %get3A_318, %get3A_325 : vector<16xf32>
        %add3A_327 = arith.constant 2 : i32
        %add3A_328 = arith.addi %mul3A_247, %add3A_327 : i32
        %get3A_329 = arith.constant 2 : i32
        %get3A_330 = arith.index_cast %get3A_329 : i32 to index
        %get3A_331 = arith.index_cast %add3A_328 : i32 to index
        %get3A_332 = arith.constant 32 : index
        %get3A_333 = tpu.vector_load %arg6[%get3A_330, %get3A_331, %get3A_332] {strides = array<i32>} : memref<3x128x128xf32, #tpu.memory_space<vmem>>, vector<16xf32>,
        %add3A_334 = arith.addf %add3A_326, %get3A_333 : vector<16xf32>
        %add3A_335 = arith.constant 3 : i32
        %add3A_336 = arith.addi %mul3A_247, %add3A_335 : i32
        %get3A_337 = arith.constant 2 : i32
        %get3A_338 = arith.index_cast %get3A_337 : i32 to index
        %get3A_339 = arith.index_cast %add3A_336 : i32 to index
        %get3A_340 = arith.constant 32 : index
        %get3A_341 = tpu.vector_load %arg6[%get3A_338, %get3A_339, %get3A_340] {strides = array<i32>} : memref<3x128x128xf32, #tpu.memory_space<vmem>>, vector<16xf32>,
        %add3A_342 = arith.addf %add3A_334, %get3A_341 : vector<16xf32>
        %swap3A_343 = arith.constant 0 : i32
        %swap3A_344 = arith.index_cast %swap3A_343 : i32 to index
        %swap3A_345 = arith.index_cast %scan3A_245 : i32 to index
        %swap3A_346 = arith.constant 32 : index
        %swap3A_347 = tpu.vector_load %arg7[%swap3A_344, %swap3A_345, %swap3A_346] {strides = array<i32>} : memref<2x32x128xf32, #tpu.memory_space<vmem>>, vector<16xf32>,
        tpu.vector_store %arg7[%swap3A_344, %swap3A_345, %swap3A_346], %add3A_342 {strides = array<i32>} : memref<2x32x128xf32, #tpu.memory_space<vmem>>, vector<16xf32>,
        %get3A_348 = arith.constant 2 : i32
        %get3A_349 = arith.index_cast %get3A_348 : i32 to index
        %get3A_350 = arith.index_cast %mul3A_247 : i32 to index
        %get3A_351 = arith.constant 48 : index
        %get3A_352 = tpu.vector_load %arg6[%get3A_349, %get3A_350, %get3A_351] {strides = array<i32>} : memref<3x128x128xf32, #tpu.memory_space<vmem>>, vector<16xf32>,
        %add3A_353 = arith.constant 1 : i32
        %add3A_354 = arith.addi %mul3A_247, %add3A_353 : i32
        %get3A_355 = arith.constant 2 : i32
        %get3A_356 = arith.index_cast %get3A_355 : i32 to index
        %get3A_357 = arith.index_cast %add3A_354 : i32 to index
        %get3A_358 = arith.constant 48 : index
        %get3A_359 = tpu.vector_load %arg6[%get3A_356, %get3A_357, %get3A_358] {strides = array<i32>} : memref<3x128x128xf32, #tpu.memory_space<vmem>>, vector<16xf32>,
        %add3A_360 = arith.addf %get3A_352, %get3A_359 : vector<16xf32>
        %add3A_361 = arith.constant 2 : i32
        %add3A_362 = arith.addi %mul3A_247, %add3A_361 : i32
        %get3A_363 = arith.constant 2 : i32
        %get3A_364 = arith.index_cast %get3A_363 : i32 to index
        %get3A_365 = arith.index_cast %add3A_362 : i32 to index
        %get3A_366 = arith.constant 48 : index
        %get3A_367 = tpu.vector_load %arg6[%get3A_364, %get3A_365, %get3A_366] {strides = array<i32>} : memref<3x128x128xf32, #tpu.memory_space<vmem>>, vector<16xf32>,
        %add3A_368 = arith.addf %add3A_360, %get3A_367 : vector<16xf32>
        %add3A_369 = arith.constant 3 : i32
        %add3A_370 = arith.addi %mul3A_247, %add3A_369 : i32
        %get3A_371 = arith.constant 2 : i32
        %get3A_372 = arith.index_cast %get3A_371 : i32 to index
        %get3A_373 = arith.index_cast %add3A_370 : i32 to index
        %get3A_374 = arith.constant 48 : index
        %get3A_375 = tpu.vector_load %arg6[%get3A_372, %get3A_373, %get3A_374] {strides = array<i32>} : memref<3x128x128xf32, #tpu.memory_space<vmem>>, vector<16xf32>,
        %add3A_376 = arith.addf %add3A_368, %get3A_375 : vector<16xf32>
        %swap3A_377 = arith.constant 0 : i32
        %swap3A_378 = arith.index_cast %swap3A_377 : i32 to index
        %swap3A_379 = arith.index_cast %scan3A_245 : i32 to index
        %swap3A_380 = arith.constant 48 : index
        %swap3A_381 = tpu.vector_load %arg7[%swap3A_378, %swap3A_379, %swap3A_380] {strides = array<i32>} : memref<2x32x128xf32, #tpu.memory_space<vmem>>, vector<16xf32>,
        tpu.vector_store %arg7[%swap3A_378, %swap3A_379, %swap3A_380], %add3A_376 {strides = array<i32>} : memref<2x32x128xf32, #tpu.memory_space<vmem>>, vector<16xf32>,
        %add3A_382 = arith.constant 0 : i32
        %add3A_383 = arith.addi %mul3A_247, %add3A_382 : i32
        %get3A_384 = arith.constant 2 : i32
        %get3A_385 = arith.index_cast %get3A_384 : i32 to index
        %get3A_386 = arith.index_cast %add3A_383 : i32 to index
        %get3A_387 = arith.constant 64 : index
        %get3A_388 = tpu.vector_load %arg6[%get3A_385, %get3A_386, %get3A_387] {strides = array<i32>} : memref<3x128x128xf32, #tpu.memory_space<vmem>>, vector<16xf32>,
        %bitcast3A = vector.bitcast %get3A_388 : vector<16xf32> to vector<16xi32>
        %shift_left3A = arith.constant 16 : i32
        %shift_left3A_389 = vector.broadcast %shift_left3A : i32 to vector<16xi32>
        %shift_left3A_390 = arith.shli %bitcast3A, %shift_left3A_389 : vector<16xi32>
        %bitcast3A_391 = vector.bitcast %shift_left3A_390 : vector<16xi32> to vector<16xf32>
        %and3A = arith.constant -65536 : i32
        %and3A_392 = vector.broadcast %and3A : i32 to vector<16xi32>
        %and3A_393 = arith.andi %bitcast3A, %and3A_392 : vector<16xi32>
        %bitcast3A_394 = vector.bitcast %and3A_393 : vector<16xi32> to vector<16xf32>
        %add3A_395 = arith.constant 1 : i32
        %add3A_396 = arith.addi %mul3A_247, %add3A_395 : i32
        %get3A_397 = arith.constant 2 : i32
        %get3A_398 = arith.index_cast %get3A_397 : i32 to index
        %get3A_399 = arith.index_cast %add3A_396 : i32 to index
        %get3A_400 = arith.constant 64 : index
        %get3A_401 = tpu.vector_load %arg6[%get3A_398, %get3A_399, %get3A_400] {strides = array<i32>} : memref<3x128x128xf32, #tpu.memory_space<vmem>>, vector<16xf32>,
        %bitcast3A_402 = vector.bitcast %get3A_401 : vector<16xf32> to vector<16xi32>
        %shift_left3A_403 = arith.constant 16 : i32
        %shift_left3A_404 = vector.broadcast %shift_left3A_403 : i32 to vector<16xi32>
        %shift_left3A_405 = arith.shli %bitcast3A_402, %shift_left3A_404 : vector<16xi32>
        %bitcast3A_406 = vector.bitcast %shift_left3A_405 : vector<16xi32> to vector<16xf32>
        %and3A_407 = arith.constant -65536 : i32
        %and3A_408 = vector.broadcast %and3A_407 : i32 to vector<16xi32>
        %and3A_409 = arith.andi %bitcast3A_402, %and3A_408 : vector<16xi32>
        %bitcast3A_410 = vector.bitcast %and3A_409 : vector<16xi32> to vector<16xf32>
        %add3A_411 = arith.addf %bitcast3A_391, %bitcast3A_406 : vector<16xf32>
        %add3A_412 = arith.addf %bitcast3A_394, %bitcast3A_410 : vector<16xf32>
        %add3A_413 = arith.constant 2 : i32
        %add3A_414 = arith.addi %mul3A_247, %add3A_413 : i32
        %get3A_415 = arith.constant 2 : i32
        %get3A_416 = arith.index_cast %get3A_415 : i32 to index
        %get3A_417 = arith.index_cast %add3A_414 : i32 to index
        %get3A_418 = arith.constant 64 : index
        %get3A_419 = tpu.vector_load %arg6[%get3A_416, %get3A_417, %get3A_418] {strides = array<i32>} : memref<3x128x128xf32, #tpu.memory_space<vmem>>, vector<16xf32>,
        %bitcast3A_420 = vector.bitcast %get3A_419 : vector<16xf32> to vector<16xi32>
        %shift_left3A_421 = arith.constant 16 : i32
        %shift_left3A_422 = vector.broadcast %shift_left3A_421 : i32 to vector<16xi32>
        %shift_left3A_423 = arith.shli %bitcast3A_420, %shift_left3A_422 : vector<16xi32>
        %bitcast3A_424 = vector.bitcast %shift_left3A_423 : vector<16xi32> to vector<16xf32>
        %and3A_425 = arith.constant -65536 : i32
        %and3A_426 = vector.broadcast %and3A_425 : i32 to vector<16xi32>
        %and3A_427 = arith.andi %bitcast3A_420, %and3A_426 : vector<16xi32>
        %bitcast3A_428 = vector.bitcast %and3A_427 : vector<16xi32> to vector<16xf32>
        %add3A_429 = arith.addf %add3A_411, %bitcast3A_424 : vector<16xf32>
        %add3A_430 = arith.addf %add3A_412, %bitcast3A_428 : vector<16xf32>
        %add3A_431 = arith.constant 3 : i32
        %add3A_432 = arith.addi %mul3A_247, %add3A_431 : i32
        %get3A_433 = arith.constant 2 : i32
        %get3A_434 = arith.index_cast %get3A_433 : i32 to index
        %get3A_435 = arith.index_cast %add3A_432 : i32 to index
        %get3A_436 = arith.constant 64 : index
        %get3A_437 = tpu.vector_load %arg6[%get3A_434, %get3A_435, %get3A_436] {strides = array<i32>} : memref<3x128x128xf32, #tpu.memory_space<vmem>>, vector<16xf32>,
        %bitcast3A_438 = vector.bitcast %get3A_437 : vector<16xf32> to vector<16xi32>
        %shift_left3A_439 = arith.constant 16 : i32
        %shift_left3A_440 = vector.broadcast %shift_left3A_439 : i32 to vector<16xi32>
        %shift_left3A_441 = arith.shli %bitcast3A_438, %shift_left3A_440 : vector<16xi32>
        %bitcast3A_442 = vector.bitcast %shift_left3A_441 : vector<16xi32> to vector<16xf32>
        %and3A_443 = arith.constant -65536 : i32
        %and3A_444 = vector.broadcast %and3A_443 : i32 to vector<16xi32>
        %and3A_445 = arith.andi %bitcast3A_438, %and3A_444 : vector<16xi32>
        %bitcast3A_446 = vector.bitcast %and3A_445 : vector<16xi32> to vector<16xf32>
        %add3A_447 = arith.addf %add3A_429, %bitcast3A_442 : vector<16xf32>
        %add3A_448 = arith.addf %add3A_430, %bitcast3A_446 : vector<16xf32>
        %bitcast3A_449 = vector.bitcast %add3A_447 : vector<16xf32> to vector<16xi32>
        %add3A_450 = arith.constant 32768 : i32
        %add3A_451 = vector.broadcast %add3A_450 : i32 to vector<16xi32>
        %add3A_452 = arith.addi %bitcast3A_449, %add3A_451 : vector<16xi32>
        %shift_right_logical3A = arith.constant 16 : i32
        %shift_right_logical3A_453 = vector.broadcast %shift_right_logical3A : i32 to vector<16xi32>
        %shift_right_logical3A_454 = arith.shrui %add3A_452, %shift_right_logical3A_453 : vector<16xi32>
        %bitcast3A_455 = vector.bitcast %add3A_448 : vector<16xf32> to vector<16xi32>
        %add3A_456 = arith.constant 32768 : i32
        %add3A_457 = vector.broadcast %add3A_456 : i32 to vector<16xi32>
        %add3A_458 = arith.addi %bitcast3A_455, %add3A_457 : vector<16xi32>
        %and3A_459 = arith.constant -65536 : i32
        %and3A_460 = vector.broadcast %and3A_459 : i32 to vector<16xi32>
        %and3A_461 = arith.andi %add3A_458, %and3A_460 : vector<16xi32>
        %or3A = arith.ori %shift_right_logical3A_454, %and3A_461 : vector<16xi32>
        %bitcast3A_462 = vector.bitcast %or3A : vector<16xi32> to vector<16xf32>
        %swap3A_463 = arith.constant 0 : i32
        %swap3A_464 = arith.index_cast %swap3A_463 : i32 to index
        %swap3A_465 = arith.index_cast %scan3A_245 : i32 to index
        %swap3A_466 = arith.constant 64 : index
        %swap3A_467 = tpu.vector_load %arg7[%swap3A_464, %swap3A_465, %swap3A_466] {strides = array<i32>} : memref<2x32x128xf32, #tpu.memory_space<vmem>>, vector<16xf32>,
        tpu.vector_store %arg7[%swap3A_464, %swap3A_465, %swap3A_466], %bitcast3A_462 {strides = array<i32>} : memref<2x32x128xf32, #tpu.memory_space<vmem>>, vector<16xf32>,
        %add3A_468 = arith.constant 0 : i32
        %add3A_469 = arith.addi %mul3A_247, %add3A_468 : i32
        %get3A_470 = arith.constant 2 : i32
        %get3A_471 = arith.index_cast %get3A_470 : i32 to index
        %get3A_472 = arith.index_cast %add3A_469 : i32 to index
        %get3A_473 = arith.constant 80 : index
        %get3A_474 = tpu.vector_load %arg6[%get3A_471, %get3A_472, %get3A_473] {strides = array<i32>} : memref<3x128x128xf32, #tpu.memory_space<vmem>>, vector<16xf32>,
        %bitcast3A_475 = vector.bitcast %get3A_474 : vector<16xf32> to vector<16xi32>
        %shift_left3A_476 = arith.constant 16 : i32
        %shift_left3A_477 = vector.broadcast %shift_left3A_476 : i32 to vector<16xi32>
        %shift_left3A_478 = arith.shli %bitcast3A_475, %shift_left3A_477 : vector<16xi32>
        %bitcast3A_479 = vector.bitcast %shift_left3A_478 : vector<16xi32> to vector<16xf32>
        %and3A_480 = arith.constant -65536 : i32
        %and3A_481 = vector.broadcast %and3A_480 : i32 to vector<16xi32>
        %and3A_482 = arith.andi %bitcast3A_475, %and3A_481 : vector<16xi32>
        %bitcast3A_483 = vector.bitcast %and3A_482 : vector<16xi32> to vector<16xf32>
        %add3A_484 = arith.constant 1 : i32
        %add3A_485 = arith.addi %mul3A_247, %add3A_484 : i32
        %get3A_486 = arith.constant 2 : i32
        %get3A_487 = arith.index_cast %get3A_486 : i32 to index
        %get3A_488 = arith.index_cast %add3A_485 : i32 to index
        %get3A_489 = arith.constant 80 : index
        %get3A_490 = tpu.vector_load %arg6[%get3A_487, %get3A_488, %get3A_489] {strides = array<i32>} : memref<3x128x128xf32, #tpu.memory_space<vmem>>, vector<16xf32>,
        %bitcast3A_491 = vector.bitcast %get3A_490 : vector<16xf32> to vector<16xi32>
        %shift_left3A_492 = arith.constant 16 : i32
        %shift_left3A_493 = vector.broadcast %shift_left3A_492 : i32 to vector<16xi32>
        %shift_left3A_494 = arith.shli %bitcast3A_491, %shift_left3A_493 : vector<16xi32>
        %bitcast3A_495 = vector.bitcast %shift_left3A_494 : vector<16xi32> to vector<16xf32>
        %and3A_496 = arith.constant -65536 : i32
        %and3A_497 = vector.broadcast %and3A_496 : i32 to vector<16xi32>
        %and3A_498 = arith.andi %bitcast3A_491, %and3A_497 : vector<16xi32>
        %bitcast3A_499 = vector.bitcast %and3A_498 : vector<16xi32> to vector<16xf32>
        %add3A_500 = arith.addf %bitcast3A_479, %bitcast3A_495 : vector<16xf32>
        %add3A_501 = arith.addf %bitcast3A_483, %bitcast3A_499 : vector<16xf32>
        %add3A_502 = arith.constant 2 : i32
        %add3A_503 = arith.addi %mul3A_247, %add3A_502 : i32
        %get3A_504 = arith.constant 2 : i32
        %get3A_505 = arith.index_cast %get3A_504 : i32 to index
        %get3A_506 = arith.index_cast %add3A_503 : i32 to index
        %get3A_507 = arith.constant 80 : index
        %get3A_508 = tpu.vector_load %arg6[%get3A_505, %get3A_506, %get3A_507] {strides = array<i32>} : memref<3x128x128xf32, #tpu.memory_space<vmem>>, vector<16xf32>,
        %bitcast3A_509 = vector.bitcast %get3A_508 : vector<16xf32> to vector<16xi32>
        %shift_left3A_510 = arith.constant 16 : i32
        %shift_left3A_511 = vector.broadcast %shift_left3A_510 : i32 to vector<16xi32>
        %shift_left3A_512 = arith.shli %bitcast3A_509, %shift_left3A_511 : vector<16xi32>
        %bitcast3A_513 = vector.bitcast %shift_left3A_512 : vector<16xi32> to vector<16xf32>
        %and3A_514 = arith.constant -65536 : i32
        %and3A_515 = vector.broadcast %and3A_514 : i32 to vector<16xi32>
        %and3A_516 = arith.andi %bitcast3A_509, %and3A_515 : vector<16xi32>
        %bitcast3A_517 = vector.bitcast %and3A_516 : vector<16xi32> to vector<16xf32>
        %add3A_518 = arith.addf %add3A_500, %bitcast3A_513 : vector<16xf32>
        %add3A_519 = arith.addf %add3A_501, %bitcast3A_517 : vector<16xf32>
        %add3A_520 = arith.constant 3 : i32
        %add3A_521 = arith.addi %mul3A_247, %add3A_520 : i32
        %get3A_522 = arith.constant 2 : i32
        %get3A_523 = arith.index_cast %get3A_522 : i32 to index
        %get3A_524 = arith.index_cast %add3A_521 : i32 to index
        %get3A_525 = arith.constant 80 : index
        %get3A_526 = tpu.vector_load %arg6[%get3A_523, %get3A_524, %get3A_525] {strides = array<i32>} : memref<3x128x128xf32, #tpu.memory_space<vmem>>, vector<16xf32>,
        %bitcast3A_527 = vector.bitcast %get3A_526 : vector<16xf32> to vector<16xi32>
        %shift_left3A_528 = arith.constant 16 : i32
        %shift_left3A_529 = vector.broadcast %shift_left3A_528 : i32 to vector<16xi32>
        %shift_left3A_530 = arith.shli %bitcast3A_527, %shift_left3A_529 : vector<16xi32>
        %bitcast3A_531 = vector.bitcast %shift_left3A_530 : vector<16xi32> to vector<16xf32>
        %and3A_532 = arith.constant -65536 : i32
        %and3A_533 = vector.broadcast %and3A_532 : i32 to vector<16xi32>
        %and3A_534 = arith.andi %bitcast3A_527, %and3A_533 : vector<16xi32>
        %bitcast3A_535 = vector.bitcast %and3A_534 : vector<16xi32> to vector<16xf32>
        %add3A_536 = arith.addf %add3A_518, %bitcast3A_531 : vector<16xf32>
        %add3A_537 = arith.addf %add3A_519, %bitcast3A_535 : vector<16xf32>
        %bitcast3A_538 = vector.bitcast %add3A_536 : vector<16xf32> to vector<16xi32>
        %add3A_539 = arith.constant 32768 : i32
        %add3A_540 = vector.broadcast %add3A_539 : i32 to vector<16xi32>
        %add3A_541 = arith.addi %bitcast3A_538, %add3A_540 : vector<16xi32>
        %shift_right_logical3A_542 = arith.constant 16 : i32
        %shift_right_logical3A_543 = vector.broadcast %shift_right_logical3A_542 : i32 to vector<16xi32>
        %shift_right_logical3A_544 = arith.shrui %add3A_541, %shift_right_logical3A_543 : vector<16xi32>
        %bitcast3A_545 = vector.bitcast %add3A_537 : vector<16xf32> to vector<16xi32>
        %add3A_546 = arith.constant 32768 : i32
        %add3A_547 = vector.broadcast %add3A_546 : i32 to vector<16xi32>
        %add3A_548 = arith.addi %bitcast3A_545, %add3A_547 : vector<16xi32>
        %and3A_549 = arith.constant -65536 : i32
        %and3A_550 = vector.broadcast %and3A_549 : i32 to vector<16xi32>
        %and3A_551 = arith.andi %add3A_548, %and3A_550 : vector<16xi32>
        %or3A_552 = arith.ori %shift_right_logical3A_544, %and3A_551 : vector<16xi32>
        %bitcast3A_553 = vector.bitcast %or3A_552 : vector<16xi32> to vector<16xf32>
        %swap3A_554 = arith.constant 0 : i32
        %swap3A_555 = arith.index_cast %swap3A_554 : i32 to index
        %swap3A_556 = arith.index_cast %scan3A_245 : i32 to index
        %swap3A_557 = arith.constant 80 : index
        %swap3A_558 = tpu.vector_load %arg7[%swap3A_555, %swap3A_556, %swap3A_557] {strides = array<i32>} : memref<2x32x128xf32, #tpu.memory_space<vmem>>, vector<16xf32>,
        tpu.vector_store %arg7[%swap3A_555, %swap3A_556, %swap3A_557], %bitcast3A_553 {strides = array<i32>} : memref<2x32x128xf32, #tpu.memory_space<vmem>>, vector<16xf32>,
        %add3A_559 = arith.constant 0 : i32
        %add3A_560 = arith.addi %mul3A_247, %add3A_559 : i32
        %get3A_561 = arith.constant 2 : i32
        %get3A_562 = arith.index_cast %get3A_561 : i32 to index
        %get3A_563 = arith.index_cast %add3A_560 : i32 to index
        %get3A_564 = arith.constant 96 : index
        %get3A_565 = tpu.vector_load %arg6[%get3A_562, %get3A_563, %get3A_564] {strides = array<i32>} : memref<3x128x128xf32, #tpu.memory_space<vmem>>, vector<16xf32>,
        %bitcast3A_566 = vector.bitcast %get3A_565 : vector<16xf32> to vector<16xi32>
        %shift_left3A_567 = arith.constant 16 : i32
        %shift_left3A_568 = vector.broadcast %shift_left3A_567 : i32 to vector<16xi32>
        %shift_left3A_569 = arith.shli %bitcast3A_566, %shift_left3A_568 : vector<16xi32>
        %bitcast3A_570 = vector.bitcast %shift_left3A_569 : vector<16xi32> to vector<16xf32>
        %and3A_571 = arith.constant -65536 : i32
        %and3A_572 = vector.broadcast %and3A_571 : i32 to vector<16xi32>
        %and3A_573 = arith.andi %bitcast3A_566, %and3A_572 : vector<16xi32>
        %bitcast3A_574 = vector.bitcast %and3A_573 : vector<16xi32> to vector<16xf32>
        %add3A_575 = arith.constant 1 : i32
        %add3A_576 = arith.addi %mul3A_247, %add3A_575 : i32
        %get3A_577 = arith.constant 2 : i32
        %get3A_578 = arith.index_cast %get3A_577 : i32 to index
        %get3A_579 = arith.index_cast %add3A_576 : i32 to index
        %get3A_580 = arith.constant 96 : index
        %get3A_581 = tpu.vector_load %arg6[%get3A_578, %get3A_579, %get3A_580] {strides = array<i32>} : memref<3x128x128xf32, #tpu.memory_space<vmem>>, vector<16xf32>,
        %bitcast3A_582 = vector.bitcast %get3A_581 : vector<16xf32> to vector<16xi32>
        %shift_left3A_583 = arith.constant 16 : i32
        %shift_left3A_584 = vector.broadcast %shift_left3A_583 : i32 to vector<16xi32>
        %shift_left3A_585 = arith.shli %bitcast3A_582, %shift_left3A_584 : vector<16xi32>
        %bitcast3A_586 = vector.bitcast %shift_left3A_585 : vector<16xi32> to vector<16xf32>
        %and3A_587 = arith.constant -65536 : i32
        %and3A_588 = vector.broadcast %and3A_587 : i32 to vector<16xi32>
        %and3A_589 = arith.andi %bitcast3A_582, %and3A_588 : vector<16xi32>
        %bitcast3A_590 = vector.bitcast %and3A_589 : vector<16xi32> to vector<16xf32>
        %add3A_591 = arith.addf %bitcast3A_570, %bitcast3A_586 : vector<16xf32>
        %add3A_592 = arith.addf %bitcast3A_574, %bitcast3A_590 : vector<16xf32>
        %add3A_593 = arith.constant 2 : i32
        %add3A_594 = arith.addi %mul3A_247, %add3A_593 : i32
        %get3A_595 = arith.constant 2 : i32
        %get3A_596 = arith.index_cast %get3A_595 : i32 to index
        %get3A_597 = arith.index_cast %add3A_594 : i32 to index
        %get3A_598 = arith.constant 96 : index
        %get3A_599 = tpu.vector_load %arg6[%get3A_596, %get3A_597, %get3A_598] {strides = array<i32>} : memref<3x128x128xf32, #tpu.memory_space<vmem>>, vector<16xf32>,
        %bitcast3A_600 = vector.bitcast %get3A_599 : vector<16xf32> to vector<16xi32>
        %shift_left3A_601 = arith.constant 16 : i32
        %shift_left3A_602 = vector.broadcast %shift_left3A_601 : i32 to vector<16xi32>
        %shift_left3A_603 = arith.shli %bitcast3A_600, %shift_left3A_602 : vector<16xi32>
        %bitcast3A_604 = vector.bitcast %shift_left3A_603 : vector<16xi32> to vector<16xf32>
        %and3A_605 = arith.constant -65536 : i32
        %and3A_606 = vector.broadcast %and3A_605 : i32 to vector<16xi32>
        %and3A_607 = arith.andi %bitcast3A_600, %and3A_606 : vector<16xi32>
        %bitcast3A_608 = vector.bitcast %and3A_607 : vector<16xi32> to vector<16xf32>
        %add3A_609 = arith.addf %add3A_591, %bitcast3A_604 : vector<16xf32>
        %add3A_610 = arith.addf %add3A_592, %bitcast3A_608 : vector<16xf32>
        %add3A_611 = arith.constant 3 : i32
        %add3A_612 = arith.addi %mul3A_247, %add3A_611 : i32
        %get3A_613 = arith.constant 2 : i32
        %get3A_614 = arith.index_cast %get3A_613 : i32 to index
        %get3A_615 = arith.index_cast %add3A_612 : i32 to index
        %get3A_616 = arith.constant 96 : index
        %get3A_617 = tpu.vector_load %arg6[%get3A_614, %get3A_615, %get3A_616] {strides = array<i32>} : memref<3x128x128xf32, #tpu.memory_space<vmem>>, vector<16xf32>,
        %bitcast3A_618 = vector.bitcast %get3A_617 : vector<16xf32> to vector<16xi32>
        %shift_left3A_619 = arith.constant 16 : i32
        %shift_left3A_620 = vector.broadcast %shift_left3A_619 : i32 to vector<16xi32>
        %shift_left3A_621 = arith.shli %bitcast3A_618, %shift_left3A_620 : vector<16xi32>
        %bitcast3A_622 = vector.bitcast %shift_left3A_621 : vector<16xi32> to vector<16xf32>
        %and3A_623 = arith.constant -65536 : i32
        %and3A_624 = vector.broadcast %and3A_623 : i32 to vector<16xi32>
        %and3A_625 = arith.andi %bitcast3A_618, %and3A_624 : vector<16xi32>
        %bitcast3A_626 = vector.bitcast %and3A_625 : vector<16xi32> to vector<16xf32>
        %add3A_627 = arith.addf %add3A_609, %bitcast3A_622 : vector<16xf32>
        %add3A_628 = arith.addf %add3A_610, %bitcast3A_626 : vector<16xf32>
        %bitcast3A_629 = vector.bitcast %add3A_627 : vector<16xf32> to vector<16xi32>
        %add3A_630 = arith.constant 32768 : i32
        %add3A_631 = vector.broadcast %add3A_630 : i32 to vector<16xi32>
        %add3A_632 = arith.addi %bitcast3A_629, %add3A_631 : vector<16xi32>
        %shift_right_logical3A_633 = arith.constant 16 : i32
        %shift_right_logical3A_634 = vector.broadcast %shift_right_logical3A_633 : i32 to vector<16xi32>
        %shift_right_logical3A_635 = arith.shrui %add3A_632, %shift_right_logical3A_634 : vector<16xi32>
        %bitcast3A_636 = vector.bitcast %add3A_628 : vector<16xf32> to vector<16xi32>
        %add3A_637 = arith.constant 32768 : i32
        %add3A_638 = vector.broadcast %add3A_637 : i32 to vector<16xi32>
        %add3A_639 = arith.addi %bitcast3A_636, %add3A_638 : vector<16xi32>
        %and3A_640 = arith.constant -65536 : i32
        %and3A_641 = vector.broadcast %and3A_640 : i32 to vector<16xi32>
        %and3A_642 = arith.andi %add3A_639, %and3A_641 : vector<16xi32>
        %or3A_643 = arith.ori %shift_right_logical3A_635, %and3A_642 : vector<16xi32>
        %bitcast3A_644 = vector.bitcast %or3A_643 : vector<16xi32> to vector<16xf32>
        %swap3A_645 = arith.constant 0 : i32
        %swap3A_646 = arith.index_cast %swap3A_645 : i32 to index
        %swap3A_647 = arith.index_cast %scan3A_245 : i32 to index
        %swap3A_648 = arith.constant 96 : index
        %swap3A_649 = tpu.vector_load %arg7[%swap3A_646, %swap3A_647, %swap3A_648] {strides = array<i32>} : memref<2x32x128xf32, #tpu.memory_space<vmem>>, vector<16xf32>,
        tpu.vector_store %arg7[%swap3A_646, %swap3A_647, %swap3A_648], %bitcast3A_644 {strides = array<i32>} : memref<2x32x128xf32, #tpu.memory_space<vmem>>, vector<16xf32>,
        %add3A_650 = arith.constant 0 : i32
        %add3A_651 = arith.addi %mul3A_247, %add3A_650 : i32
        %get3A_652 = arith.constant 2 : i32
        %get3A_653 = arith.index_cast %get3A_652 : i32 to index
        %get3A_654 = arith.index_cast %add3A_651 : i32 to index
        %get3A_655 = arith.constant 112 : index
        %get3A_656 = tpu.vector_load %arg6[%get3A_653, %get3A_654, %get3A_655] {strides = array<i32>} : memref<3x128x128xf32, #tpu.memory_space<vmem>>, vector<16xf32>,
        %bitcast3A_657 = vector.bitcast %get3A_656 : vector<16xf32> to vector<16xi32>
        %shift_left3A_658 = arith.constant 16 : i32
        %shift_left3A_659 = vector.broadcast %shift_left3A_658 : i32 to vector<16xi32>
        %shift_left3A_660 = arith.shli %bitcast3A_657, %shift_left3A_659 : vector<16xi32>
        %bitcast3A_661 = vector.bitcast %shift_left3A_660 : vector<16xi32> to vector<16xf32>
        %and3A_662 = arith.constant -65536 : i32
        %and3A_663 = vector.broadcast %and3A_662 : i32 to vector<16xi32>
        %and3A_664 = arith.andi %bitcast3A_657, %and3A_663 : vector<16xi32>
        %bitcast3A_665 = vector.bitcast %and3A_664 : vector<16xi32> to vector<16xf32>
        %add3A_666 = arith.constant 1 : i32
        %add3A_667 = arith.addi %mul3A_247, %add3A_666 : i32
        %get3A_668 = arith.constant 2 : i32
        %get3A_669 = arith.index_cast %get3A_668 : i32 to index
        %get3A_670 = arith.index_cast %add3A_667 : i32 to index
        %get3A_671 = arith.constant 112 : index
        %get3A_672 = tpu.vector_load %arg6[%get3A_669, %get3A_670, %get3A_671] {strides = array<i32>} : memref<3x128x128xf32, #tpu.memory_space<vmem>>, vector<16xf32>,
        %bitcast3A_673 = vector.bitcast %get3A_672 : vector<16xf32> to vector<16xi32>
        %shift_left3A_674 = arith.constant 16 : i32
        %shift_left3A_675 = vector.broadcast %shift_left3A_674 : i32 to vector<16xi32>
        %shift_left3A_676 = arith.shli %bitcast3A_673, %shift_left3A_675 : vector<16xi32>
        %bitcast3A_677 = vector.bitcast %shift_left3A_676 : vector<16xi32> to vector<16xf32>
        %and3A_678 = arith.constant -65536 : i32
        %and3A_679 = vector.broadcast %and3A_678 : i32 to vector<16xi32>
        %and3A_680 = arith.andi %bitcast3A_673, %and3A_679 : vector<16xi32>
        %bitcast3A_681 = vector.bitcast %and3A_680 : vector<16xi32> to vector<16xf32>
        %add3A_682 = arith.addf %bitcast3A_661, %bitcast3A_677 : vector<16xf32>
        %add3A_683 = arith.addf %bitcast3A_665, %bitcast3A_681 : vector<16xf32>
        %add3A_684 = arith.constant 2 : i32
        %add3A_685 = arith.addi %mul3A_247, %add3A_684 : i32
        %get3A_686 = arith.constant 2 : i32
        %get3A_687 = arith.index_cast %get3A_686 : i32 to index
        %get3A_688 = arith.index_cast %add3A_685 : i32 to index
        %get3A_689 = arith.constant 112 : index
        %get3A_690 = tpu.vector_load %arg6[%get3A_687, %get3A_688, %get3A_689] {strides = array<i32>} : memref<3x128x128xf32, #tpu.memory_space<vmem>>, vector<16xf32>,
        %bitcast3A_691 = vector.bitcast %get3A_690 : vector<16xf32> to vector<16xi32>
        %shift_left3A_692 = arith.constant 16 : i32
        %shift_left3A_693 = vector.broadcast %shift_left3A_692 : i32 to vector<16xi32>
        %shift_left3A_694 = arith.shli %bitcast3A_691, %shift_left3A_693 : vector<16xi32>
        %bitcast3A_695 = vector.bitcast %shift_left3A_694 : vector<16xi32> to vector<16xf32>
        %and3A_696 = arith.constant -65536 : i32
        %and3A_697 = vector.broadcast %and3A_696 : i32 to vector<16xi32>
        %and3A_698 = arith.andi %bitcast3A_691, %and3A_697 : vector<16xi32>
        %bitcast3A_699 = vector.bitcast %and3A_698 : vector<16xi32> to vector<16xf32>
        %add3A_700 = arith.addf %add3A_682, %bitcast3A_695 : vector<16xf32>
        %add3A_701 = arith.addf %add3A_683, %bitcast3A_699 : vector<16xf32>
        %add3A_702 = arith.constant 3 : i32
        %add3A_703 = arith.addi %mul3A_247, %add3A_702 : i32
        %get3A_704 = arith.constant 2 : i32
        %get3A_705 = arith.index_cast %get3A_704 : i32 to index
        %get3A_706 = arith.index_cast %add3A_703 : i32 to index
        %get3A_707 = arith.constant 112 : index
        %get3A_708 = tpu.vector_load %arg6[%get3A_705, %get3A_706, %get3A_707] {strides = array<i32>} : memref<3x128x128xf32, #tpu.memory_space<vmem>>, vector<16xf32>,
        %bitcast3A_709 = vector.bitcast %get3A_708 : vector<16xf32> to vector<16xi32>
        %shift_left3A_710 = arith.constant 16 : i32
        %shift_left3A_711 = vector.broadcast %shift_left3A_710 : i32 to vector<16xi32>
        %shift_left3A_712 = arith.shli %bitcast3A_709, %shift_left3A_711 : vector<16xi32>
        %bitcast3A_713 = vector.bitcast %shift_left3A_712 : vector<16xi32> to vector<16xf32>
        %and3A_714 = arith.constant -65536 : i32
        %and3A_715 = vector.broadcast %and3A_714 : i32 to vector<16xi32>
        %and3A_716 = arith.andi %bitcast3A_709, %and3A_715 : vector<16xi32>
        %bitcast3A_717 = vector.bitcast %and3A_716 : vector<16xi32> to vector<16xf32>
        %add3A_718 = arith.addf %add3A_700, %bitcast3A_713 : vector<16xf32>
        %add3A_719 = arith.addf %add3A_701, %bitcast3A_717 : vector<16xf32>
        %bitcast3A_720 = vector.bitcast %add3A_718 : vector<16xf32> to vector<16xi32>
        %add3A_721 = arith.constant 32768 : i32
        %add3A_722 = vector.broadcast %add3A_721 : i32 to vector<16xi32>
        %add3A_723 = arith.addi %bitcast3A_720, %add3A_722 : vector<16xi32>
        %shift_right_logical3A_724 = arith.constant 16 : i32
        %shift_right_logical3A_725 = vector.broadcast %shift_right_logical3A_724 : i32 to vector<16xi32>
        %shift_right_logical3A_726 = arith.shrui %add3A_723, %shift_right_logical3A_725 : vector<16xi32>
        %bitcast3A_727 = vector.bitcast %add3A_719 : vector<16xf32> to vector<16xi32>
        %add3A_728 = arith.constant 32768 : i32
        %add3A_729 = vector.broadcast %add3A_728 : i32 to vector<16xi32>
        %add3A_730 = arith.addi %bitcast3A_727, %add3A_729 : vector<16xi32>
        %and3A_731 = arith.constant -65536 : i32
        %and3A_732 = vector.broadcast %and3A_731 : i32 to vector<16xi32>
        %and3A_733 = arith.andi %add3A_730, %and3A_732 : vector<16xi32>
        %or3A_734 = arith.ori %shift_right_logical3A_726, %and3A_733 : vector<16xi32>
        %bitcast3A_735 = vector.bitcast %or3A_734 : vector<16xi32> to vector<16xf32>
        %swap3A_736 = arith.constant 0 : i32
        %swap3A_737 = arith.index_cast %swap3A_736 : i32 to index
        %swap3A_738 = arith.index_cast %scan3A_245 : i32 to index
        %swap3A_739 = arith.constant 112 : index
        %swap3A_740 = tpu.vector_load %arg7[%swap3A_737, %swap3A_738, %swap3A_739] {strides = array<i32>} : memref<2x32x128xf32, #tpu.memory_space<vmem>>, vector<16xf32>,
        tpu.vector_store %arg7[%swap3A_737, %swap3A_738, %swap3A_739], %bitcast3A_735 {strides = array<i32>} : memref<2x32x128xf32, #tpu.memory_space<vmem>>, vector<16xf32>,
      }
      %scan3A_157 = arith.constant 32 : i32
      %add3A_158 = arith.constant 64 : i32
      %add3A_159 = arith.addi %add3A_14, %add3A_158 : i32
      %dma_start3A_160 = arith.constant 0 : i32
      %dma_start3A_161 = arith.constant 0 : i32
      %dma_start3A_162 = arith.constant 0 : i32
      %dma_start3A_163 = tpu.memref_slice %arg7[%dma_start3A_160, %dma_start3A_161, %dma_start3A_162] : memref<2x32x128xf32, #tpu.memory_space<vmem>> -> memref<1x32x128xf32, #tpu.memory_space<vmem>>
      %dma_start3A_164 = tpu.memref_squeeze %dma_start3A_163 : memref<1x32x128xf32, #tpu.memory_space<vmem>> -> memref<32x128xf32, #tpu.memory_space<vmem>>
      %dma_start3A_165 = arith.constant 0 : i32
      %dma_start3A_166 = tpu.memref_slice %arg4[%add3A_159, %dma_start3A_165] : memref<102400x128xf32, #tpu.memory_space<hbm>> -> memref<32x128xf32, #tpu.memory_space<hbm>>
      %dma_start3A_167 = arith.constant 0 : i32
      %dma_start3A_168 = tpu.memref_slice %arg4[%add3A_159, %dma_start3A_167] : memref<102400x128xf32, #tpu.memory_space<hbm>> -> memref<32x128xf32, #tpu.memory_space<hbm>>
      %dma_start3A_169 = arith.constant 0 : i32
      %dma_start3A_170 = arith.constant 0 : i32
      %dma_start3A_171 = tpu.memref_slice %arg7[%dma_start3A_160, %dma_start3A_169, %dma_start3A_170] : memref<2x32x128xf32, #tpu.memory_space<vmem>> -> memref<1x32x128xf32, #tpu.memory_space<vmem>>
      %dma_start3A_172 = tpu.memref_squeeze %dma_start3A_171 : memref<1x32x128xf32, #tpu.memory_space<vmem>> -> memref<32x128xf32, #tpu.memory_space<vmem>>
      tpu.enqueue_dma source(%dma_start3A_172 : memref<32x128xf32, #tpu.memory_space<vmem>>) target(%dma_start3A_168 : memref<32x128xf32, #tpu.memory_space<hbm>>) target_semaphore(%arg9 : memref<!tpu.dma_semaphore, #tpu.memory_space<semaphore_mem>>)
      %dma_wait3A_173 = arith.constant 3 : i32
      %dma_wait3A_174 = arith.constant 0 : i32
      %dma_wait3A_175 = arith.constant 0 : i32
      %dma_wait3A_176 = arith.constant 0 : i32
      %dma_wait3A_177 = tpu.memref_slice %arg6[%dma_wait3A_174, %dma_wait3A_175, %dma_wait3A_176] : memref<3x128x128xf32, #tpu.memory_space<vmem>> -> memref<1x128x128xf32, #tpu.memory_space<vmem>>
      %dma_wait3A_178 = tpu.memref_squeeze %dma_wait3A_177 : memref<1x128x128xf32, #tpu.memory_space<vmem>> -> memref<128x128xf32, #tpu.memory_space<vmem>>
      %dma_wait3A_179 = arith.constant 0 : i32
      %dma_wait3A_180 = tpu.memref_slice %arg5[%dma_wait3A_173, %dma_wait3A_179] : memref<4x128xi32, #tpu.memory_space<vmem>> -> memref<1x128xi32, #tpu.memory_space<vmem>>
      %dma_wait3A_181 = tpu.memref_squeeze %dma_wait3A_180 : memref<1x128xi32, #tpu.memory_space<vmem>> -> memref<128xi32, #tpu.memory_space<vmem>>
      %dma_wait3A_182 = arith.constant 0 : i32
      %dma_wait3A_183 = arith.constant 0 : i32
      %dma_wait3A_184 = tpu.memref_slice %arg3[%dma_wait3A_182, %dma_wait3A_183] : memref<100000x128xf32, #tpu.memory_space<hbm>> -> memref<100000x128xf32, #tpu.memory_space<hbm>>
      tpu.wait_indirect_dma semaphore(%arg8 : memref<!tpu.dma_semaphore, #tpu.memory_space<semaphore_mem>>) src(%dma_wait3A_184 : memref<100000x128xf32, #tpu.memory_space<hbm>>) dst(%dma_wait3A_178 : memref<128x128xf32, #tpu.memory_space<vmem>>)
      %dma_wait3A_185 = arith.constant 1 : i32
      %dma_wait3A_186 = arith.constant 0 : i32
      %dma_wait3A_187 = arith.constant 0 : i32
      %dma_wait3A_188 = tpu.memref_slice %arg7[%dma_wait3A_185, %dma_wait3A_186, %dma_wait3A_187] : memref<2x32x128xf32, #tpu.memory_space<vmem>> -> memref<1x32x128xf32, #tpu.memory_space<vmem>>
      %dma_wait3A_189 = tpu.memref_squeeze %dma_wait3A_188 : memref<1x32x128xf32, #tpu.memory_space<vmem>> -> memref<32x128xf32, #tpu.memory_space<vmem>>
      %dma_wait3A_190 = arith.constant 0 : i32
      %dma_wait3A_191 = tpu.memref_slice %arg4[%add3A_113, %dma_wait3A_190] : memref<102400x128xf32, #tpu.memory_space<hbm>> -> memref<32x128xf32, #tpu.memory_space<hbm>>
      %dma_wait3A_192 = arith.constant 0 : i32
      %dma_wait3A_193 = tpu.memref_slice %arg4[%add3A_113, %dma_wait3A_192] : memref<102400x128xf32, #tpu.memory_space<hbm>> -> memref<32x128xf32, #tpu.memory_space<hbm>>
      %dma_wait3A_194 = arith.constant 0 : i32
      %dma_wait3A_195 = arith.constant 0 : i32
      %dma_wait3A_196 = tpu.memref_slice %arg7[%dma_wait3A_185, %dma_wait3A_194, %dma_wait3A_195] : memref<2x32x128xf32, #tpu.memory_space<vmem>> -> memref<1x32x128xf32, #tpu.memory_space<vmem>>
      %dma_wait3A_197 = tpu.memref_squeeze %dma_wait3A_196 : memref<1x32x128xf32, #tpu.memory_space<vmem>> -> memref<32x128xf32, #tpu.memory_space<vmem>>
      tpu.wait_dma2 semaphore(%arg9 : memref<!tpu.dma_semaphore, #tpu.memory_space<semaphore_mem>>) src(%dma_wait3A_197 : memref<32x128xf32, #tpu.memory_space<vmem>>) dst(%dma_wait3A_193 : memref<32x128xf32, #tpu.memory_space<hbm>>)
      %scan3A_198 = arith.constant 0 : i32
      %scan3A_199 = arith.constant 0 : i32
      %scan3A_200 = arith.constant 32 : i32
      %scan3A_201 = arith.addi %scan3A_199, %scan3A_200 : i32
      %scan3A_202 = arith.constant 1 : i32
      scf.for %scan3A_245 = %scan3A_199 to %scan3A_201 step %scan3A_202  : i32 {
        %mul3A_246 = arith.constant 4 : i32
        %mul3A_247 = arith.muli %scan3A_245, %mul3A_246 : i32
        %get3A = arith.constant 0 : i32
        %get3A_248 = arith.index_cast %get3A : i32 to index
        %get3A_249 = arith.index_cast %mul3A_247 : i32 to index
        %get3A_250 = arith.constant 0 : index
        %get3A_251 = tpu.vector_load %arg6[%get3A_248, %get3A_249, %get3A_250] {strides = array<i32>} : memref<3x128x128xf32, #tpu.memory_space<vmem>>, vector<16xf32>,
        %add3A_252 = arith.constant 1 : i32
        %add3A_253 = arith.addi %mul3A_247, %add3A_252 : i32
        %get3A_254 = arith.constant 0 : i32
        %get3A_255 = arith.index_cast %get3A_254 : i32 to index
        %get3A_256 = arith.index_cast %add3A_253 : i32 to index
        %get3A_257 = arith.constant 0 : index
        %get3A_258 = tpu.vector_load %arg6[%get3A_255, %get3A_256, %get3A_257] {strides = array<i32>} : memref<3x128x128xf32, #tpu.memory_space<vmem>>, vector<16xf32>,
        %add3A_259 = arith.addf %get3A_251, %get3A_258 : vector<16xf32>
        %add3A_260 = arith.constant 2 : i32
        %add3A_261 = arith.addi %mul3A_247, %add3A_260 : i32
        %get3A_262 = arith.constant 0 : i32
        %get3A_263 = arith.index_cast %get3A_262 : i32 to index
        %get3A_264 = arith.index_cast %add3A_261 : i32 to index
        %get3A_265 = arith.constant 0 : index
        %get3A_266 = tpu.vector_load %arg6[%get3A_263, %get3A_264, %get3A_265] {strides = array<i32>} : memref<3x128x128xf32, #tpu.memory_space<vmem>>, vector<16xf32>,
        %add3A_267 = arith.addf %add3A_259, %get3A_266 : vector<16xf32>
        %add3A_268 = arith.constant 3 : i32
        %add3A_269 = arith.addi %mul3A_247, %add3A_268 : i32
        %get3A_270 = arith.constant 0 : i32
        %get3A_271 = arith.index_cast %get3A_270 : i32 to index
        %get3A_272 = arith.index_cast %add3A_269 : i32 to index
        %get3A_273 = arith.constant 0 : index
        %get3A_274 = tpu.vector_load %arg6[%get3A_271, %get3A_272, %get3A_273] {strides = array<i32>} : memref<3x128x128xf32, #tpu.memory_space<vmem>>, vector<16xf32>,
        %add3A_275 = arith.addf %add3A_267, %get3A_274 : vector<16xf32>
        %swap3A = arith.constant 1 : i32
        %swap3A_276 = arith.index_cast %swap3A : i32 to index
        %swap3A_277 = arith.index_cast %scan3A_245 : i32 to index
        %swap3A_278 = arith.constant 0 : index
        %swap3A_279 = tpu.vector_load %arg7[%swap3A_276, %swap3A_277, %swap3A_278] {strides = array<i32>} : memref<2x32x128xf32, #tpu.memory_space<vmem>>, vector<16xf32>,
        tpu.vector_store %arg7[%swap3A_276, %swap3A_277, %swap3A_278], %add3A_275 {strides = array<i32>} : memref<2x32x128xf32, #tpu.memory_space<vmem>>, vector<16xf32>,
        %get3A_280 = arith.constant 0 : i32
        %get3A_281 = arith.index_cast %get3A_280 : i32 to index
        %get3A_282 = arith.index_cast %mul3A_247 : i32 to index
        %get3A_283 = arith.constant 16 : index
        %get3A_284 = tpu.vector_load %arg6[%get3A_281, %get3A_282, %get3A_283] {strides = array<i32>} : memref<3x128x128xf32, #tpu.memory_space<vmem>>, vector<16xf32>,
        %add3A_285 = arith.constant 1 : i32
        %add3A_286 = arith.addi %mul3A_247, %add3A_285 : i32
        %get3A_287 = arith.constant 0 : i32
        %get3A_288 = arith.index_cast %get3A_287 : i32 to index
        %get3A_289 = arith.index_cast %add3A_286 : i32 to index
        %get3A_290 = arith.constant 16 : index
        %get3A_291 = tpu.vector_load %arg6[%get3A_288, %get3A_289, %get3A_290] {strides = array<i32>} : memref<3x128x128xf32, #tpu.memory_space<vmem>>, vector<16xf32>,
        %add3A_292 = arith.addf %get3A_284, %get3A_291 : vector<16xf32>
        %add3A_293 = arith.constant 2 : i32
        %add3A_294 = arith.addi %mul3A_247, %add3A_293 : i32
        %get3A_295 = arith.constant 0 : i32
        %get3A_296 = arith.index_cast %get3A_295 : i32 to index
        %get3A_297 = arith.index_cast %add3A_294 : i32 to index
        %get3A_298 = arith.constant 16 : index
        %get3A_299 = tpu.vector_load %arg6[%get3A_296, %get3A_297, %get3A_298] {strides = array<i32>} : memref<3x128x128xf32, #tpu.memory_space<vmem>>, vector<16xf32>,
        %add3A_300 = arith.addf %add3A_292, %get3A_299 : vector<16xf32>
        %add3A_301 = arith.constant 3 : i32
        %add3A_302 = arith.addi %mul3A_247, %add3A_301 : i32
        %get3A_303 = arith.constant 0 : i32
        %get3A_304 = arith.index_cast %get3A_303 : i32 to index
        %get3A_305 = arith.index_cast %add3A_302 : i32 to index
        %get3A_306 = arith.constant 16 : index
        %get3A_307 = tpu.vector_load %arg6[%get3A_304, %get3A_305, %get3A_306] {strides = array<i32>} : memref<3x128x128xf32, #tpu.memory_space<vmem>>, vector<16xf32>,
        %add3A_308 = arith.addf %add3A_300, %get3A_307 : vector<16xf32>
        %swap3A_309 = arith.constant 1 : i32
        %swap3A_310 = arith.index_cast %swap3A_309 : i32 to index
        %swap3A_311 = arith.index_cast %scan3A_245 : i32 to index
        %swap3A_312 = arith.constant 16 : index
        %swap3A_313 = tpu.vector_load %arg7[%swap3A_310, %swap3A_311, %swap3A_312] {strides = array<i32>} : memref<2x32x128xf32, #tpu.memory_space<vmem>>, vector<16xf32>,
        tpu.vector_store %arg7[%swap3A_310, %swap3A_311, %swap3A_312], %add3A_308 {strides = array<i32>} : memref<2x32x128xf32, #tpu.memory_space<vmem>>, vector<16xf32>,
        %get3A_314 = arith.constant 0 : i32
        %get3A_315 = arith.index_cast %get3A_314 : i32 to index
        %get3A_316 = arith.index_cast %mul3A_247 : i32 to index
        %get3A_317 = arith.constant 32 : index
        %get3A_318 = tpu.vector_load %arg6[%get3A_315, %get3A_316, %get3A_317] {strides = array<i32>} : memref<3x128x128xf32, #tpu.memory_space<vmem>>, vector<16xf32>,
        %add3A_319 = arith.constant 1 : i32
        %add3A_320 = arith.addi %mul3A_247, %add3A_319 : i32
        %get3A_321 = arith.constant 0 : i32
        %get3A_322 = arith.index_cast %get3A_321 : i32 to index
        %get3A_323 = arith.index_cast %add3A_320 : i32 to index
        %get3A_324 = arith.constant 32 : index
        %get3A_325 = tpu.vector_load %arg6[%get3A_322, %get3A_323, %get3A_324] {strides = array<i32>} : memref<3x128x128xf32, #tpu.memory_space<vmem>>, vector<16xf32>,
        %add3A_326 = arith.addf %get3A_318, %get3A_325 : vector<16xf32>
        %add3A_327 = arith.constant 2 : i32
        %add3A_328 = arith.addi %mul3A_247, %add3A_327 : i32
        %get3A_329 = arith.constant 0 : i32
        %get3A_330 = arith.index_cast %get3A_329 : i32 to index
        %get3A_331 = arith.index_cast %add3A_328 : i32 to index
        %get3A_332 = arith.constant 32 : index
        %get3A_333 = tpu.vector_load %arg6[%get3A_330, %get3A_331, %get3A_332] {strides = array<i32>} : memref<3x128x128xf32, #tpu.memory_space<vmem>>, vector<16xf32>,
        %add3A_334 = arith.addf %add3A_326, %get3A_333 : vector<16xf32>
        %add3A_335 = arith.constant 3 : i32
        %add3A_336 = arith.addi %mul3A_247, %add3A_335 : i32
        %get3A_337 = arith.constant 0 : i32
        %get3A_338 = arith.index_cast %get3A_337 : i32 to index
        %get3A_339 = arith.index_cast %add3A_336 : i32 to index
        %get3A_340 = arith.constant 32 : index
        %get3A_341 = tpu.vector_load %arg6[%get3A_338, %get3A_339, %get3A_340] {strides = array<i32>} : memref<3x128x128xf32, #tpu.memory_space<vmem>>, vector<16xf32>,
        %add3A_342 = arith.addf %add3A_334, %get3A_341 : vector<16xf32>
        %swap3A_343 = arith.constant 1 : i32
        %swap3A_344 = arith.index_cast %swap3A_343 : i32 to index
        %swap3A_345 = arith.index_cast %scan3A_245 : i32 to index
        %swap3A_346 = arith.constant 32 : index
        %swap3A_347 = tpu.vector_load %arg7[%swap3A_344, %swap3A_345, %swap3A_346] {strides = array<i32>} : memref<2x32x128xf32, #tpu.memory_space<vmem>>, vector<16xf32>,
        tpu.vector_store %arg7[%swap3A_344, %swap3A_345, %swap3A_346], %add3A_342 {strides = array<i32>} : memref<2x32x128xf32, #tpu.memory_space<vmem>>, vector<16xf32>,
        %get3A_348 = arith.constant 0 : i32
        %get3A_349 = arith.index_cast %get3A_348 : i32 to index
        %get3A_350 = arith.index_cast %mul3A_247 : i32 to index
        %get3A_351 = arith.constant 48 : index
        %get3A_352 = tpu.vector_load %arg6[%get3A_349, %get3A_350, %get3A_351] {strides = array<i32>} : memref<3x128x128xf32, #tpu.memory_space<vmem>>, vector<16xf32>,
        %add3A_353 = arith.constant 1 : i32
        %add3A_354 = arith.addi %mul3A_247, %add3A_353 : i32
        %get3A_355 = arith.constant 0 : i32
        %get3A_356 = arith.index_cast %get3A_355 : i32 to index
        %get3A_357 = arith.index_cast %add3A_354 : i32 to index
        %get3A_358 = arith.constant 48 : index
        %get3A_359 = tpu.vector_load %arg6[%get3A_356, %get3A_357, %get3A_358] {strides = array<i32>} : memref<3x128x128xf32, #tpu.memory_space<vmem>>, vector<16xf32>,
        %add3A_360 = arith.addf %get3A_352, %get3A_359 : vector<16xf32>
        %add3A_361 = arith.constant 2 : i32
        %add3A_362 = arith.addi %mul3A_247, %add3A_361 : i32
        %get3A_363 = arith.constant 0 : i32
        %get3A_364 = arith.index_cast %get3A_363 : i32 to index
        %get3A_365 = arith.index_cast %add3A_362 : i32 to index
        %get3A_366 = arith.constant 48 : index
        %get3A_367 = tpu.vector_load %arg6[%get3A_364, %get3A_365, %get3A_366] {strides = array<i32>} : memref<3x128x128xf32, #tpu.memory_space<vmem>>, vector<16xf32>,
        %add3A_368 = arith.addf %add3A_360, %get3A_367 : vector<16xf32>
        %add3A_369 = arith.constant 3 : i32
        %add3A_370 = arith.addi %mul3A_247, %add3A_369 : i32
        %get3A_371 = arith.constant 0 : i32
        %get3A_372 = arith.index_cast %get3A_371 : i32 to index
        %get3A_373 = arith.index_cast %add3A_370 : i32 to index
        %get3A_374 = arith.constant 48 : index
        %get3A_375 = tpu.vector_load %arg6[%get3A_372, %get3A_373, %get3A_374] {strides = array<i32>} : memref<3x128x128xf32, #tpu.memory_space<vmem>>, vector<16xf32>,
        %add3A_376 = arith.addf %add3A_368, %get3A_375 : vector<16xf32>
        %swap3A_377 = arith.constant 1 : i32
        %swap3A_378 = arith.index_cast %swap3A_377 : i32 to index
        %swap3A_379 = arith.index_cast %scan3A_245 : i32 to index
        %swap3A_380 = arith.constant 48 : index
        %swap3A_381 = tpu.vector_load %arg7[%swap3A_378, %swap3A_379, %swap3A_380] {strides = array<i32>} : memref<2x32x128xf32, #tpu.memory_space<vmem>>, vector<16xf32>,
        tpu.vector_store %arg7[%swap3A_378, %swap3A_379, %swap3A_380], %add3A_376 {strides = array<i32>} : memref<2x32x128xf32, #tpu.memory_space<vmem>>, vector<16xf32>,
        %add3A_382 = arith.constant 0 : i32
        %add3A_383 = arith.addi %mul3A_247, %add3A_382 : i32
        %get3A_384 = arith.constant 0 : i32
        %get3A_385 = arith.index_cast %get3A_384 : i32 to index
        %get3A_386 = arith.index_cast %add3A_383 : i32 to index
        %get3A_387 = arith.constant 64 : index
        %get3A_388 = tpu.vector_load %arg6[%get3A_385, %get3A_386, %get3A_387] {strides = array<i32>} : memref<3x128x128xf32, #tpu.memory_space<vmem>>, vector<16xf32>,
        %bitcast3A = vector.bitcast %get3A_388 : vector<16xf32> to vector<16xi32>
        %shift_left3A = arith.constant 16 : i32
        %shift_left3A_389 = vector.broadcast %shift_left3A : i32 to vector<16xi32>
        %shift_left3A_390 = arith.shli %bitcast3A, %shift_left3A_389 : vector<16xi32>
        %bitcast3A_391 = vector.bitcast %shift_left3A_390 : vector<16xi32> to vector<16xf32>
        %and3A = arith.constant -65536 : i32
        %and3A_392 = vector.broadcast %and3A : i32 to vector<16xi32>
        %and3A_393 = arith.andi %bitcast3A, %and3A_392 : vector<16xi32>
        %bitcast3A_394 = vector.bitcast %and3A_393 : vector<16xi32> to vector<16xf32>
        %add3A_395 = arith.constant 1 : i32
        %add3A_396 = arith.addi %mul3A_247, %add3A_395 : i32
        %get3A_397 = arith.constant 0 : i32
        %get3A_398 = arith.index_cast %get3A_397 : i32 to index
        %get3A_399 = arith.index_cast %add3A_396 : i32 to index
        %get3A_400 = arith.constant 64 : index
        %get3A_401 = tpu.vector_load %arg6[%get3A_398, %get3A_399, %get3A_400] {strides = array<i32>} : memref<3x128x128xf32, #tpu.memory_space<vmem>>, vector<16xf32>,
        %bitcast3A_402 = vector.bitcast %get3A_401 : vector<16xf32> to vector<16xi32>
        %shift_left3A_403 = arith.constant 16 : i32
        %shift_left3A_404 = vector.broadcast %shift_left3A_403 : i32 to vector<16xi32>
        %shift_left3A_405 = arith.shli %bitcast3A_402, %shift_left3A_404 : vector<16xi32>
        %bitcast3A_406 = vector.bitcast %shift_left3A_405 : vector<16xi32> to vector<16xf32>
        %and3A_407 = arith.constant -65536 : i32
        %and3A_408 = vector.broadcast %and3A_407 : i32 to vector<16xi32>
        %and3A_409 = arith.andi %bitcast3A_402, %and3A_408 : vector<16xi32>
        %bitcast3A_410 = vector.bitcast %and3A_409 : vector<16xi32> to vector<16xf32>
        %add3A_411 = arith.addf %bitcast3A_391, %bitcast3A_406 : vector<16xf32>
        %add3A_412 = arith.addf %bitcast3A_394, %bitcast3A_410 : vector<16xf32>
        %add3A_413 = arith.constant 2 : i32
        %add3A_414 = arith.addi %mul3A_247, %add3A_413 : i32
        %get3A_415 = arith.constant 0 : i32
        %get3A_416 = arith.index_cast %get3A_415 : i32 to index
        %get3A_417 = arith.index_cast %add3A_414 : i32 to index
        %get3A_418 = arith.constant 64 : index
        %get3A_419 = tpu.vector_load %arg6[%get3A_416, %get3A_417, %get3A_418] {strides = array<i32>} : memref<3x128x128xf32, #tpu.memory_space<vmem>>, vector<16xf32>,
        %bitcast3A_420 = vector.bitcast %get3A_419 : vector<16xf32> to vector<16xi32>
        %shift_left3A_421 = arith.constant 16 : i32
        %shift_left3A_422 = vector.broadcast %shift_left3A_421 : i32 to vector<16xi32>
        %shift_left3A_423 = arith.shli %bitcast3A_420, %shift_left3A_422 : vector<16xi32>
        %bitcast3A_424 = vector.bitcast %shift_left3A_423 : vector<16xi32> to vector<16xf32>
        %and3A_425 = arith.constant -65536 : i32
        %and3A_426 = vector.broadcast %and3A_425 : i32 to vector<16xi32>
        %and3A_427 = arith.andi %bitcast3A_420, %and3A_426 : vector<16xi32>
        %bitcast3A_428 = vector.bitcast %and3A_427 : vector<16xi32> to vector<16xf32>
        %add3A_429 = arith.addf %add3A_411, %bitcast3A_424 : vector<16xf32>
        %add3A_430 = arith.addf %add3A_412, %bitcast3A_428 : vector<16xf32>
        %add3A_431 = arith.constant 3 : i32
        %add3A_432 = arith.addi %mul3A_247, %add3A_431 : i32
        %get3A_433 = arith.constant 0 : i32
        %get3A_434 = arith.index_cast %get3A_433 : i32 to index
        %get3A_435 = arith.index_cast %add3A_432 : i32 to index
        %get3A_436 = arith.constant 64 : index
        %get3A_437 = tpu.vector_load %arg6[%get3A_434, %get3A_435, %get3A_436] {strides = array<i32>} : memref<3x128x128xf32, #tpu.memory_space<vmem>>, vector<16xf32>,
        %bitcast3A_438 = vector.bitcast %get3A_437 : vector<16xf32> to vector<16xi32>
        %shift_left3A_439 = arith.constant 16 : i32
        %shift_left3A_440 = vector.broadcast %shift_left3A_439 : i32 to vector<16xi32>
        %shift_left3A_441 = arith.shli %bitcast3A_438, %shift_left3A_440 : vector<16xi32>
        %bitcast3A_442 = vector.bitcast %shift_left3A_441 : vector<16xi32> to vector<16xf32>
        %and3A_443 = arith.constant -65536 : i32
        %and3A_444 = vector.broadcast %and3A_443 : i32 to vector<16xi32>
        %and3A_445 = arith.andi %bitcast3A_438, %and3A_444 : vector<16xi32>
        %bitcast3A_446 = vector.bitcast %and3A_445 : vector<16xi32> to vector<16xf32>
        %add3A_447 = arith.addf %add3A_429, %bitcast3A_442 : vector<16xf32>
        %add3A_448 = arith.addf %add3A_430, %bitcast3A_446 : vector<16xf32>
        %bitcast3A_449 = vector.bitcast %add3A_447 : vector<16xf32> to vector<16xi32>
        %add3A_450 = arith.constant 32768 : i32
        %add3A_451 = vector.broadcast %add3A_450 : i32 to vector<16xi32>
        %add3A_452 = arith.addi %bitcast3A_449, %add3A_451 : vector<16xi32>
        %shift_right_logical3A = arith.constant 16 : i32
        %shift_right_logical3A_453 = vector.broadcast %shift_right_logical3A : i32 to vector<16xi32>
        %shift_right_logical3A_454 = arith.shrui %add3A_452, %shift_right_logical3A_453 : vector<16xi32>
        %bitcast3A_455 = vector.bitcast %add3A_448 : vector<16xf32> to vector<16xi32>
        %add3A_456 = arith.constant 32768 : i32
        %add3A_457 = vector.broadcast %add3A_456 : i32 to vector<16xi32>
        %add3A_458 = arith.addi %bitcast3A_455, %add3A_457 : vector<16xi32>
        %and3A_459 = arith.constant -65536 : i32
        %and3A_460 = vector.broadcast %and3A_459 : i32 to vector<16xi32>
        %and3A_461 = arith.andi %add3A_458, %and3A_460 : vector<16xi32>
        %or3A = arith.ori %shift_right_logical3A_454, %and3A_461 : vector<16xi32>
        %bitcast3A_462 = vector.bitcast %or3A : vector<16xi32> to vector<16xf32>
        %swap3A_463 = arith.constant 1 : i32
        %swap3A_464 = arith.index_cast %swap3A_463 : i32 to index
        %swap3A_465 = arith.index_cast %scan3A_245 : i32 to index
        %swap3A_466 = arith.constant 64 : index
        %swap3A_467 = tpu.vector_load %arg7[%swap3A_464, %swap3A_465, %swap3A_466] {strides = array<i32>} : memref<2x32x128xf32, #tpu.memory_space<vmem>>, vector<16xf32>,
        tpu.vector_store %arg7[%swap3A_464, %swap3A_465, %swap3A_466], %bitcast3A_462 {strides = array<i32>} : memref<2x32x128xf32, #tpu.memory_space<vmem>>, vector<16xf32>,
        %add3A_468 = arith.constant 0 : i32
        %add3A_469 = arith.addi %mul3A_247, %add3A_468 : i32
        %get3A_470 = arith.constant 0 : i32
        %get3A_471 = arith.index_cast %get3A_470 : i32 to index
        %get3A_472 = arith.index_cast %add3A_469 : i32 to index
        %get3A_473 = arith.constant 80 : index
        %get3A_474 = tpu.vector_load %arg6[%get3A_471, %get3A_472, %get3A_473] {strides = array<i32>} : memref<3x128x128xf32, #tpu.memory_space<vmem>>, vector<16xf32>,
        %bitcast3A_475 = vector.bitcast %get3A_474 : vector<16xf32> to vector<16xi32>
        %shift_left3A_476 = arith.constant 16 : i32
        %shift_left3A_477 = vector.broadcast %shift_left3A_476 : i32 to vector<16xi32>
        %shift_left3A_478 = arith.shli %bitcast3A_475, %shift_left3A_477 : vector<16xi32>
        %bitcast3A_479 = vector.bitcast %shift_left3A_478 : vector<16xi32> to vector<16xf32>
        %and3A_480 = arith.constant -65536 : i32
        %and3A_481 = vector.broadcast %and3A_480 : i32 to vector<16xi32>
        %and3A_482 = arith.andi %bitcast3A_475, %and3A_481 : vector<16xi32>
        %bitcast3A_483 = vector.bitcast %and3A_482 : vector<16xi32> to vector<16xf32>
        %add3A_484 = arith.constant 1 : i32
        %add3A_485 = arith.addi %mul3A_247, %add3A_484 : i32
        %get3A_486 = arith.constant 0 : i32
        %get3A_487 = arith.index_cast %get3A_486 : i32 to index
        %get3A_488 = arith.index_cast %add3A_485 : i32 to index
        %get3A_489 = arith.constant 80 : index
        %get3A_490 = tpu.vector_load %arg6[%get3A_487, %get3A_488, %get3A_489] {strides = array<i32>} : memref<3x128x128xf32, #tpu.memory_space<vmem>>, vector<16xf32>,
        %bitcast3A_491 = vector.bitcast %get3A_490 : vector<16xf32> to vector<16xi32>
        %shift_left3A_492 = arith.constant 16 : i32
        %shift_left3A_493 = vector.broadcast %shift_left3A_492 : i32 to vector<16xi32>
        %shift_left3A_494 = arith.shli %bitcast3A_491, %shift_left3A_493 : vector<16xi32>
        %bitcast3A_495 = vector.bitcast %shift_left3A_494 : vector<16xi32> to vector<16xf32>
        %and3A_496 = arith.constant -65536 : i32
        %and3A_497 = vector.broadcast %and3A_496 : i32 to vector<16xi32>
        %and3A_498 = arith.andi %bitcast3A_491, %and3A_497 : vector<16xi32>
        %bitcast3A_499 = vector.bitcast %and3A_498 : vector<16xi32> to vector<16xf32>
        %add3A_500 = arith.addf %bitcast3A_479, %bitcast3A_495 : vector<16xf32>
        %add3A_501 = arith.addf %bitcast3A_483, %bitcast3A_499 : vector<16xf32>
        %add3A_502 = arith.constant 2 : i32
        %add3A_503 = arith.addi %mul3A_247, %add3A_502 : i32
        %get3A_504 = arith.constant 0 : i32
        %get3A_505 = arith.index_cast %get3A_504 : i32 to index
        %get3A_506 = arith.index_cast %add3A_503 : i32 to index
        %get3A_507 = arith.constant 80 : index
        %get3A_508 = tpu.vector_load %arg6[%get3A_505, %get3A_506, %get3A_507] {strides = array<i32>} : memref<3x128x128xf32, #tpu.memory_space<vmem>>, vector<16xf32>,
        %bitcast3A_509 = vector.bitcast %get3A_508 : vector<16xf32> to vector<16xi32>
        %shift_left3A_510 = arith.constant 16 : i32
        %shift_left3A_511 = vector.broadcast %shift_left3A_510 : i32 to vector<16xi32>
        %shift_left3A_512 = arith.shli %bitcast3A_509, %shift_left3A_511 : vector<16xi32>
        %bitcast3A_513 = vector.bitcast %shift_left3A_512 : vector<16xi32> to vector<16xf32>
        %and3A_514 = arith.constant -65536 : i32
        %and3A_515 = vector.broadcast %and3A_514 : i32 to vector<16xi32>
        %and3A_516 = arith.andi %bitcast3A_509, %and3A_515 : vector<16xi32>
        %bitcast3A_517 = vector.bitcast %and3A_516 : vector<16xi32> to vector<16xf32>
        %add3A_518 = arith.addf %add3A_500, %bitcast3A_513 : vector<16xf32>
        %add3A_519 = arith.addf %add3A_501, %bitcast3A_517 : vector<16xf32>
        %add3A_520 = arith.constant 3 : i32
        %add3A_521 = arith.addi %mul3A_247, %add3A_520 : i32
        %get3A_522 = arith.constant 0 : i32
        %get3A_523 = arith.index_cast %get3A_522 : i32 to index
        %get3A_524 = arith.index_cast %add3A_521 : i32 to index
        %get3A_525 = arith.constant 80 : index
        %get3A_526 = tpu.vector_load %arg6[%get3A_523, %get3A_524, %get3A_525] {strides = array<i32>} : memref<3x128x128xf32, #tpu.memory_space<vmem>>, vector<16xf32>,
        %bitcast3A_527 = vector.bitcast %get3A_526 : vector<16xf32> to vector<16xi32>
        %shift_left3A_528 = arith.constant 16 : i32
        %shift_left3A_529 = vector.broadcast %shift_left3A_528 : i32 to vector<16xi32>
        %shift_left3A_530 = arith.shli %bitcast3A_527, %shift_left3A_529 : vector<16xi32>
        %bitcast3A_531 = vector.bitcast %shift_left3A_530 : vector<16xi32> to vector<16xf32>
        %and3A_532 = arith.constant -65536 : i32
        %and3A_533 = vector.broadcast %and3A_532 : i32 to vector<16xi32>
        %and3A_534 = arith.andi %bitcast3A_527, %and3A_533 : vector<16xi32>
        %bitcast3A_535 = vector.bitcast %and3A_534 : vector<16xi32> to vector<16xf32>
        %add3A_536 = arith.addf %add3A_518, %bitcast3A_531 : vector<16xf32>
        %add3A_537 = arith.addf %add3A_519, %bitcast3A_535 : vector<16xf32>
        %bitcast3A_538 = vector.bitcast %add3A_536 : vector<16xf32> to vector<16xi32>
        %add3A_539 = arith.constant 32768 : i32
        %add3A_540 = vector.broadcast %add3A_539 : i32 to vector<16xi32>
        %add3A_541 = arith.addi %bitcast3A_538, %add3A_540 : vector<16xi32>
        %shift_right_logical3A_542 = arith.constant 16 : i32
        %shift_right_logical3A_543 = vector.broadcast %shift_right_logical3A_542 : i32 to vector<16xi32>
        %shift_right_logical3A_544 = arith.shrui %add3A_541, %shift_right_logical3A_543 : vector<16xi32>
        %bitcast3A_545 = vector.bitcast %add3A_537 : vector<16xf32> to vector<16xi32>
        %add3A_546 = arith.constant 32768 : i32
        %add3A_547 = vector.broadcast %add3A_546 : i32 to vector<16xi32>
        %add3A_548 = arith.addi %bitcast3A_545, %add3A_547 : vector<16xi32>
        %and3A_549 = arith.constant -65536 : i32
        %and3A_550 = vector.broadcast %and3A_549 : i32 to vector<16xi32>
        %and3A_551 = arith.andi %add3A_548, %and3A_550 : vector<16xi32>
        %or3A_552 = arith.ori %shift_right_logical3A_544, %and3A_551 : vector<16xi32>
        %bitcast3A_553 = vector.bitcast %or3A_552 : vector<16xi32> to vector<16xf32>
        %swap3A_554 = arith.constant 1 : i32
        %swap3A_555 = arith.index_cast %swap3A_554 : i32 to index
        %swap3A_556 = arith.index_cast %scan3A_245 : i32 to index
        %swap3A_557 = arith.constant 80 : index
        %swap3A_558 = tpu.vector_load %arg7[%swap3A_555, %swap3A_556, %swap3A_557] {strides = array<i32>} : memref<2x32x128xf32, #tpu.memory_space<vmem>>, vector<16xf32>,
        tpu.vector_store %arg7[%swap3A_555, %swap3A_556, %swap3A_557], %bitcast3A_553 {strides = array<i32>} : memref<2x32x128xf32, #tpu.memory_space<vmem>>, vector<16xf32>,
        %add3A_559 = arith.constant 0 : i32
        %add3A_560 = arith.addi %mul3A_247, %add3A_559 : i32
        %get3A_561 = arith.constant 0 : i32
        %get3A_562 = arith.index_cast %get3A_561 : i32 to index
        %get3A_563 = arith.index_cast %add3A_560 : i32 to index
        %get3A_564 = arith.constant 96 : index
        %get3A_565 = tpu.vector_load %arg6[%get3A_562, %get3A_563, %get3A_564] {strides = array<i32>} : memref<3x128x128xf32, #tpu.memory_space<vmem>>, vector<16xf32>,
        %bitcast3A_566 = vector.bitcast %get3A_565 : vector<16xf32> to vector<16xi32>
        %shift_left3A_567 = arith.constant 16 : i32
        %shift_left3A_568 = vector.broadcast %shift_left3A_567 : i32 to vector<16xi32>
        %shift_left3A_569 = arith.shli %bitcast3A_566, %shift_left3A_568 : vector<16xi32>
        %bitcast3A_570 = vector.bitcast %shift_left3A_569 : vector<16xi32> to vector<16xf32>
        %and3A_571 = arith.constant -65536 : i32
        %and3A_572 = vector.broadcast %and3A_571 : i32 to vector<16xi32>
        %and3A_573 = arith.andi %bitcast3A_566, %and3A_572 : vector<16xi32>
        %bitcast3A_574 = vector.bitcast %and3A_573 : vector<16xi32> to vector<16xf32>
        %add3A_575 = arith.constant 1 : i32
        %add3A_576 = arith.addi %mul3A_247, %add3A_575 : i32
        %get3A_577 = arith.constant 0 : i32
        %get3A_578 = arith.index_cast %get3A_577 : i32 to index
        %get3A_579 = arith.index_cast %add3A_576 : i32 to index
        %get3A_580 = arith.constant 96 : index
        %get3A_581 = tpu.vector_load %arg6[%get3A_578, %get3A_579, %get3A_580] {strides = array<i32>} : memref<3x128x128xf32, #tpu.memory_space<vmem>>, vector<16xf32>,
        %bitcast3A_582 = vector.bitcast %get3A_581 : vector<16xf32> to vector<16xi32>
        %shift_left3A_583 = arith.constant 16 : i32
        %shift_left3A_584 = vector.broadcast %shift_left3A_583 : i32 to vector<16xi32>
        %shift_left3A_585 = arith.shli %bitcast3A_582, %shift_left3A_584 : vector<16xi32>
        %bitcast3A_586 = vector.bitcast %shift_left3A_585 : vector<16xi32> to vector<16xf32>
        %and3A_587 = arith.constant -65536 : i32
        %and3A_588 = vector.broadcast %and3A_587 : i32 to vector<16xi32>
        %and3A_589 = arith.andi %bitcast3A_582, %and3A_588 : vector<16xi32>
        %bitcast3A_590 = vector.bitcast %and3A_589 : vector<16xi32> to vector<16xf32>
        %add3A_591 = arith.addf %bitcast3A_570, %bitcast3A_586 : vector<16xf32>
        %add3A_592 = arith.addf %bitcast3A_574, %bitcast3A_590 : vector<16xf32>
        %add3A_593 = arith.constant 2 : i32
        %add3A_594 = arith.addi %mul3A_247, %add3A_593 : i32
        %get3A_595 = arith.constant 0 : i32
        %get3A_596 = arith.index_cast %get3A_595 : i32 to index
        %get3A_597 = arith.index_cast %add3A_594 : i32 to index
        %get3A_598 = arith.constant 96 : index
        %get3A_599 = tpu.vector_load %arg6[%get3A_596, %get3A_597, %get3A_598] {strides = array<i32>} : memref<3x128x128xf32, #tpu.memory_space<vmem>>, vector<16xf32>,
        %bitcast3A_600 = vector.bitcast %get3A_599 : vector<16xf32> to vector<16xi32>
        %shift_left3A_601 = arith.constant 16 : i32
        %shift_left3A_602 = vector.broadcast %shift_left3A_601 : i32 to vector<16xi32>
        %shift_left3A_603 = arith.shli %bitcast3A_600, %shift_left3A_602 : vector<16xi32>
        %bitcast3A_604 = vector.bitcast %shift_left3A_603 : vector<16xi32> to vector<16xf32>
        %and3A_605 = arith.constant -65536 : i32
        %and3A_606 = vector.broadcast %and3A_605 : i32 to vector<16xi32>
        %and3A_607 = arith.andi %bitcast3A_600, %and3A_606 : vector<16xi32>
        %bitcast3A_608 = vector.bitcast %and3A_607 : vector<16xi32> to vector<16xf32>
        %add3A_609 = arith.addf %add3A_591, %bitcast3A_604 : vector<16xf32>
        %add3A_610 = arith.addf %add3A_592, %bitcast3A_608 : vector<16xf32>
        %add3A_611 = arith.constant 3 : i32
        %add3A_612 = arith.addi %mul3A_247, %add3A_611 : i32
        %get3A_613 = arith.constant 0 : i32
        %get3A_614 = arith.index_cast %get3A_613 : i32 to index
        %get3A_615 = arith.index_cast %add3A_612 : i32 to index
        %get3A_616 = arith.constant 96 : index
        %get3A_617 = tpu.vector_load %arg6[%get3A_614, %get3A_615, %get3A_616] {strides = array<i32>} : memref<3x128x128xf32, #tpu.memory_space<vmem>>, vector<16xf32>,
        %bitcast3A_618 = vector.bitcast %get3A_617 : vector<16xf32> to vector<16xi32>
        %shift_left3A_619 = arith.constant 16 : i32
        %shift_left3A_620 = vector.broadcast %shift_left3A_619 : i32 to vector<16xi32>
        %shift_left3A_621 = arith.shli %bitcast3A_618, %shift_left3A_620 : vector<16xi32>
        %bitcast3A_622 = vector.bitcast %shift_left3A_621 : vector<16xi32> to vector<16xf32>
        %and3A_623 = arith.constant -65536 : i32
        %and3A_624 = vector.broadcast %and3A_623 : i32 to vector<16xi32>
        %and3A_625 = arith.andi %bitcast3A_618, %and3A_624 : vector<16xi32>
        %bitcast3A_626 = vector.bitcast %and3A_625 : vector<16xi32> to vector<16xf32>
        %add3A_627 = arith.addf %add3A_609, %bitcast3A_622 : vector<16xf32>
        %add3A_628 = arith.addf %add3A_610, %bitcast3A_626 : vector<16xf32>
        %bitcast3A_629 = vector.bitcast %add3A_627 : vector<16xf32> to vector<16xi32>
        %add3A_630 = arith.constant 32768 : i32
        %add3A_631 = vector.broadcast %add3A_630 : i32 to vector<16xi32>
        %add3A_632 = arith.addi %bitcast3A_629, %add3A_631 : vector<16xi32>
        %shift_right_logical3A_633 = arith.constant 16 : i32
        %shift_right_logical3A_634 = vector.broadcast %shift_right_logical3A_633 : i32 to vector<16xi32>
        %shift_right_logical3A_635 = arith.shrui %add3A_632, %shift_right_logical3A_634 : vector<16xi32>
        %bitcast3A_636 = vector.bitcast %add3A_628 : vector<16xf32> to vector<16xi32>
        %add3A_637 = arith.constant 32768 : i32
        %add3A_638 = vector.broadcast %add3A_637 : i32 to vector<16xi32>
        %add3A_639 = arith.addi %bitcast3A_636, %add3A_638 : vector<16xi32>
        %and3A_640 = arith.constant -65536 : i32
        %and3A_641 = vector.broadcast %and3A_640 : i32 to vector<16xi32>
        %and3A_642 = arith.andi %add3A_639, %and3A_641 : vector<16xi32>
        %or3A_643 = arith.ori %shift_right_logical3A_635, %and3A_642 : vector<16xi32>
        %bitcast3A_644 = vector.bitcast %or3A_643 : vector<16xi32> to vector<16xf32>
        %swap3A_645 = arith.constant 1 : i32
        %swap3A_646 = arith.index_cast %swap3A_645 : i32 to index
        %swap3A_647 = arith.index_cast %scan3A_245 : i32 to index
        %swap3A_648 = arith.constant 96 : index
        %swap3A_649 = tpu.vector_load %arg7[%swap3A_646, %swap3A_647, %swap3A_648] {strides = array<i32>} : memref<2x32x128xf32, #tpu.memory_space<vmem>>, vector<16xf32>,
        tpu.vector_store %arg7[%swap3A_646, %swap3A_647, %swap3A_648], %bitcast3A_644 {strides = array<i32>} : memref<2x32x128xf32, #tpu.memory_space<vmem>>, vector<16xf32>,
        %add3A_650 = arith.constant 0 : i32
        %add3A_651 = arith.addi %mul3A_247, %add3A_650 : i32
        %get3A_652 = arith.constant 0 : i32
        %get3A_653 = arith.index_cast %get3A_652 : i32 to index
        %get3A_654 = arith.index_cast %add3A_651 : i32 to index
        %get3A_655 = arith.constant 112 : index
        %get3A_656 = tpu.vector_load %arg6[%get3A_653, %get3A_654, %get3A_655] {strides = array<i32>} : memref<3x128x128xf32, #tpu.memory_space<vmem>>, vector<16xf32>,
        %bitcast3A_657 = vector.bitcast %get3A_656 : vector<16xf32> to vector<16xi32>
        %shift_left3A_658 = arith.constant 16 : i32
        %shift_left3A_659 = vector.broadcast %shift_left3A_658 : i32 to vector<16xi32>
        %shift_left3A_660 = arith.shli %bitcast3A_657, %shift_left3A_659 : vector<16xi32>
        %bitcast3A_661 = vector.bitcast %shift_left3A_660 : vector<16xi32> to vector<16xf32>
        %and3A_662 = arith.constant -65536 : i32
        %and3A_663 = vector.broadcast %and3A_662 : i32 to vector<16xi32>
        %and3A_664 = arith.andi %bitcast3A_657, %and3A_663 : vector<16xi32>
        %bitcast3A_665 = vector.bitcast %and3A_664 : vector<16xi32> to vector<16xf32>
        %add3A_666 = arith.constant 1 : i32
        %add3A_667 = arith.addi %mul3A_247, %add3A_666 : i32
        %get3A_668 = arith.constant 0 : i32
        %get3A_669 = arith.index_cast %get3A_668 : i32 to index
        %get3A_670 = arith.index_cast %add3A_667 : i32 to index
        %get3A_671 = arith.constant 112 : index
        %get3A_672 = tpu.vector_load %arg6[%get3A_669, %get3A_670, %get3A_671] {strides = array<i32>} : memref<3x128x128xf32, #tpu.memory_space<vmem>>, vector<16xf32>,
        %bitcast3A_673 = vector.bitcast %get3A_672 : vector<16xf32> to vector<16xi32>
        %shift_left3A_674 = arith.constant 16 : i32
        %shift_left3A_675 = vector.broadcast %shift_left3A_674 : i32 to vector<16xi32>
        %shift_left3A_676 = arith.shli %bitcast3A_673, %shift_left3A_675 : vector<16xi32>
        %bitcast3A_677 = vector.bitcast %shift_left3A_676 : vector<16xi32> to vector<16xf32>
        %and3A_678 = arith.constant -65536 : i32
        %and3A_679 = vector.broadcast %and3A_678 : i32 to vector<16xi32>
        %and3A_680 = arith.andi %bitcast3A_673, %and3A_679 : vector<16xi32>
        %bitcast3A_681 = vector.bitcast %and3A_680 : vector<16xi32> to vector<16xf32>
        %add3A_682 = arith.addf %bitcast3A_661, %bitcast3A_677 : vector<16xf32>
        %add3A_683 = arith.addf %bitcast3A_665, %bitcast3A_681 : vector<16xf32>
        %add3A_684 = arith.constant 2 : i32
        %add3A_685 = arith.addi %mul3A_247, %add3A_684 : i32
        %get3A_686 = arith.constant 0 : i32
        %get3A_687 = arith.index_cast %get3A_686 : i32 to index
        %get3A_688 = arith.index_cast %add3A_685 : i32 to index
        %get3A_689 = arith.constant 112 : index
        %get3A_690 = tpu.vector_load %arg6[%get3A_687, %get3A_688, %get3A_689] {strides = array<i32>} : memref<3x128x128xf32, #tpu.memory_space<vmem>>, vector<16xf32>,
        %bitcast3A_691 = vector.bitcast %get3A_690 : vector<16xf32> to vector<16xi32>
        %shift_left3A_692 = arith.constant 16 : i32
        %shift_left3A_693 = vector.broadcast %shift_left3A_692 : i32 to vector<16xi32>
        %shift_left3A_694 = arith.shli %bitcast3A_691, %shift_left3A_693 : vector<16xi32>
        %bitcast3A_695 = vector.bitcast %shift_left3A_694 : vector<16xi32> to vector<16xf32>
        %and3A_696 = arith.constant -65536 : i32
        %and3A_697 = vector.broadcast %and3A_696 : i32 to vector<16xi32>
        %and3A_698 = arith.andi %bitcast3A_691, %and3A_697 : vector<16xi32>
        %bitcast3A_699 = vector.bitcast %and3A_698 : vector<16xi32> to vector<16xf32>
        %add3A_700 = arith.addf %add3A_682, %bitcast3A_695 : vector<16xf32>
        %add3A_701 = arith.addf %add3A_683, %bitcast3A_699 : vector<16xf32>
        %add3A_702 = arith.constant 3 : i32
        %add3A_703 = arith.addi %mul3A_247, %add3A_702 : i32
        %get3A_704 = arith.constant 0 : i32
        %get3A_705 = arith.index_cast %get3A_704 : i32 to index
        %get3A_706 = arith.index_cast %add3A_703 : i32 to index
        %get3A_707 = arith.constant 112 : index
        %get3A_708 = tpu.vector_load %arg6[%get3A_705, %get3A_706, %get3A_707] {strides = array<i32>} : memref<3x128x128xf32, #tpu.memory_space<vmem>>, vector<16xf32>,
        %bitcast3A_709 = vector.bitcast %get3A_708 : vector<16xf32> to vector<16xi32>
        %shift_left3A_710 = arith.constant 16 : i32
        %shift_left3A_711 = vector.broadcast %shift_left3A_710 : i32 to vector<16xi32>
        %shift_left3A_712 = arith.shli %bitcast3A_709, %shift_left3A_711 : vector<16xi32>
        %bitcast3A_713 = vector.bitcast %shift_left3A_712 : vector<16xi32> to vector<16xf32>
        %and3A_714 = arith.constant -65536 : i32
        %and3A_715 = vector.broadcast %and3A_714 : i32 to vector<16xi32>
        %and3A_716 = arith.andi %bitcast3A_709, %and3A_715 : vector<16xi32>
        %bitcast3A_717 = vector.bitcast %and3A_716 : vector<16xi32> to vector<16xf32>
        %add3A_718 = arith.addf %add3A_700, %bitcast3A_713 : vector<16xf32>
        %add3A_719 = arith.addf %add3A_701, %bitcast3A_717 : vector<16xf32>
        %bitcast3A_720 = vector.bitcast %add3A_718 : vector<16xf32> to vector<16xi32>
        %add3A_721 = arith.constant 32768 : i32
        %add3A_722 = vector.broadcast %add3A_721 : i32 to vector<16xi32>
        %add3A_723 = arith.addi %bitcast3A_720, %add3A_722 : vector<16xi32>
        %shift_right_logical3A_724 = arith.constant 16 : i32
        %shift_right_logical3A_725 = vector.broadcast %shift_right_logical3A_724 : i32 to vector<16xi32>
        %shift_right_logical3A_726 = arith.shrui %add3A_723, %shift_right_logical3A_725 : vector<16xi32>
        %bitcast3A_727 = vector.bitcast %add3A_719 : vector<16xf32> to vector<16xi32>
        %add3A_728 = arith.constant 32768 : i32
        %add3A_729 = vector.broadcast %add3A_728 : i32 to vector<16xi32>
        %add3A_730 = arith.addi %bitcast3A_727, %add3A_729 : vector<16xi32>
        %and3A_731 = arith.constant -65536 : i32
        %and3A_732 = vector.broadcast %and3A_731 : i32 to vector<16xi32>
        %and3A_733 = arith.andi %add3A_730, %and3A_732 : vector<16xi32>
        %or3A_734 = arith.ori %shift_right_logical3A_726, %and3A_733 : vector<16xi32>
        %bitcast3A_735 = vector.bitcast %or3A_734 : vector<16xi32> to vector<16xf32>
        %swap3A_736 = arith.constant 1 : i32
        %swap3A_737 = arith.index_cast %swap3A_736 : i32 to index
        %swap3A_738 = arith.index_cast %scan3A_245 : i32 to index
        %swap3A_739 = arith.constant 112 : index
        %swap3A_740 = tpu.vector_load %arg7[%swap3A_737, %swap3A_738, %swap3A_739] {strides = array<i32>} : memref<2x32x128xf32, #tpu.memory_space<vmem>>, vector<16xf32>,
        tpu.vector_store %arg7[%swap3A_737, %swap3A_738, %swap3A_739], %bitcast3A_735 {strides = array<i32>} : memref<2x32x128xf32, #tpu.memory_space<vmem>>, vector<16xf32>,
      }
      %scan3A_203 = arith.constant 32 : i32
      %add3A_204 = arith.constant 96 : i32
      %add3A_205 = arith.addi %add3A_14, %add3A_204 : i32
      %dma_start3A_206 = arith.constant 1 : i32
      %dma_start3A_207 = arith.constant 0 : i32
      %dma_start3A_208 = arith.constant 0 : i32
      %dma_start3A_209 = tpu.memref_slice %arg7[%dma_start3A_206, %dma_start3A_207, %dma_start3A_208] : memref<2x32x128xf32, #tpu.memory_space<vmem>> -> memref<1x32x128xf32, #tpu.memory_space<vmem>>
      %dma_start3A_210 = tpu.memref_squeeze %dma_start3A_209 : memref<1x32x128xf32, #tpu.memory_space<vmem>> -> memref<32x128xf32, #tpu.memory_space<vmem>>
      %dma_start3A_211 = arith.constant 0 : i32
      %dma_start3A_212 = tpu.memref_slice %arg4[%add3A_205, %dma_start3A_211] : memref<102400x128xf32, #tpu.memory_space<hbm>> -> memref<32x128xf32, #tpu.memory_space<hbm>>
      %dma_start3A_213 = arith.constant 0 : i32
      %dma_start3A_214 = tpu.memref_slice %arg4[%add3A_205, %dma_start3A_213] : memref<102400x128xf32, #tpu.memory_space<hbm>> -> memref<32x128xf32, #tpu.memory_space<hbm>>
      %dma_start3A_215 = arith.constant 0 : i32
      %dma_start3A_216 = arith.constant 0 : i32
      %dma_start3A_217 = tpu.memref_slice %arg7[%dma_start3A_206, %dma_start3A_215, %dma_start3A_216] : memref<2x32x128xf32, #tpu.memory_space<vmem>> -> memref<1x32x128xf32, #tpu.memory_space<vmem>>
      %dma_start3A_218 = tpu.memref_squeeze %dma_start3A_217 : memref<1x32x128xf32, #tpu.memory_space<vmem>> -> memref<32x128xf32, #tpu.memory_space<vmem>>
      tpu.enqueue_dma source(%dma_start3A_218 : memref<32x128xf32, #tpu.memory_space<vmem>>) target(%dma_start3A_214 : memref<32x128xf32, #tpu.memory_space<hbm>>) target_semaphore(%arg9 : memref<!tpu.dma_semaphore, #tpu.memory_space<semaphore_mem>>)
      %dma_wait3A_219 = arith.constant 0 : i32
      %dma_wait3A_220 = arith.constant 0 : i32
      %dma_wait3A_221 = arith.constant 0 : i32
      %dma_wait3A_222 = tpu.memref_slice %arg7[%dma_wait3A_219, %dma_wait3A_220, %dma_wait3A_221] : memref<2x32x128xf32, #tpu.memory_space<vmem>> -> memref<1x32x128xf32, #tpu.memory_space<vmem>>
      %dma_wait3A_223 = tpu.memref_squeeze %dma_wait3A_222 : memref<1x32x128xf32, #tpu.memory_space<vmem>> -> memref<32x128xf32, #tpu.memory_space<vmem>>
      %dma_wait3A_224 = arith.constant 0 : i32
      %dma_wait3A_225 = tpu.memref_slice %arg4[%add3A_159, %dma_wait3A_224] : memref<102400x128xf32, #tpu.memory_space<hbm>> -> memref<32x128xf32, #tpu.memory_space<hbm>>
      %dma_wait3A_226 = arith.constant 0 : i32
      %dma_wait3A_227 = tpu.memref_slice %arg4[%add3A_159, %dma_wait3A_226] : memref<102400x128xf32, #tpu.memory_space<hbm>> -> memref<32x128xf32, #tpu.memory_space<hbm>>
      %dma_wait3A_228 = arith.constant 0 : i32
      %dma_wait3A_229 = arith.constant 0 : i32
      %dma_wait3A_230 = tpu.memref_slice %arg7[%dma_wait3A_219, %dma_wait3A_228, %dma_wait3A_229] : memref<2x32x128xf32, #tpu.memory_space<vmem>> -> memref<1x32x128xf32, #tpu.memory_space<vmem>>
      %dma_wait3A_231 = tpu.memref_squeeze %dma_wait3A_230 : memref<1x32x128xf32, #tpu.memory_space<vmem>> -> memref<32x128xf32, #tpu.memory_space<vmem>>
      tpu.wait_dma2 semaphore(%arg9 : memref<!tpu.dma_semaphore, #tpu.memory_space<semaphore_mem>>) src(%dma_wait3A_231 : memref<32x128xf32, #tpu.memory_space<vmem>>) dst(%dma_wait3A_227 : memref<32x128xf32, #tpu.memory_space<hbm>>)
      %dma_wait3A_232 = arith.constant 1 : i32
      %dma_wait3A_233 = arith.constant 0 : i32
      %dma_wait3A_234 = arith.constant 0 : i32
      %dma_wait3A_235 = tpu.memref_slice %arg7[%dma_wait3A_232, %dma_wait3A_233, %dma_wait3A_234] : memref<2x32x128xf32, #tpu.memory_space<vmem>> -> memref<1x32x128xf32, #tpu.memory_space<vmem>>
      %dma_wait3A_236 = tpu.memref_squeeze %dma_wait3A_235 : memref<1x32x128xf32, #tpu.memory_space<vmem>> -> memref<32x128xf32, #tpu.memory_space<vmem>>
      %dma_wait3A_237 = arith.constant 0 : i32
      %dma_wait3A_238 = tpu.memref_slice %arg4[%add3A_205, %dma_wait3A_237] : memref<102400x128xf32, #tpu.memory_space<hbm>> -> memref<32x128xf32, #tpu.memory_space<hbm>>
      %dma_wait3A_239 = arith.constant 0 : i32
      %dma_wait3A_240 = tpu.memref_slice %arg4[%add3A_205, %dma_wait3A_239] : memref<102400x128xf32, #tpu.memory_space<hbm>> -> memref<32x128xf32, #tpu.memory_space<hbm>>
      %dma_wait3A_241 = arith.constant 0 : i32
      %dma_wait3A_242 = arith.constant 0 : i32
      %dma_wait3A_243 = tpu.memref_slice %arg7[%dma_wait3A_232, %dma_wait3A_241, %dma_wait3A_242] : memref<2x32x128xf32, #tpu.memory_space<vmem>> -> memref<1x32x128xf32, #tpu.memory_space<vmem>>
      %dma_wait3A_244 = tpu.memref_squeeze %dma_wait3A_243 : memref<1x32x128xf32, #tpu.memory_space<vmem>> -> memref<32x128xf32, #tpu.memory_space<vmem>>
      tpu.wait_dma2 semaphore(%arg9 : memref<!tpu.dma_semaphore, #tpu.memory_space<semaphore_mem>>) src(%dma_wait3A_244 : memref<32x128xf32, #tpu.memory_space<vmem>>) dst(%dma_wait3A_240 : memref<32x128xf32, #tpu.memory_space<hbm>>)
    }
    %scan3A_9 = arith.constant 25 : i32
    return
  }
}

#map = affine_map<(d0, d1) -> (0, 0, 0)>
#map1 = affine_map<(d0, d1) -> (0, 0)>
module attributes {stable_mosaic.version = 14 : i64} {
  func.func @_sc_gather_pool_body(%arg0: i32, %arg1: i32, %arg2: memref<800x4x128xi32, #tpu.memory_space<hbm>>, %arg3: memref<100000x128xf32, #tpu.memory_space<hbm>>, %arg4: memref<102400x128xf32, #tpu.memory_space<hbm>>, %arg5: memref<4x128xi32, #tpu.memory_space<vmem>>, %arg6: memref<3x128x128xf32, #tpu.memory_space<vmem>>, %arg7: memref<2x32x128xf32, #tpu.memory_space<vmem>>, %arg8: memref<!tpu.dma_semaphore, #tpu.memory_space<semaphore_mem>>, %arg9: memref<!tpu.dma_semaphore, #tpu.memory_space<semaphore_mem>>) attributes {dimension_semantics = [#tpu.dimension_semantics<core_parallel>, #tpu.dimension_semantics<subcore_parallel>], iteration_bounds = array<i64: 2, 16>, scalar_prefetch = 0 : i64, scratch_operands = 5 : i64, tpu.core_type = #tpu.core_type<sc_vector_subcore>, window_params = [{transform_indices = #map}, {transform_indices = #map1}, {transform_indices = #map1}]} {
    %mul3A = arith.constant 2 : i32
    %mul3A_0 = arith.muli %arg1, %mul3A : i32
    %add3A = arith.addi %mul3A_0, %arg0 : i32
    %mul3A_1 = arith.constant 3200 : i32
    %mul3A_2 = arith.muli %add3A, %mul3A_1 : i32
    %mul3A_3 = arith.constant 25 : i32
    %mul3A_4 = arith.muli %add3A, %mul3A_3 : i32
    %scan3A = arith.constant 0 : i32
    %scan3A_5 = arith.constant 0 : i32
    %scan3A_6 = arith.constant 25 : i32
    %scan3A_7 = arith.addi %scan3A_5, %scan3A_6 : i32
    %scan3A_8 = arith.constant 1 : i32
    scf.for %scan3A_10 = %scan3A_5 to %scan3A_7 step %scan3A_8  : i32 {
      %add3A_11 = arith.addi %mul3A_4, %scan3A_10 : i32
      "tpu.region"() ({
        %run_scoped3A = tpu.sem_alloc : memref<!tpu.dma_semaphore, #tpu.memory_space<semaphore_mem>>
        %dma_start3A_245 = arith.constant 0 : i32
        %dma_start3A_246 = arith.constant 0 : i32
        %dma_start3A_247 = tpu.memref_slice %arg2[%add3A_11, %dma_start3A_245, %dma_start3A_246] : memref<800x4x128xi32, #tpu.memory_space<hbm>> -> memref<1x4x128xi32, #tpu.memory_space<hbm>>
        %dma_start3A_248 = tpu.memref_squeeze %dma_start3A_247 : memref<1x4x128xi32, #tpu.memory_space<hbm>> -> memref<4x128xi32, #tpu.memory_space<hbm>>
        %dma_start3A_249 = arith.constant 0 : i32
        %dma_start3A_250 = arith.constant 0 : i32
        %dma_start3A_251 = tpu.memref_slice %arg2[%add3A_11, %dma_start3A_249, %dma_start3A_250] : memref<800x4x128xi32, #tpu.memory_space<hbm>> -> memref<1x4x128xi32, #tpu.memory_space<hbm>>
        %dma_start3A_252 = tpu.memref_squeeze %dma_start3A_251 : memref<1x4x128xi32, #tpu.memory_space<hbm>> -> memref<4x128xi32, #tpu.memory_space<hbm>>
        tpu.enqueue_dma source(%dma_start3A_252 : memref<4x128xi32, #tpu.memory_space<hbm>>) target(%arg5 : memref<4x128xi32, #tpu.memory_space<vmem>>) target_semaphore(%run_scoped3A : memref<!tpu.dma_semaphore, #tpu.memory_space<semaphore_mem>>)
        %dma_wait3A_253 = arith.constant 0 : i32
        %dma_wait3A_254 = arith.constant 0 : i32
        %dma_wait3A_255 = tpu.memref_slice %arg2[%add3A_11, %dma_wait3A_253, %dma_wait3A_254] : memref<800x4x128xi32, #tpu.memory_space<hbm>> -> memref<1x4x128xi32, #tpu.memory_space<hbm>>
        %dma_wait3A_256 = tpu.memref_squeeze %dma_wait3A_255 : memref<1x4x128xi32, #tpu.memory_space<hbm>> -> memref<4x128xi32, #tpu.memory_space<hbm>>
        %dma_wait3A_257 = arith.constant 0 : i32
        %dma_wait3A_258 = arith.constant 0 : i32
        %dma_wait3A_259 = tpu.memref_slice %arg2[%add3A_11, %dma_wait3A_257, %dma_wait3A_258] : memref<800x4x128xi32, #tpu.memory_space<hbm>> -> memref<1x4x128xi32, #tpu.memory_space<hbm>>
        %dma_wait3A_260 = tpu.memref_squeeze %dma_wait3A_259 : memref<1x4x128xi32, #tpu.memory_space<hbm>> -> memref<4x128xi32, #tpu.memory_space<hbm>>
        tpu.wait_dma2 semaphore(%run_scoped3A : memref<!tpu.dma_semaphore, #tpu.memory_space<semaphore_mem>>) src(%dma_wait3A_260 : memref<4x128xi32, #tpu.memory_space<hbm>>) dst(%arg5 : memref<4x128xi32, #tpu.memory_space<vmem>>)
        tpu.yield
      }) : () -> ()
      %mul3A_12 = arith.constant 128 : i32
      %mul3A_13 = arith.muli %scan3A_10, %mul3A_12 : i32
      %add3A_14 = arith.addi %mul3A_2, %mul3A_13 : i32
      %dma_start3A = arith.constant 0 : i32
      %dma_start3A_15 = arith.constant 0 : i32
      %dma_start3A_16 = arith.constant 0 : i32
      %dma_start3A_17 = arith.constant 0 : i32
      %dma_start3A_18 = tpu.memref_slice %arg6[%dma_start3A_15, %dma_start3A_16, %dma_start3A_17] : memref<3x128x128xf32, #tpu.memory_space<vmem>> -> memref<1x128x128xf32, #tpu.memory_space<vmem>>
      %dma_start3A_19 = tpu.memref_squeeze %dma_start3A_18 : memref<1x128x128xf32, #tpu.memory_space<vmem>> -> memref<128x128xf32, #tpu.memory_space<vmem>>
      %dma_start3A_20 = arith.constant 0 : i32
      %dma_start3A_21 = tpu.memref_slice %arg5[%dma_start3A, %dma_start3A_20] : memref<4x128xi32, #tpu.memory_space<vmem>> -> memref<1x128xi32, #tpu.memory_space<vmem>>
      %dma_start3A_22 = tpu.memref_squeeze %dma_start3A_21 : memref<1x128xi32, #tpu.memory_space<vmem>> -> memref<128xi32, #tpu.memory_space<vmem>>
      %dma_start3A_23 = arith.constant 0 : i32
      %dma_start3A_24 = arith.constant 0 : i32
      %dma_start3A_25 = tpu.memref_slice %arg3[%dma_start3A_23, %dma_start3A_24] : memref<100000x128xf32, #tpu.memory_space<hbm>> -> memref<100000x128xf32, #tpu.memory_space<hbm>>
      tpu.enqueue_indirect_dma source(%dma_start3A_25 : memref<100000x128xf32, #tpu.memory_space<hbm>>) target(%dma_start3A_19 : memref<128x128xf32, #tpu.memory_space<vmem>>) offsets(%dma_start3A_22 : memref<128xi32, #tpu.memory_space<vmem>>) semaphore(%arg8 : memref<!tpu.dma_semaphore, #tpu.memory_space<semaphore_mem>>)
      %dma_start3A_26 = arith.constant 1 : i32
      %dma_start3A_27 = arith.constant 1 : i32
      %dma_start3A_28 = arith.constant 0 : i32
      %dma_start3A_29 = arith.constant 0 : i32
      %dma_start3A_30 = tpu.memref_slice %arg6[%dma_start3A_27, %dma_start3A_28, %dma_start3A_29] : memref<3x128x128xf32, #tpu.memory_space<vmem>> -> memref<1x128x128xf32, #tpu.memory_space<vmem>>
      %dma_start3A_31 = tpu.memref_squeeze %dma_start3A_30 : memref<1x128x128xf32, #tpu.memory_space<vmem>> -> memref<128x128xf32, #tpu.memory_space<vmem>>
      %dma_start3A_32 = arith.constant 0 : i32
      %dma_start3A_33 = tpu.memref_slice %arg5[%dma_start3A_26, %dma_start3A_32] : memref<4x128xi32, #tpu.memory_space<vmem>> -> memref<1x128xi32, #tpu.memory_space<vmem>>
      %dma_start3A_34 = tpu.memref_squeeze %dma_start3A_33 : memref<1x128xi32, #tpu.memory_space<vmem>> -> memref<128xi32, #tpu.memory_space<vmem>>
      %dma_start3A_35 = arith.constant 0 : i32
      %dma_start3A_36 = arith.constant 0 : i32
      %dma_start3A_37 = tpu.memref_slice %arg3[%dma_start3A_35, %dma_start3A_36] : memref<100000x128xf32, #tpu.memory_space<hbm>> -> memref<100000x128xf32, #tpu.memory_space<hbm>>
      tpu.enqueue_indirect_dma source(%dma_start3A_37 : memref<100000x128xf32, #tpu.memory_space<hbm>>) target(%dma_start3A_31 : memref<128x128xf32, #tpu.memory_space<vmem>>) offsets(%dma_start3A_34 : memref<128xi32, #tpu.memory_space<vmem>>) semaphore(%arg8 : memref<!tpu.dma_semaphore, #tpu.memory_space<semaphore_mem>>)
      %dma_start3A_38 = arith.constant 2 : i32
      %dma_start3A_39 = arith.constant 2 : i32
      %dma_start3A_40 = arith.constant 0 : i32
      %dma_start3A_41 = arith.constant 0 : i32
      %dma_start3A_42 = tpu.memref_slice %arg6[%dma_start3A_39, %dma_start3A_40, %dma_start3A_41] : memref<3x128x128xf32, #tpu.memory_space<vmem>> -> memref<1x128x128xf32, #tpu.memory_space<vmem>>
      %dma_start3A_43 = tpu.memref_squeeze %dma_start3A_42 : memref<1x128x128xf32, #tpu.memory_space<vmem>> -> memref<128x128xf32, #tpu.memory_space<vmem>>
      %dma_start3A_44 = arith.constant 0 : i32
      %dma_start3A_45 = tpu.memref_slice %arg5[%dma_start3A_38, %dma_start3A_44] : memref<4x128xi32, #tpu.memory_space<vmem>> -> memref<1x128xi32, #tpu.memory_space<vmem>>
      %dma_start3A_46 = tpu.memref_squeeze %dma_start3A_45 : memref<1x128xi32, #tpu.memory_space<vmem>> -> memref<128xi32, #tpu.memory_space<vmem>>
      %dma_start3A_47 = arith.constant 0 : i32
      %dma_start3A_48 = arith.constant 0 : i32
      %dma_start3A_49 = tpu.memref_slice %arg3[%dma_start3A_47, %dma_start3A_48] : memref<100000x128xf32, #tpu.memory_space<hbm>> -> memref<100000x128xf32, #tpu.memory_space<hbm>>
      tpu.enqueue_indirect_dma source(%dma_start3A_49 : memref<100000x128xf32, #tpu.memory_space<hbm>>) target(%dma_start3A_43 : memref<128x128xf32, #tpu.memory_space<vmem>>) offsets(%dma_start3A_46 : memref<128xi32, #tpu.memory_space<vmem>>) semaphore(%arg8 : memref<!tpu.dma_semaphore, #tpu.memory_space<semaphore_mem>>)
      %dma_wait3A = arith.constant 0 : i32
      %dma_wait3A_50 = arith.constant 0 : i32
      %dma_wait3A_51 = arith.constant 0 : i32
      %dma_wait3A_52 = arith.constant 0 : i32
      %dma_wait3A_53 = tpu.memref_slice %arg6[%dma_wait3A_50, %dma_wait3A_51, %dma_wait3A_52] : memref<3x128x128xf32, #tpu.memory_space<vmem>> -> memref<1x128x128xf32, #tpu.memory_space<vmem>>
      %dma_wait3A_54 = tpu.memref_squeeze %dma_wait3A_53 : memref<1x128x128xf32, #tpu.memory_space<vmem>> -> memref<128x128xf32, #tpu.memory_space<vmem>>
      %dma_wait3A_55 = arith.constant 0 : i32
      %dma_wait3A_56 = tpu.memref_slice %arg5[%dma_wait3A, %dma_wait3A_55] : memref<4x128xi32, #tpu.memory_space<vmem>> -> memref<1x128xi32, #tpu.memory_space<vmem>>
      %dma_wait3A_57 = tpu.memref_squeeze %dma_wait3A_56 : memref<1x128xi32, #tpu.memory_space<vmem>> -> memref<128xi32, #tpu.memory_space<vmem>>
      %dma_wait3A_58 = arith.constant 0 : i32
      %dma_wait3A_59 = arith.constant 0 : i32
      %dma_wait3A_60 = tpu.memref_slice %arg3[%dma_wait3A_58, %dma_wait3A_59] : memref<100000x128xf32, #tpu.memory_space<hbm>> -> memref<100000x128xf32, #tpu.memory_space<hbm>>
      tpu.wait_indirect_dma semaphore(%arg8 : memref<!tpu.dma_semaphore, #tpu.memory_space<semaphore_mem>>) src(%dma_wait3A_60 : memref<100000x128xf32, #tpu.memory_space<hbm>>) dst(%dma_wait3A_54 : memref<128x128xf32, #tpu.memory_space<vmem>>)
      %scan3A_61 = arith.constant 0 : i32
      %scan3A_62 = arith.constant 0 : i32
      %scan3A_63 = arith.constant 32 : i32
      %scan3A_64 = arith.addi %scan3A_62, %scan3A_63 : i32
      %scan3A_65 = arith.constant 1 : i32
      scf.for %scan3A_245 = %scan3A_62 to %scan3A_64 step %scan3A_65  : i32 {
        %mul3A_246 = arith.constant 4 : i32
        %mul3A_247 = arith.muli %scan3A_245, %mul3A_246 : i32
        %get3A = arith.constant 0 : i32
        %get3A_248 = arith.index_cast %get3A : i32 to index
        %get3A_249 = arith.index_cast %mul3A_247 : i32 to index
        %get3A_250 = arith.constant 0 : index
        %get3A_251 = tpu.vector_load %arg6[%get3A_248, %get3A_249, %get3A_250] {strides = array<i32>} : memref<3x128x128xf32, #tpu.memory_space<vmem>>, vector<16xf32>,
        %add3A_252 = arith.constant 1 : i32
        %add3A_253 = arith.addi %mul3A_247, %add3A_252 : i32
        %get3A_254 = arith.constant 0 : i32
        %get3A_255 = arith.index_cast %get3A_254 : i32 to index
        %get3A_256 = arith.index_cast %add3A_253 : i32 to index
        %get3A_257 = arith.constant 0 : index
        %get3A_258 = tpu.vector_load %arg6[%get3A_255, %get3A_256, %get3A_257] {strides = array<i32>} : memref<3x128x128xf32, #tpu.memory_space<vmem>>, vector<16xf32>,
        %add3A_259 = arith.addf %get3A_251, %get3A_258 : vector<16xf32>
        %add3A_260 = arith.constant 2 : i32
        %add3A_261 = arith.addi %mul3A_247, %add3A_260 : i32
        %get3A_262 = arith.constant 0 : i32
        %get3A_263 = arith.index_cast %get3A_262 : i32 to index
        %get3A_264 = arith.index_cast %add3A_261 : i32 to index
        %get3A_265 = arith.constant 0 : index
        %get3A_266 = tpu.vector_load %arg6[%get3A_263, %get3A_264, %get3A_265] {strides = array<i32>} : memref<3x128x128xf32, #tpu.memory_space<vmem>>, vector<16xf32>,
        %add3A_267 = arith.addf %add3A_259, %get3A_266 : vector<16xf32>
        %add3A_268 = arith.constant 3 : i32
        %add3A_269 = arith.addi %mul3A_247, %add3A_268 : i32
        %get3A_270 = arith.constant 0 : i32
        %get3A_271 = arith.index_cast %get3A_270 : i32 to index
        %get3A_272 = arith.index_cast %add3A_269 : i32 to index
        %get3A_273 = arith.constant 0 : index
        %get3A_274 = tpu.vector_load %arg6[%get3A_271, %get3A_272, %get3A_273] {strides = array<i32>} : memref<3x128x128xf32, #tpu.memory_space<vmem>>, vector<16xf32>,
        %add3A_275 = arith.addf %add3A_267, %get3A_274 : vector<16xf32>
        %swap3A = arith.constant 0 : i32
        %swap3A_276 = arith.index_cast %swap3A : i32 to index
        %swap3A_277 = arith.index_cast %scan3A_245 : i32 to index
        %swap3A_278 = arith.constant 0 : index
        %swap3A_279 = tpu.vector_load %arg7[%swap3A_276, %swap3A_277, %swap3A_278] {strides = array<i32>} : memref<2x32x128xf32, #tpu.memory_space<vmem>>, vector<16xf32>,
        tpu.vector_store %arg7[%swap3A_276, %swap3A_277, %swap3A_278], %add3A_275 {strides = array<i32>} : memref<2x32x128xf32, #tpu.memory_space<vmem>>, vector<16xf32>,
        %get3A_280 = arith.constant 0 : i32
        %get3A_281 = arith.index_cast %get3A_280 : i32 to index
        %get3A_282 = arith.index_cast %mul3A_247 : i32 to index
        %get3A_283 = arith.constant 16 : index
        %get3A_284 = tpu.vector_load %arg6[%get3A_281, %get3A_282, %get3A_283] {strides = array<i32>} : memref<3x128x128xf32, #tpu.memory_space<vmem>>, vector<16xf32>,
        %add3A_285 = arith.constant 1 : i32
        %add3A_286 = arith.addi %mul3A_247, %add3A_285 : i32
        %get3A_287 = arith.constant 0 : i32
        %get3A_288 = arith.index_cast %get3A_287 : i32 to index
        %get3A_289 = arith.index_cast %add3A_286 : i32 to index
        %get3A_290 = arith.constant 16 : index
        %get3A_291 = tpu.vector_load %arg6[%get3A_288, %get3A_289, %get3A_290] {strides = array<i32>} : memref<3x128x128xf32, #tpu.memory_space<vmem>>, vector<16xf32>,
        %add3A_292 = arith.addf %get3A_284, %get3A_291 : vector<16xf32>
        %add3A_293 = arith.constant 2 : i32
        %add3A_294 = arith.addi %mul3A_247, %add3A_293 : i32
        %get3A_295 = arith.constant 0 : i32
        %get3A_296 = arith.index_cast %get3A_295 : i32 to index
        %get3A_297 = arith.index_cast %add3A_294 : i32 to index
        %get3A_298 = arith.constant 16 : index
        %get3A_299 = tpu.vector_load %arg6[%get3A_296, %get3A_297, %get3A_298] {strides = array<i32>} : memref<3x128x128xf32, #tpu.memory_space<vmem>>, vector<16xf32>,
        %add3A_300 = arith.addf %add3A_292, %get3A_299 : vector<16xf32>
        %add3A_301 = arith.constant 3 : i32
        %add3A_302 = arith.addi %mul3A_247, %add3A_301 : i32
        %get3A_303 = arith.constant 0 : i32
        %get3A_304 = arith.index_cast %get3A_303 : i32 to index
        %get3A_305 = arith.index_cast %add3A_302 : i32 to index
        %get3A_306 = arith.constant 16 : index
        %get3A_307 = tpu.vector_load %arg6[%get3A_304, %get3A_305, %get3A_306] {strides = array<i32>} : memref<3x128x128xf32, #tpu.memory_space<vmem>>, vector<16xf32>,
        %add3A_308 = arith.addf %add3A_300, %get3A_307 : vector<16xf32>
        %swap3A_309 = arith.constant 0 : i32
        %swap3A_310 = arith.index_cast %swap3A_309 : i32 to index
        %swap3A_311 = arith.index_cast %scan3A_245 : i32 to index
        %swap3A_312 = arith.constant 16 : index
        %swap3A_313 = tpu.vector_load %arg7[%swap3A_310, %swap3A_311, %swap3A_312] {strides = array<i32>} : memref<2x32x128xf32, #tpu.memory_space<vmem>>, vector<16xf32>,
        tpu.vector_store %arg7[%swap3A_310, %swap3A_311, %swap3A_312], %add3A_308 {strides = array<i32>} : memref<2x32x128xf32, #tpu.memory_space<vmem>>, vector<16xf32>,
        %get3A_314 = arith.constant 0 : i32
        %get3A_315 = arith.index_cast %get3A_314 : i32 to index
        %get3A_316 = arith.index_cast %mul3A_247 : i32 to index
        %get3A_317 = arith.constant 32 : index
        %get3A_318 = tpu.vector_load %arg6[%get3A_315, %get3A_316, %get3A_317] {strides = array<i32>} : memref<3x128x128xf32, #tpu.memory_space<vmem>>, vector<16xf32>,
        %add3A_319 = arith.constant 1 : i32
        %add3A_320 = arith.addi %mul3A_247, %add3A_319 : i32
        %get3A_321 = arith.constant 0 : i32
        %get3A_322 = arith.index_cast %get3A_321 : i32 to index
        %get3A_323 = arith.index_cast %add3A_320 : i32 to index
        %get3A_324 = arith.constant 32 : index
        %get3A_325 = tpu.vector_load %arg6[%get3A_322, %get3A_323, %get3A_324] {strides = array<i32>} : memref<3x128x128xf32, #tpu.memory_space<vmem>>, vector<16xf32>,
        %add3A_326 = arith.addf %get3A_318, %get3A_325 : vector<16xf32>
        %add3A_327 = arith.constant 2 : i32
        %add3A_328 = arith.addi %mul3A_247, %add3A_327 : i32
        %get3A_329 = arith.constant 0 : i32
        %get3A_330 = arith.index_cast %get3A_329 : i32 to index
        %get3A_331 = arith.index_cast %add3A_328 : i32 to index
        %get3A_332 = arith.constant 32 : index
        %get3A_333 = tpu.vector_load %arg6[%get3A_330, %get3A_331, %get3A_332] {strides = array<i32>} : memref<3x128x128xf32, #tpu.memory_space<vmem>>, vector<16xf32>,
        %add3A_334 = arith.addf %add3A_326, %get3A_333 : vector<16xf32>
        %add3A_335 = arith.constant 3 : i32
        %add3A_336 = arith.addi %mul3A_247, %add3A_335 : i32
        %get3A_337 = arith.constant 0 : i32
        %get3A_338 = arith.index_cast %get3A_337 : i32 to index
        %get3A_339 = arith.index_cast %add3A_336 : i32 to index
        %get3A_340 = arith.constant 32 : index
        %get3A_341 = tpu.vector_load %arg6[%get3A_338, %get3A_339, %get3A_340] {strides = array<i32>} : memref<3x128x128xf32, #tpu.memory_space<vmem>>, vector<16xf32>,
        %add3A_342 = arith.addf %add3A_334, %get3A_341 : vector<16xf32>
        %swap3A_343 = arith.constant 0 : i32
        %swap3A_344 = arith.index_cast %swap3A_343 : i32 to index
        %swap3A_345 = arith.index_cast %scan3A_245 : i32 to index
        %swap3A_346 = arith.constant 32 : index
        %swap3A_347 = tpu.vector_load %arg7[%swap3A_344, %swap3A_345, %swap3A_346] {strides = array<i32>} : memref<2x32x128xf32, #tpu.memory_space<vmem>>, vector<16xf32>,
        tpu.vector_store %arg7[%swap3A_344, %swap3A_345, %swap3A_346], %add3A_342 {strides = array<i32>} : memref<2x32x128xf32, #tpu.memory_space<vmem>>, vector<16xf32>,
        %get3A_348 = arith.constant 0 : i32
        %get3A_349 = arith.index_cast %get3A_348 : i32 to index
        %get3A_350 = arith.index_cast %mul3A_247 : i32 to index
        %get3A_351 = arith.constant 48 : index
        %get3A_352 = tpu.vector_load %arg6[%get3A_349, %get3A_350, %get3A_351] {strides = array<i32>} : memref<3x128x128xf32, #tpu.memory_space<vmem>>, vector<16xf32>,
        %add3A_353 = arith.constant 1 : i32
        %add3A_354 = arith.addi %mul3A_247, %add3A_353 : i32
        %get3A_355 = arith.constant 0 : i32
        %get3A_356 = arith.index_cast %get3A_355 : i32 to index
        %get3A_357 = arith.index_cast %add3A_354 : i32 to index
        %get3A_358 = arith.constant 48 : index
        %get3A_359 = tpu.vector_load %arg6[%get3A_356, %get3A_357, %get3A_358] {strides = array<i32>} : memref<3x128x128xf32, #tpu.memory_space<vmem>>, vector<16xf32>,
        %add3A_360 = arith.addf %get3A_352, %get3A_359 : vector<16xf32>
        %add3A_361 = arith.constant 2 : i32
        %add3A_362 = arith.addi %mul3A_247, %add3A_361 : i32
        %get3A_363 = arith.constant 0 : i32
        %get3A_364 = arith.index_cast %get3A_363 : i32 to index
        %get3A_365 = arith.index_cast %add3A_362 : i32 to index
        %get3A_366 = arith.constant 48 : index
        %get3A_367 = tpu.vector_load %arg6[%get3A_364, %get3A_365, %get3A_366] {strides = array<i32>} : memref<3x128x128xf32, #tpu.memory_space<vmem>>, vector<16xf32>,
        %add3A_368 = arith.addf %add3A_360, %get3A_367 : vector<16xf32>
        %add3A_369 = arith.constant 3 : i32
        %add3A_370 = arith.addi %mul3A_247, %add3A_369 : i32
        %get3A_371 = arith.constant 0 : i32
        %get3A_372 = arith.index_cast %get3A_371 : i32 to index
        %get3A_373 = arith.index_cast %add3A_370 : i32 to index
        %get3A_374 = arith.constant 48 : index
        %get3A_375 = tpu.vector_load %arg6[%get3A_372, %get3A_373, %get3A_374] {strides = array<i32>} : memref<3x128x128xf32, #tpu.memory_space<vmem>>, vector<16xf32>,
        %add3A_376 = arith.addf %add3A_368, %get3A_375 : vector<16xf32>
        %swap3A_377 = arith.constant 0 : i32
        %swap3A_378 = arith.index_cast %swap3A_377 : i32 to index
        %swap3A_379 = arith.index_cast %scan3A_245 : i32 to index
        %swap3A_380 = arith.constant 48 : index
        %swap3A_381 = tpu.vector_load %arg7[%swap3A_378, %swap3A_379, %swap3A_380] {strides = array<i32>} : memref<2x32x128xf32, #tpu.memory_space<vmem>>, vector<16xf32>,
        tpu.vector_store %arg7[%swap3A_378, %swap3A_379, %swap3A_380], %add3A_376 {strides = array<i32>} : memref<2x32x128xf32, #tpu.memory_space<vmem>>, vector<16xf32>,
        %add3A_382 = arith.constant 0 : i32
        %add3A_383 = arith.addi %mul3A_247, %add3A_382 : i32
        %get3A_384 = arith.constant 0 : i32
        %get3A_385 = arith.index_cast %get3A_384 : i32 to index
        %get3A_386 = arith.index_cast %add3A_383 : i32 to index
        %get3A_387 = arith.constant 64 : index
        %get3A_388 = tpu.vector_load %arg6[%get3A_385, %get3A_386, %get3A_387] {strides = array<i32>} : memref<3x128x128xf32, #tpu.memory_space<vmem>>, vector<16xf32>,
        %bitcast3A = vector.bitcast %get3A_388 : vector<16xf32> to vector<16xi32>
        %shift_left3A = arith.constant 16 : i32
        %shift_left3A_389 = vector.broadcast %shift_left3A : i32 to vector<16xi32>
        %shift_left3A_390 = arith.shli %bitcast3A, %shift_left3A_389 : vector<16xi32>
        %bitcast3A_391 = vector.bitcast %shift_left3A_390 : vector<16xi32> to vector<16xf32>
        %and3A = arith.constant -65536 : i32
        %and3A_392 = vector.broadcast %and3A : i32 to vector<16xi32>
        %and3A_393 = arith.andi %bitcast3A, %and3A_392 : vector<16xi32>
        %bitcast3A_394 = vector.bitcast %and3A_393 : vector<16xi32> to vector<16xf32>
        %add3A_395 = arith.constant 1 : i32
        %add3A_396 = arith.addi %mul3A_247, %add3A_395 : i32
        %get3A_397 = arith.constant 0 : i32
        %get3A_398 = arith.index_cast %get3A_397 : i32 to index
        %get3A_399 = arith.index_cast %add3A_396 : i32 to index
        %get3A_400 = arith.constant 64 : index
        %get3A_401 = tpu.vector_load %arg6[%get3A_398, %get3A_399, %get3A_400] {strides = array<i32>} : memref<3x128x128xf32, #tpu.memory_space<vmem>>, vector<16xf32>,
        %bitcast3A_402 = vector.bitcast %get3A_401 : vector<16xf32> to vector<16xi32>
        %shift_left3A_403 = arith.constant 16 : i32
        %shift_left3A_404 = vector.broadcast %shift_left3A_403 : i32 to vector<16xi32>
        %shift_left3A_405 = arith.shli %bitcast3A_402, %shift_left3A_404 : vector<16xi32>
        %bitcast3A_406 = vector.bitcast %shift_left3A_405 : vector<16xi32> to vector<16xf32>
        %and3A_407 = arith.constant -65536 : i32
        %and3A_408 = vector.broadcast %and3A_407 : i32 to vector<16xi32>
        %and3A_409 = arith.andi %bitcast3A_402, %and3A_408 : vector<16xi32>
        %bitcast3A_410 = vector.bitcast %and3A_409 : vector<16xi32> to vector<16xf32>
        %add3A_411 = arith.addf %bitcast3A_391, %bitcast3A_406 : vector<16xf32>
        %add3A_412 = arith.addf %bitcast3A_394, %bitcast3A_410 : vector<16xf32>
        %add3A_413 = arith.constant 2 : i32
        %add3A_414 = arith.addi %mul3A_247, %add3A_413 : i32
        %get3A_415 = arith.constant 0 : i32
        %get3A_416 = arith.index_cast %get3A_415 : i32 to index
        %get3A_417 = arith.index_cast %add3A_414 : i32 to index
        %get3A_418 = arith.constant 64 : index
        %get3A_419 = tpu.vector_load %arg6[%get3A_416, %get3A_417, %get3A_418] {strides = array<i32>} : memref<3x128x128xf32, #tpu.memory_space<vmem>>, vector<16xf32>,
        %bitcast3A_420 = vector.bitcast %get3A_419 : vector<16xf32> to vector<16xi32>
        %shift_left3A_421 = arith.constant 16 : i32
        %shift_left3A_422 = vector.broadcast %shift_left3A_421 : i32 to vector<16xi32>
        %shift_left3A_423 = arith.shli %bitcast3A_420, %shift_left3A_422 : vector<16xi32>
        %bitcast3A_424 = vector.bitcast %shift_left3A_423 : vector<16xi32> to vector<16xf32>
        %and3A_425 = arith.constant -65536 : i32
        %and3A_426 = vector.broadcast %and3A_425 : i32 to vector<16xi32>
        %and3A_427 = arith.andi %bitcast3A_420, %and3A_426 : vector<16xi32>
        %bitcast3A_428 = vector.bitcast %and3A_427 : vector<16xi32> to vector<16xf32>
        %add3A_429 = arith.addf %add3A_411, %bitcast3A_424 : vector<16xf32>
        %add3A_430 = arith.addf %add3A_412, %bitcast3A_428 : vector<16xf32>
        %add3A_431 = arith.constant 3 : i32
        %add3A_432 = arith.addi %mul3A_247, %add3A_431 : i32
        %get3A_433 = arith.constant 0 : i32
        %get3A_434 = arith.index_cast %get3A_433 : i32 to index
        %get3A_435 = arith.index_cast %add3A_432 : i32 to index
        %get3A_436 = arith.constant 64 : index
        %get3A_437 = tpu.vector_load %arg6[%get3A_434, %get3A_435, %get3A_436] {strides = array<i32>} : memref<3x128x128xf32, #tpu.memory_space<vmem>>, vector<16xf32>,
        %bitcast3A_438 = vector.bitcast %get3A_437 : vector<16xf32> to vector<16xi32>
        %shift_left3A_439 = arith.constant 16 : i32
        %shift_left3A_440 = vector.broadcast %shift_left3A_439 : i32 to vector<16xi32>
        %shift_left3A_441 = arith.shli %bitcast3A_438, %shift_left3A_440 : vector<16xi32>
        %bitcast3A_442 = vector.bitcast %shift_left3A_441 : vector<16xi32> to vector<16xf32>
        %and3A_443 = arith.constant -65536 : i32
        %and3A_444 = vector.broadcast %and3A_443 : i32 to vector<16xi32>
        %and3A_445 = arith.andi %bitcast3A_438, %and3A_444 : vector<16xi32>
        %bitcast3A_446 = vector.bitcast %and3A_445 : vector<16xi32> to vector<16xf32>
        %add3A_447 = arith.addf %add3A_429, %bitcast3A_442 : vector<16xf32>
        %add3A_448 = arith.addf %add3A_430, %bitcast3A_446 : vector<16xf32>
        %bitcast3A_449 = vector.bitcast %add3A_447 : vector<16xf32> to vector<16xi32>
        %add3A_450 = arith.constant 32768 : i32
        %add3A_451 = vector.broadcast %add3A_450 : i32 to vector<16xi32>
        %add3A_452 = arith.addi %bitcast3A_449, %add3A_451 : vector<16xi32>
        %shift_right_logical3A = arith.constant 16 : i32
        %shift_right_logical3A_453 = vector.broadcast %shift_right_logical3A : i32 to vector<16xi32>
        %shift_right_logical3A_454 = arith.shrui %add3A_452, %shift_right_logical3A_453 : vector<16xi32>
        %bitcast3A_455 = vector.bitcast %add3A_448 : vector<16xf32> to vector<16xi32>
        %add3A_456 = arith.constant 32768 : i32
        %add3A_457 = vector.broadcast %add3A_456 : i32 to vector<16xi32>
        %add3A_458 = arith.addi %bitcast3A_455, %add3A_457 : vector<16xi32>
        %and3A_459 = arith.constant -65536 : i32
        %and3A_460 = vector.broadcast %and3A_459 : i32 to vector<16xi32>
        %and3A_461 = arith.andi %add3A_458, %and3A_460 : vector<16xi32>
        %or3A = arith.ori %shift_right_logical3A_454, %and3A_461 : vector<16xi32>
        %bitcast3A_462 = vector.bitcast %or3A : vector<16xi32> to vector<16xf32>
        %swap3A_463 = arith.constant 0 : i32
        %swap3A_464 = arith.index_cast %swap3A_463 : i32 to index
        %swap3A_465 = arith.index_cast %scan3A_245 : i32 to index
        %swap3A_466 = arith.constant 64 : index
        %swap3A_467 = tpu.vector_load %arg7[%swap3A_464, %swap3A_465, %swap3A_466] {strides = array<i32>} : memref<2x32x128xf32, #tpu.memory_space<vmem>>, vector<16xf32>,
        tpu.vector_store %arg7[%swap3A_464, %swap3A_465, %swap3A_466], %bitcast3A_462 {strides = array<i32>} : memref<2x32x128xf32, #tpu.memory_space<vmem>>, vector<16xf32>,
        %add3A_468 = arith.constant 0 : i32
        %add3A_469 = arith.addi %mul3A_247, %add3A_468 : i32
        %get3A_470 = arith.constant 0 : i32
        %get3A_471 = arith.index_cast %get3A_470 : i32 to index
        %get3A_472 = arith.index_cast %add3A_469 : i32 to index
        %get3A_473 = arith.constant 80 : index
        %get3A_474 = tpu.vector_load %arg6[%get3A_471, %get3A_472, %get3A_473] {strides = array<i32>} : memref<3x128x128xf32, #tpu.memory_space<vmem>>, vector<16xf32>,
        %bitcast3A_475 = vector.bitcast %get3A_474 : vector<16xf32> to vector<16xi32>
        %shift_left3A_476 = arith.constant 16 : i32
        %shift_left3A_477 = vector.broadcast %shift_left3A_476 : i32 to vector<16xi32>
        %shift_left3A_478 = arith.shli %bitcast3A_475, %shift_left3A_477 : vector<16xi32>
        %bitcast3A_479 = vector.bitcast %shift_left3A_478 : vector<16xi32> to vector<16xf32>
        %and3A_480 = arith.constant -65536 : i32
        %and3A_481 = vector.broadcast %and3A_480 : i32 to vector<16xi32>
        %and3A_482 = arith.andi %bitcast3A_475, %and3A_481 : vector<16xi32>
        %bitcast3A_483 = vector.bitcast %and3A_482 : vector<16xi32> to vector<16xf32>
        %add3A_484 = arith.constant 1 : i32
        %add3A_485 = arith.addi %mul3A_247, %add3A_484 : i32
        %get3A_486 = arith.constant 0 : i32
        %get3A_487 = arith.index_cast %get3A_486 : i32 to index
        %get3A_488 = arith.index_cast %add3A_485 : i32 to index
        %get3A_489 = arith.constant 80 : index
        %get3A_490 = tpu.vector_load %arg6[%get3A_487, %get3A_488, %get3A_489] {strides = array<i32>} : memref<3x128x128xf32, #tpu.memory_space<vmem>>, vector<16xf32>,
        %bitcast3A_491 = vector.bitcast %get3A_490 : vector<16xf32> to vector<16xi32>
        %shift_left3A_492 = arith.constant 16 : i32
        %shift_left3A_493 = vector.broadcast %shift_left3A_492 : i32 to vector<16xi32>
        %shift_left3A_494 = arith.shli %bitcast3A_491, %shift_left3A_493 : vector<16xi32>
        %bitcast3A_495 = vector.bitcast %shift_left3A_494 : vector<16xi32> to vector<16xf32>
        %and3A_496 = arith.constant -65536 : i32
        %and3A_497 = vector.broadcast %and3A_496 : i32 to vector<16xi32>
        %and3A_498 = arith.andi %bitcast3A_491, %and3A_497 : vector<16xi32>
        %bitcast3A_499 = vector.bitcast %and3A_498 : vector<16xi32> to vector<16xf32>
        %add3A_500 = arith.addf %bitcast3A_479, %bitcast3A_495 : vector<16xf32>
        %add3A_501 = arith.addf %bitcast3A_483, %bitcast3A_499 : vector<16xf32>
        %add3A_502 = arith.constant 2 : i32
        %add3A_503 = arith.addi %mul3A_247, %add3A_502 : i32
        %get3A_504 = arith.constant 0 : i32
        %get3A_505 = arith.index_cast %get3A_504 : i32 to index
        %get3A_506 = arith.index_cast %add3A_503 : i32 to index
        %get3A_507 = arith.constant 80 : index
        %get3A_508 = tpu.vector_load %arg6[%get3A_505, %get3A_506, %get3A_507] {strides = array<i32>} : memref<3x128x128xf32, #tpu.memory_space<vmem>>, vector<16xf32>,
        %bitcast3A_509 = vector.bitcast %get3A_508 : vector<16xf32> to vector<16xi32>
        %shift_left3A_510 = arith.constant 16 : i32
        %shift_left3A_511 = vector.broadcast %shift_left3A_510 : i32 to vector<16xi32>
        %shift_left3A_512 = arith.shli %bitcast3A_509, %shift_left3A_511 : vector<16xi32>
        %bitcast3A_513 = vector.bitcast %shift_left3A_512 : vector<16xi32> to vector<16xf32>
        %and3A_514 = arith.constant -65536 : i32
        %and3A_515 = vector.broadcast %and3A_514 : i32 to vector<16xi32>
        %and3A_516 = arith.andi %bitcast3A_509, %and3A_515 : vector<16xi32>
        %bitcast3A_517 = vector.bitcast %and3A_516 : vector<16xi32> to vector<16xf32>
        %add3A_518 = arith.addf %add3A_500, %bitcast3A_513 : vector<16xf32>
        %add3A_519 = arith.addf %add3A_501, %bitcast3A_517 : vector<16xf32>
        %add3A_520 = arith.constant 3 : i32
        %add3A_521 = arith.addi %mul3A_247, %add3A_520 : i32
        %get3A_522 = arith.constant 0 : i32
        %get3A_523 = arith.index_cast %get3A_522 : i32 to index
        %get3A_524 = arith.index_cast %add3A_521 : i32 to index
        %get3A_525 = arith.constant 80 : index
        %get3A_526 = tpu.vector_load %arg6[%get3A_523, %get3A_524, %get3A_525] {strides = array<i32>} : memref<3x128x128xf32, #tpu.memory_space<vmem>>, vector<16xf32>,
        %bitcast3A_527 = vector.bitcast %get3A_526 : vector<16xf32> to vector<16xi32>
        %shift_left3A_528 = arith.constant 16 : i32
        %shift_left3A_529 = vector.broadcast %shift_left3A_528 : i32 to vector<16xi32>
        %shift_left3A_530 = arith.shli %bitcast3A_527, %shift_left3A_529 : vector<16xi32>
        %bitcast3A_531 = vector.bitcast %shift_left3A_530 : vector<16xi32> to vector<16xf32>
        %and3A_532 = arith.constant -65536 : i32
        %and3A_533 = vector.broadcast %and3A_532 : i32 to vector<16xi32>
        %and3A_534 = arith.andi %bitcast3A_527, %and3A_533 : vector<16xi32>
        %bitcast3A_535 = vector.bitcast %and3A_534 : vector<16xi32> to vector<16xf32>
        %add3A_536 = arith.addf %add3A_518, %bitcast3A_531 : vector<16xf32>
        %add3A_537 = arith.addf %add3A_519, %bitcast3A_535 : vector<16xf32>
        %bitcast3A_538 = vector.bitcast %add3A_536 : vector<16xf32> to vector<16xi32>
        %add3A_539 = arith.constant 32768 : i32
        %add3A_540 = vector.broadcast %add3A_539 : i32 to vector<16xi32>
        %add3A_541 = arith.addi %bitcast3A_538, %add3A_540 : vector<16xi32>
        %shift_right_logical3A_542 = arith.constant 16 : i32
        %shift_right_logical3A_543 = vector.broadcast %shift_right_logical3A_542 : i32 to vector<16xi32>
        %shift_right_logical3A_544 = arith.shrui %add3A_541, %shift_right_logical3A_543 : vector<16xi32>
        %bitcast3A_545 = vector.bitcast %add3A_537 : vector<16xf32> to vector<16xi32>
        %add3A_546 = arith.constant 32768 : i32
        %add3A_547 = vector.broadcast %add3A_546 : i32 to vector<16xi32>
        %add3A_548 = arith.addi %bitcast3A_545, %add3A_547 : vector<16xi32>
        %and3A_549 = arith.constant -65536 : i32
        %and3A_550 = vector.broadcast %and3A_549 : i32 to vector<16xi32>
        %and3A_551 = arith.andi %add3A_548, %and3A_550 : vector<16xi32>
        %or3A_552 = arith.ori %shift_right_logical3A_544, %and3A_551 : vector<16xi32>
        %bitcast3A_553 = vector.bitcast %or3A_552 : vector<16xi32> to vector<16xf32>
        %swap3A_554 = arith.constant 0 : i32
        %swap3A_555 = arith.index_cast %swap3A_554 : i32 to index
        %swap3A_556 = arith.index_cast %scan3A_245 : i32 to index
        %swap3A_557 = arith.constant 80 : index
        %swap3A_558 = tpu.vector_load %arg7[%swap3A_555, %swap3A_556, %swap3A_557] {strides = array<i32>} : memref<2x32x128xf32, #tpu.memory_space<vmem>>, vector<16xf32>,
        tpu.vector_store %arg7[%swap3A_555, %swap3A_556, %swap3A_557], %bitcast3A_553 {strides = array<i32>} : memref<2x32x128xf32, #tpu.memory_space<vmem>>, vector<16xf32>,
        %add3A_559 = arith.constant 0 : i32
        %add3A_560 = arith.addi %mul3A_247, %add3A_559 : i32
        %get3A_561 = arith.constant 0 : i32
        %get3A_562 = arith.index_cast %get3A_561 : i32 to index
        %get3A_563 = arith.index_cast %add3A_560 : i32 to index
        %get3A_564 = arith.constant 96 : index
        %get3A_565 = tpu.vector_load %arg6[%get3A_562, %get3A_563, %get3A_564] {strides = array<i32>} : memref<3x128x128xf32, #tpu.memory_space<vmem>>, vector<16xf32>,
        %bitcast3A_566 = vector.bitcast %get3A_565 : vector<16xf32> to vector<16xi32>
        %shift_left3A_567 = arith.constant 16 : i32
        %shift_left3A_568 = vector.broadcast %shift_left3A_567 : i32 to vector<16xi32>
        %shift_left3A_569 = arith.shli %bitcast3A_566, %shift_left3A_568 : vector<16xi32>
        %bitcast3A_570 = vector.bitcast %shift_left3A_569 : vector<16xi32> to vector<16xf32>
        %and3A_571 = arith.constant -65536 : i32
        %and3A_572 = vector.broadcast %and3A_571 : i32 to vector<16xi32>
        %and3A_573 = arith.andi %bitcast3A_566, %and3A_572 : vector<16xi32>
        %bitcast3A_574 = vector.bitcast %and3A_573 : vector<16xi32> to vector<16xf32>
        %add3A_575 = arith.constant 1 : i32
        %add3A_576 = arith.addi %mul3A_247, %add3A_575 : i32
        %get3A_577 = arith.constant 0 : i32
        %get3A_578 = arith.index_cast %get3A_577 : i32 to index
        %get3A_579 = arith.index_cast %add3A_576 : i32 to index
        %get3A_580 = arith.constant 96 : index
        %get3A_581 = tpu.vector_load %arg6[%get3A_578, %get3A_579, %get3A_580] {strides = array<i32>} : memref<3x128x128xf32, #tpu.memory_space<vmem>>, vector<16xf32>,
        %bitcast3A_582 = vector.bitcast %get3A_581 : vector<16xf32> to vector<16xi32>
        %shift_left3A_583 = arith.constant 16 : i32
        %shift_left3A_584 = vector.broadcast %shift_left3A_583 : i32 to vector<16xi32>
        %shift_left3A_585 = arith.shli %bitcast3A_582, %shift_left3A_584 : vector<16xi32>
        %bitcast3A_586 = vector.bitcast %shift_left3A_585 : vector<16xi32> to vector<16xf32>
        %and3A_587 = arith.constant -65536 : i32
        %and3A_588 = vector.broadcast %and3A_587 : i32 to vector<16xi32>
        %and3A_589 = arith.andi %bitcast3A_582, %and3A_588 : vector<16xi32>
        %bitcast3A_590 = vector.bitcast %and3A_589 : vector<16xi32> to vector<16xf32>
        %add3A_591 = arith.addf %bitcast3A_570, %bitcast3A_586 : vector<16xf32>
        %add3A_592 = arith.addf %bitcast3A_574, %bitcast3A_590 : vector<16xf32>
        %add3A_593 = arith.constant 2 : i32
        %add3A_594 = arith.addi %mul3A_247, %add3A_593 : i32
        %get3A_595 = arith.constant 0 : i32
        %get3A_596 = arith.index_cast %get3A_595 : i32 to index
        %get3A_597 = arith.index_cast %add3A_594 : i32 to index
        %get3A_598 = arith.constant 96 : index
        %get3A_599 = tpu.vector_load %arg6[%get3A_596, %get3A_597, %get3A_598] {strides = array<i32>} : memref<3x128x128xf32, #tpu.memory_space<vmem>>, vector<16xf32>,
        %bitcast3A_600 = vector.bitcast %get3A_599 : vector<16xf32> to vector<16xi32>
        %shift_left3A_601 = arith.constant 16 : i32
        %shift_left3A_602 = vector.broadcast %shift_left3A_601 : i32 to vector<16xi32>
        %shift_left3A_603 = arith.shli %bitcast3A_600, %shift_left3A_602 : vector<16xi32>
        %bitcast3A_604 = vector.bitcast %shift_left3A_603 : vector<16xi32> to vector<16xf32>
        %and3A_605 = arith.constant -65536 : i32
        %and3A_606 = vector.broadcast %and3A_605 : i32 to vector<16xi32>
        %and3A_607 = arith.andi %bitcast3A_600, %and3A_606 : vector<16xi32>
        %bitcast3A_608 = vector.bitcast %and3A_607 : vector<16xi32> to vector<16xf32>
        %add3A_609 = arith.addf %add3A_591, %bitcast3A_604 : vector<16xf32>
        %add3A_610 = arith.addf %add3A_592, %bitcast3A_608 : vector<16xf32>
        %add3A_611 = arith.constant 3 : i32
        %add3A_612 = arith.addi %mul3A_247, %add3A_611 : i32
        %get3A_613 = arith.constant 0 : i32
        %get3A_614 = arith.index_cast %get3A_613 : i32 to index
        %get3A_615 = arith.index_cast %add3A_612 : i32 to index
        %get3A_616 = arith.constant 96 : index
        %get3A_617 = tpu.vector_load %arg6[%get3A_614, %get3A_615, %get3A_616] {strides = array<i32>} : memref<3x128x128xf32, #tpu.memory_space<vmem>>, vector<16xf32>,
        %bitcast3A_618 = vector.bitcast %get3A_617 : vector<16xf32> to vector<16xi32>
        %shift_left3A_619 = arith.constant 16 : i32
        %shift_left3A_620 = vector.broadcast %shift_left3A_619 : i32 to vector<16xi32>
        %shift_left3A_621 = arith.shli %bitcast3A_618, %shift_left3A_620 : vector<16xi32>
        %bitcast3A_622 = vector.bitcast %shift_left3A_621 : vector<16xi32> to vector<16xf32>
        %and3A_623 = arith.constant -65536 : i32
        %and3A_624 = vector.broadcast %and3A_623 : i32 to vector<16xi32>
        %and3A_625 = arith.andi %bitcast3A_618, %and3A_624 : vector<16xi32>
        %bitcast3A_626 = vector.bitcast %and3A_625 : vector<16xi32> to vector<16xf32>
        %add3A_627 = arith.addf %add3A_609, %bitcast3A_622 : vector<16xf32>
        %add3A_628 = arith.addf %add3A_610, %bitcast3A_626 : vector<16xf32>
        %bitcast3A_629 = vector.bitcast %add3A_627 : vector<16xf32> to vector<16xi32>
        %add3A_630 = arith.constant 32768 : i32
        %add3A_631 = vector.broadcast %add3A_630 : i32 to vector<16xi32>
        %add3A_632 = arith.addi %bitcast3A_629, %add3A_631 : vector<16xi32>
        %shift_right_logical3A_633 = arith.constant 16 : i32
        %shift_right_logical3A_634 = vector.broadcast %shift_right_logical3A_633 : i32 to vector<16xi32>
        %shift_right_logical3A_635 = arith.shrui %add3A_632, %shift_right_logical3A_634 : vector<16xi32>
        %bitcast3A_636 = vector.bitcast %add3A_628 : vector<16xf32> to vector<16xi32>
        %add3A_637 = arith.constant 32768 : i32
        %add3A_638 = vector.broadcast %add3A_637 : i32 to vector<16xi32>
        %add3A_639 = arith.addi %bitcast3A_636, %add3A_638 : vector<16xi32>
        %and3A_640 = arith.constant -65536 : i32
        %and3A_641 = vector.broadcast %and3A_640 : i32 to vector<16xi32>
        %and3A_642 = arith.andi %add3A_639, %and3A_641 : vector<16xi32>
        %or3A_643 = arith.ori %shift_right_logical3A_635, %and3A_642 : vector<16xi32>
        %bitcast3A_644 = vector.bitcast %or3A_643 : vector<16xi32> to vector<16xf32>
        %swap3A_645 = arith.constant 0 : i32
        %swap3A_646 = arith.index_cast %swap3A_645 : i32 to index
        %swap3A_647 = arith.index_cast %scan3A_245 : i32 to index
        %swap3A_648 = arith.constant 96 : index
        %swap3A_649 = tpu.vector_load %arg7[%swap3A_646, %swap3A_647, %swap3A_648] {strides = array<i32>} : memref<2x32x128xf32, #tpu.memory_space<vmem>>, vector<16xf32>,
        tpu.vector_store %arg7[%swap3A_646, %swap3A_647, %swap3A_648], %bitcast3A_644 {strides = array<i32>} : memref<2x32x128xf32, #tpu.memory_space<vmem>>, vector<16xf32>,
        %add3A_650 = arith.constant 0 : i32
        %add3A_651 = arith.addi %mul3A_247, %add3A_650 : i32
        %get3A_652 = arith.constant 0 : i32
        %get3A_653 = arith.index_cast %get3A_652 : i32 to index
        %get3A_654 = arith.index_cast %add3A_651 : i32 to index
        %get3A_655 = arith.constant 112 : index
        %get3A_656 = tpu.vector_load %arg6[%get3A_653, %get3A_654, %get3A_655] {strides = array<i32>} : memref<3x128x128xf32, #tpu.memory_space<vmem>>, vector<16xf32>,
        %bitcast3A_657 = vector.bitcast %get3A_656 : vector<16xf32> to vector<16xi32>
        %shift_left3A_658 = arith.constant 16 : i32
        %shift_left3A_659 = vector.broadcast %shift_left3A_658 : i32 to vector<16xi32>
        %shift_left3A_660 = arith.shli %bitcast3A_657, %shift_left3A_659 : vector<16xi32>
        %bitcast3A_661 = vector.bitcast %shift_left3A_660 : vector<16xi32> to vector<16xf32>
        %and3A_662 = arith.constant -65536 : i32
        %and3A_663 = vector.broadcast %and3A_662 : i32 to vector<16xi32>
        %and3A_664 = arith.andi %bitcast3A_657, %and3A_663 : vector<16xi32>
        %bitcast3A_665 = vector.bitcast %and3A_664 : vector<16xi32> to vector<16xf32>
        %add3A_666 = arith.constant 1 : i32
        %add3A_667 = arith.addi %mul3A_247, %add3A_666 : i32
        %get3A_668 = arith.constant 0 : i32
        %get3A_669 = arith.index_cast %get3A_668 : i32 to index
        %get3A_670 = arith.index_cast %add3A_667 : i32 to index
        %get3A_671 = arith.constant 112 : index
        %get3A_672 = tpu.vector_load %arg6[%get3A_669, %get3A_670, %get3A_671] {strides = array<i32>} : memref<3x128x128xf32, #tpu.memory_space<vmem>>, vector<16xf32>,
        %bitcast3A_673 = vector.bitcast %get3A_672 : vector<16xf32> to vector<16xi32>
        %shift_left3A_674 = arith.constant 16 : i32
        %shift_left3A_675 = vector.broadcast %shift_left3A_674 : i32 to vector<16xi32>
        %shift_left3A_676 = arith.shli %bitcast3A_673, %shift_left3A_675 : vector<16xi32>
        %bitcast3A_677 = vector.bitcast %shift_left3A_676 : vector<16xi32> to vector<16xf32>
        %and3A_678 = arith.constant -65536 : i32
        %and3A_679 = vector.broadcast %and3A_678 : i32 to vector<16xi32>
        %and3A_680 = arith.andi %bitcast3A_673, %and3A_679 : vector<16xi32>
        %bitcast3A_681 = vector.bitcast %and3A_680 : vector<16xi32> to vector<16xf32>
        %add3A_682 = arith.addf %bitcast3A_661, %bitcast3A_677 : vector<16xf32>
        %add3A_683 = arith.addf %bitcast3A_665, %bitcast3A_681 : vector<16xf32>
        %add3A_684 = arith.constant 2 : i32
        %add3A_685 = arith.addi %mul3A_247, %add3A_684 : i32
        %get3A_686 = arith.constant 0 : i32
        %get3A_687 = arith.index_cast %get3A_686 : i32 to index
        %get3A_688 = arith.index_cast %add3A_685 : i32 to index
        %get3A_689 = arith.constant 112 : index
        %get3A_690 = tpu.vector_load %arg6[%get3A_687, %get3A_688, %get3A_689] {strides = array<i32>} : memref<3x128x128xf32, #tpu.memory_space<vmem>>, vector<16xf32>,
        %bitcast3A_691 = vector.bitcast %get3A_690 : vector<16xf32> to vector<16xi32>
        %shift_left3A_692 = arith.constant 16 : i32
        %shift_left3A_693 = vector.broadcast %shift_left3A_692 : i32 to vector<16xi32>
        %shift_left3A_694 = arith.shli %bitcast3A_691, %shift_left3A_693 : vector<16xi32>
        %bitcast3A_695 = vector.bitcast %shift_left3A_694 : vector<16xi32> to vector<16xf32>
        %and3A_696 = arith.constant -65536 : i32
        %and3A_697 = vector.broadcast %and3A_696 : i32 to vector<16xi32>
        %and3A_698 = arith.andi %bitcast3A_691, %and3A_697 : vector<16xi32>
        %bitcast3A_699 = vector.bitcast %and3A_698 : vector<16xi32> to vector<16xf32>
        %add3A_700 = arith.addf %add3A_682, %bitcast3A_695 : vector<16xf32>
        %add3A_701 = arith.addf %add3A_683, %bitcast3A_699 : vector<16xf32>
        %add3A_702 = arith.constant 3 : i32
        %add3A_703 = arith.addi %mul3A_247, %add3A_702 : i32
        %get3A_704 = arith.constant 0 : i32
        %get3A_705 = arith.index_cast %get3A_704 : i32 to index
        %get3A_706 = arith.index_cast %add3A_703 : i32 to index
        %get3A_707 = arith.constant 112 : index
        %get3A_708 = tpu.vector_load %arg6[%get3A_705, %get3A_706, %get3A_707] {strides = array<i32>} : memref<3x128x128xf32, #tpu.memory_space<vmem>>, vector<16xf32>,
        %bitcast3A_709 = vector.bitcast %get3A_708 : vector<16xf32> to vector<16xi32>
        %shift_left3A_710 = arith.constant 16 : i32
        %shift_left3A_711 = vector.broadcast %shift_left3A_710 : i32 to vector<16xi32>
        %shift_left3A_712 = arith.shli %bitcast3A_709, %shift_left3A_711 : vector<16xi32>
        %bitcast3A_713 = vector.bitcast %shift_left3A_712 : vector<16xi32> to vector<16xf32>
        %and3A_714 = arith.constant -65536 : i32
        %and3A_715 = vector.broadcast %and3A_714 : i32 to vector<16xi32>
        %and3A_716 = arith.andi %bitcast3A_709, %and3A_715 : vector<16xi32>
        %bitcast3A_717 = vector.bitcast %and3A_716 : vector<16xi32> to vector<16xf32>
        %add3A_718 = arith.addf %add3A_700, %bitcast3A_713 : vector<16xf32>
        %add3A_719 = arith.addf %add3A_701, %bitcast3A_717 : vector<16xf32>
        %bitcast3A_720 = vector.bitcast %add3A_718 : vector<16xf32> to vector<16xi32>
        %add3A_721 = arith.constant 32768 : i32
        %add3A_722 = vector.broadcast %add3A_721 : i32 to vector<16xi32>
        %add3A_723 = arith.addi %bitcast3A_720, %add3A_722 : vector<16xi32>
        %shift_right_logical3A_724 = arith.constant 16 : i32
        %shift_right_logical3A_725 = vector.broadcast %shift_right_logical3A_724 : i32 to vector<16xi32>
        %shift_right_logical3A_726 = arith.shrui %add3A_723, %shift_right_logical3A_725 : vector<16xi32>
        %bitcast3A_727 = vector.bitcast %add3A_719 : vector<16xf32> to vector<16xi32>
        %add3A_728 = arith.constant 32768 : i32
        %add3A_729 = vector.broadcast %add3A_728 : i32 to vector<16xi32>
        %add3A_730 = arith.addi %bitcast3A_727, %add3A_729 : vector<16xi32>
        %and3A_731 = arith.constant -65536 : i32
        %and3A_732 = vector.broadcast %and3A_731 : i32 to vector<16xi32>
        %and3A_733 = arith.andi %add3A_730, %and3A_732 : vector<16xi32>
        %or3A_734 = arith.ori %shift_right_logical3A_726, %and3A_733 : vector<16xi32>
        %bitcast3A_735 = vector.bitcast %or3A_734 : vector<16xi32> to vector<16xf32>
        %swap3A_736 = arith.constant 0 : i32
        %swap3A_737 = arith.index_cast %swap3A_736 : i32 to index
        %swap3A_738 = arith.index_cast %scan3A_245 : i32 to index
        %swap3A_739 = arith.constant 112 : index
        %swap3A_740 = tpu.vector_load %arg7[%swap3A_737, %swap3A_738, %swap3A_739] {strides = array<i32>} : memref<2x32x128xf32, #tpu.memory_space<vmem>>, vector<16xf32>,
        tpu.vector_store %arg7[%swap3A_737, %swap3A_738, %swap3A_739], %bitcast3A_735 {strides = array<i32>} : memref<2x32x128xf32, #tpu.memory_space<vmem>>, vector<16xf32>,
      }
      %scan3A_66 = arith.constant 32 : i32
      %add3A_67 = arith.constant 0 : i32
      %add3A_68 = arith.addi %add3A_14, %add3A_67 : i32
      %dma_start3A_69 = arith.constant 0 : i32
      %dma_start3A_70 = arith.constant 0 : i32
      %dma_start3A_71 = arith.constant 0 : i32
      %dma_start3A_72 = tpu.memref_slice %arg7[%dma_start3A_69, %dma_start3A_70, %dma_start3A_71] : memref<2x32x128xf32, #tpu.memory_space<vmem>> -> memref<1x32x128xf32, #tpu.memory_space<vmem>>
      %dma_start3A_73 = tpu.memref_squeeze %dma_start3A_72 : memref<1x32x128xf32, #tpu.memory_space<vmem>> -> memref<32x128xf32, #tpu.memory_space<vmem>>
      %dma_start3A_74 = arith.constant 0 : i32
      %dma_start3A_75 = tpu.memref_slice %arg4[%add3A_68, %dma_start3A_74] : memref<102400x128xf32, #tpu.memory_space<hbm>> -> memref<32x128xf32, #tpu.memory_space<hbm>>
      %dma_start3A_76 = arith.constant 0 : i32
      %dma_start3A_77 = tpu.memref_slice %arg4[%add3A_68, %dma_start3A_76] : memref<102400x128xf32, #tpu.memory_space<hbm>> -> memref<32x128xf32, #tpu.memory_space<hbm>>
      %dma_start3A_78 = arith.constant 0 : i32
      %dma_start3A_79 = arith.constant 0 : i32
      %dma_start3A_80 = tpu.memref_slice %arg7[%dma_start3A_69, %dma_start3A_78, %dma_start3A_79] : memref<2x32x128xf32, #tpu.memory_space<vmem>> -> memref<1x32x128xf32, #tpu.memory_space<vmem>>
      %dma_start3A_81 = tpu.memref_squeeze %dma_start3A_80 : memref<1x32x128xf32, #tpu.memory_space<vmem>> -> memref<32x128xf32, #tpu.memory_space<vmem>>
      tpu.enqueue_dma source(%dma_start3A_81 : memref<32x128xf32, #tpu.memory_space<vmem>>) target(%dma_start3A_77 : memref<32x128xf32, #tpu.memory_space<hbm>>) target_semaphore(%arg9 : memref<!tpu.dma_semaphore, #tpu.memory_space<semaphore_mem>>)
      %dma_start3A_82 = arith.constant 3 : i32
      %dma_start3A_83 = arith.constant 0 : i32
      %dma_start3A_84 = arith.constant 0 : i32
      %dma_start3A_85 = arith.constant 0 : i32
      %dma_start3A_86 = tpu.memref_slice %arg6[%dma_start3A_83, %dma_start3A_84, %dma_start3A_85] : memref<3x128x128xf32, #tpu.memory_space<vmem>> -> memref<1x128x128xf32, #tpu.memory_space<vmem>>
      %dma_start3A_87 = tpu.memref_squeeze %dma_start3A_86 : memref<1x128x128xf32, #tpu.memory_space<vmem>> -> memref<128x128xf32, #tpu.memory_space<vmem>>
      %dma_start3A_88 = arith.constant 0 : i32
      %dma_start3A_89 = tpu.memref_slice %arg5[%dma_start3A_82, %dma_start3A_88] : memref<4x128xi32, #tpu.memory_space<vmem>> -> memref<1x128xi32, #tpu.memory_space<vmem>>
      %dma_start3A_90 = tpu.memref_squeeze %dma_start3A_89 : memref<1x128xi32, #tpu.memory_space<vmem>> -> memref<128xi32, #tpu.memory_space<vmem>>
      %dma_start3A_91 = arith.constant 0 : i32
      %dma_start3A_92 = arith.constant 0 : i32
      %dma_start3A_93 = tpu.memref_slice %arg3[%dma_start3A_91, %dma_start3A_92] : memref<100000x128xf32, #tpu.memory_space<hbm>> -> memref<100000x128xf32, #tpu.memory_space<hbm>>
      tpu.enqueue_indirect_dma source(%dma_start3A_93 : memref<100000x128xf32, #tpu.memory_space<hbm>>) target(%dma_start3A_87 : memref<128x128xf32, #tpu.memory_space<vmem>>) offsets(%dma_start3A_90 : memref<128xi32, #tpu.memory_space<vmem>>) semaphore(%arg8 : memref<!tpu.dma_semaphore, #tpu.memory_space<semaphore_mem>>)
      %dma_wait3A_94 = arith.constant 1 : i32
      %dma_wait3A_95 = arith.constant 1 : i32
      %dma_wait3A_96 = arith.constant 0 : i32
      %dma_wait3A_97 = arith.constant 0 : i32
      %dma_wait3A_98 = tpu.memref_slice %arg6[%dma_wait3A_95, %dma_wait3A_96, %dma_wait3A_97] : memref<3x128x128xf32, #tpu.memory_space<vmem>> -> memref<1x128x128xf32, #tpu.memory_space<vmem>>
      %dma_wait3A_99 = tpu.memref_squeeze %dma_wait3A_98 : memref<1x128x128xf32, #tpu.memory_space<vmem>> -> memref<128x128xf32, #tpu.memory_space<vmem>>
      %dma_wait3A_100 = arith.constant 0 : i32
      %dma_wait3A_101 = tpu.memref_slice %arg5[%dma_wait3A_94, %dma_wait3A_100] : memref<4x128xi32, #tpu.memory_space<vmem>> -> memref<1x128xi32, #tpu.memory_space<vmem>>
      %dma_wait3A_102 = tpu.memref_squeeze %dma_wait3A_101 : memref<1x128xi32, #tpu.memory_space<vmem>> -> memref<128xi32, #tpu.memory_space<vmem>>
      %dma_wait3A_103 = arith.constant 0 : i32
      %dma_wait3A_104 = arith.constant 0 : i32
      %dma_wait3A_105 = tpu.memref_slice %arg3[%dma_wait3A_103, %dma_wait3A_104] : memref<100000x128xf32, #tpu.memory_space<hbm>> -> memref<100000x128xf32, #tpu.memory_space<hbm>>
      tpu.wait_indirect_dma semaphore(%arg8 : memref<!tpu.dma_semaphore, #tpu.memory_space<semaphore_mem>>) src(%dma_wait3A_105 : memref<100000x128xf32, #tpu.memory_space<hbm>>) dst(%dma_wait3A_99 : memref<128x128xf32, #tpu.memory_space<vmem>>)
      %scan3A_106 = arith.constant 0 : i32
      %scan3A_107 = arith.constant 0 : i32
      %scan3A_108 = arith.constant 32 : i32
      %scan3A_109 = arith.addi %scan3A_107, %scan3A_108 : i32
      %scan3A_110 = arith.constant 1 : i32
      scf.for %scan3A_245 = %scan3A_107 to %scan3A_109 step %scan3A_110  : i32 {
        %mul3A_246 = arith.constant 4 : i32
        %mul3A_247 = arith.muli %scan3A_245, %mul3A_246 : i32
        %get3A = arith.constant 1 : i32
        %get3A_248 = arith.index_cast %get3A : i32 to index
        %get3A_249 = arith.index_cast %mul3A_247 : i32 to index
        %get3A_250 = arith.constant 0 : index
        %get3A_251 = tpu.vector_load %arg6[%get3A_248, %get3A_249, %get3A_250] {strides = array<i32>} : memref<3x128x128xf32, #tpu.memory_space<vmem>>, vector<16xf32>,
        %add3A_252 = arith.constant 1 : i32
        %add3A_253 = arith.addi %mul3A_247, %add3A_252 : i32
        %get3A_254 = arith.constant 1 : i32
        %get3A_255 = arith.index_cast %get3A_254 : i32 to index
        %get3A_256 = arith.index_cast %add3A_253 : i32 to index
        %get3A_257 = arith.constant 0 : index
        %get3A_258 = tpu.vector_load %arg6[%get3A_255, %get3A_256, %get3A_257] {strides = array<i32>} : memref<3x128x128xf32, #tpu.memory_space<vmem>>, vector<16xf32>,
        %add3A_259 = arith.addf %get3A_251, %get3A_258 : vector<16xf32>
        %add3A_260 = arith.constant 2 : i32
        %add3A_261 = arith.addi %mul3A_247, %add3A_260 : i32
        %get3A_262 = arith.constant 1 : i32
        %get3A_263 = arith.index_cast %get3A_262 : i32 to index
        %get3A_264 = arith.index_cast %add3A_261 : i32 to index
        %get3A_265 = arith.constant 0 : index
        %get3A_266 = tpu.vector_load %arg6[%get3A_263, %get3A_264, %get3A_265] {strides = array<i32>} : memref<3x128x128xf32, #tpu.memory_space<vmem>>, vector<16xf32>,
        %add3A_267 = arith.addf %add3A_259, %get3A_266 : vector<16xf32>
        %add3A_268 = arith.constant 3 : i32
        %add3A_269 = arith.addi %mul3A_247, %add3A_268 : i32
        %get3A_270 = arith.constant 1 : i32
        %get3A_271 = arith.index_cast %get3A_270 : i32 to index
        %get3A_272 = arith.index_cast %add3A_269 : i32 to index
        %get3A_273 = arith.constant 0 : index
        %get3A_274 = tpu.vector_load %arg6[%get3A_271, %get3A_272, %get3A_273] {strides = array<i32>} : memref<3x128x128xf32, #tpu.memory_space<vmem>>, vector<16xf32>,
        %add3A_275 = arith.addf %add3A_267, %get3A_274 : vector<16xf32>
        %swap3A = arith.constant 1 : i32
        %swap3A_276 = arith.index_cast %swap3A : i32 to index
        %swap3A_277 = arith.index_cast %scan3A_245 : i32 to index
        %swap3A_278 = arith.constant 0 : index
        %swap3A_279 = tpu.vector_load %arg7[%swap3A_276, %swap3A_277, %swap3A_278] {strides = array<i32>} : memref<2x32x128xf32, #tpu.memory_space<vmem>>, vector<16xf32>,
        tpu.vector_store %arg7[%swap3A_276, %swap3A_277, %swap3A_278], %add3A_275 {strides = array<i32>} : memref<2x32x128xf32, #tpu.memory_space<vmem>>, vector<16xf32>,
        %get3A_280 = arith.constant 1 : i32
        %get3A_281 = arith.index_cast %get3A_280 : i32 to index
        %get3A_282 = arith.index_cast %mul3A_247 : i32 to index
        %get3A_283 = arith.constant 16 : index
        %get3A_284 = tpu.vector_load %arg6[%get3A_281, %get3A_282, %get3A_283] {strides = array<i32>} : memref<3x128x128xf32, #tpu.memory_space<vmem>>, vector<16xf32>,
        %add3A_285 = arith.constant 1 : i32
        %add3A_286 = arith.addi %mul3A_247, %add3A_285 : i32
        %get3A_287 = arith.constant 1 : i32
        %get3A_288 = arith.index_cast %get3A_287 : i32 to index
        %get3A_289 = arith.index_cast %add3A_286 : i32 to index
        %get3A_290 = arith.constant 16 : index
        %get3A_291 = tpu.vector_load %arg6[%get3A_288, %get3A_289, %get3A_290] {strides = array<i32>} : memref<3x128x128xf32, #tpu.memory_space<vmem>>, vector<16xf32>,
        %add3A_292 = arith.addf %get3A_284, %get3A_291 : vector<16xf32>
        %add3A_293 = arith.constant 2 : i32
        %add3A_294 = arith.addi %mul3A_247, %add3A_293 : i32
        %get3A_295 = arith.constant 1 : i32
        %get3A_296 = arith.index_cast %get3A_295 : i32 to index
        %get3A_297 = arith.index_cast %add3A_294 : i32 to index
        %get3A_298 = arith.constant 16 : index
        %get3A_299 = tpu.vector_load %arg6[%get3A_296, %get3A_297, %get3A_298] {strides = array<i32>} : memref<3x128x128xf32, #tpu.memory_space<vmem>>, vector<16xf32>,
        %add3A_300 = arith.addf %add3A_292, %get3A_299 : vector<16xf32>
        %add3A_301 = arith.constant 3 : i32
        %add3A_302 = arith.addi %mul3A_247, %add3A_301 : i32
        %get3A_303 = arith.constant 1 : i32
        %get3A_304 = arith.index_cast %get3A_303 : i32 to index
        %get3A_305 = arith.index_cast %add3A_302 : i32 to index
        %get3A_306 = arith.constant 16 : index
        %get3A_307 = tpu.vector_load %arg6[%get3A_304, %get3A_305, %get3A_306] {strides = array<i32>} : memref<3x128x128xf32, #tpu.memory_space<vmem>>, vector<16xf32>,
        %add3A_308 = arith.addf %add3A_300, %get3A_307 : vector<16xf32>
        %swap3A_309 = arith.constant 1 : i32
        %swap3A_310 = arith.index_cast %swap3A_309 : i32 to index
        %swap3A_311 = arith.index_cast %scan3A_245 : i32 to index
        %swap3A_312 = arith.constant 16 : index
        %swap3A_313 = tpu.vector_load %arg7[%swap3A_310, %swap3A_311, %swap3A_312] {strides = array<i32>} : memref<2x32x128xf32, #tpu.memory_space<vmem>>, vector<16xf32>,
        tpu.vector_store %arg7[%swap3A_310, %swap3A_311, %swap3A_312], %add3A_308 {strides = array<i32>} : memref<2x32x128xf32, #tpu.memory_space<vmem>>, vector<16xf32>,
        %get3A_314 = arith.constant 1 : i32
        %get3A_315 = arith.index_cast %get3A_314 : i32 to index
        %get3A_316 = arith.index_cast %mul3A_247 : i32 to index
        %get3A_317 = arith.constant 32 : index
        %get3A_318 = tpu.vector_load %arg6[%get3A_315, %get3A_316, %get3A_317] {strides = array<i32>} : memref<3x128x128xf32, #tpu.memory_space<vmem>>, vector<16xf32>,
        %add3A_319 = arith.constant 1 : i32
        %add3A_320 = arith.addi %mul3A_247, %add3A_319 : i32
        %get3A_321 = arith.constant 1 : i32
        %get3A_322 = arith.index_cast %get3A_321 : i32 to index
        %get3A_323 = arith.index_cast %add3A_320 : i32 to index
        %get3A_324 = arith.constant 32 : index
        %get3A_325 = tpu.vector_load %arg6[%get3A_322, %get3A_323, %get3A_324] {strides = array<i32>} : memref<3x128x128xf32, #tpu.memory_space<vmem>>, vector<16xf32>,
        %add3A_326 = arith.addf %get3A_318, %get3A_325 : vector<16xf32>
        %add3A_327 = arith.constant 2 : i32
        %add3A_328 = arith.addi %mul3A_247, %add3A_327 : i32
        %get3A_329 = arith.constant 1 : i32
        %get3A_330 = arith.index_cast %get3A_329 : i32 to index
        %get3A_331 = arith.index_cast %add3A_328 : i32 to index
        %get3A_332 = arith.constant 32 : index
        %get3A_333 = tpu.vector_load %arg6[%get3A_330, %get3A_331, %get3A_332] {strides = array<i32>} : memref<3x128x128xf32, #tpu.memory_space<vmem>>, vector<16xf32>,
        %add3A_334 = arith.addf %add3A_326, %get3A_333 : vector<16xf32>
        %add3A_335 = arith.constant 3 : i32
        %add3A_336 = arith.addi %mul3A_247, %add3A_335 : i32
        %get3A_337 = arith.constant 1 : i32
        %get3A_338 = arith.index_cast %get3A_337 : i32 to index
        %get3A_339 = arith.index_cast %add3A_336 : i32 to index
        %get3A_340 = arith.constant 32 : index
        %get3A_341 = tpu.vector_load %arg6[%get3A_338, %get3A_339, %get3A_340] {strides = array<i32>} : memref<3x128x128xf32, #tpu.memory_space<vmem>>, vector<16xf32>,
        %add3A_342 = arith.addf %add3A_334, %get3A_341 : vector<16xf32>
        %swap3A_343 = arith.constant 1 : i32
        %swap3A_344 = arith.index_cast %swap3A_343 : i32 to index
        %swap3A_345 = arith.index_cast %scan3A_245 : i32 to index
        %swap3A_346 = arith.constant 32 : index
        %swap3A_347 = tpu.vector_load %arg7[%swap3A_344, %swap3A_345, %swap3A_346] {strides = array<i32>} : memref<2x32x128xf32, #tpu.memory_space<vmem>>, vector<16xf32>,
        tpu.vector_store %arg7[%swap3A_344, %swap3A_345, %swap3A_346], %add3A_342 {strides = array<i32>} : memref<2x32x128xf32, #tpu.memory_space<vmem>>, vector<16xf32>,
        %get3A_348 = arith.constant 1 : i32
        %get3A_349 = arith.index_cast %get3A_348 : i32 to index
        %get3A_350 = arith.index_cast %mul3A_247 : i32 to index
        %get3A_351 = arith.constant 48 : index
        %get3A_352 = tpu.vector_load %arg6[%get3A_349, %get3A_350, %get3A_351] {strides = array<i32>} : memref<3x128x128xf32, #tpu.memory_space<vmem>>, vector<16xf32>,
        %add3A_353 = arith.constant 1 : i32
        %add3A_354 = arith.addi %mul3A_247, %add3A_353 : i32
        %get3A_355 = arith.constant 1 : i32
        %get3A_356 = arith.index_cast %get3A_355 : i32 to index
        %get3A_357 = arith.index_cast %add3A_354 : i32 to index
        %get3A_358 = arith.constant 48 : index
        %get3A_359 = tpu.vector_load %arg6[%get3A_356, %get3A_357, %get3A_358] {strides = array<i32>} : memref<3x128x128xf32, #tpu.memory_space<vmem>>, vector<16xf32>,
        %add3A_360 = arith.addf %get3A_352, %get3A_359 : vector<16xf32>
        %add3A_361 = arith.constant 2 : i32
        %add3A_362 = arith.addi %mul3A_247, %add3A_361 : i32
        %get3A_363 = arith.constant 1 : i32
        %get3A_364 = arith.index_cast %get3A_363 : i32 to index
        %get3A_365 = arith.index_cast %add3A_362 : i32 to index
        %get3A_366 = arith.constant 48 : index
        %get3A_367 = tpu.vector_load %arg6[%get3A_364, %get3A_365, %get3A_366] {strides = array<i32>} : memref<3x128x128xf32, #tpu.memory_space<vmem>>, vector<16xf32>,
        %add3A_368 = arith.addf %add3A_360, %get3A_367 : vector<16xf32>
        %add3A_369 = arith.constant 3 : i32
        %add3A_370 = arith.addi %mul3A_247, %add3A_369 : i32
        %get3A_371 = arith.constant 1 : i32
        %get3A_372 = arith.index_cast %get3A_371 : i32 to index
        %get3A_373 = arith.index_cast %add3A_370 : i32 to index
        %get3A_374 = arith.constant 48 : index
        %get3A_375 = tpu.vector_load %arg6[%get3A_372, %get3A_373, %get3A_374] {strides = array<i32>} : memref<3x128x128xf32, #tpu.memory_space<vmem>>, vector<16xf32>,
        %add3A_376 = arith.addf %add3A_368, %get3A_375 : vector<16xf32>
        %swap3A_377 = arith.constant 1 : i32
        %swap3A_378 = arith.index_cast %swap3A_377 : i32 to index
        %swap3A_379 = arith.index_cast %scan3A_245 : i32 to index
        %swap3A_380 = arith.constant 48 : index
        %swap3A_381 = tpu.vector_load %arg7[%swap3A_378, %swap3A_379, %swap3A_380] {strides = array<i32>} : memref<2x32x128xf32, #tpu.memory_space<vmem>>, vector<16xf32>,
        tpu.vector_store %arg7[%swap3A_378, %swap3A_379, %swap3A_380], %add3A_376 {strides = array<i32>} : memref<2x32x128xf32, #tpu.memory_space<vmem>>, vector<16xf32>,
        %add3A_382 = arith.constant 0 : i32
        %add3A_383 = arith.addi %mul3A_247, %add3A_382 : i32
        %get3A_384 = arith.constant 1 : i32
        %get3A_385 = arith.index_cast %get3A_384 : i32 to index
        %get3A_386 = arith.index_cast %add3A_383 : i32 to index
        %get3A_387 = arith.constant 64 : index
        %get3A_388 = tpu.vector_load %arg6[%get3A_385, %get3A_386, %get3A_387] {strides = array<i32>} : memref<3x128x128xf32, #tpu.memory_space<vmem>>, vector<16xf32>,
        %bitcast3A = vector.bitcast %get3A_388 : vector<16xf32> to vector<16xi32>
        %shift_left3A = arith.constant 16 : i32
        %shift_left3A_389 = vector.broadcast %shift_left3A : i32 to vector<16xi32>
        %shift_left3A_390 = arith.shli %bitcast3A, %shift_left3A_389 : vector<16xi32>
        %bitcast3A_391 = vector.bitcast %shift_left3A_390 : vector<16xi32> to vector<16xf32>
        %and3A = arith.constant -65536 : i32
        %and3A_392 = vector.broadcast %and3A : i32 to vector<16xi32>
        %and3A_393 = arith.andi %bitcast3A, %and3A_392 : vector<16xi32>
        %bitcast3A_394 = vector.bitcast %and3A_393 : vector<16xi32> to vector<16xf32>
        %add3A_395 = arith.constant 1 : i32
        %add3A_396 = arith.addi %mul3A_247, %add3A_395 : i32
        %get3A_397 = arith.constant 1 : i32
        %get3A_398 = arith.index_cast %get3A_397 : i32 to index
        %get3A_399 = arith.index_cast %add3A_396 : i32 to index
        %get3A_400 = arith.constant 64 : index
        %get3A_401 = tpu.vector_load %arg6[%get3A_398, %get3A_399, %get3A_400] {strides = array<i32>} : memref<3x128x128xf32, #tpu.memory_space<vmem>>, vector<16xf32>,
        %bitcast3A_402 = vector.bitcast %get3A_401 : vector<16xf32> to vector<16xi32>
        %shift_left3A_403 = arith.constant 16 : i32
        %shift_left3A_404 = vector.broadcast %shift_left3A_403 : i32 to vector<16xi32>
        %shift_left3A_405 = arith.shli %bitcast3A_402, %shift_left3A_404 : vector<16xi32>
        %bitcast3A_406 = vector.bitcast %shift_left3A_405 : vector<16xi32> to vector<16xf32>
        %and3A_407 = arith.constant -65536 : i32
        %and3A_408 = vector.broadcast %and3A_407 : i32 to vector<16xi32>
        %and3A_409 = arith.andi %bitcast3A_402, %and3A_408 : vector<16xi32>
        %bitcast3A_410 = vector.bitcast %and3A_409 : vector<16xi32> to vector<16xf32>
        %add3A_411 = arith.addf %bitcast3A_391, %bitcast3A_406 : vector<16xf32>
        %add3A_412 = arith.addf %bitcast3A_394, %bitcast3A_410 : vector<16xf32>
        %add3A_413 = arith.constant 2 : i32
        %add3A_414 = arith.addi %mul3A_247, %add3A_413 : i32
        %get3A_415 = arith.constant 1 : i32
        %get3A_416 = arith.index_cast %get3A_415 : i32 to index
        %get3A_417 = arith.index_cast %add3A_414 : i32 to index
        %get3A_418 = arith.constant 64 : index
        %get3A_419 = tpu.vector_load %arg6[%get3A_416, %get3A_417, %get3A_418] {strides = array<i32>} : memref<3x128x128xf32, #tpu.memory_space<vmem>>, vector<16xf32>,
        %bitcast3A_420 = vector.bitcast %get3A_419 : vector<16xf32> to vector<16xi32>
        %shift_left3A_421 = arith.constant 16 : i32
        %shift_left3A_422 = vector.broadcast %shift_left3A_421 : i32 to vector<16xi32>
        %shift_left3A_423 = arith.shli %bitcast3A_420, %shift_left3A_422 : vector<16xi32>
        %bitcast3A_424 = vector.bitcast %shift_left3A_423 : vector<16xi32> to vector<16xf32>
        %and3A_425 = arith.constant -65536 : i32
        %and3A_426 = vector.broadcast %and3A_425 : i32 to vector<16xi32>
        %and3A_427 = arith.andi %bitcast3A_420, %and3A_426 : vector<16xi32>
        %bitcast3A_428 = vector.bitcast %and3A_427 : vector<16xi32> to vector<16xf32>
        %add3A_429 = arith.addf %add3A_411, %bitcast3A_424 : vector<16xf32>
        %add3A_430 = arith.addf %add3A_412, %bitcast3A_428 : vector<16xf32>
        %add3A_431 = arith.constant 3 : i32
        %add3A_432 = arith.addi %mul3A_247, %add3A_431 : i32
        %get3A_433 = arith.constant 1 : i32
        %get3A_434 = arith.index_cast %get3A_433 : i32 to index
        %get3A_435 = arith.index_cast %add3A_432 : i32 to index
        %get3A_436 = arith.constant 64 : index
        %get3A_437 = tpu.vector_load %arg6[%get3A_434, %get3A_435, %get3A_436] {strides = array<i32>} : memref<3x128x128xf32, #tpu.memory_space<vmem>>, vector<16xf32>,
        %bitcast3A_438 = vector.bitcast %get3A_437 : vector<16xf32> to vector<16xi32>
        %shift_left3A_439 = arith.constant 16 : i32
        %shift_left3A_440 = vector.broadcast %shift_left3A_439 : i32 to vector<16xi32>
        %shift_left3A_441 = arith.shli %bitcast3A_438, %shift_left3A_440 : vector<16xi32>
        %bitcast3A_442 = vector.bitcast %shift_left3A_441 : vector<16xi32> to vector<16xf32>
        %and3A_443 = arith.constant -65536 : i32
        %and3A_444 = vector.broadcast %and3A_443 : i32 to vector<16xi32>
        %and3A_445 = arith.andi %bitcast3A_438, %and3A_444 : vector<16xi32>
        %bitcast3A_446 = vector.bitcast %and3A_445 : vector<16xi32> to vector<16xf32>
        %add3A_447 = arith.addf %add3A_429, %bitcast3A_442 : vector<16xf32>
        %add3A_448 = arith.addf %add3A_430, %bitcast3A_446 : vector<16xf32>
        %bitcast3A_449 = vector.bitcast %add3A_447 : vector<16xf32> to vector<16xi32>
        %add3A_450 = arith.constant 32768 : i32
        %add3A_451 = vector.broadcast %add3A_450 : i32 to vector<16xi32>
        %add3A_452 = arith.addi %bitcast3A_449, %add3A_451 : vector<16xi32>
        %shift_right_logical3A = arith.constant 16 : i32
        %shift_right_logical3A_453 = vector.broadcast %shift_right_logical3A : i32 to vector<16xi32>
        %shift_right_logical3A_454 = arith.shrui %add3A_452, %shift_right_logical3A_453 : vector<16xi32>
        %bitcast3A_455 = vector.bitcast %add3A_448 : vector<16xf32> to vector<16xi32>
        %add3A_456 = arith.constant 32768 : i32
        %add3A_457 = vector.broadcast %add3A_456 : i32 to vector<16xi32>
        %add3A_458 = arith.addi %bitcast3A_455, %add3A_457 : vector<16xi32>
        %and3A_459 = arith.constant -65536 : i32
        %and3A_460 = vector.broadcast %and3A_459 : i32 to vector<16xi32>
        %and3A_461 = arith.andi %add3A_458, %and3A_460 : vector<16xi32>
        %or3A = arith.ori %shift_right_logical3A_454, %and3A_461 : vector<16xi32>
        %bitcast3A_462 = vector.bitcast %or3A : vector<16xi32> to vector<16xf32>
        %swap3A_463 = arith.constant 1 : i32
        %swap3A_464 = arith.index_cast %swap3A_463 : i32 to index
        %swap3A_465 = arith.index_cast %scan3A_245 : i32 to index
        %swap3A_466 = arith.constant 64 : index
        %swap3A_467 = tpu.vector_load %arg7[%swap3A_464, %swap3A_465, %swap3A_466] {strides = array<i32>} : memref<2x32x128xf32, #tpu.memory_space<vmem>>, vector<16xf32>,
        tpu.vector_store %arg7[%swap3A_464, %swap3A_465, %swap3A_466], %bitcast3A_462 {strides = array<i32>} : memref<2x32x128xf32, #tpu.memory_space<vmem>>, vector<16xf32>,
        %add3A_468 = arith.constant 0 : i32
        %add3A_469 = arith.addi %mul3A_247, %add3A_468 : i32
        %get3A_470 = arith.constant 1 : i32
        %get3A_471 = arith.index_cast %get3A_470 : i32 to index
        %get3A_472 = arith.index_cast %add3A_469 : i32 to index
        %get3A_473 = arith.constant 80 : index
        %get3A_474 = tpu.vector_load %arg6[%get3A_471, %get3A_472, %get3A_473] {strides = array<i32>} : memref<3x128x128xf32, #tpu.memory_space<vmem>>, vector<16xf32>,
        %bitcast3A_475 = vector.bitcast %get3A_474 : vector<16xf32> to vector<16xi32>
        %shift_left3A_476 = arith.constant 16 : i32
        %shift_left3A_477 = vector.broadcast %shift_left3A_476 : i32 to vector<16xi32>
        %shift_left3A_478 = arith.shli %bitcast3A_475, %shift_left3A_477 : vector<16xi32>
        %bitcast3A_479 = vector.bitcast %shift_left3A_478 : vector<16xi32> to vector<16xf32>
        %and3A_480 = arith.constant -65536 : i32
        %and3A_481 = vector.broadcast %and3A_480 : i32 to vector<16xi32>
        %and3A_482 = arith.andi %bitcast3A_475, %and3A_481 : vector<16xi32>
        %bitcast3A_483 = vector.bitcast %and3A_482 : vector<16xi32> to vector<16xf32>
        %add3A_484 = arith.constant 1 : i32
        %add3A_485 = arith.addi %mul3A_247, %add3A_484 : i32
        %get3A_486 = arith.constant 1 : i32
        %get3A_487 = arith.index_cast %get3A_486 : i32 to index
        %get3A_488 = arith.index_cast %add3A_485 : i32 to index
        %get3A_489 = arith.constant 80 : index
        %get3A_490 = tpu.vector_load %arg6[%get3A_487, %get3A_488, %get3A_489] {strides = array<i32>} : memref<3x128x128xf32, #tpu.memory_space<vmem>>, vector<16xf32>,
        %bitcast3A_491 = vector.bitcast %get3A_490 : vector<16xf32> to vector<16xi32>
        %shift_left3A_492 = arith.constant 16 : i32
        %shift_left3A_493 = vector.broadcast %shift_left3A_492 : i32 to vector<16xi32>
        %shift_left3A_494 = arith.shli %bitcast3A_491, %shift_left3A_493 : vector<16xi32>
        %bitcast3A_495 = vector.bitcast %shift_left3A_494 : vector<16xi32> to vector<16xf32>
        %and3A_496 = arith.constant -65536 : i32
        %and3A_497 = vector.broadcast %and3A_496 : i32 to vector<16xi32>
        %and3A_498 = arith.andi %bitcast3A_491, %and3A_497 : vector<16xi32>
        %bitcast3A_499 = vector.bitcast %and3A_498 : vector<16xi32> to vector<16xf32>
        %add3A_500 = arith.addf %bitcast3A_479, %bitcast3A_495 : vector<16xf32>
        %add3A_501 = arith.addf %bitcast3A_483, %bitcast3A_499 : vector<16xf32>
        %add3A_502 = arith.constant 2 : i32
        %add3A_503 = arith.addi %mul3A_247, %add3A_502 : i32
        %get3A_504 = arith.constant 1 : i32
        %get3A_505 = arith.index_cast %get3A_504 : i32 to index
        %get3A_506 = arith.index_cast %add3A_503 : i32 to index
        %get3A_507 = arith.constant 80 : index
        %get3A_508 = tpu.vector_load %arg6[%get3A_505, %get3A_506, %get3A_507] {strides = array<i32>} : memref<3x128x128xf32, #tpu.memory_space<vmem>>, vector<16xf32>,
        %bitcast3A_509 = vector.bitcast %get3A_508 : vector<16xf32> to vector<16xi32>
        %shift_left3A_510 = arith.constant 16 : i32
        %shift_left3A_511 = vector.broadcast %shift_left3A_510 : i32 to vector<16xi32>
        %shift_left3A_512 = arith.shli %bitcast3A_509, %shift_left3A_511 : vector<16xi32>
        %bitcast3A_513 = vector.bitcast %shift_left3A_512 : vector<16xi32> to vector<16xf32>
        %and3A_514 = arith.constant -65536 : i32
        %and3A_515 = vector.broadcast %and3A_514 : i32 to vector<16xi32>
        %and3A_516 = arith.andi %bitcast3A_509, %and3A_515 : vector<16xi32>
        %bitcast3A_517 = vector.bitcast %and3A_516 : vector<16xi32> to vector<16xf32>
        %add3A_518 = arith.addf %add3A_500, %bitcast3A_513 : vector<16xf32>
        %add3A_519 = arith.addf %add3A_501, %bitcast3A_517 : vector<16xf32>
        %add3A_520 = arith.constant 3 : i32
        %add3A_521 = arith.addi %mul3A_247, %add3A_520 : i32
        %get3A_522 = arith.constant 1 : i32
        %get3A_523 = arith.index_cast %get3A_522 : i32 to index
        %get3A_524 = arith.index_cast %add3A_521 : i32 to index
        %get3A_525 = arith.constant 80 : index
        %get3A_526 = tpu.vector_load %arg6[%get3A_523, %get3A_524, %get3A_525] {strides = array<i32>} : memref<3x128x128xf32, #tpu.memory_space<vmem>>, vector<16xf32>,
        %bitcast3A_527 = vector.bitcast %get3A_526 : vector<16xf32> to vector<16xi32>
        %shift_left3A_528 = arith.constant 16 : i32
        %shift_left3A_529 = vector.broadcast %shift_left3A_528 : i32 to vector<16xi32>
        %shift_left3A_530 = arith.shli %bitcast3A_527, %shift_left3A_529 : vector<16xi32>
        %bitcast3A_531 = vector.bitcast %shift_left3A_530 : vector<16xi32> to vector<16xf32>
        %and3A_532 = arith.constant -65536 : i32
        %and3A_533 = vector.broadcast %and3A_532 : i32 to vector<16xi32>
        %and3A_534 = arith.andi %bitcast3A_527, %and3A_533 : vector<16xi32>
        %bitcast3A_535 = vector.bitcast %and3A_534 : vector<16xi32> to vector<16xf32>
        %add3A_536 = arith.addf %add3A_518, %bitcast3A_531 : vector<16xf32>
        %add3A_537 = arith.addf %add3A_519, %bitcast3A_535 : vector<16xf32>
        %bitcast3A_538 = vector.bitcast %add3A_536 : vector<16xf32> to vector<16xi32>
        %add3A_539 = arith.constant 32768 : i32
        %add3A_540 = vector.broadcast %add3A_539 : i32 to vector<16xi32>
        %add3A_541 = arith.addi %bitcast3A_538, %add3A_540 : vector<16xi32>
        %shift_right_logical3A_542 = arith.constant 16 : i32
        %shift_right_logical3A_543 = vector.broadcast %shift_right_logical3A_542 : i32 to vector<16xi32>
        %shift_right_logical3A_544 = arith.shrui %add3A_541, %shift_right_logical3A_543 : vector<16xi32>
        %bitcast3A_545 = vector.bitcast %add3A_537 : vector<16xf32> to vector<16xi32>
        %add3A_546 = arith.constant 32768 : i32
        %add3A_547 = vector.broadcast %add3A_546 : i32 to vector<16xi32>
        %add3A_548 = arith.addi %bitcast3A_545, %add3A_547 : vector<16xi32>
        %and3A_549 = arith.constant -65536 : i32
        %and3A_550 = vector.broadcast %and3A_549 : i32 to vector<16xi32>
        %and3A_551 = arith.andi %add3A_548, %and3A_550 : vector<16xi32>
        %or3A_552 = arith.ori %shift_right_logical3A_544, %and3A_551 : vector<16xi32>
        %bitcast3A_553 = vector.bitcast %or3A_552 : vector<16xi32> to vector<16xf32>
        %swap3A_554 = arith.constant 1 : i32
        %swap3A_555 = arith.index_cast %swap3A_554 : i32 to index
        %swap3A_556 = arith.index_cast %scan3A_245 : i32 to index
        %swap3A_557 = arith.constant 80 : index
        %swap3A_558 = tpu.vector_load %arg7[%swap3A_555, %swap3A_556, %swap3A_557] {strides = array<i32>} : memref<2x32x128xf32, #tpu.memory_space<vmem>>, vector<16xf32>,
        tpu.vector_store %arg7[%swap3A_555, %swap3A_556, %swap3A_557], %bitcast3A_553 {strides = array<i32>} : memref<2x32x128xf32, #tpu.memory_space<vmem>>, vector<16xf32>,
        %add3A_559 = arith.constant 0 : i32
        %add3A_560 = arith.addi %mul3A_247, %add3A_559 : i32
        %get3A_561 = arith.constant 1 : i32
        %get3A_562 = arith.index_cast %get3A_561 : i32 to index
        %get3A_563 = arith.index_cast %add3A_560 : i32 to index
        %get3A_564 = arith.constant 96 : index
        %get3A_565 = tpu.vector_load %arg6[%get3A_562, %get3A_563, %get3A_564] {strides = array<i32>} : memref<3x128x128xf32, #tpu.memory_space<vmem>>, vector<16xf32>,
        %bitcast3A_566 = vector.bitcast %get3A_565 : vector<16xf32> to vector<16xi32>
        %shift_left3A_567 = arith.constant 16 : i32
        %shift_left3A_568 = vector.broadcast %shift_left3A_567 : i32 to vector<16xi32>
        %shift_left3A_569 = arith.shli %bitcast3A_566, %shift_left3A_568 : vector<16xi32>
        %bitcast3A_570 = vector.bitcast %shift_left3A_569 : vector<16xi32> to vector<16xf32>
        %and3A_571 = arith.constant -65536 : i32
        %and3A_572 = vector.broadcast %and3A_571 : i32 to vector<16xi32>
        %and3A_573 = arith.andi %bitcast3A_566, %and3A_572 : vector<16xi32>
        %bitcast3A_574 = vector.bitcast %and3A_573 : vector<16xi32> to vector<16xf32>
        %add3A_575 = arith.constant 1 : i32
        %add3A_576 = arith.addi %mul3A_247, %add3A_575 : i32
        %get3A_577 = arith.constant 1 : i32
        %get3A_578 = arith.index_cast %get3A_577 : i32 to index
        %get3A_579 = arith.index_cast %add3A_576 : i32 to index
        %get3A_580 = arith.constant 96 : index
        %get3A_581 = tpu.vector_load %arg6[%get3A_578, %get3A_579, %get3A_580] {strides = array<i32>} : memref<3x128x128xf32, #tpu.memory_space<vmem>>, vector<16xf32>,
        %bitcast3A_582 = vector.bitcast %get3A_581 : vector<16xf32> to vector<16xi32>
        %shift_left3A_583 = arith.constant 16 : i32
        %shift_left3A_584 = vector.broadcast %shift_left3A_583 : i32 to vector<16xi32>
        %shift_left3A_585 = arith.shli %bitcast3A_582, %shift_left3A_584 : vector<16xi32>
        %bitcast3A_586 = vector.bitcast %shift_left3A_585 : vector<16xi32> to vector<16xf32>
        %and3A_587 = arith.constant -65536 : i32
        %and3A_588 = vector.broadcast %and3A_587 : i32 to vector<16xi32>
        %and3A_589 = arith.andi %bitcast3A_582, %and3A_588 : vector<16xi32>
        %bitcast3A_590 = vector.bitcast %and3A_589 : vector<16xi32> to vector<16xf32>
        %add3A_591 = arith.addf %bitcast3A_570, %bitcast3A_586 : vector<16xf32>
        %add3A_592 = arith.addf %bitcast3A_574, %bitcast3A_590 : vector<16xf32>
        %add3A_593 = arith.constant 2 : i32
        %add3A_594 = arith.addi %mul3A_247, %add3A_593 : i32
        %get3A_595 = arith.constant 1 : i32
        %get3A_596 = arith.index_cast %get3A_595 : i32 to index
        %get3A_597 = arith.index_cast %add3A_594 : i32 to index
        %get3A_598 = arith.constant 96 : index
        %get3A_599 = tpu.vector_load %arg6[%get3A_596, %get3A_597, %get3A_598] {strides = array<i32>} : memref<3x128x128xf32, #tpu.memory_space<vmem>>, vector<16xf32>,
        %bitcast3A_600 = vector.bitcast %get3A_599 : vector<16xf32> to vector<16xi32>
        %shift_left3A_601 = arith.constant 16 : i32
        %shift_left3A_602 = vector.broadcast %shift_left3A_601 : i32 to vector<16xi32>
        %shift_left3A_603 = arith.shli %bitcast3A_600, %shift_left3A_602 : vector<16xi32>
        %bitcast3A_604 = vector.bitcast %shift_left3A_603 : vector<16xi32> to vector<16xf32>
        %and3A_605 = arith.constant -65536 : i32
        %and3A_606 = vector.broadcast %and3A_605 : i32 to vector<16xi32>
        %and3A_607 = arith.andi %bitcast3A_600, %and3A_606 : vector<16xi32>
        %bitcast3A_608 = vector.bitcast %and3A_607 : vector<16xi32> to vector<16xf32>
        %add3A_609 = arith.addf %add3A_591, %bitcast3A_604 : vector<16xf32>
        %add3A_610 = arith.addf %add3A_592, %bitcast3A_608 : vector<16xf32>
        %add3A_611 = arith.constant 3 : i32
        %add3A_612 = arith.addi %mul3A_247, %add3A_611 : i32
        %get3A_613 = arith.constant 1 : i32
        %get3A_614 = arith.index_cast %get3A_613 : i32 to index
        %get3A_615 = arith.index_cast %add3A_612 : i32 to index
        %get3A_616 = arith.constant 96 : index
        %get3A_617 = tpu.vector_load %arg6[%get3A_614, %get3A_615, %get3A_616] {strides = array<i32>} : memref<3x128x128xf32, #tpu.memory_space<vmem>>, vector<16xf32>,
        %bitcast3A_618 = vector.bitcast %get3A_617 : vector<16xf32> to vector<16xi32>
        %shift_left3A_619 = arith.constant 16 : i32
        %shift_left3A_620 = vector.broadcast %shift_left3A_619 : i32 to vector<16xi32>
        %shift_left3A_621 = arith.shli %bitcast3A_618, %shift_left3A_620 : vector<16xi32>
        %bitcast3A_622 = vector.bitcast %shift_left3A_621 : vector<16xi32> to vector<16xf32>
        %and3A_623 = arith.constant -65536 : i32
        %and3A_624 = vector.broadcast %and3A_623 : i32 to vector<16xi32>
        %and3A_625 = arith.andi %bitcast3A_618, %and3A_624 : vector<16xi32>
        %bitcast3A_626 = vector.bitcast %and3A_625 : vector<16xi32> to vector<16xf32>
        %add3A_627 = arith.addf %add3A_609, %bitcast3A_622 : vector<16xf32>
        %add3A_628 = arith.addf %add3A_610, %bitcast3A_626 : vector<16xf32>
        %bitcast3A_629 = vector.bitcast %add3A_627 : vector<16xf32> to vector<16xi32>
        %add3A_630 = arith.constant 32768 : i32
        %add3A_631 = vector.broadcast %add3A_630 : i32 to vector<16xi32>
        %add3A_632 = arith.addi %bitcast3A_629, %add3A_631 : vector<16xi32>
        %shift_right_logical3A_633 = arith.constant 16 : i32
        %shift_right_logical3A_634 = vector.broadcast %shift_right_logical3A_633 : i32 to vector<16xi32>
        %shift_right_logical3A_635 = arith.shrui %add3A_632, %shift_right_logical3A_634 : vector<16xi32>
        %bitcast3A_636 = vector.bitcast %add3A_628 : vector<16xf32> to vector<16xi32>
        %add3A_637 = arith.constant 32768 : i32
        %add3A_638 = vector.broadcast %add3A_637 : i32 to vector<16xi32>
        %add3A_639 = arith.addi %bitcast3A_636, %add3A_638 : vector<16xi32>
        %and3A_640 = arith.constant -65536 : i32
        %and3A_641 = vector.broadcast %and3A_640 : i32 to vector<16xi32>
        %and3A_642 = arith.andi %add3A_639, %and3A_641 : vector<16xi32>
        %or3A_643 = arith.ori %shift_right_logical3A_635, %and3A_642 : vector<16xi32>
        %bitcast3A_644 = vector.bitcast %or3A_643 : vector<16xi32> to vector<16xf32>
        %swap3A_645 = arith.constant 1 : i32
        %swap3A_646 = arith.index_cast %swap3A_645 : i32 to index
        %swap3A_647 = arith.index_cast %scan3A_245 : i32 to index
        %swap3A_648 = arith.constant 96 : index
        %swap3A_649 = tpu.vector_load %arg7[%swap3A_646, %swap3A_647, %swap3A_648] {strides = array<i32>} : memref<2x32x128xf32, #tpu.memory_space<vmem>>, vector<16xf32>,
        tpu.vector_store %arg7[%swap3A_646, %swap3A_647, %swap3A_648], %bitcast3A_644 {strides = array<i32>} : memref<2x32x128xf32, #tpu.memory_space<vmem>>, vector<16xf32>,
        %add3A_650 = arith.constant 0 : i32
        %add3A_651 = arith.addi %mul3A_247, %add3A_650 : i32
        %get3A_652 = arith.constant 1 : i32
        %get3A_653 = arith.index_cast %get3A_652 : i32 to index
        %get3A_654 = arith.index_cast %add3A_651 : i32 to index
        %get3A_655 = arith.constant 112 : index
        %get3A_656 = tpu.vector_load %arg6[%get3A_653, %get3A_654, %get3A_655] {strides = array<i32>} : memref<3x128x128xf32, #tpu.memory_space<vmem>>, vector<16xf32>,
        %bitcast3A_657 = vector.bitcast %get3A_656 : vector<16xf32> to vector<16xi32>
        %shift_left3A_658 = arith.constant 16 : i32
        %shift_left3A_659 = vector.broadcast %shift_left3A_658 : i32 to vector<16xi32>
        %shift_left3A_660 = arith.shli %bitcast3A_657, %shift_left3A_659 : vector<16xi32>
        %bitcast3A_661 = vector.bitcast %shift_left3A_660 : vector<16xi32> to vector<16xf32>
        %and3A_662 = arith.constant -65536 : i32
        %and3A_663 = vector.broadcast %and3A_662 : i32 to vector<16xi32>
        %and3A_664 = arith.andi %bitcast3A_657, %and3A_663 : vector<16xi32>
        %bitcast3A_665 = vector.bitcast %and3A_664 : vector<16xi32> to vector<16xf32>
        %add3A_666 = arith.constant 1 : i32
        %add3A_667 = arith.addi %mul3A_247, %add3A_666 : i32
        %get3A_668 = arith.constant 1 : i32
        %get3A_669 = arith.index_cast %get3A_668 : i32 to index
        %get3A_670 = arith.index_cast %add3A_667 : i32 to index
        %get3A_671 = arith.constant 112 : index
        %get3A_672 = tpu.vector_load %arg6[%get3A_669, %get3A_670, %get3A_671] {strides = array<i32>} : memref<3x128x128xf32, #tpu.memory_space<vmem>>, vector<16xf32>,
        %bitcast3A_673 = vector.bitcast %get3A_672 : vector<16xf32> to vector<16xi32>
        %shift_left3A_674 = arith.constant 16 : i32
        %shift_left3A_675 = vector.broadcast %shift_left3A_674 : i32 to vector<16xi32>
        %shift_left3A_676 = arith.shli %bitcast3A_673, %shift_left3A_675 : vector<16xi32>
        %bitcast3A_677 = vector.bitcast %shift_left3A_676 : vector<16xi32> to vector<16xf32>
        %and3A_678 = arith.constant -65536 : i32
        %and3A_679 = vector.broadcast %and3A_678 : i32 to vector<16xi32>
        %and3A_680 = arith.andi %bitcast3A_673, %and3A_679 : vector<16xi32>
        %bitcast3A_681 = vector.bitcast %and3A_680 : vector<16xi32> to vector<16xf32>
        %add3A_682 = arith.addf %bitcast3A_661, %bitcast3A_677 : vector<16xf32>
        %add3A_683 = arith.addf %bitcast3A_665, %bitcast3A_681 : vector<16xf32>
        %add3A_684 = arith.constant 2 : i32
        %add3A_685 = arith.addi %mul3A_247, %add3A_684 : i32
        %get3A_686 = arith.constant 1 : i32
        %get3A_687 = arith.index_cast %get3A_686 : i32 to index
        %get3A_688 = arith.index_cast %add3A_685 : i32 to index
        %get3A_689 = arith.constant 112 : index
        %get3A_690 = tpu.vector_load %arg6[%get3A_687, %get3A_688, %get3A_689] {strides = array<i32>} : memref<3x128x128xf32, #tpu.memory_space<vmem>>, vector<16xf32>,
        %bitcast3A_691 = vector.bitcast %get3A_690 : vector<16xf32> to vector<16xi32>
        %shift_left3A_692 = arith.constant 16 : i32
        %shift_left3A_693 = vector.broadcast %shift_left3A_692 : i32 to vector<16xi32>
        %shift_left3A_694 = arith.shli %bitcast3A_691, %shift_left3A_693 : vector<16xi32>
        %bitcast3A_695 = vector.bitcast %shift_left3A_694 : vector<16xi32> to vector<16xf32>
        %and3A_696 = arith.constant -65536 : i32
        %and3A_697 = vector.broadcast %and3A_696 : i32 to vector<16xi32>
        %and3A_698 = arith.andi %bitcast3A_691, %and3A_697 : vector<16xi32>
        %bitcast3A_699 = vector.bitcast %and3A_698 : vector<16xi32> to vector<16xf32>
        %add3A_700 = arith.addf %add3A_682, %bitcast3A_695 : vector<16xf32>
        %add3A_701 = arith.addf %add3A_683, %bitcast3A_699 : vector<16xf32>
        %add3A_702 = arith.constant 3 : i32
        %add3A_703 = arith.addi %mul3A_247, %add3A_702 : i32
        %get3A_704 = arith.constant 1 : i32
        %get3A_705 = arith.index_cast %get3A_704 : i32 to index
        %get3A_706 = arith.index_cast %add3A_703 : i32 to index
        %get3A_707 = arith.constant 112 : index
        %get3A_708 = tpu.vector_load %arg6[%get3A_705, %get3A_706, %get3A_707] {strides = array<i32>} : memref<3x128x128xf32, #tpu.memory_space<vmem>>, vector<16xf32>,
        %bitcast3A_709 = vector.bitcast %get3A_708 : vector<16xf32> to vector<16xi32>
        %shift_left3A_710 = arith.constant 16 : i32
        %shift_left3A_711 = vector.broadcast %shift_left3A_710 : i32 to vector<16xi32>
        %shift_left3A_712 = arith.shli %bitcast3A_709, %shift_left3A_711 : vector<16xi32>
        %bitcast3A_713 = vector.bitcast %shift_left3A_712 : vector<16xi32> to vector<16xf32>
        %and3A_714 = arith.constant -65536 : i32
        %and3A_715 = vector.broadcast %and3A_714 : i32 to vector<16xi32>
        %and3A_716 = arith.andi %bitcast3A_709, %and3A_715 : vector<16xi32>
        %bitcast3A_717 = vector.bitcast %and3A_716 : vector<16xi32> to vector<16xf32>
        %add3A_718 = arith.addf %add3A_700, %bitcast3A_713 : vector<16xf32>
        %add3A_719 = arith.addf %add3A_701, %bitcast3A_717 : vector<16xf32>
        %bitcast3A_720 = vector.bitcast %add3A_718 : vector<16xf32> to vector<16xi32>
        %add3A_721 = arith.constant 32768 : i32
        %add3A_722 = vector.broadcast %add3A_721 : i32 to vector<16xi32>
        %add3A_723 = arith.addi %bitcast3A_720, %add3A_722 : vector<16xi32>
        %shift_right_logical3A_724 = arith.constant 16 : i32
        %shift_right_logical3A_725 = vector.broadcast %shift_right_logical3A_724 : i32 to vector<16xi32>
        %shift_right_logical3A_726 = arith.shrui %add3A_723, %shift_right_logical3A_725 : vector<16xi32>
        %bitcast3A_727 = vector.bitcast %add3A_719 : vector<16xf32> to vector<16xi32>
        %add3A_728 = arith.constant 32768 : i32
        %add3A_729 = vector.broadcast %add3A_728 : i32 to vector<16xi32>
        %add3A_730 = arith.addi %bitcast3A_727, %add3A_729 : vector<16xi32>
        %and3A_731 = arith.constant -65536 : i32
        %and3A_732 = vector.broadcast %and3A_731 : i32 to vector<16xi32>
        %and3A_733 = arith.andi %add3A_730, %and3A_732 : vector<16xi32>
        %or3A_734 = arith.ori %shift_right_logical3A_726, %and3A_733 : vector<16xi32>
        %bitcast3A_735 = vector.bitcast %or3A_734 : vector<16xi32> to vector<16xf32>
        %swap3A_736 = arith.constant 1 : i32
        %swap3A_737 = arith.index_cast %swap3A_736 : i32 to index
        %swap3A_738 = arith.index_cast %scan3A_245 : i32 to index
        %swap3A_739 = arith.constant 112 : index
        %swap3A_740 = tpu.vector_load %arg7[%swap3A_737, %swap3A_738, %swap3A_739] {strides = array<i32>} : memref<2x32x128xf32, #tpu.memory_space<vmem>>, vector<16xf32>,
        tpu.vector_store %arg7[%swap3A_737, %swap3A_738, %swap3A_739], %bitcast3A_735 {strides = array<i32>} : memref<2x32x128xf32, #tpu.memory_space<vmem>>, vector<16xf32>,
      }
      %scan3A_111 = arith.constant 32 : i32
      %add3A_112 = arith.constant 32 : i32
      %add3A_113 = arith.addi %add3A_14, %add3A_112 : i32
      %dma_start3A_114 = arith.constant 1 : i32
      %dma_start3A_115 = arith.constant 0 : i32
      %dma_start3A_116 = arith.constant 0 : i32
      %dma_start3A_117 = tpu.memref_slice %arg7[%dma_start3A_114, %dma_start3A_115, %dma_start3A_116] : memref<2x32x128xf32, #tpu.memory_space<vmem>> -> memref<1x32x128xf32, #tpu.memory_space<vmem>>
      %dma_start3A_118 = tpu.memref_squeeze %dma_start3A_117 : memref<1x32x128xf32, #tpu.memory_space<vmem>> -> memref<32x128xf32, #tpu.memory_space<vmem>>
      %dma_start3A_119 = arith.constant 0 : i32
      %dma_start3A_120 = tpu.memref_slice %arg4[%add3A_113, %dma_start3A_119] : memref<102400x128xf32, #tpu.memory_space<hbm>> -> memref<32x128xf32, #tpu.memory_space<hbm>>
      %dma_start3A_121 = arith.constant 0 : i32
      %dma_start3A_122 = tpu.memref_slice %arg4[%add3A_113, %dma_start3A_121] : memref<102400x128xf32, #tpu.memory_space<hbm>> -> memref<32x128xf32, #tpu.memory_space<hbm>>
      %dma_start3A_123 = arith.constant 0 : i32
      %dma_start3A_124 = arith.constant 0 : i32
      %dma_start3A_125 = tpu.memref_slice %arg7[%dma_start3A_114, %dma_start3A_123, %dma_start3A_124] : memref<2x32x128xf32, #tpu.memory_space<vmem>> -> memref<1x32x128xf32, #tpu.memory_space<vmem>>
      %dma_start3A_126 = tpu.memref_squeeze %dma_start3A_125 : memref<1x32x128xf32, #tpu.memory_space<vmem>> -> memref<32x128xf32, #tpu.memory_space<vmem>>
      tpu.enqueue_dma source(%dma_start3A_126 : memref<32x128xf32, #tpu.memory_space<vmem>>) target(%dma_start3A_122 : memref<32x128xf32, #tpu.memory_space<hbm>>) target_semaphore(%arg9 : memref<!tpu.dma_semaphore, #tpu.memory_space<semaphore_mem>>)
      %dma_wait3A_127 = arith.constant 2 : i32
      %dma_wait3A_128 = arith.constant 2 : i32
      %dma_wait3A_129 = arith.constant 0 : i32
      %dma_wait3A_130 = arith.constant 0 : i32
      %dma_wait3A_131 = tpu.memref_slice %arg6[%dma_wait3A_128, %dma_wait3A_129, %dma_wait3A_130] : memref<3x128x128xf32, #tpu.memory_space<vmem>> -> memref<1x128x128xf32, #tpu.memory_space<vmem>>
      %dma_wait3A_132 = tpu.memref_squeeze %dma_wait3A_131 : memref<1x128x128xf32, #tpu.memory_space<vmem>> -> memref<128x128xf32, #tpu.memory_space<vmem>>
      %dma_wait3A_133 = arith.constant 0 : i32
      %dma_wait3A_134 = tpu.memref_slice %arg5[%dma_wait3A_127, %dma_wait3A_133] : memref<4x128xi32, #tpu.memory_space<vmem>> -> memref<1x128xi32, #tpu.memory_space<vmem>>
      %dma_wait3A_135 = tpu.memref_squeeze %dma_wait3A_134 : memref<1x128xi32, #tpu.memory_space<vmem>> -> memref<128xi32, #tpu.memory_space<vmem>>
      %dma_wait3A_136 = arith.constant 0 : i32
      %dma_wait3A_137 = arith.constant 0 : i32
      %dma_wait3A_138 = tpu.memref_slice %arg3[%dma_wait3A_136, %dma_wait3A_137] : memref<100000x128xf32, #tpu.memory_space<hbm>> -> memref<100000x128xf32, #tpu.memory_space<hbm>>
      tpu.wait_indirect_dma semaphore(%arg8 : memref<!tpu.dma_semaphore, #tpu.memory_space<semaphore_mem>>) src(%dma_wait3A_138 : memref<100000x128xf32, #tpu.memory_space<hbm>>) dst(%dma_wait3A_132 : memref<128x128xf32, #tpu.memory_space<vmem>>)
      %dma_wait3A_139 = arith.constant 0 : i32
      %dma_wait3A_140 = arith.constant 0 : i32
      %dma_wait3A_141 = arith.constant 0 : i32
      %dma_wait3A_142 = tpu.memref_slice %arg7[%dma_wait3A_139, %dma_wait3A_140, %dma_wait3A_141] : memref<2x32x128xf32, #tpu.memory_space<vmem>> -> memref<1x32x128xf32, #tpu.memory_space<vmem>>
      %dma_wait3A_143 = tpu.memref_squeeze %dma_wait3A_142 : memref<1x32x128xf32, #tpu.memory_space<vmem>> -> memref<32x128xf32, #tpu.memory_space<vmem>>
      %dma_wait3A_144 = arith.constant 0 : i32
      %dma_wait3A_145 = tpu.memref_slice %arg4[%add3A_68, %dma_wait3A_144] : memref<102400x128xf32, #tpu.memory_space<hbm>> -> memref<32x128xf32, #tpu.memory_space<hbm>>
      %dma_wait3A_146 = arith.constant 0 : i32
      %dma_wait3A_147 = tpu.memref_slice %arg4[%add3A_68, %dma_wait3A_146] : memref<102400x128xf32, #tpu.memory_space<hbm>> -> memref<32x128xf32, #tpu.memory_space<hbm>>
      %dma_wait3A_148 = arith.constant 0 : i32
      %dma_wait3A_149 = arith.constant 0 : i32
      %dma_wait3A_150 = tpu.memref_slice %arg7[%dma_wait3A_139, %dma_wait3A_148, %dma_wait3A_149] : memref<2x32x128xf32, #tpu.memory_space<vmem>> -> memref<1x32x128xf32, #tpu.memory_space<vmem>>
      %dma_wait3A_151 = tpu.memref_squeeze %dma_wait3A_150 : memref<1x32x128xf32, #tpu.memory_space<vmem>> -> memref<32x128xf32, #tpu.memory_space<vmem>>
      tpu.wait_dma2 semaphore(%arg9 : memref<!tpu.dma_semaphore, #tpu.memory_space<semaphore_mem>>) src(%dma_wait3A_151 : memref<32x128xf32, #tpu.memory_space<vmem>>) dst(%dma_wait3A_147 : memref<32x128xf32, #tpu.memory_space<hbm>>)
      %scan3A_152 = arith.constant 0 : i32
      %scan3A_153 = arith.constant 0 : i32
      %scan3A_154 = arith.constant 32 : i32
      %scan3A_155 = arith.addi %scan3A_153, %scan3A_154 : i32
      %scan3A_156 = arith.constant 1 : i32
      scf.for %scan3A_245 = %scan3A_153 to %scan3A_155 step %scan3A_156  : i32 {
        %mul3A_246 = arith.constant 4 : i32
        %mul3A_247 = arith.muli %scan3A_245, %mul3A_246 : i32
        %get3A = arith.constant 2 : i32
        %get3A_248 = arith.index_cast %get3A : i32 to index
        %get3A_249 = arith.index_cast %mul3A_247 : i32 to index
        %get3A_250 = arith.constant 0 : index
        %get3A_251 = tpu.vector_load %arg6[%get3A_248, %get3A_249, %get3A_250] {strides = array<i32>} : memref<3x128x128xf32, #tpu.memory_space<vmem>>, vector<16xf32>,
        %add3A_252 = arith.constant 1 : i32
        %add3A_253 = arith.addi %mul3A_247, %add3A_252 : i32
        %get3A_254 = arith.constant 2 : i32
        %get3A_255 = arith.index_cast %get3A_254 : i32 to index
        %get3A_256 = arith.index_cast %add3A_253 : i32 to index
        %get3A_257 = arith.constant 0 : index
        %get3A_258 = tpu.vector_load %arg6[%get3A_255, %get3A_256, %get3A_257] {strides = array<i32>} : memref<3x128x128xf32, #tpu.memory_space<vmem>>, vector<16xf32>,
        %add3A_259 = arith.addf %get3A_251, %get3A_258 : vector<16xf32>
        %add3A_260 = arith.constant 2 : i32
        %add3A_261 = arith.addi %mul3A_247, %add3A_260 : i32
        %get3A_262 = arith.constant 2 : i32
        %get3A_263 = arith.index_cast %get3A_262 : i32 to index
        %get3A_264 = arith.index_cast %add3A_261 : i32 to index
        %get3A_265 = arith.constant 0 : index
        %get3A_266 = tpu.vector_load %arg6[%get3A_263, %get3A_264, %get3A_265] {strides = array<i32>} : memref<3x128x128xf32, #tpu.memory_space<vmem>>, vector<16xf32>,
        %add3A_267 = arith.addf %add3A_259, %get3A_266 : vector<16xf32>
        %add3A_268 = arith.constant 3 : i32
        %add3A_269 = arith.addi %mul3A_247, %add3A_268 : i32
        %get3A_270 = arith.constant 2 : i32
        %get3A_271 = arith.index_cast %get3A_270 : i32 to index
        %get3A_272 = arith.index_cast %add3A_269 : i32 to index
        %get3A_273 = arith.constant 0 : index
        %get3A_274 = tpu.vector_load %arg6[%get3A_271, %get3A_272, %get3A_273] {strides = array<i32>} : memref<3x128x128xf32, #tpu.memory_space<vmem>>, vector<16xf32>,
        %add3A_275 = arith.addf %add3A_267, %get3A_274 : vector<16xf32>
        %swap3A = arith.constant 0 : i32
        %swap3A_276 = arith.index_cast %swap3A : i32 to index
        %swap3A_277 = arith.index_cast %scan3A_245 : i32 to index
        %swap3A_278 = arith.constant 0 : index
        %swap3A_279 = tpu.vector_load %arg7[%swap3A_276, %swap3A_277, %swap3A_278] {strides = array<i32>} : memref<2x32x128xf32, #tpu.memory_space<vmem>>, vector<16xf32>,
        tpu.vector_store %arg7[%swap3A_276, %swap3A_277, %swap3A_278], %add3A_275 {strides = array<i32>} : memref<2x32x128xf32, #tpu.memory_space<vmem>>, vector<16xf32>,
        %get3A_280 = arith.constant 2 : i32
        %get3A_281 = arith.index_cast %get3A_280 : i32 to index
        %get3A_282 = arith.index_cast %mul3A_247 : i32 to index
        %get3A_283 = arith.constant 16 : index
        %get3A_284 = tpu.vector_load %arg6[%get3A_281, %get3A_282, %get3A_283] {strides = array<i32>} : memref<3x128x128xf32, #tpu.memory_space<vmem>>, vector<16xf32>,
        %add3A_285 = arith.constant 1 : i32
        %add3A_286 = arith.addi %mul3A_247, %add3A_285 : i32
        %get3A_287 = arith.constant 2 : i32
        %get3A_288 = arith.index_cast %get3A_287 : i32 to index
        %get3A_289 = arith.index_cast %add3A_286 : i32 to index
        %get3A_290 = arith.constant 16 : index
        %get3A_291 = tpu.vector_load %arg6[%get3A_288, %get3A_289, %get3A_290] {strides = array<i32>} : memref<3x128x128xf32, #tpu.memory_space<vmem>>, vector<16xf32>,
        %add3A_292 = arith.addf %get3A_284, %get3A_291 : vector<16xf32>
        %add3A_293 = arith.constant 2 : i32
        %add3A_294 = arith.addi %mul3A_247, %add3A_293 : i32
        %get3A_295 = arith.constant 2 : i32
        %get3A_296 = arith.index_cast %get3A_295 : i32 to index
        %get3A_297 = arith.index_cast %add3A_294 : i32 to index
        %get3A_298 = arith.constant 16 : index
        %get3A_299 = tpu.vector_load %arg6[%get3A_296, %get3A_297, %get3A_298] {strides = array<i32>} : memref<3x128x128xf32, #tpu.memory_space<vmem>>, vector<16xf32>,
        %add3A_300 = arith.addf %add3A_292, %get3A_299 : vector<16xf32>
        %add3A_301 = arith.constant 3 : i32
        %add3A_302 = arith.addi %mul3A_247, %add3A_301 : i32
        %get3A_303 = arith.constant 2 : i32
        %get3A_304 = arith.index_cast %get3A_303 : i32 to index
        %get3A_305 = arith.index_cast %add3A_302 : i32 to index
        %get3A_306 = arith.constant 16 : index
        %get3A_307 = tpu.vector_load %arg6[%get3A_304, %get3A_305, %get3A_306] {strides = array<i32>} : memref<3x128x128xf32, #tpu.memory_space<vmem>>, vector<16xf32>,
        %add3A_308 = arith.addf %add3A_300, %get3A_307 : vector<16xf32>
        %swap3A_309 = arith.constant 0 : i32
        %swap3A_310 = arith.index_cast %swap3A_309 : i32 to index
        %swap3A_311 = arith.index_cast %scan3A_245 : i32 to index
        %swap3A_312 = arith.constant 16 : index
        %swap3A_313 = tpu.vector_load %arg7[%swap3A_310, %swap3A_311, %swap3A_312] {strides = array<i32>} : memref<2x32x128xf32, #tpu.memory_space<vmem>>, vector<16xf32>,
        tpu.vector_store %arg7[%swap3A_310, %swap3A_311, %swap3A_312], %add3A_308 {strides = array<i32>} : memref<2x32x128xf32, #tpu.memory_space<vmem>>, vector<16xf32>,
        %get3A_314 = arith.constant 2 : i32
        %get3A_315 = arith.index_cast %get3A_314 : i32 to index
        %get3A_316 = arith.index_cast %mul3A_247 : i32 to index
        %get3A_317 = arith.constant 32 : index
        %get3A_318 = tpu.vector_load %arg6[%get3A_315, %get3A_316, %get3A_317] {strides = array<i32>} : memref<3x128x128xf32, #tpu.memory_space<vmem>>, vector<16xf32>,
        %add3A_319 = arith.constant 1 : i32
        %add3A_320 = arith.addi %mul3A_247, %add3A_319 : i32
        %get3A_321 = arith.constant 2 : i32
        %get3A_322 = arith.index_cast %get3A_321 : i32 to index
        %get3A_323 = arith.index_cast %add3A_320 : i32 to index
        %get3A_324 = arith.constant 32 : index
        %get3A_325 = tpu.vector_load %arg6[%get3A_322, %get3A_323, %get3A_324] {strides = array<i32>} : memref<3x128x128xf32, #tpu.memory_space<vmem>>, vector<16xf32>,
        %add3A_326 = arith.addf %get3A_318, %get3A_325 : vector<16xf32>
        %add3A_327 = arith.constant 2 : i32
        %add3A_328 = arith.addi %mul3A_247, %add3A_327 : i32
        %get3A_329 = arith.constant 2 : i32
        %get3A_330 = arith.index_cast %get3A_329 : i32 to index
        %get3A_331 = arith.index_cast %add3A_328 : i32 to index
        %get3A_332 = arith.constant 32 : index
        %get3A_333 = tpu.vector_load %arg6[%get3A_330, %get3A_331, %get3A_332] {strides = array<i32>} : memref<3x128x128xf32, #tpu.memory_space<vmem>>, vector<16xf32>,
        %add3A_334 = arith.addf %add3A_326, %get3A_333 : vector<16xf32>
        %add3A_335 = arith.constant 3 : i32
        %add3A_336 = arith.addi %mul3A_247, %add3A_335 : i32
        %get3A_337 = arith.constant 2 : i32
        %get3A_338 = arith.index_cast %get3A_337 : i32 to index
        %get3A_339 = arith.index_cast %add3A_336 : i32 to index
        %get3A_340 = arith.constant 32 : index
        %get3A_341 = tpu.vector_load %arg6[%get3A_338, %get3A_339, %get3A_340] {strides = array<i32>} : memref<3x128x128xf32, #tpu.memory_space<vmem>>, vector<16xf32>,
        %add3A_342 = arith.addf %add3A_334, %get3A_341 : vector<16xf32>
        %swap3A_343 = arith.constant 0 : i32
        %swap3A_344 = arith.index_cast %swap3A_343 : i32 to index
        %swap3A_345 = arith.index_cast %scan3A_245 : i32 to index
        %swap3A_346 = arith.constant 32 : index
        %swap3A_347 = tpu.vector_load %arg7[%swap3A_344, %swap3A_345, %swap3A_346] {strides = array<i32>} : memref<2x32x128xf32, #tpu.memory_space<vmem>>, vector<16xf32>,
        tpu.vector_store %arg7[%swap3A_344, %swap3A_345, %swap3A_346], %add3A_342 {strides = array<i32>} : memref<2x32x128xf32, #tpu.memory_space<vmem>>, vector<16xf32>,
        %get3A_348 = arith.constant 2 : i32
        %get3A_349 = arith.index_cast %get3A_348 : i32 to index
        %get3A_350 = arith.index_cast %mul3A_247 : i32 to index
        %get3A_351 = arith.constant 48 : index
        %get3A_352 = tpu.vector_load %arg6[%get3A_349, %get3A_350, %get3A_351] {strides = array<i32>} : memref<3x128x128xf32, #tpu.memory_space<vmem>>, vector<16xf32>,
        %add3A_353 = arith.constant 1 : i32
        %add3A_354 = arith.addi %mul3A_247, %add3A_353 : i32
        %get3A_355 = arith.constant 2 : i32
        %get3A_356 = arith.index_cast %get3A_355 : i32 to index
        %get3A_357 = arith.index_cast %add3A_354 : i32 to index
        %get3A_358 = arith.constant 48 : index
        %get3A_359 = tpu.vector_load %arg6[%get3A_356, %get3A_357, %get3A_358] {strides = array<i32>} : memref<3x128x128xf32, #tpu.memory_space<vmem>>, vector<16xf32>,
        %add3A_360 = arith.addf %get3A_352, %get3A_359 : vector<16xf32>
        %add3A_361 = arith.constant 2 : i32
        %add3A_362 = arith.addi %mul3A_247, %add3A_361 : i32
        %get3A_363 = arith.constant 2 : i32
        %get3A_364 = arith.index_cast %get3A_363 : i32 to index
        %get3A_365 = arith.index_cast %add3A_362 : i32 to index
        %get3A_366 = arith.constant 48 : index
        %get3A_367 = tpu.vector_load %arg6[%get3A_364, %get3A_365, %get3A_366] {strides = array<i32>} : memref<3x128x128xf32, #tpu.memory_space<vmem>>, vector<16xf32>,
        %add3A_368 = arith.addf %add3A_360, %get3A_367 : vector<16xf32>
        %add3A_369 = arith.constant 3 : i32
        %add3A_370 = arith.addi %mul3A_247, %add3A_369 : i32
        %get3A_371 = arith.constant 2 : i32
        %get3A_372 = arith.index_cast %get3A_371 : i32 to index
        %get3A_373 = arith.index_cast %add3A_370 : i32 to index
        %get3A_374 = arith.constant 48 : index
        %get3A_375 = tpu.vector_load %arg6[%get3A_372, %get3A_373, %get3A_374] {strides = array<i32>} : memref<3x128x128xf32, #tpu.memory_space<vmem>>, vector<16xf32>,
        %add3A_376 = arith.addf %add3A_368, %get3A_375 : vector<16xf32>
        %swap3A_377 = arith.constant 0 : i32
        %swap3A_378 = arith.index_cast %swap3A_377 : i32 to index
        %swap3A_379 = arith.index_cast %scan3A_245 : i32 to index
        %swap3A_380 = arith.constant 48 : index
        %swap3A_381 = tpu.vector_load %arg7[%swap3A_378, %swap3A_379, %swap3A_380] {strides = array<i32>} : memref<2x32x128xf32, #tpu.memory_space<vmem>>, vector<16xf32>,
        tpu.vector_store %arg7[%swap3A_378, %swap3A_379, %swap3A_380], %add3A_376 {strides = array<i32>} : memref<2x32x128xf32, #tpu.memory_space<vmem>>, vector<16xf32>,
        %add3A_382 = arith.constant 0 : i32
        %add3A_383 = arith.addi %mul3A_247, %add3A_382 : i32
        %get3A_384 = arith.constant 2 : i32
        %get3A_385 = arith.index_cast %get3A_384 : i32 to index
        %get3A_386 = arith.index_cast %add3A_383 : i32 to index
        %get3A_387 = arith.constant 64 : index
        %get3A_388 = tpu.vector_load %arg6[%get3A_385, %get3A_386, %get3A_387] {strides = array<i32>} : memref<3x128x128xf32, #tpu.memory_space<vmem>>, vector<16xf32>,
        %bitcast3A = vector.bitcast %get3A_388 : vector<16xf32> to vector<16xi32>
        %shift_left3A = arith.constant 16 : i32
        %shift_left3A_389 = vector.broadcast %shift_left3A : i32 to vector<16xi32>
        %shift_left3A_390 = arith.shli %bitcast3A, %shift_left3A_389 : vector<16xi32>
        %bitcast3A_391 = vector.bitcast %shift_left3A_390 : vector<16xi32> to vector<16xf32>
        %and3A = arith.constant -65536 : i32
        %and3A_392 = vector.broadcast %and3A : i32 to vector<16xi32>
        %and3A_393 = arith.andi %bitcast3A, %and3A_392 : vector<16xi32>
        %bitcast3A_394 = vector.bitcast %and3A_393 : vector<16xi32> to vector<16xf32>
        %add3A_395 = arith.constant 1 : i32
        %add3A_396 = arith.addi %mul3A_247, %add3A_395 : i32
        %get3A_397 = arith.constant 2 : i32
        %get3A_398 = arith.index_cast %get3A_397 : i32 to index
        %get3A_399 = arith.index_cast %add3A_396 : i32 to index
        %get3A_400 = arith.constant 64 : index
        %get3A_401 = tpu.vector_load %arg6[%get3A_398, %get3A_399, %get3A_400] {strides = array<i32>} : memref<3x128x128xf32, #tpu.memory_space<vmem>>, vector<16xf32>,
        %bitcast3A_402 = vector.bitcast %get3A_401 : vector<16xf32> to vector<16xi32>
        %shift_left3A_403 = arith.constant 16 : i32
        %shift_left3A_404 = vector.broadcast %shift_left3A_403 : i32 to vector<16xi32>
        %shift_left3A_405 = arith.shli %bitcast3A_402, %shift_left3A_404 : vector<16xi32>
        %bitcast3A_406 = vector.bitcast %shift_left3A_405 : vector<16xi32> to vector<16xf32>
        %and3A_407 = arith.constant -65536 : i32
        %and3A_408 = vector.broadcast %and3A_407 : i32 to vector<16xi32>
        %and3A_409 = arith.andi %bitcast3A_402, %and3A_408 : vector<16xi32>
        %bitcast3A_410 = vector.bitcast %and3A_409 : vector<16xi32> to vector<16xf32>
        %add3A_411 = arith.addf %bitcast3A_391, %bitcast3A_406 : vector<16xf32>
        %add3A_412 = arith.addf %bitcast3A_394, %bitcast3A_410 : vector<16xf32>
        %add3A_413 = arith.constant 2 : i32
        %add3A_414 = arith.addi %mul3A_247, %add3A_413 : i32
        %get3A_415 = arith.constant 2 : i32
        %get3A_416 = arith.index_cast %get3A_415 : i32 to index
        %get3A_417 = arith.index_cast %add3A_414 : i32 to index
        %get3A_418 = arith.constant 64 : index
        %get3A_419 = tpu.vector_load %arg6[%get3A_416, %get3A_417, %get3A_418] {strides = array<i32>} : memref<3x128x128xf32, #tpu.memory_space<vmem>>, vector<16xf32>,
        %bitcast3A_420 = vector.bitcast %get3A_419 : vector<16xf32> to vector<16xi32>
        %shift_left3A_421 = arith.constant 16 : i32
        %shift_left3A_422 = vector.broadcast %shift_left3A_421 : i32 to vector<16xi32>
        %shift_left3A_423 = arith.shli %bitcast3A_420, %shift_left3A_422 : vector<16xi32>
        %bitcast3A_424 = vector.bitcast %shift_left3A_423 : vector<16xi32> to vector<16xf32>
        %and3A_425 = arith.constant -65536 : i32
        %and3A_426 = vector.broadcast %and3A_425 : i32 to vector<16xi32>
        %and3A_427 = arith.andi %bitcast3A_420, %and3A_426 : vector<16xi32>
        %bitcast3A_428 = vector.bitcast %and3A_427 : vector<16xi32> to vector<16xf32>
        %add3A_429 = arith.addf %add3A_411, %bitcast3A_424 : vector<16xf32>
        %add3A_430 = arith.addf %add3A_412, %bitcast3A_428 : vector<16xf32>
        %add3A_431 = arith.constant 3 : i32
        %add3A_432 = arith.addi %mul3A_247, %add3A_431 : i32
        %get3A_433 = arith.constant 2 : i32
        %get3A_434 = arith.index_cast %get3A_433 : i32 to index
        %get3A_435 = arith.index_cast %add3A_432 : i32 to index
        %get3A_436 = arith.constant 64 : index
        %get3A_437 = tpu.vector_load %arg6[%get3A_434, %get3A_435, %get3A_436] {strides = array<i32>} : memref<3x128x128xf32, #tpu.memory_space<vmem>>, vector<16xf32>,
        %bitcast3A_438 = vector.bitcast %get3A_437 : vector<16xf32> to vector<16xi32>
        %shift_left3A_439 = arith.constant 16 : i32
        %shift_left3A_440 = vector.broadcast %shift_left3A_439 : i32 to vector<16xi32>
        %shift_left3A_441 = arith.shli %bitcast3A_438, %shift_left3A_440 : vector<16xi32>
        %bitcast3A_442 = vector.bitcast %shift_left3A_441 : vector<16xi32> to vector<16xf32>
        %and3A_443 = arith.constant -65536 : i32
        %and3A_444 = vector.broadcast %and3A_443 : i32 to vector<16xi32>
        %and3A_445 = arith.andi %bitcast3A_438, %and3A_444 : vector<16xi32>
        %bitcast3A_446 = vector.bitcast %and3A_445 : vector<16xi32> to vector<16xf32>
        %add3A_447 = arith.addf %add3A_429, %bitcast3A_442 : vector<16xf32>
        %add3A_448 = arith.addf %add3A_430, %bitcast3A_446 : vector<16xf32>
        %bitcast3A_449 = vector.bitcast %add3A_447 : vector<16xf32> to vector<16xi32>
        %add3A_450 = arith.constant 32768 : i32
        %add3A_451 = vector.broadcast %add3A_450 : i32 to vector<16xi32>
        %add3A_452 = arith.addi %bitcast3A_449, %add3A_451 : vector<16xi32>
        %shift_right_logical3A = arith.constant 16 : i32
        %shift_right_logical3A_453 = vector.broadcast %shift_right_logical3A : i32 to vector<16xi32>
        %shift_right_logical3A_454 = arith.shrui %add3A_452, %shift_right_logical3A_453 : vector<16xi32>
        %bitcast3A_455 = vector.bitcast %add3A_448 : vector<16xf32> to vector<16xi32>
        %add3A_456 = arith.constant 32768 : i32
        %add3A_457 = vector.broadcast %add3A_456 : i32 to vector<16xi32>
        %add3A_458 = arith.addi %bitcast3A_455, %add3A_457 : vector<16xi32>
        %and3A_459 = arith.constant -65536 : i32
        %and3A_460 = vector.broadcast %and3A_459 : i32 to vector<16xi32>
        %and3A_461 = arith.andi %add3A_458, %and3A_460 : vector<16xi32>
        %or3A = arith.ori %shift_right_logical3A_454, %and3A_461 : vector<16xi32>
        %bitcast3A_462 = vector.bitcast %or3A : vector<16xi32> to vector<16xf32>
        %swap3A_463 = arith.constant 0 : i32
        %swap3A_464 = arith.index_cast %swap3A_463 : i32 to index
        %swap3A_465 = arith.index_cast %scan3A_245 : i32 to index
        %swap3A_466 = arith.constant 64 : index
        %swap3A_467 = tpu.vector_load %arg7[%swap3A_464, %swap3A_465, %swap3A_466] {strides = array<i32>} : memref<2x32x128xf32, #tpu.memory_space<vmem>>, vector<16xf32>,
        tpu.vector_store %arg7[%swap3A_464, %swap3A_465, %swap3A_466], %bitcast3A_462 {strides = array<i32>} : memref<2x32x128xf32, #tpu.memory_space<vmem>>, vector<16xf32>,
        %add3A_468 = arith.constant 0 : i32
        %add3A_469 = arith.addi %mul3A_247, %add3A_468 : i32
        %get3A_470 = arith.constant 2 : i32
        %get3A_471 = arith.index_cast %get3A_470 : i32 to index
        %get3A_472 = arith.index_cast %add3A_469 : i32 to index
        %get3A_473 = arith.constant 80 : index
        %get3A_474 = tpu.vector_load %arg6[%get3A_471, %get3A_472, %get3A_473] {strides = array<i32>} : memref<3x128x128xf32, #tpu.memory_space<vmem>>, vector<16xf32>,
        %bitcast3A_475 = vector.bitcast %get3A_474 : vector<16xf32> to vector<16xi32>
        %shift_left3A_476 = arith.constant 16 : i32
        %shift_left3A_477 = vector.broadcast %shift_left3A_476 : i32 to vector<16xi32>
        %shift_left3A_478 = arith.shli %bitcast3A_475, %shift_left3A_477 : vector<16xi32>
        %bitcast3A_479 = vector.bitcast %shift_left3A_478 : vector<16xi32> to vector<16xf32>
        %and3A_480 = arith.constant -65536 : i32
        %and3A_481 = vector.broadcast %and3A_480 : i32 to vector<16xi32>
        %and3A_482 = arith.andi %bitcast3A_475, %and3A_481 : vector<16xi32>
        %bitcast3A_483 = vector.bitcast %and3A_482 : vector<16xi32> to vector<16xf32>
        %add3A_484 = arith.constant 1 : i32
        %add3A_485 = arith.addi %mul3A_247, %add3A_484 : i32
        %get3A_486 = arith.constant 2 : i32
        %get3A_487 = arith.index_cast %get3A_486 : i32 to index
        %get3A_488 = arith.index_cast %add3A_485 : i32 to index
        %get3A_489 = arith.constant 80 : index
        %get3A_490 = tpu.vector_load %arg6[%get3A_487, %get3A_488, %get3A_489] {strides = array<i32>} : memref<3x128x128xf32, #tpu.memory_space<vmem>>, vector<16xf32>,
        %bitcast3A_491 = vector.bitcast %get3A_490 : vector<16xf32> to vector<16xi32>
        %shift_left3A_492 = arith.constant 16 : i32
        %shift_left3A_493 = vector.broadcast %shift_left3A_492 : i32 to vector<16xi32>
        %shift_left3A_494 = arith.shli %bitcast3A_491, %shift_left3A_493 : vector<16xi32>
        %bitcast3A_495 = vector.bitcast %shift_left3A_494 : vector<16xi32> to vector<16xf32>
        %and3A_496 = arith.constant -65536 : i32
        %and3A_497 = vector.broadcast %and3A_496 : i32 to vector<16xi32>
        %and3A_498 = arith.andi %bitcast3A_491, %and3A_497 : vector<16xi32>
        %bitcast3A_499 = vector.bitcast %and3A_498 : vector<16xi32> to vector<16xf32>
        %add3A_500 = arith.addf %bitcast3A_479, %bitcast3A_495 : vector<16xf32>
        %add3A_501 = arith.addf %bitcast3A_483, %bitcast3A_499 : vector<16xf32>
        %add3A_502 = arith.constant 2 : i32
        %add3A_503 = arith.addi %mul3A_247, %add3A_502 : i32
        %get3A_504 = arith.constant 2 : i32
        %get3A_505 = arith.index_cast %get3A_504 : i32 to index
        %get3A_506 = arith.index_cast %add3A_503 : i32 to index
        %get3A_507 = arith.constant 80 : index
        %get3A_508 = tpu.vector_load %arg6[%get3A_505, %get3A_506, %get3A_507] {strides = array<i32>} : memref<3x128x128xf32, #tpu.memory_space<vmem>>, vector<16xf32>,
        %bitcast3A_509 = vector.bitcast %get3A_508 : vector<16xf32> to vector<16xi32>
        %shift_left3A_510 = arith.constant 16 : i32
        %shift_left3A_511 = vector.broadcast %shift_left3A_510 : i32 to vector<16xi32>
        %shift_left3A_512 = arith.shli %bitcast3A_509, %shift_left3A_511 : vector<16xi32>
        %bitcast3A_513 = vector.bitcast %shift_left3A_512 : vector<16xi32> to vector<16xf32>
        %and3A_514 = arith.constant -65536 : i32
        %and3A_515 = vector.broadcast %and3A_514 : i32 to vector<16xi32>
        %and3A_516 = arith.andi %bitcast3A_509, %and3A_515 : vector<16xi32>
        %bitcast3A_517 = vector.bitcast %and3A_516 : vector<16xi32> to vector<16xf32>
        %add3A_518 = arith.addf %add3A_500, %bitcast3A_513 : vector<16xf32>
        %add3A_519 = arith.addf %add3A_501, %bitcast3A_517 : vector<16xf32>
        %add3A_520 = arith.constant 3 : i32
        %add3A_521 = arith.addi %mul3A_247, %add3A_520 : i32
        %get3A_522 = arith.constant 2 : i32
        %get3A_523 = arith.index_cast %get3A_522 : i32 to index
        %get3A_524 = arith.index_cast %add3A_521 : i32 to index
        %get3A_525 = arith.constant 80 : index
        %get3A_526 = tpu.vector_load %arg6[%get3A_523, %get3A_524, %get3A_525] {strides = array<i32>} : memref<3x128x128xf32, #tpu.memory_space<vmem>>, vector<16xf32>,
        %bitcast3A_527 = vector.bitcast %get3A_526 : vector<16xf32> to vector<16xi32>
        %shift_left3A_528 = arith.constant 16 : i32
        %shift_left3A_529 = vector.broadcast %shift_left3A_528 : i32 to vector<16xi32>
        %shift_left3A_530 = arith.shli %bitcast3A_527, %shift_left3A_529 : vector<16xi32>
        %bitcast3A_531 = vector.bitcast %shift_left3A_530 : vector<16xi32> to vector<16xf32>
        %and3A_532 = arith.constant -65536 : i32
        %and3A_533 = vector.broadcast %and3A_532 : i32 to vector<16xi32>
        %and3A_534 = arith.andi %bitcast3A_527, %and3A_533 : vector<16xi32>
        %bitcast3A_535 = vector.bitcast %and3A_534 : vector<16xi32> to vector<16xf32>
        %add3A_536 = arith.addf %add3A_518, %bitcast3A_531 : vector<16xf32>
        %add3A_537 = arith.addf %add3A_519, %bitcast3A_535 : vector<16xf32>
        %bitcast3A_538 = vector.bitcast %add3A_536 : vector<16xf32> to vector<16xi32>
        %add3A_539 = arith.constant 32768 : i32
        %add3A_540 = vector.broadcast %add3A_539 : i32 to vector<16xi32>
        %add3A_541 = arith.addi %bitcast3A_538, %add3A_540 : vector<16xi32>
        %shift_right_logical3A_542 = arith.constant 16 : i32
        %shift_right_logical3A_543 = vector.broadcast %shift_right_logical3A_542 : i32 to vector<16xi32>
        %shift_right_logical3A_544 = arith.shrui %add3A_541, %shift_right_logical3A_543 : vector<16xi32>
        %bitcast3A_545 = vector.bitcast %add3A_537 : vector<16xf32> to vector<16xi32>
        %add3A_546 = arith.constant 32768 : i32
        %add3A_547 = vector.broadcast %add3A_546 : i32 to vector<16xi32>
        %add3A_548 = arith.addi %bitcast3A_545, %add3A_547 : vector<16xi32>
        %and3A_549 = arith.constant -65536 : i32
        %and3A_550 = vector.broadcast %and3A_549 : i32 to vector<16xi32>
        %and3A_551 = arith.andi %add3A_548, %and3A_550 : vector<16xi32>
        %or3A_552 = arith.ori %shift_right_logical3A_544, %and3A_551 : vector<16xi32>
        %bitcast3A_553 = vector.bitcast %or3A_552 : vector<16xi32> to vector<16xf32>
        %swap3A_554 = arith.constant 0 : i32
        %swap3A_555 = arith.index_cast %swap3A_554 : i32 to index
        %swap3A_556 = arith.index_cast %scan3A_245 : i32 to index
        %swap3A_557 = arith.constant 80 : index
        %swap3A_558 = tpu.vector_load %arg7[%swap3A_555, %swap3A_556, %swap3A_557] {strides = array<i32>} : memref<2x32x128xf32, #tpu.memory_space<vmem>>, vector<16xf32>,
        tpu.vector_store %arg7[%swap3A_555, %swap3A_556, %swap3A_557], %bitcast3A_553 {strides = array<i32>} : memref<2x32x128xf32, #tpu.memory_space<vmem>>, vector<16xf32>,
        %add3A_559 = arith.constant 0 : i32
        %add3A_560 = arith.addi %mul3A_247, %add3A_559 : i32
        %get3A_561 = arith.constant 2 : i32
        %get3A_562 = arith.index_cast %get3A_561 : i32 to index
        %get3A_563 = arith.index_cast %add3A_560 : i32 to index
        %get3A_564 = arith.constant 96 : index
        %get3A_565 = tpu.vector_load %arg6[%get3A_562, %get3A_563, %get3A_564] {strides = array<i32>} : memref<3x128x128xf32, #tpu.memory_space<vmem>>, vector<16xf32>,
        %bitcast3A_566 = vector.bitcast %get3A_565 : vector<16xf32> to vector<16xi32>
        %shift_left3A_567 = arith.constant 16 : i32
        %shift_left3A_568 = vector.broadcast %shift_left3A_567 : i32 to vector<16xi32>
        %shift_left3A_569 = arith.shli %bitcast3A_566, %shift_left3A_568 : vector<16xi32>
        %bitcast3A_570 = vector.bitcast %shift_left3A_569 : vector<16xi32> to vector<16xf32>
        %and3A_571 = arith.constant -65536 : i32
        %and3A_572 = vector.broadcast %and3A_571 : i32 to vector<16xi32>
        %and3A_573 = arith.andi %bitcast3A_566, %and3A_572 : vector<16xi32>
        %bitcast3A_574 = vector.bitcast %and3A_573 : vector<16xi32> to vector<16xf32>
        %add3A_575 = arith.constant 1 : i32
        %add3A_576 = arith.addi %mul3A_247, %add3A_575 : i32
        %get3A_577 = arith.constant 2 : i32
        %get3A_578 = arith.index_cast %get3A_577 : i32 to index
        %get3A_579 = arith.index_cast %add3A_576 : i32 to index
        %get3A_580 = arith.constant 96 : index
        %get3A_581 = tpu.vector_load %arg6[%get3A_578, %get3A_579, %get3A_580] {strides = array<i32>} : memref<3x128x128xf32, #tpu.memory_space<vmem>>, vector<16xf32>,
        %bitcast3A_582 = vector.bitcast %get3A_581 : vector<16xf32> to vector<16xi32>
        %shift_left3A_583 = arith.constant 16 : i32
        %shift_left3A_584 = vector.broadcast %shift_left3A_583 : i32 to vector<16xi32>
        %shift_left3A_585 = arith.shli %bitcast3A_582, %shift_left3A_584 : vector<16xi32>
        %bitcast3A_586 = vector.bitcast %shift_left3A_585 : vector<16xi32> to vector<16xf32>
        %and3A_587 = arith.constant -65536 : i32
        %and3A_588 = vector.broadcast %and3A_587 : i32 to vector<16xi32>
        %and3A_589 = arith.andi %bitcast3A_582, %and3A_588 : vector<16xi32>
        %bitcast3A_590 = vector.bitcast %and3A_589 : vector<16xi32> to vector<16xf32>
        %add3A_591 = arith.addf %bitcast3A_570, %bitcast3A_586 : vector<16xf32>
        %add3A_592 = arith.addf %bitcast3A_574, %bitcast3A_590 : vector<16xf32>
        %add3A_593 = arith.constant 2 : i32
        %add3A_594 = arith.addi %mul3A_247, %add3A_593 : i32
        %get3A_595 = arith.constant 2 : i32
        %get3A_596 = arith.index_cast %get3A_595 : i32 to index
        %get3A_597 = arith.index_cast %add3A_594 : i32 to index
        %get3A_598 = arith.constant 96 : index
        %get3A_599 = tpu.vector_load %arg6[%get3A_596, %get3A_597, %get3A_598] {strides = array<i32>} : memref<3x128x128xf32, #tpu.memory_space<vmem>>, vector<16xf32>,
        %bitcast3A_600 = vector.bitcast %get3A_599 : vector<16xf32> to vector<16xi32>
        %shift_left3A_601 = arith.constant 16 : i32
        %shift_left3A_602 = vector.broadcast %shift_left3A_601 : i32 to vector<16xi32>
        %shift_left3A_603 = arith.shli %bitcast3A_600, %shift_left3A_602 : vector<16xi32>
        %bitcast3A_604 = vector.bitcast %shift_left3A_603 : vector<16xi32> to vector<16xf32>
        %and3A_605 = arith.constant -65536 : i32
        %and3A_606 = vector.broadcast %and3A_605 : i32 to vector<16xi32>
        %and3A_607 = arith.andi %bitcast3A_600, %and3A_606 : vector<16xi32>
        %bitcast3A_608 = vector.bitcast %and3A_607 : vector<16xi32> to vector<16xf32>
        %add3A_609 = arith.addf %add3A_591, %bitcast3A_604 : vector<16xf32>
        %add3A_610 = arith.addf %add3A_592, %bitcast3A_608 : vector<16xf32>
        %add3A_611 = arith.constant 3 : i32
        %add3A_612 = arith.addi %mul3A_247, %add3A_611 : i32
        %get3A_613 = arith.constant 2 : i32
        %get3A_614 = arith.index_cast %get3A_613 : i32 to index
        %get3A_615 = arith.index_cast %add3A_612 : i32 to index
        %get3A_616 = arith.constant 96 : index
        %get3A_617 = tpu.vector_load %arg6[%get3A_614, %get3A_615, %get3A_616] {strides = array<i32>} : memref<3x128x128xf32, #tpu.memory_space<vmem>>, vector<16xf32>,
        %bitcast3A_618 = vector.bitcast %get3A_617 : vector<16xf32> to vector<16xi32>
        %shift_left3A_619 = arith.constant 16 : i32
        %shift_left3A_620 = vector.broadcast %shift_left3A_619 : i32 to vector<16xi32>
        %shift_left3A_621 = arith.shli %bitcast3A_618, %shift_left3A_620 : vector<16xi32>
        %bitcast3A_622 = vector.bitcast %shift_left3A_621 : vector<16xi32> to vector<16xf32>
        %and3A_623 = arith.constant -65536 : i32
        %and3A_624 = vector.broadcast %and3A_623 : i32 to vector<16xi32>
        %and3A_625 = arith.andi %bitcast3A_618, %and3A_624 : vector<16xi32>
        %bitcast3A_626 = vector.bitcast %and3A_625 : vector<16xi32> to vector<16xf32>
        %add3A_627 = arith.addf %add3A_609, %bitcast3A_622 : vector<16xf32>
        %add3A_628 = arith.addf %add3A_610, %bitcast3A_626 : vector<16xf32>
        %bitcast3A_629 = vector.bitcast %add3A_627 : vector<16xf32> to vector<16xi32>
        %add3A_630 = arith.constant 32768 : i32
        %add3A_631 = vector.broadcast %add3A_630 : i32 to vector<16xi32>
        %add3A_632 = arith.addi %bitcast3A_629, %add3A_631 : vector<16xi32>
        %shift_right_logical3A_633 = arith.constant 16 : i32
        %shift_right_logical3A_634 = vector.broadcast %shift_right_logical3A_633 : i32 to vector<16xi32>
        %shift_right_logical3A_635 = arith.shrui %add3A_632, %shift_right_logical3A_634 : vector<16xi32>
        %bitcast3A_636 = vector.bitcast %add3A_628 : vector<16xf32> to vector<16xi32>
        %add3A_637 = arith.constant 32768 : i32
        %add3A_638 = vector.broadcast %add3A_637 : i32 to vector<16xi32>
        %add3A_639 = arith.addi %bitcast3A_636, %add3A_638 : vector<16xi32>
        %and3A_640 = arith.constant -65536 : i32
        %and3A_641 = vector.broadcast %and3A_640 : i32 to vector<16xi32>
        %and3A_642 = arith.andi %add3A_639, %and3A_641 : vector<16xi32>
        %or3A_643 = arith.ori %shift_right_logical3A_635, %and3A_642 : vector<16xi32>
        %bitcast3A_644 = vector.bitcast %or3A_643 : vector<16xi32> to vector<16xf32>
        %swap3A_645 = arith.constant 0 : i32
        %swap3A_646 = arith.index_cast %swap3A_645 : i32 to index
        %swap3A_647 = arith.index_cast %scan3A_245 : i32 to index
        %swap3A_648 = arith.constant 96 : index
        %swap3A_649 = tpu.vector_load %arg7[%swap3A_646, %swap3A_647, %swap3A_648] {strides = array<i32>} : memref<2x32x128xf32, #tpu.memory_space<vmem>>, vector<16xf32>,
        tpu.vector_store %arg7[%swap3A_646, %swap3A_647, %swap3A_648], %bitcast3A_644 {strides = array<i32>} : memref<2x32x128xf32, #tpu.memory_space<vmem>>, vector<16xf32>,
        %add3A_650 = arith.constant 0 : i32
        %add3A_651 = arith.addi %mul3A_247, %add3A_650 : i32
        %get3A_652 = arith.constant 2 : i32
        %get3A_653 = arith.index_cast %get3A_652 : i32 to index
        %get3A_654 = arith.index_cast %add3A_651 : i32 to index
        %get3A_655 = arith.constant 112 : index
        %get3A_656 = tpu.vector_load %arg6[%get3A_653, %get3A_654, %get3A_655] {strides = array<i32>} : memref<3x128x128xf32, #tpu.memory_space<vmem>>, vector<16xf32>,
        %bitcast3A_657 = vector.bitcast %get3A_656 : vector<16xf32> to vector<16xi32>
        %shift_left3A_658 = arith.constant 16 : i32
        %shift_left3A_659 = vector.broadcast %shift_left3A_658 : i32 to vector<16xi32>
        %shift_left3A_660 = arith.shli %bitcast3A_657, %shift_left3A_659 : vector<16xi32>
        %bitcast3A_661 = vector.bitcast %shift_left3A_660 : vector<16xi32> to vector<16xf32>
        %and3A_662 = arith.constant -65536 : i32
        %and3A_663 = vector.broadcast %and3A_662 : i32 to vector<16xi32>
        %and3A_664 = arith.andi %bitcast3A_657, %and3A_663 : vector<16xi32>
        %bitcast3A_665 = vector.bitcast %and3A_664 : vector<16xi32> to vector<16xf32>
        %add3A_666 = arith.constant 1 : i32
        %add3A_667 = arith.addi %mul3A_247, %add3A_666 : i32
        %get3A_668 = arith.constant 2 : i32
        %get3A_669 = arith.index_cast %get3A_668 : i32 to index
        %get3A_670 = arith.index_cast %add3A_667 : i32 to index
        %get3A_671 = arith.constant 112 : index
        %get3A_672 = tpu.vector_load %arg6[%get3A_669, %get3A_670, %get3A_671] {strides = array<i32>} : memref<3x128x128xf32, #tpu.memory_space<vmem>>, vector<16xf32>,
        %bitcast3A_673 = vector.bitcast %get3A_672 : vector<16xf32> to vector<16xi32>
        %shift_left3A_674 = arith.constant 16 : i32
        %shift_left3A_675 = vector.broadcast %shift_left3A_674 : i32 to vector<16xi32>
        %shift_left3A_676 = arith.shli %bitcast3A_673, %shift_left3A_675 : vector<16xi32>
        %bitcast3A_677 = vector.bitcast %shift_left3A_676 : vector<16xi32> to vector<16xf32>
        %and3A_678 = arith.constant -65536 : i32
        %and3A_679 = vector.broadcast %and3A_678 : i32 to vector<16xi32>
        %and3A_680 = arith.andi %bitcast3A_673, %and3A_679 : vector<16xi32>
        %bitcast3A_681 = vector.bitcast %and3A_680 : vector<16xi32> to vector<16xf32>
        %add3A_682 = arith.addf %bitcast3A_661, %bitcast3A_677 : vector<16xf32>
        %add3A_683 = arith.addf %bitcast3A_665, %bitcast3A_681 : vector<16xf32>
        %add3A_684 = arith.constant 2 : i32
        %add3A_685 = arith.addi %mul3A_247, %add3A_684 : i32
        %get3A_686 = arith.constant 2 : i32
        %get3A_687 = arith.index_cast %get3A_686 : i32 to index
        %get3A_688 = arith.index_cast %add3A_685 : i32 to index
        %get3A_689 = arith.constant 112 : index
        %get3A_690 = tpu.vector_load %arg6[%get3A_687, %get3A_688, %get3A_689] {strides = array<i32>} : memref<3x128x128xf32, #tpu.memory_space<vmem>>, vector<16xf32>,
        %bitcast3A_691 = vector.bitcast %get3A_690 : vector<16xf32> to vector<16xi32>
        %shift_left3A_692 = arith.constant 16 : i32
        %shift_left3A_693 = vector.broadcast %shift_left3A_692 : i32 to vector<16xi32>
        %shift_left3A_694 = arith.shli %bitcast3A_691, %shift_left3A_693 : vector<16xi32>
        %bitcast3A_695 = vector.bitcast %shift_left3A_694 : vector<16xi32> to vector<16xf32>
        %and3A_696 = arith.constant -65536 : i32
        %and3A_697 = vector.broadcast %and3A_696 : i32 to vector<16xi32>
        %and3A_698 = arith.andi %bitcast3A_691, %and3A_697 : vector<16xi32>
        %bitcast3A_699 = vector.bitcast %and3A_698 : vector<16xi32> to vector<16xf32>
        %add3A_700 = arith.addf %add3A_682, %bitcast3A_695 : vector<16xf32>
        %add3A_701 = arith.addf %add3A_683, %bitcast3A_699 : vector<16xf32>
        %add3A_702 = arith.constant 3 : i32
        %add3A_703 = arith.addi %mul3A_247, %add3A_702 : i32
        %get3A_704 = arith.constant 2 : i32
        %get3A_705 = arith.index_cast %get3A_704 : i32 to index
        %get3A_706 = arith.index_cast %add3A_703 : i32 to index
        %get3A_707 = arith.constant 112 : index
        %get3A_708 = tpu.vector_load %arg6[%get3A_705, %get3A_706, %get3A_707] {strides = array<i32>} : memref<3x128x128xf32, #tpu.memory_space<vmem>>, vector<16xf32>,
        %bitcast3A_709 = vector.bitcast %get3A_708 : vector<16xf32> to vector<16xi32>
        %shift_left3A_710 = arith.constant 16 : i32
        %shift_left3A_711 = vector.broadcast %shift_left3A_710 : i32 to vector<16xi32>
        %shift_left3A_712 = arith.shli %bitcast3A_709, %shift_left3A_711 : vector<16xi32>
        %bitcast3A_713 = vector.bitcast %shift_left3A_712 : vector<16xi32> to vector<16xf32>
        %and3A_714 = arith.constant -65536 : i32
        %and3A_715 = vector.broadcast %and3A_714 : i32 to vector<16xi32>
        %and3A_716 = arith.andi %bitcast3A_709, %and3A_715 : vector<16xi32>
        %bitcast3A_717 = vector.bitcast %and3A_716 : vector<16xi32> to vector<16xf32>
        %add3A_718 = arith.addf %add3A_700, %bitcast3A_713 : vector<16xf32>
        %add3A_719 = arith.addf %add3A_701, %bitcast3A_717 : vector<16xf32>
        %bitcast3A_720 = vector.bitcast %add3A_718 : vector<16xf32> to vector<16xi32>
        %add3A_721 = arith.constant 32768 : i32
        %add3A_722 = vector.broadcast %add3A_721 : i32 to vector<16xi32>
        %add3A_723 = arith.addi %bitcast3A_720, %add3A_722 : vector<16xi32>
        %shift_right_logical3A_724 = arith.constant 16 : i32
        %shift_right_logical3A_725 = vector.broadcast %shift_right_logical3A_724 : i32 to vector<16xi32>
        %shift_right_logical3A_726 = arith.shrui %add3A_723, %shift_right_logical3A_725 : vector<16xi32>
        %bitcast3A_727 = vector.bitcast %add3A_719 : vector<16xf32> to vector<16xi32>
        %add3A_728 = arith.constant 32768 : i32
        %add3A_729 = vector.broadcast %add3A_728 : i32 to vector<16xi32>
        %add3A_730 = arith.addi %bitcast3A_727, %add3A_729 : vector<16xi32>
        %and3A_731 = arith.constant -65536 : i32
        %and3A_732 = vector.broadcast %and3A_731 : i32 to vector<16xi32>
        %and3A_733 = arith.andi %add3A_730, %and3A_732 : vector<16xi32>
        %or3A_734 = arith.ori %shift_right_logical3A_726, %and3A_733 : vector<16xi32>
        %bitcast3A_735 = vector.bitcast %or3A_734 : vector<16xi32> to vector<16xf32>
        %swap3A_736 = arith.constant 0 : i32
        %swap3A_737 = arith.index_cast %swap3A_736 : i32 to index
        %swap3A_738 = arith.index_cast %scan3A_245 : i32 to index
        %swap3A_739 = arith.constant 112 : index
        %swap3A_740 = tpu.vector_load %arg7[%swap3A_737, %swap3A_738, %swap3A_739] {strides = array<i32>} : memref<2x32x128xf32, #tpu.memory_space<vmem>>, vector<16xf32>,
        tpu.vector_store %arg7[%swap3A_737, %swap3A_738, %swap3A_739], %bitcast3A_735 {strides = array<i32>} : memref<2x32x128xf32, #tpu.memory_space<vmem>>, vector<16xf32>,
      }
      %scan3A_157 = arith.constant 32 : i32
      %add3A_158 = arith.constant 64 : i32
      %add3A_159 = arith.addi %add3A_14, %add3A_158 : i32
      %dma_start3A_160 = arith.constant 0 : i32
      %dma_start3A_161 = arith.constant 0 : i32
      %dma_start3A_162 = arith.constant 0 : i32
      %dma_start3A_163 = tpu.memref_slice %arg7[%dma_start3A_160, %dma_start3A_161, %dma_start3A_162] : memref<2x32x128xf32, #tpu.memory_space<vmem>> -> memref<1x32x128xf32, #tpu.memory_space<vmem>>
      %dma_start3A_164 = tpu.memref_squeeze %dma_start3A_163 : memref<1x32x128xf32, #tpu.memory_space<vmem>> -> memref<32x128xf32, #tpu.memory_space<vmem>>
      %dma_start3A_165 = arith.constant 0 : i32
      %dma_start3A_166 = tpu.memref_slice %arg4[%add3A_159, %dma_start3A_165] : memref<102400x128xf32, #tpu.memory_space<hbm>> -> memref<32x128xf32, #tpu.memory_space<hbm>>
      %dma_start3A_167 = arith.constant 0 : i32
      %dma_start3A_168 = tpu.memref_slice %arg4[%add3A_159, %dma_start3A_167] : memref<102400x128xf32, #tpu.memory_space<hbm>> -> memref<32x128xf32, #tpu.memory_space<hbm>>
      %dma_start3A_169 = arith.constant 0 : i32
      %dma_start3A_170 = arith.constant 0 : i32
      %dma_start3A_171 = tpu.memref_slice %arg7[%dma_start3A_160, %dma_start3A_169, %dma_start3A_170] : memref<2x32x128xf32, #tpu.memory_space<vmem>> -> memref<1x32x128xf32, #tpu.memory_space<vmem>>
      %dma_start3A_172 = tpu.memref_squeeze %dma_start3A_171 : memref<1x32x128xf32, #tpu.memory_space<vmem>> -> memref<32x128xf32, #tpu.memory_space<vmem>>
      tpu.enqueue_dma source(%dma_start3A_172 : memref<32x128xf32, #tpu.memory_space<vmem>>) target(%dma_start3A_168 : memref<32x128xf32, #tpu.memory_space<hbm>>) target_semaphore(%arg9 : memref<!tpu.dma_semaphore, #tpu.memory_space<semaphore_mem>>)
      %dma_wait3A_173 = arith.constant 3 : i32
      %dma_wait3A_174 = arith.constant 0 : i32
      %dma_wait3A_175 = arith.constant 0 : i32
      %dma_wait3A_176 = arith.constant 0 : i32
      %dma_wait3A_177 = tpu.memref_slice %arg6[%dma_wait3A_174, %dma_wait3A_175, %dma_wait3A_176] : memref<3x128x128xf32, #tpu.memory_space<vmem>> -> memref<1x128x128xf32, #tpu.memory_space<vmem>>
      %dma_wait3A_178 = tpu.memref_squeeze %dma_wait3A_177 : memref<1x128x128xf32, #tpu.memory_space<vmem>> -> memref<128x128xf32, #tpu.memory_space<vmem>>
      %dma_wait3A_179 = arith.constant 0 : i32
      %dma_wait3A_180 = tpu.memref_slice %arg5[%dma_wait3A_173, %dma_wait3A_179] : memref<4x128xi32, #tpu.memory_space<vmem>> -> memref<1x128xi32, #tpu.memory_space<vmem>>
      %dma_wait3A_181 = tpu.memref_squeeze %dma_wait3A_180 : memref<1x128xi32, #tpu.memory_space<vmem>> -> memref<128xi32, #tpu.memory_space<vmem>>
      %dma_wait3A_182 = arith.constant 0 : i32
      %dma_wait3A_183 = arith.constant 0 : i32
      %dma_wait3A_184 = tpu.memref_slice %arg3[%dma_wait3A_182, %dma_wait3A_183] : memref<100000x128xf32, #tpu.memory_space<hbm>> -> memref<100000x128xf32, #tpu.memory_space<hbm>>
      tpu.wait_indirect_dma semaphore(%arg8 : memref<!tpu.dma_semaphore, #tpu.memory_space<semaphore_mem>>) src(%dma_wait3A_184 : memref<100000x128xf32, #tpu.memory_space<hbm>>) dst(%dma_wait3A_178 : memref<128x128xf32, #tpu.memory_space<vmem>>)
      %dma_wait3A_185 = arith.constant 1 : i32
      %dma_wait3A_186 = arith.constant 0 : i32
      %dma_wait3A_187 = arith.constant 0 : i32
      %dma_wait3A_188 = tpu.memref_slice %arg7[%dma_wait3A_185, %dma_wait3A_186, %dma_wait3A_187] : memref<2x32x128xf32, #tpu.memory_space<vmem>> -> memref<1x32x128xf32, #tpu.memory_space<vmem>>
      %dma_wait3A_189 = tpu.memref_squeeze %dma_wait3A_188 : memref<1x32x128xf32, #tpu.memory_space<vmem>> -> memref<32x128xf32, #tpu.memory_space<vmem>>
      %dma_wait3A_190 = arith.constant 0 : i32
      %dma_wait3A_191 = tpu.memref_slice %arg4[%add3A_113, %dma_wait3A_190] : memref<102400x128xf32, #tpu.memory_space<hbm>> -> memref<32x128xf32, #tpu.memory_space<hbm>>
      %dma_wait3A_192 = arith.constant 0 : i32
      %dma_wait3A_193 = tpu.memref_slice %arg4[%add3A_113, %dma_wait3A_192] : memref<102400x128xf32, #tpu.memory_space<hbm>> -> memref<32x128xf32, #tpu.memory_space<hbm>>
      %dma_wait3A_194 = arith.constant 0 : i32
      %dma_wait3A_195 = arith.constant 0 : i32
      %dma_wait3A_196 = tpu.memref_slice %arg7[%dma_wait3A_185, %dma_wait3A_194, %dma_wait3A_195] : memref<2x32x128xf32, #tpu.memory_space<vmem>> -> memref<1x32x128xf32, #tpu.memory_space<vmem>>
      %dma_wait3A_197 = tpu.memref_squeeze %dma_wait3A_196 : memref<1x32x128xf32, #tpu.memory_space<vmem>> -> memref<32x128xf32, #tpu.memory_space<vmem>>
      tpu.wait_dma2 semaphore(%arg9 : memref<!tpu.dma_semaphore, #tpu.memory_space<semaphore_mem>>) src(%dma_wait3A_197 : memref<32x128xf32, #tpu.memory_space<vmem>>) dst(%dma_wait3A_193 : memref<32x128xf32, #tpu.memory_space<hbm>>)
      %scan3A_198 = arith.constant 0 : i32
      %scan3A_199 = arith.constant 0 : i32
      %scan3A_200 = arith.constant 32 : i32
      %scan3A_201 = arith.addi %scan3A_199, %scan3A_200 : i32
      %scan3A_202 = arith.constant 1 : i32
      scf.for %scan3A_245 = %scan3A_199 to %scan3A_201 step %scan3A_202  : i32 {
        %mul3A_246 = arith.constant 4 : i32
        %mul3A_247 = arith.muli %scan3A_245, %mul3A_246 : i32
        %get3A = arith.constant 0 : i32
        %get3A_248 = arith.index_cast %get3A : i32 to index
        %get3A_249 = arith.index_cast %mul3A_247 : i32 to index
        %get3A_250 = arith.constant 0 : index
        %get3A_251 = tpu.vector_load %arg6[%get3A_248, %get3A_249, %get3A_250] {strides = array<i32>} : memref<3x128x128xf32, #tpu.memory_space<vmem>>, vector<16xf32>,
        %add3A_252 = arith.constant 1 : i32
        %add3A_253 = arith.addi %mul3A_247, %add3A_252 : i32
        %get3A_254 = arith.constant 0 : i32
        %get3A_255 = arith.index_cast %get3A_254 : i32 to index
        %get3A_256 = arith.index_cast %add3A_253 : i32 to index
        %get3A_257 = arith.constant 0 : index
        %get3A_258 = tpu.vector_load %arg6[%get3A_255, %get3A_256, %get3A_257] {strides = array<i32>} : memref<3x128x128xf32, #tpu.memory_space<vmem>>, vector<16xf32>,
        %add3A_259 = arith.addf %get3A_251, %get3A_258 : vector<16xf32>
        %add3A_260 = arith.constant 2 : i32
        %add3A_261 = arith.addi %mul3A_247, %add3A_260 : i32
        %get3A_262 = arith.constant 0 : i32
        %get3A_263 = arith.index_cast %get3A_262 : i32 to index
        %get3A_264 = arith.index_cast %add3A_261 : i32 to index
        %get3A_265 = arith.constant 0 : index
        %get3A_266 = tpu.vector_load %arg6[%get3A_263, %get3A_264, %get3A_265] {strides = array<i32>} : memref<3x128x128xf32, #tpu.memory_space<vmem>>, vector<16xf32>,
        %add3A_267 = arith.addf %add3A_259, %get3A_266 : vector<16xf32>
        %add3A_268 = arith.constant 3 : i32
        %add3A_269 = arith.addi %mul3A_247, %add3A_268 : i32
        %get3A_270 = arith.constant 0 : i32
        %get3A_271 = arith.index_cast %get3A_270 : i32 to index
        %get3A_272 = arith.index_cast %add3A_269 : i32 to index
        %get3A_273 = arith.constant 0 : index
        %get3A_274 = tpu.vector_load %arg6[%get3A_271, %get3A_272, %get3A_273] {strides = array<i32>} : memref<3x128x128xf32, #tpu.memory_space<vmem>>, vector<16xf32>,
        %add3A_275 = arith.addf %add3A_267, %get3A_274 : vector<16xf32>
        %swap3A = arith.constant 1 : i32
        %swap3A_276 = arith.index_cast %swap3A : i32 to index
        %swap3A_277 = arith.index_cast %scan3A_245 : i32 to index
        %swap3A_278 = arith.constant 0 : index
        %swap3A_279 = tpu.vector_load %arg7[%swap3A_276, %swap3A_277, %swap3A_278] {strides = array<i32>} : memref<2x32x128xf32, #tpu.memory_space<vmem>>, vector<16xf32>,
        tpu.vector_store %arg7[%swap3A_276, %swap3A_277, %swap3A_278], %add3A_275 {strides = array<i32>} : memref<2x32x128xf32, #tpu.memory_space<vmem>>, vector<16xf32>,
        %get3A_280 = arith.constant 0 : i32
        %get3A_281 = arith.index_cast %get3A_280 : i32 to index
        %get3A_282 = arith.index_cast %mul3A_247 : i32 to index
        %get3A_283 = arith.constant 16 : index
        %get3A_284 = tpu.vector_load %arg6[%get3A_281, %get3A_282, %get3A_283] {strides = array<i32>} : memref<3x128x128xf32, #tpu.memory_space<vmem>>, vector<16xf32>,
        %add3A_285 = arith.constant 1 : i32
        %add3A_286 = arith.addi %mul3A_247, %add3A_285 : i32
        %get3A_287 = arith.constant 0 : i32
        %get3A_288 = arith.index_cast %get3A_287 : i32 to index
        %get3A_289 = arith.index_cast %add3A_286 : i32 to index
        %get3A_290 = arith.constant 16 : index
        %get3A_291 = tpu.vector_load %arg6[%get3A_288, %get3A_289, %get3A_290] {strides = array<i32>} : memref<3x128x128xf32, #tpu.memory_space<vmem>>, vector<16xf32>,
        %add3A_292 = arith.addf %get3A_284, %get3A_291 : vector<16xf32>
        %add3A_293 = arith.constant 2 : i32
        %add3A_294 = arith.addi %mul3A_247, %add3A_293 : i32
        %get3A_295 = arith.constant 0 : i32
        %get3A_296 = arith.index_cast %get3A_295 : i32 to index
        %get3A_297 = arith.index_cast %add3A_294 : i32 to index
        %get3A_298 = arith.constant 16 : index
        %get3A_299 = tpu.vector_load %arg6[%get3A_296, %get3A_297, %get3A_298] {strides = array<i32>} : memref<3x128x128xf32, #tpu.memory_space<vmem>>, vector<16xf32>,
        %add3A_300 = arith.addf %add3A_292, %get3A_299 : vector<16xf32>
        %add3A_301 = arith.constant 3 : i32
        %add3A_302 = arith.addi %mul3A_247, %add3A_301 : i32
        %get3A_303 = arith.constant 0 : i32
        %get3A_304 = arith.index_cast %get3A_303 : i32 to index
        %get3A_305 = arith.index_cast %add3A_302 : i32 to index
        %get3A_306 = arith.constant 16 : index
        %get3A_307 = tpu.vector_load %arg6[%get3A_304, %get3A_305, %get3A_306] {strides = array<i32>} : memref<3x128x128xf32, #tpu.memory_space<vmem>>, vector<16xf32>,
        %add3A_308 = arith.addf %add3A_300, %get3A_307 : vector<16xf32>
        %swap3A_309 = arith.constant 1 : i32
        %swap3A_310 = arith.index_cast %swap3A_309 : i32 to index
        %swap3A_311 = arith.index_cast %scan3A_245 : i32 to index
        %swap3A_312 = arith.constant 16 : index
        %swap3A_313 = tpu.vector_load %arg7[%swap3A_310, %swap3A_311, %swap3A_312] {strides = array<i32>} : memref<2x32x128xf32, #tpu.memory_space<vmem>>, vector<16xf32>,
        tpu.vector_store %arg7[%swap3A_310, %swap3A_311, %swap3A_312], %add3A_308 {strides = array<i32>} : memref<2x32x128xf32, #tpu.memory_space<vmem>>, vector<16xf32>,
        %get3A_314 = arith.constant 0 : i32
        %get3A_315 = arith.index_cast %get3A_314 : i32 to index
        %get3A_316 = arith.index_cast %mul3A_247 : i32 to index
        %get3A_317 = arith.constant 32 : index
        %get3A_318 = tpu.vector_load %arg6[%get3A_315, %get3A_316, %get3A_317] {strides = array<i32>} : memref<3x128x128xf32, #tpu.memory_space<vmem>>, vector<16xf32>,
        %add3A_319 = arith.constant 1 : i32
        %add3A_320 = arith.addi %mul3A_247, %add3A_319 : i32
        %get3A_321 = arith.constant 0 : i32
        %get3A_322 = arith.index_cast %get3A_321 : i32 to index
        %get3A_323 = arith.index_cast %add3A_320 : i32 to index
        %get3A_324 = arith.constant 32 : index
        %get3A_325 = tpu.vector_load %arg6[%get3A_322, %get3A_323, %get3A_324] {strides = array<i32>} : memref<3x128x128xf32, #tpu.memory_space<vmem>>, vector<16xf32>,
        %add3A_326 = arith.addf %get3A_318, %get3A_325 : vector<16xf32>
        %add3A_327 = arith.constant 2 : i32
        %add3A_328 = arith.addi %mul3A_247, %add3A_327 : i32
        %get3A_329 = arith.constant 0 : i32
        %get3A_330 = arith.index_cast %get3A_329 : i32 to index
        %get3A_331 = arith.index_cast %add3A_328 : i32 to index
        %get3A_332 = arith.constant 32 : index
        %get3A_333 = tpu.vector_load %arg6[%get3A_330, %get3A_331, %get3A_332] {strides = array<i32>} : memref<3x128x128xf32, #tpu.memory_space<vmem>>, vector<16xf32>,
        %add3A_334 = arith.addf %add3A_326, %get3A_333 : vector<16xf32>
        %add3A_335 = arith.constant 3 : i32
        %add3A_336 = arith.addi %mul3A_247, %add3A_335 : i32
        %get3A_337 = arith.constant 0 : i32
        %get3A_338 = arith.index_cast %get3A_337 : i32 to index
        %get3A_339 = arith.index_cast %add3A_336 : i32 to index
        %get3A_340 = arith.constant 32 : index
        %get3A_341 = tpu.vector_load %arg6[%get3A_338, %get3A_339, %get3A_340] {strides = array<i32>} : memref<3x128x128xf32, #tpu.memory_space<vmem>>, vector<16xf32>,
        %add3A_342 = arith.addf %add3A_334, %get3A_341 : vector<16xf32>
        %swap3A_343 = arith.constant 1 : i32
        %swap3A_344 = arith.index_cast %swap3A_343 : i32 to index
        %swap3A_345 = arith.index_cast %scan3A_245 : i32 to index
        %swap3A_346 = arith.constant 32 : index
        %swap3A_347 = tpu.vector_load %arg7[%swap3A_344, %swap3A_345, %swap3A_346] {strides = array<i32>} : memref<2x32x128xf32, #tpu.memory_space<vmem>>, vector<16xf32>,
        tpu.vector_store %arg7[%swap3A_344, %swap3A_345, %swap3A_346], %add3A_342 {strides = array<i32>} : memref<2x32x128xf32, #tpu.memory_space<vmem>>, vector<16xf32>,
        %get3A_348 = arith.constant 0 : i32
        %get3A_349 = arith.index_cast %get3A_348 : i32 to index
        %get3A_350 = arith.index_cast %mul3A_247 : i32 to index
        %get3A_351 = arith.constant 48 : index
        %get3A_352 = tpu.vector_load %arg6[%get3A_349, %get3A_350, %get3A_351] {strides = array<i32>} : memref<3x128x128xf32, #tpu.memory_space<vmem>>, vector<16xf32>,
        %add3A_353 = arith.constant 1 : i32
        %add3A_354 = arith.addi %mul3A_247, %add3A_353 : i32
        %get3A_355 = arith.constant 0 : i32
        %get3A_356 = arith.index_cast %get3A_355 : i32 to index
        %get3A_357 = arith.index_cast %add3A_354 : i32 to index
        %get3A_358 = arith.constant 48 : index
        %get3A_359 = tpu.vector_load %arg6[%get3A_356, %get3A_357, %get3A_358] {strides = array<i32>} : memref<3x128x128xf32, #tpu.memory_space<vmem>>, vector<16xf32>,
        %add3A_360 = arith.addf %get3A_352, %get3A_359 : vector<16xf32>
        %add3A_361 = arith.constant 2 : i32
        %add3A_362 = arith.addi %mul3A_247, %add3A_361 : i32
        %get3A_363 = arith.constant 0 : i32
        %get3A_364 = arith.index_cast %get3A_363 : i32 to index
        %get3A_365 = arith.index_cast %add3A_362 : i32 to index
        %get3A_366 = arith.constant 48 : index
        %get3A_367 = tpu.vector_load %arg6[%get3A_364, %get3A_365, %get3A_366] {strides = array<i32>} : memref<3x128x128xf32, #tpu.memory_space<vmem>>, vector<16xf32>,
        %add3A_368 = arith.addf %add3A_360, %get3A_367 : vector<16xf32>
        %add3A_369 = arith.constant 3 : i32
        %add3A_370 = arith.addi %mul3A_247, %add3A_369 : i32
        %get3A_371 = arith.constant 0 : i32
        %get3A_372 = arith.index_cast %get3A_371 : i32 to index
        %get3A_373 = arith.index_cast %add3A_370 : i32 to index
        %get3A_374 = arith.constant 48 : index
        %get3A_375 = tpu.vector_load %arg6[%get3A_372, %get3A_373, %get3A_374] {strides = array<i32>} : memref<3x128x128xf32, #tpu.memory_space<vmem>>, vector<16xf32>,
        %add3A_376 = arith.addf %add3A_368, %get3A_375 : vector<16xf32>
        %swap3A_377 = arith.constant 1 : i32
        %swap3A_378 = arith.index_cast %swap3A_377 : i32 to index
        %swap3A_379 = arith.index_cast %scan3A_245 : i32 to index
        %swap3A_380 = arith.constant 48 : index
        %swap3A_381 = tpu.vector_load %arg7[%swap3A_378, %swap3A_379, %swap3A_380] {strides = array<i32>} : memref<2x32x128xf32, #tpu.memory_space<vmem>>, vector<16xf32>,
        tpu.vector_store %arg7[%swap3A_378, %swap3A_379, %swap3A_380], %add3A_376 {strides = array<i32>} : memref<2x32x128xf32, #tpu.memory_space<vmem>>, vector<16xf32>,
        %add3A_382 = arith.constant 0 : i32
        %add3A_383 = arith.addi %mul3A_247, %add3A_382 : i32
        %get3A_384 = arith.constant 0 : i32
        %get3A_385 = arith.index_cast %get3A_384 : i32 to index
        %get3A_386 = arith.index_cast %add3A_383 : i32 to index
        %get3A_387 = arith.constant 64 : index
        %get3A_388 = tpu.vector_load %arg6[%get3A_385, %get3A_386, %get3A_387] {strides = array<i32>} : memref<3x128x128xf32, #tpu.memory_space<vmem>>, vector<16xf32>,
        %bitcast3A = vector.bitcast %get3A_388 : vector<16xf32> to vector<16xi32>
        %shift_left3A = arith.constant 16 : i32
        %shift_left3A_389 = vector.broadcast %shift_left3A : i32 to vector<16xi32>
        %shift_left3A_390 = arith.shli %bitcast3A, %shift_left3A_389 : vector<16xi32>
        %bitcast3A_391 = vector.bitcast %shift_left3A_390 : vector<16xi32> to vector<16xf32>
        %and3A = arith.constant -65536 : i32
        %and3A_392 = vector.broadcast %and3A : i32 to vector<16xi32>
        %and3A_393 = arith.andi %bitcast3A, %and3A_392 : vector<16xi32>
        %bitcast3A_394 = vector.bitcast %and3A_393 : vector<16xi32> to vector<16xf32>
        %add3A_395 = arith.constant 1 : i32
        %add3A_396 = arith.addi %mul3A_247, %add3A_395 : i32
        %get3A_397 = arith.constant 0 : i32
        %get3A_398 = arith.index_cast %get3A_397 : i32 to index
        %get3A_399 = arith.index_cast %add3A_396 : i32 to index
        %get3A_400 = arith.constant 64 : index
        %get3A_401 = tpu.vector_load %arg6[%get3A_398, %get3A_399, %get3A_400] {strides = array<i32>} : memref<3x128x128xf32, #tpu.memory_space<vmem>>, vector<16xf32>,
        %bitcast3A_402 = vector.bitcast %get3A_401 : vector<16xf32> to vector<16xi32>
        %shift_left3A_403 = arith.constant 16 : i32
        %shift_left3A_404 = vector.broadcast %shift_left3A_403 : i32 to vector<16xi32>
        %shift_left3A_405 = arith.shli %bitcast3A_402, %shift_left3A_404 : vector<16xi32>
        %bitcast3A_406 = vector.bitcast %shift_left3A_405 : vector<16xi32> to vector<16xf32>
        %and3A_407 = arith.constant -65536 : i32
        %and3A_408 = vector.broadcast %and3A_407 : i32 to vector<16xi32>
        %and3A_409 = arith.andi %bitcast3A_402, %and3A_408 : vector<16xi32>
        %bitcast3A_410 = vector.bitcast %and3A_409 : vector<16xi32> to vector<16xf32>
        %add3A_411 = arith.addf %bitcast3A_391, %bitcast3A_406 : vector<16xf32>
        %add3A_412 = arith.addf %bitcast3A_394, %bitcast3A_410 : vector<16xf32>
        %add3A_413 = arith.constant 2 : i32
        %add3A_414 = arith.addi %mul3A_247, %add3A_413 : i32
        %get3A_415 = arith.constant 0 : i32
        %get3A_416 = arith.index_cast %get3A_415 : i32 to index
        %get3A_417 = arith.index_cast %add3A_414 : i32 to index
        %get3A_418 = arith.constant 64 : index
        %get3A_419 = tpu.vector_load %arg6[%get3A_416, %get3A_417, %get3A_418] {strides = array<i32>} : memref<3x128x128xf32, #tpu.memory_space<vmem>>, vector<16xf32>,
        %bitcast3A_420 = vector.bitcast %get3A_419 : vector<16xf32> to vector<16xi32>
        %shift_left3A_421 = arith.constant 16 : i32
        %shift_left3A_422 = vector.broadcast %shift_left3A_421 : i32 to vector<16xi32>
        %shift_left3A_423 = arith.shli %bitcast3A_420, %shift_left3A_422 : vector<16xi32>
        %bitcast3A_424 = vector.bitcast %shift_left3A_423 : vector<16xi32> to vector<16xf32>
        %and3A_425 = arith.constant -65536 : i32
        %and3A_426 = vector.broadcast %and3A_425 : i32 to vector<16xi32>
        %and3A_427 = arith.andi %bitcast3A_420, %and3A_426 : vector<16xi32>
        %bitcast3A_428 = vector.bitcast %and3A_427 : vector<16xi32> to vector<16xf32>
        %add3A_429 = arith.addf %add3A_411, %bitcast3A_424 : vector<16xf32>
        %add3A_430 = arith.addf %add3A_412, %bitcast3A_428 : vector<16xf32>
        %add3A_431 = arith.constant 3 : i32
        %add3A_432 = arith.addi %mul3A_247, %add3A_431 : i32
        %get3A_433 = arith.constant 0 : i32
        %get3A_434 = arith.index_cast %get3A_433 : i32 to index
        %get3A_435 = arith.index_cast %add3A_432 : i32 to index
        %get3A_436 = arith.constant 64 : index
        %get3A_437 = tpu.vector_load %arg6[%get3A_434, %get3A_435, %get3A_436] {strides = array<i32>} : memref<3x128x128xf32, #tpu.memory_space<vmem>>, vector<16xf32>,
        %bitcast3A_438 = vector.bitcast %get3A_437 : vector<16xf32> to vector<16xi32>
        %shift_left3A_439 = arith.constant 16 : i32
        %shift_left3A_440 = vector.broadcast %shift_left3A_439 : i32 to vector<16xi32>
        %shift_left3A_441 = arith.shli %bitcast3A_438, %shift_left3A_440 : vector<16xi32>
        %bitcast3A_442 = vector.bitcast %shift_left3A_441 : vector<16xi32> to vector<16xf32>
        %and3A_443 = arith.constant -65536 : i32
        %and3A_444 = vector.broadcast %and3A_443 : i32 to vector<16xi32>
        %and3A_445 = arith.andi %bitcast3A_438, %and3A_444 : vector<16xi32>
        %bitcast3A_446 = vector.bitcast %and3A_445 : vector<16xi32> to vector<16xf32>
        %add3A_447 = arith.addf %add3A_429, %bitcast3A_442 : vector<16xf32>
        %add3A_448 = arith.addf %add3A_430, %bitcast3A_446 : vector<16xf32>
        %bitcast3A_449 = vector.bitcast %add3A_447 : vector<16xf32> to vector<16xi32>
        %add3A_450 = arith.constant 32768 : i32
        %add3A_451 = vector.broadcast %add3A_450 : i32 to vector<16xi32>
        %add3A_452 = arith.addi %bitcast3A_449, %add3A_451 : vector<16xi32>
        %shift_right_logical3A = arith.constant 16 : i32
        %shift_right_logical3A_453 = vector.broadcast %shift_right_logical3A : i32 to vector<16xi32>
        %shift_right_logical3A_454 = arith.shrui %add3A_452, %shift_right_logical3A_453 : vector<16xi32>
        %bitcast3A_455 = vector.bitcast %add3A_448 : vector<16xf32> to vector<16xi32>
        %add3A_456 = arith.constant 32768 : i32
        %add3A_457 = vector.broadcast %add3A_456 : i32 to vector<16xi32>
        %add3A_458 = arith.addi %bitcast3A_455, %add3A_457 : vector<16xi32>
        %and3A_459 = arith.constant -65536 : i32
        %and3A_460 = vector.broadcast %and3A_459 : i32 to vector<16xi32>
        %and3A_461 = arith.andi %add3A_458, %and3A_460 : vector<16xi32>
        %or3A = arith.ori %shift_right_logical3A_454, %and3A_461 : vector<16xi32>
        %bitcast3A_462 = vector.bitcast %or3A : vector<16xi32> to vector<16xf32>
        %swap3A_463 = arith.constant 1 : i32
        %swap3A_464 = arith.index_cast %swap3A_463 : i32 to index
        %swap3A_465 = arith.index_cast %scan3A_245 : i32 to index
        %swap3A_466 = arith.constant 64 : index
        %swap3A_467 = tpu.vector_load %arg7[%swap3A_464, %swap3A_465, %swap3A_466] {strides = array<i32>} : memref<2x32x128xf32, #tpu.memory_space<vmem>>, vector<16xf32>,
        tpu.vector_store %arg7[%swap3A_464, %swap3A_465, %swap3A_466], %bitcast3A_462 {strides = array<i32>} : memref<2x32x128xf32, #tpu.memory_space<vmem>>, vector<16xf32>,
        %add3A_468 = arith.constant 0 : i32
        %add3A_469 = arith.addi %mul3A_247, %add3A_468 : i32
        %get3A_470 = arith.constant 0 : i32
        %get3A_471 = arith.index_cast %get3A_470 : i32 to index
        %get3A_472 = arith.index_cast %add3A_469 : i32 to index
        %get3A_473 = arith.constant 80 : index
        %get3A_474 = tpu.vector_load %arg6[%get3A_471, %get3A_472, %get3A_473] {strides = array<i32>} : memref<3x128x128xf32, #tpu.memory_space<vmem>>, vector<16xf32>,
        %bitcast3A_475 = vector.bitcast %get3A_474 : vector<16xf32> to vector<16xi32>
        %shift_left3A_476 = arith.constant 16 : i32
        %shift_left3A_477 = vector.broadcast %shift_left3A_476 : i32 to vector<16xi32>
        %shift_left3A_478 = arith.shli %bitcast3A_475, %shift_left3A_477 : vector<16xi32>
        %bitcast3A_479 = vector.bitcast %shift_left3A_478 : vector<16xi32> to vector<16xf32>
        %and3A_480 = arith.constant -65536 : i32
        %and3A_481 = vector.broadcast %and3A_480 : i32 to vector<16xi32>
        %and3A_482 = arith.andi %bitcast3A_475, %and3A_481 : vector<16xi32>
        %bitcast3A_483 = vector.bitcast %and3A_482 : vector<16xi32> to vector<16xf32>
        %add3A_484 = arith.constant 1 : i32
        %add3A_485 = arith.addi %mul3A_247, %add3A_484 : i32
        %get3A_486 = arith.constant 0 : i32
        %get3A_487 = arith.index_cast %get3A_486 : i32 to index
        %get3A_488 = arith.index_cast %add3A_485 : i32 to index
        %get3A_489 = arith.constant 80 : index
        %get3A_490 = tpu.vector_load %arg6[%get3A_487, %get3A_488, %get3A_489] {strides = array<i32>} : memref<3x128x128xf32, #tpu.memory_space<vmem>>, vector<16xf32>,
        %bitcast3A_491 = vector.bitcast %get3A_490 : vector<16xf32> to vector<16xi32>
        %shift_left3A_492 = arith.constant 16 : i32
        %shift_left3A_493 = vector.broadcast %shift_left3A_492 : i32 to vector<16xi32>
        %shift_left3A_494 = arith.shli %bitcast3A_491, %shift_left3A_493 : vector<16xi32>
        %bitcast3A_495 = vector.bitcast %shift_left3A_494 : vector<16xi32> to vector<16xf32>
        %and3A_496 = arith.constant -65536 : i32
        %and3A_497 = vector.broadcast %and3A_496 : i32 to vector<16xi32>
        %and3A_498 = arith.andi %bitcast3A_491, %and3A_497 : vector<16xi32>
        %bitcast3A_499 = vector.bitcast %and3A_498 : vector<16xi32> to vector<16xf32>
        %add3A_500 = arith.addf %bitcast3A_479, %bitcast3A_495 : vector<16xf32>
        %add3A_501 = arith.addf %bitcast3A_483, %bitcast3A_499 : vector<16xf32>
        %add3A_502 = arith.constant 2 : i32
        %add3A_503 = arith.addi %mul3A_247, %add3A_502 : i32
        %get3A_504 = arith.constant 0 : i32
        %get3A_505 = arith.index_cast %get3A_504 : i32 to index
        %get3A_506 = arith.index_cast %add3A_503 : i32 to index
        %get3A_507 = arith.constant 80 : index
        %get3A_508 = tpu.vector_load %arg6[%get3A_505, %get3A_506, %get3A_507] {strides = array<i32>} : memref<3x128x128xf32, #tpu.memory_space<vmem>>, vector<16xf32>,
        %bitcast3A_509 = vector.bitcast %get3A_508 : vector<16xf32> to vector<16xi32>
        %shift_left3A_510 = arith.constant 16 : i32
        %shift_left3A_511 = vector.broadcast %shift_left3A_510 : i32 to vector<16xi32>
        %shift_left3A_512 = arith.shli %bitcast3A_509, %shift_left3A_511 : vector<16xi32>
        %bitcast3A_513 = vector.bitcast %shift_left3A_512 : vector<16xi32> to vector<16xf32>
        %and3A_514 = arith.constant -65536 : i32
        %and3A_515 = vector.broadcast %and3A_514 : i32 to vector<16xi32>
        %and3A_516 = arith.andi %bitcast3A_509, %and3A_515 : vector<16xi32>
        %bitcast3A_517 = vector.bitcast %and3A_516 : vector<16xi32> to vector<16xf32>
        %add3A_518 = arith.addf %add3A_500, %bitcast3A_513 : vector<16xf32>
        %add3A_519 = arith.addf %add3A_501, %bitcast3A_517 : vector<16xf32>
        %add3A_520 = arith.constant 3 : i32
        %add3A_521 = arith.addi %mul3A_247, %add3A_520 : i32
        %get3A_522 = arith.constant 0 : i32
        %get3A_523 = arith.index_cast %get3A_522 : i32 to index
        %get3A_524 = arith.index_cast %add3A_521 : i32 to index
        %get3A_525 = arith.constant 80 : index
        %get3A_526 = tpu.vector_load %arg6[%get3A_523, %get3A_524, %get3A_525] {strides = array<i32>} : memref<3x128x128xf32, #tpu.memory_space<vmem>>, vector<16xf32>,
        %bitcast3A_527 = vector.bitcast %get3A_526 : vector<16xf32> to vector<16xi32>
        %shift_left3A_528 = arith.constant 16 : i32
        %shift_left3A_529 = vector.broadcast %shift_left3A_528 : i32 to vector<16xi32>
        %shift_left3A_530 = arith.shli %bitcast3A_527, %shift_left3A_529 : vector<16xi32>
        %bitcast3A_531 = vector.bitcast %shift_left3A_530 : vector<16xi32> to vector<16xf32>
        %and3A_532 = arith.constant -65536 : i32
        %and3A_533 = vector.broadcast %and3A_532 : i32 to vector<16xi32>
        %and3A_534 = arith.andi %bitcast3A_527, %and3A_533 : vector<16xi32>
        %bitcast3A_535 = vector.bitcast %and3A_534 : vector<16xi32> to vector<16xf32>
        %add3A_536 = arith.addf %add3A_518, %bitcast3A_531 : vector<16xf32>
        %add3A_537 = arith.addf %add3A_519, %bitcast3A_535 : vector<16xf32>
        %bitcast3A_538 = vector.bitcast %add3A_536 : vector<16xf32> to vector<16xi32>
        %add3A_539 = arith.constant 32768 : i32
        %add3A_540 = vector.broadcast %add3A_539 : i32 to vector<16xi32>
        %add3A_541 = arith.addi %bitcast3A_538, %add3A_540 : vector<16xi32>
        %shift_right_logical3A_542 = arith.constant 16 : i32
        %shift_right_logical3A_543 = vector.broadcast %shift_right_logical3A_542 : i32 to vector<16xi32>
        %shift_right_logical3A_544 = arith.shrui %add3A_541, %shift_right_logical3A_543 : vector<16xi32>
        %bitcast3A_545 = vector.bitcast %add3A_537 : vector<16xf32> to vector<16xi32>
        %add3A_546 = arith.constant 32768 : i32
        %add3A_547 = vector.broadcast %add3A_546 : i32 to vector<16xi32>
        %add3A_548 = arith.addi %bitcast3A_545, %add3A_547 : vector<16xi32>
        %and3A_549 = arith.constant -65536 : i32
        %and3A_550 = vector.broadcast %and3A_549 : i32 to vector<16xi32>
        %and3A_551 = arith.andi %add3A_548, %and3A_550 : vector<16xi32>
        %or3A_552 = arith.ori %shift_right_logical3A_544, %and3A_551 : vector<16xi32>
        %bitcast3A_553 = vector.bitcast %or3A_552 : vector<16xi32> to vector<16xf32>
        %swap3A_554 = arith.constant 1 : i32
        %swap3A_555 = arith.index_cast %swap3A_554 : i32 to index
        %swap3A_556 = arith.index_cast %scan3A_245 : i32 to index
        %swap3A_557 = arith.constant 80 : index
        %swap3A_558 = tpu.vector_load %arg7[%swap3A_555, %swap3A_556, %swap3A_557] {strides = array<i32>} : memref<2x32x128xf32, #tpu.memory_space<vmem>>, vector<16xf32>,
        tpu.vector_store %arg7[%swap3A_555, %swap3A_556, %swap3A_557], %bitcast3A_553 {strides = array<i32>} : memref<2x32x128xf32, #tpu.memory_space<vmem>>, vector<16xf32>,
        %add3A_559 = arith.constant 0 : i32
        %add3A_560 = arith.addi %mul3A_247, %add3A_559 : i32
        %get3A_561 = arith.constant 0 : i32
        %get3A_562 = arith.index_cast %get3A_561 : i32 to index
        %get3A_563 = arith.index_cast %add3A_560 : i32 to index
        %get3A_564 = arith.constant 96 : index
        %get3A_565 = tpu.vector_load %arg6[%get3A_562, %get3A_563, %get3A_564] {strides = array<i32>} : memref<3x128x128xf32, #tpu.memory_space<vmem>>, vector<16xf32>,
        %bitcast3A_566 = vector.bitcast %get3A_565 : vector<16xf32> to vector<16xi32>
        %shift_left3A_567 = arith.constant 16 : i32
        %shift_left3A_568 = vector.broadcast %shift_left3A_567 : i32 to vector<16xi32>
        %shift_left3A_569 = arith.shli %bitcast3A_566, %shift_left3A_568 : vector<16xi32>
        %bitcast3A_570 = vector.bitcast %shift_left3A_569 : vector<16xi32> to vector<16xf32>
        %and3A_571 = arith.constant -65536 : i32
        %and3A_572 = vector.broadcast %and3A_571 : i32 to vector<16xi32>
        %and3A_573 = arith.andi %bitcast3A_566, %and3A_572 : vector<16xi32>
        %bitcast3A_574 = vector.bitcast %and3A_573 : vector<16xi32> to vector<16xf32>
        %add3A_575 = arith.constant 1 : i32
        %add3A_576 = arith.addi %mul3A_247, %add3A_575 : i32
        %get3A_577 = arith.constant 0 : i32
        %get3A_578 = arith.index_cast %get3A_577 : i32 to index
        %get3A_579 = arith.index_cast %add3A_576 : i32 to index
        %get3A_580 = arith.constant 96 : index
        %get3A_581 = tpu.vector_load %arg6[%get3A_578, %get3A_579, %get3A_580] {strides = array<i32>} : memref<3x128x128xf32, #tpu.memory_space<vmem>>, vector<16xf32>,
        %bitcast3A_582 = vector.bitcast %get3A_581 : vector<16xf32> to vector<16xi32>
        %shift_left3A_583 = arith.constant 16 : i32
        %shift_left3A_584 = vector.broadcast %shift_left3A_583 : i32 to vector<16xi32>
        %shift_left3A_585 = arith.shli %bitcast3A_582, %shift_left3A_584 : vector<16xi32>
        %bitcast3A_586 = vector.bitcast %shift_left3A_585 : vector<16xi32> to vector<16xf32>
        %and3A_587 = arith.constant -65536 : i32
        %and3A_588 = vector.broadcast %and3A_587 : i32 to vector<16xi32>
        %and3A_589 = arith.andi %bitcast3A_582, %and3A_588 : vector<16xi32>
        %bitcast3A_590 = vector.bitcast %and3A_589 : vector<16xi32> to vector<16xf32>
        %add3A_591 = arith.addf %bitcast3A_570, %bitcast3A_586 : vector<16xf32>
        %add3A_592 = arith.addf %bitcast3A_574, %bitcast3A_590 : vector<16xf32>
        %add3A_593 = arith.constant 2 : i32
        %add3A_594 = arith.addi %mul3A_247, %add3A_593 : i32
        %get3A_595 = arith.constant 0 : i32
        %get3A_596 = arith.index_cast %get3A_595 : i32 to index
        %get3A_597 = arith.index_cast %add3A_594 : i32 to index
        %get3A_598 = arith.constant 96 : index
        %get3A_599 = tpu.vector_load %arg6[%get3A_596, %get3A_597, %get3A_598] {strides = array<i32>} : memref<3x128x128xf32, #tpu.memory_space<vmem>>, vector<16xf32>,
        %bitcast3A_600 = vector.bitcast %get3A_599 : vector<16xf32> to vector<16xi32>
        %shift_left3A_601 = arith.constant 16 : i32
        %shift_left3A_602 = vector.broadcast %shift_left3A_601 : i32 to vector<16xi32>
        %shift_left3A_603 = arith.shli %bitcast3A_600, %shift_left3A_602 : vector<16xi32>
        %bitcast3A_604 = vector.bitcast %shift_left3A_603 : vector<16xi32> to vector<16xf32>
        %and3A_605 = arith.constant -65536 : i32
        %and3A_606 = vector.broadcast %and3A_605 : i32 to vector<16xi32>
        %and3A_607 = arith.andi %bitcast3A_600, %and3A_606 : vector<16xi32>
        %bitcast3A_608 = vector.bitcast %and3A_607 : vector<16xi32> to vector<16xf32>
        %add3A_609 = arith.addf %add3A_591, %bitcast3A_604 : vector<16xf32>
        %add3A_610 = arith.addf %add3A_592, %bitcast3A_608 : vector<16xf32>
        %add3A_611 = arith.constant 3 : i32
        %add3A_612 = arith.addi %mul3A_247, %add3A_611 : i32
        %get3A_613 = arith.constant 0 : i32
        %get3A_614 = arith.index_cast %get3A_613 : i32 to index
        %get3A_615 = arith.index_cast %add3A_612 : i32 to index
        %get3A_616 = arith.constant 96 : index
        %get3A_617 = tpu.vector_load %arg6[%get3A_614, %get3A_615, %get3A_616] {strides = array<i32>} : memref<3x128x128xf32, #tpu.memory_space<vmem>>, vector<16xf32>,
        %bitcast3A_618 = vector.bitcast %get3A_617 : vector<16xf32> to vector<16xi32>
        %shift_left3A_619 = arith.constant 16 : i32
        %shift_left3A_620 = vector.broadcast %shift_left3A_619 : i32 to vector<16xi32>
        %shift_left3A_621 = arith.shli %bitcast3A_618, %shift_left3A_620 : vector<16xi32>
        %bitcast3A_622 = vector.bitcast %shift_left3A_621 : vector<16xi32> to vector<16xf32>
        %and3A_623 = arith.constant -65536 : i32
        %and3A_624 = vector.broadcast %and3A_623 : i32 to vector<16xi32>
        %and3A_625 = arith.andi %bitcast3A_618, %and3A_624 : vector<16xi32>
        %bitcast3A_626 = vector.bitcast %and3A_625 : vector<16xi32> to vector<16xf32>
        %add3A_627 = arith.addf %add3A_609, %bitcast3A_622 : vector<16xf32>
        %add3A_628 = arith.addf %add3A_610, %bitcast3A_626 : vector<16xf32>
        %bitcast3A_629 = vector.bitcast %add3A_627 : vector<16xf32> to vector<16xi32>
        %add3A_630 = arith.constant 32768 : i32
        %add3A_631 = vector.broadcast %add3A_630 : i32 to vector<16xi32>
        %add3A_632 = arith.addi %bitcast3A_629, %add3A_631 : vector<16xi32>
        %shift_right_logical3A_633 = arith.constant 16 : i32
        %shift_right_logical3A_634 = vector.broadcast %shift_right_logical3A_633 : i32 to vector<16xi32>
        %shift_right_logical3A_635 = arith.shrui %add3A_632, %shift_right_logical3A_634 : vector<16xi32>
        %bitcast3A_636 = vector.bitcast %add3A_628 : vector<16xf32> to vector<16xi32>
        %add3A_637 = arith.constant 32768 : i32
        %add3A_638 = vector.broadcast %add3A_637 : i32 to vector<16xi32>
        %add3A_639 = arith.addi %bitcast3A_636, %add3A_638 : vector<16xi32>
        %and3A_640 = arith.constant -65536 : i32
        %and3A_641 = vector.broadcast %and3A_640 : i32 to vector<16xi32>
        %and3A_642 = arith.andi %add3A_639, %and3A_641 : vector<16xi32>
        %or3A_643 = arith.ori %shift_right_logical3A_635, %and3A_642 : vector<16xi32>
        %bitcast3A_644 = vector.bitcast %or3A_643 : vector<16xi32> to vector<16xf32>
        %swap3A_645 = arith.constant 1 : i32
        %swap3A_646 = arith.index_cast %swap3A_645 : i32 to index
        %swap3A_647 = arith.index_cast %scan3A_245 : i32 to index
        %swap3A_648 = arith.constant 96 : index
        %swap3A_649 = tpu.vector_load %arg7[%swap3A_646, %swap3A_647, %swap3A_648] {strides = array<i32>} : memref<2x32x128xf32, #tpu.memory_space<vmem>>, vector<16xf32>,
        tpu.vector_store %arg7[%swap3A_646, %swap3A_647, %swap3A_648], %bitcast3A_644 {strides = array<i32>} : memref<2x32x128xf32, #tpu.memory_space<vmem>>, vector<16xf32>,
        %add3A_650 = arith.constant 0 : i32
        %add3A_651 = arith.addi %mul3A_247, %add3A_650 : i32
        %get3A_652 = arith.constant 0 : i32
        %get3A_653 = arith.index_cast %get3A_652 : i32 to index
        %get3A_654 = arith.index_cast %add3A_651 : i32 to index
        %get3A_655 = arith.constant 112 : index
        %get3A_656 = tpu.vector_load %arg6[%get3A_653, %get3A_654, %get3A_655] {strides = array<i32>} : memref<3x128x128xf32, #tpu.memory_space<vmem>>, vector<16xf32>,
        %bitcast3A_657 = vector.bitcast %get3A_656 : vector<16xf32> to vector<16xi32>
        %shift_left3A_658 = arith.constant 16 : i32
        %shift_left3A_659 = vector.broadcast %shift_left3A_658 : i32 to vector<16xi32>
        %shift_left3A_660 = arith.shli %bitcast3A_657, %shift_left3A_659 : vector<16xi32>
        %bitcast3A_661 = vector.bitcast %shift_left3A_660 : vector<16xi32> to vector<16xf32>
        %and3A_662 = arith.constant -65536 : i32
        %and3A_663 = vector.broadcast %and3A_662 : i32 to vector<16xi32>
        %and3A_664 = arith.andi %bitcast3A_657, %and3A_663 : vector<16xi32>
        %bitcast3A_665 = vector.bitcast %and3A_664 : vector<16xi32> to vector<16xf32>
        %add3A_666 = arith.constant 1 : i32
        %add3A_667 = arith.addi %mul3A_247, %add3A_666 : i32
        %get3A_668 = arith.constant 0 : i32
        %get3A_669 = arith.index_cast %get3A_668 : i32 to index
        %get3A_670 = arith.index_cast %add3A_667 : i32 to index
        %get3A_671 = arith.constant 112 : index
        %get3A_672 = tpu.vector_load %arg6[%get3A_669, %get3A_670, %get3A_671] {strides = array<i32>} : memref<3x128x128xf32, #tpu.memory_space<vmem>>, vector<16xf32>,
        %bitcast3A_673 = vector.bitcast %get3A_672 : vector<16xf32> to vector<16xi32>
        %shift_left3A_674 = arith.constant 16 : i32
        %shift_left3A_675 = vector.broadcast %shift_left3A_674 : i32 to vector<16xi32>
        %shift_left3A_676 = arith.shli %bitcast3A_673, %shift_left3A_675 : vector<16xi32>
        %bitcast3A_677 = vector.bitcast %shift_left3A_676 : vector<16xi32> to vector<16xf32>
        %and3A_678 = arith.constant -65536 : i32
        %and3A_679 = vector.broadcast %and3A_678 : i32 to vector<16xi32>
        %and3A_680 = arith.andi %bitcast3A_673, %and3A_679 : vector<16xi32>
        %bitcast3A_681 = vector.bitcast %and3A_680 : vector<16xi32> to vector<16xf32>
        %add3A_682 = arith.addf %bitcast3A_661, %bitcast3A_677 : vector<16xf32>
        %add3A_683 = arith.addf %bitcast3A_665, %bitcast3A_681 : vector<16xf32>
        %add3A_684 = arith.constant 2 : i32
        %add3A_685 = arith.addi %mul3A_247, %add3A_684 : i32
        %get3A_686 = arith.constant 0 : i32
        %get3A_687 = arith.index_cast %get3A_686 : i32 to index
        %get3A_688 = arith.index_cast %add3A_685 : i32 to index
        %get3A_689 = arith.constant 112 : index
        %get3A_690 = tpu.vector_load %arg6[%get3A_687, %get3A_688, %get3A_689] {strides = array<i32>} : memref<3x128x128xf32, #tpu.memory_space<vmem>>, vector<16xf32>,
        %bitcast3A_691 = vector.bitcast %get3A_690 : vector<16xf32> to vector<16xi32>
        %shift_left3A_692 = arith.constant 16 : i32
        %shift_left3A_693 = vector.broadcast %shift_left3A_692 : i32 to vector<16xi32>
        %shift_left3A_694 = arith.shli %bitcast3A_691, %shift_left3A_693 : vector<16xi32>
        %bitcast3A_695 = vector.bitcast %shift_left3A_694 : vector<16xi32> to vector<16xf32>
        %and3A_696 = arith.constant -65536 : i32
        %and3A_697 = vector.broadcast %and3A_696 : i32 to vector<16xi32>
        %and3A_698 = arith.andi %bitcast3A_691, %and3A_697 : vector<16xi32>
        %bitcast3A_699 = vector.bitcast %and3A_698 : vector<16xi32> to vector<16xf32>
        %add3A_700 = arith.addf %add3A_682, %bitcast3A_695 : vector<16xf32>
        %add3A_701 = arith.addf %add3A_683, %bitcast3A_699 : vector<16xf32>
        %add3A_702 = arith.constant 3 : i32
        %add3A_703 = arith.addi %mul3A_247, %add3A_702 : i32
        %get3A_704 = arith.constant 0 : i32
        %get3A_705 = arith.index_cast %get3A_704 : i32 to index
        %get3A_706 = arith.index_cast %add3A_703 : i32 to index
        %get3A_707 = arith.constant 112 : index
        %get3A_708 = tpu.vector_load %arg6[%get3A_705, %get3A_706, %get3A_707] {strides = array<i32>} : memref<3x128x128xf32, #tpu.memory_space<vmem>>, vector<16xf32>,
        %bitcast3A_709 = vector.bitcast %get3A_708 : vector<16xf32> to vector<16xi32>
        %shift_left3A_710 = arith.constant 16 : i32
        %shift_left3A_711 = vector.broadcast %shift_left3A_710 : i32 to vector<16xi32>
        %shift_left3A_712 = arith.shli %bitcast3A_709, %shift_left3A_711 : vector<16xi32>
        %bitcast3A_713 = vector.bitcast %shift_left3A_712 : vector<16xi32> to vector<16xf32>
        %and3A_714 = arith.constant -65536 : i32
        %and3A_715 = vector.broadcast %and3A_714 : i32 to vector<16xi32>
        %and3A_716 = arith.andi %bitcast3A_709, %and3A_715 : vector<16xi32>
        %bitcast3A_717 = vector.bitcast %and3A_716 : vector<16xi32> to vector<16xf32>
        %add3A_718 = arith.addf %add3A_700, %bitcast3A_713 : vector<16xf32>
        %add3A_719 = arith.addf %add3A_701, %bitcast3A_717 : vector<16xf32>
        %bitcast3A_720 = vector.bitcast %add3A_718 : vector<16xf32> to vector<16xi32>
        %add3A_721 = arith.constant 32768 : i32
        %add3A_722 = vector.broadcast %add3A_721 : i32 to vector<16xi32>
        %add3A_723 = arith.addi %bitcast3A_720, %add3A_722 : vector<16xi32>
        %shift_right_logical3A_724 = arith.constant 16 : i32
        %shift_right_logical3A_725 = vector.broadcast %shift_right_logical3A_724 : i32 to vector<16xi32>
        %shift_right_logical3A_726 = arith.shrui %add3A_723, %shift_right_logical3A_725 : vector<16xi32>
        %bitcast3A_727 = vector.bitcast %add3A_719 : vector<16xf32> to vector<16xi32>
        %add3A_728 = arith.constant 32768 : i32
        %add3A_729 = vector.broadcast %add3A_728 : i32 to vector<16xi32>
        %add3A_730 = arith.addi %bitcast3A_727, %add3A_729 : vector<16xi32>
        %and3A_731 = arith.constant -65536 : i32
        %and3A_732 = vector.broadcast %and3A_731 : i32 to vector<16xi32>
        %and3A_733 = arith.andi %add3A_730, %and3A_732 : vector<16xi32>
        %or3A_734 = arith.ori %shift_right_logical3A_726, %and3A_733 : vector<16xi32>
        %bitcast3A_735 = vector.bitcast %or3A_734 : vector<16xi32> to vector<16xf32>
        %swap3A_736 = arith.constant 1 : i32
        %swap3A_737 = arith.index_cast %swap3A_736 : i32 to index
        %swap3A_738 = arith.index_cast %scan3A_245 : i32 to index
        %swap3A_739 = arith.constant 112 : index
        %swap3A_740 = tpu.vector_load %arg7[%swap3A_737, %swap3A_738, %swap3A_739] {strides = array<i32>} : memref<2x32x128xf32, #tpu.memory_space<vmem>>, vector<16xf32>,
        tpu.vector_store %arg7[%swap3A_737, %swap3A_738, %swap3A_739], %bitcast3A_735 {strides = array<i32>} : memref<2x32x128xf32, #tpu.memory_space<vmem>>, vector<16xf32>,
      }
      %scan3A_203 = arith.constant 32 : i32
      %add3A_204 = arith.constant 96 : i32
      %add3A_205 = arith.addi %add3A_14, %add3A_204 : i32
      %dma_start3A_206 = arith.constant 1 : i32
      %dma_start3A_207 = arith.constant 0 : i32
      %dma_start3A_208 = arith.constant 0 : i32
      %dma_start3A_209 = tpu.memref_slice %arg7[%dma_start3A_206, %dma_start3A_207, %dma_start3A_208] : memref<2x32x128xf32, #tpu.memory_space<vmem>> -> memref<1x32x128xf32, #tpu.memory_space<vmem>>
      %dma_start3A_210 = tpu.memref_squeeze %dma_start3A_209 : memref<1x32x128xf32, #tpu.memory_space<vmem>> -> memref<32x128xf32, #tpu.memory_space<vmem>>
      %dma_start3A_211 = arith.constant 0 : i32
      %dma_start3A_212 = tpu.memref_slice %arg4[%add3A_205, %dma_start3A_211] : memref<102400x128xf32, #tpu.memory_space<hbm>> -> memref<32x128xf32, #tpu.memory_space<hbm>>
      %dma_start3A_213 = arith.constant 0 : i32
      %dma_start3A_214 = tpu.memref_slice %arg4[%add3A_205, %dma_start3A_213] : memref<102400x128xf32, #tpu.memory_space<hbm>> -> memref<32x128xf32, #tpu.memory_space<hbm>>
      %dma_start3A_215 = arith.constant 0 : i32
      %dma_start3A_216 = arith.constant 0 : i32
      %dma_start3A_217 = tpu.memref_slice %arg7[%dma_start3A_206, %dma_start3A_215, %dma_start3A_216] : memref<2x32x128xf32, #tpu.memory_space<vmem>> -> memref<1x32x128xf32, #tpu.memory_space<vmem>>
      %dma_start3A_218 = tpu.memref_squeeze %dma_start3A_217 : memref<1x32x128xf32, #tpu.memory_space<vmem>> -> memref<32x128xf32, #tpu.memory_space<vmem>>
      tpu.enqueue_dma source(%dma_start3A_218 : memref<32x128xf32, #tpu.memory_space<vmem>>) target(%dma_start3A_214 : memref<32x128xf32, #tpu.memory_space<hbm>>) target_semaphore(%arg9 : memref<!tpu.dma_semaphore, #tpu.memory_space<semaphore_mem>>)
      %dma_wait3A_219 = arith.constant 0 : i32
      %dma_wait3A_220 = arith.constant 0 : i32
      %dma_wait3A_221 = arith.constant 0 : i32
      %dma_wait3A_222 = tpu.memref_slice %arg7[%dma_wait3A_219, %dma_wait3A_220, %dma_wait3A_221] : memref<2x32x128xf32, #tpu.memory_space<vmem>> -> memref<1x32x128xf32, #tpu.memory_space<vmem>>
      %dma_wait3A_223 = tpu.memref_squeeze %dma_wait3A_222 : memref<1x32x128xf32, #tpu.memory_space<vmem>> -> memref<32x128xf32, #tpu.memory_space<vmem>>
      %dma_wait3A_224 = arith.constant 0 : i32
      %dma_wait3A_225 = tpu.memref_slice %arg4[%add3A_159, %dma_wait3A_224] : memref<102400x128xf32, #tpu.memory_space<hbm>> -> memref<32x128xf32, #tpu.memory_space<hbm>>
      %dma_wait3A_226 = arith.constant 0 : i32
      %dma_wait3A_227 = tpu.memref_slice %arg4[%add3A_159, %dma_wait3A_226] : memref<102400x128xf32, #tpu.memory_space<hbm>> -> memref<32x128xf32, #tpu.memory_space<hbm>>
      %dma_wait3A_228 = arith.constant 0 : i32
      %dma_wait3A_229 = arith.constant 0 : i32
      %dma_wait3A_230 = tpu.memref_slice %arg7[%dma_wait3A_219, %dma_wait3A_228, %dma_wait3A_229] : memref<2x32x128xf32, #tpu.memory_space<vmem>> -> memref<1x32x128xf32, #tpu.memory_space<vmem>>
      %dma_wait3A_231 = tpu.memref_squeeze %dma_wait3A_230 : memref<1x32x128xf32, #tpu.memory_space<vmem>> -> memref<32x128xf32, #tpu.memory_space<vmem>>
      tpu.wait_dma2 semaphore(%arg9 : memref<!tpu.dma_semaphore, #tpu.memory_space<semaphore_mem>>) src(%dma_wait3A_231 : memref<32x128xf32, #tpu.memory_space<vmem>>) dst(%dma_wait3A_227 : memref<32x128xf32, #tpu.memory_space<hbm>>)
      %dma_wait3A_232 = arith.constant 1 : i32
      %dma_wait3A_233 = arith.constant 0 : i32
      %dma_wait3A_234 = arith.constant 0 : i32
      %dma_wait3A_235 = tpu.memref_slice %arg7[%dma_wait3A_232, %dma_wait3A_233, %dma_wait3A_234] : memref<2x32x128xf32, #tpu.memory_space<vmem>> -> memref<1x32x128xf32, #tpu.memory_space<vmem>>
      %dma_wait3A_236 = tpu.memref_squeeze %dma_wait3A_235 : memref<1x32x128xf32, #tpu.memory_space<vmem>> -> memref<32x128xf32, #tpu.memory_space<vmem>>
      %dma_wait3A_237 = arith.constant 0 : i32
      %dma_wait3A_238 = tpu.memref_slice %arg4[%add3A_205, %dma_wait3A_237] : memref<102400x128xf32, #tpu.memory_space<hbm>> -> memref<32x128xf32, #tpu.memory_space<hbm>>
      %dma_wait3A_239 = arith.constant 0 : i32
      %dma_wait3A_240 = tpu.memref_slice %arg4[%add3A_205, %dma_wait3A_239] : memref<102400x128xf32, #tpu.memory_space<hbm>> -> memref<32x128xf32, #tpu.memory_space<hbm>>
      %dma_wait3A_241 = arith.constant 0 : i32
      %dma_wait3A_242 = arith.constant 0 : i32
      %dma_wait3A_243 = tpu.memref_slice %arg7[%dma_wait3A_232, %dma_wait3A_241, %dma_wait3A_242] : memref<2x32x128xf32, #tpu.memory_space<vmem>> -> memref<1x32x128xf32, #tpu.memory_space<vmem>>
      %dma_wait3A_244 = tpu.memref_squeeze %dma_wait3A_243 : memref<1x32x128xf32, #tpu.memory_space<vmem>> -> memref<32x128xf32, #tpu.memory_space<vmem>>
      tpu.wait_dma2 semaphore(%arg9 : memref<!tpu.dma_semaphore, #tpu.memory_space<semaphore_mem>>) src(%dma_wait3A_244 : memref<32x128xf32, #tpu.memory_space<vmem>>) dst(%dma_wait3A_240 : memref<32x128xf32, #tpu.memory_space<hbm>>)
    }
    %scan3A_9 = arith.constant 25 : i32
    return
  }
}

module attributes {stable_mosaic.version = 14 : i64} {
  func.func @_ccat_body(%arg0: i32, %arg1: memref<1x5000x64xf32, #tpu.memory_space<vmem>>, %arg2: memref<1x5000x64xf32, #tpu.memory_space<vmem>>, %arg3: memref<1x5000x64xf32, #tpu.memory_space<vmem>>, %arg4: memref<5000x128xf32, #tpu.memory_space<vmem>>) attributes {dimension_semantics = [#tpu.dimension_semantics<arbitrary>], iteration_bounds = array<i64: 20>, scalar_prefetch = 0 : i64, scratch_operands = 0 : i64, tpu.core_type = #tpu.core_type<tc>, window_params = [{transform_indices = @transform_0, window_bounds = array<i64: 1, 5000, 64>}, {transform_indices = @transform_1, window_bounds = array<i64: 1, 5000, 64>}, {transform_indices = @transform_2, window_bounds = array<i64: 1, 5000, 64>}, {transform_indices = @transform_3, window_bounds = array<i64: 5000, 128>}]} {
    %get3A = arith.constant 0 : index
    %get3A_0 = arith.constant 0 : index
    %get3A_1 = arith.constant 0 : index
    %get3A_2 = vector.load %arg2[%get3A, %get3A_0, %get3A_1] : memref<1x5000x64xf32, #tpu.memory_space<vmem>>, vector<1x5000x64xf32>
    %get3A_3 = vector.shape_cast %get3A_2 : vector<1x5000x64xf32> to vector<5000x64xf32>
    %bitcast_convert_type3A = tpu.bitcast %get3A_3 : vector<5000x64xf32> -> vector<5000x64xi32>
    %add3A = arith.constant 32768 : i32
    %add3A_4 = vector.broadcast %add3A : i32 to vector<5000x64xi32>
    %add3A_5 = arith.addi %bitcast_convert_type3A, %add3A_4 : vector<5000x64xi32>
    %shift_right_logical3A = arith.constant 16 : i32
    %shift_right_logical3A_6 = vector.broadcast %shift_right_logical3A : i32 to vector<5000x64xi32>
    %shift_right_logical3A_7 = arith.shrui %add3A_5, %shift_right_logical3A_6 : vector<5000x64xi32>
    %get3A_8 = arith.constant 0 : index
    %get3A_9 = arith.constant 0 : index
    %get3A_10 = arith.constant 0 : index
    %get3A_11 = vector.load %arg3[%get3A_8, %get3A_9, %get3A_10] : memref<1x5000x64xf32, #tpu.memory_space<vmem>>, vector<1x5000x64xf32>
    %get3A_12 = vector.shape_cast %get3A_11 : vector<1x5000x64xf32> to vector<5000x64xf32>
    %bitcast_convert_type3A_13 = tpu.bitcast %get3A_12 : vector<5000x64xf32> -> vector<5000x64xi32>
    %add3A_14 = arith.constant 32768 : i32
    %add3A_15 = vector.broadcast %add3A_14 : i32 to vector<5000x64xi32>
    %add3A_16 = arith.addi %bitcast_convert_type3A_13, %add3A_15 : vector<5000x64xi32>
    %and3A = arith.constant -65536 : i32
    %and3A_17 = vector.broadcast %and3A : i32 to vector<5000x64xi32>
    %and3A_18 = arith.andi %add3A_16, %and3A_17 : vector<5000x64xi32>
    %or3A = arith.ori %shift_right_logical3A_7, %and3A_18 : vector<5000x64xi32>
    %bitcast_convert_type3A_19 = tpu.bitcast %or3A : vector<5000x64xi32> -> vector<5000x64xf32>
    %get3A_20 = arith.constant 0 : index
    %get3A_21 = arith.constant 0 : index
    %get3A_22 = arith.constant 0 : index
    %get3A_23 = vector.load %arg1[%get3A_20, %get3A_21, %get3A_22] : memref<1x5000x64xf32, #tpu.memory_space<vmem>>, vector<1x5000x64xf32>
    %get3A_24 = vector.shape_cast %get3A_23 : vector<1x5000x64xf32> to vector<5000x64xf32>
    %concatenate3A = tpu.concatenate %get3A_24, %bitcast_convert_type3A_19 in 1 : vector<5000x64xf32>, vector<5000x64xf32> -> vector<5000x128xf32>
    %swap3A = arith.constant 0 : index
    %swap3A_25 = arith.constant 0 : index
    %swap3A_26 = vector.load %arg4[%swap3A, %swap3A_25] : memref<5000x128xf32, #tpu.memory_space<vmem>>, vector<5000x128xf32>
    tpu.vector_store %arg4[%swap3A, %swap3A_25], %concatenate3A {strides = array<i32>} : memref<5000x128xf32, #tpu.memory_space<vmem>>, vector<5000x128xf32>,
    return
  }
  func.func @transform_0(%arg0: i32) -> (i32, i32, i32) {
    %c0_i32 = arith.constant 0 : i32
    %c0_i32_0 = arith.constant 0 : i32
    %c0_i32_1 = arith.constant 0 : i32
    return %c0_i32, %arg0, %c0_i32_0 : i32, i32, i32
  }
  func.func @transform_1(%arg0: i32) -> (i32, i32, i32) {
    %c1_i32 = arith.constant 1 : i32
    %c0_i32 = arith.constant 0 : i32
    %c0_i32_0 = arith.constant 0 : i32
    return %c1_i32, %arg0, %c0_i32 : i32, i32, i32
  }
  func.func @transform_2(%arg0: i32) -> (i32, i32, i32) {
    %c2_i32 = arith.constant 2 : i32
    %c0_i32 = arith.constant 0 : i32
    %c0_i32_0 = arith.constant 0 : i32
    return %c2_i32, %arg0, %c0_i32 : i32, i32, i32
  }
  func.func @transform_3(%arg0: i32) -> (i32, i32) {
    %c0_i32 = arith.constant 0 : i32
    %c0_i32_0 = arith.constant 0 : i32
    return %arg0, %c0_i32 : i32, i32
  }
}

module attributes {stable_mosaic.version = 14 : i64} {
  func.func @_attn_body(%arg0: i32, %arg1: memref<64x64xf32, #tpu.memory_space<vmem>>, %arg2: memref<12800x128xf32, #tpu.memory_space<vmem>>, %arg3: memref<64x200xf32, #tpu.memory_space<vmem>>, %arg4: memref<64x64xf32, #tpu.memory_space<vmem>>) attributes {dimension_semantics = [#tpu.dimension_semantics<arbitrary>], iteration_bounds = array<i64: 8>, scalar_prefetch = 0 : i64, scratch_operands = 0 : i64, tpu.core_type = #tpu.core_type<tc>, window_params = [{transform_indices = @transform_0, window_bounds = array<i64: 64, 64>}, {transform_indices = @transform_1, window_bounds = array<i64: 12800, 128>}, {transform_indices = @transform_2, window_bounds = array<i64: 64, 200>}, {transform_indices = @transform_3, window_bounds = array<i64: 64, 64>}]} {
    %get3A = arith.constant 0 : index
    %get3A_0 = arith.constant 0 : index
    %get3A_1 = vector.load %arg2[%get3A, %get3A_0] : memref<12800x128xf32, #tpu.memory_space<vmem>>, vector<12800x128xf32>
    %reshape3A = vector.shape_cast %get3A_1 : vector<12800x128xf32> to vector<64x200x128xf32>
    %slice3A = vector.extract_strided_slice %reshape3A {offsets = [0, 0, 0], sizes = [64, 200, 64], strides = [1, 1, 1]} : vector<64x200x128xf32> to vector<64x200x64xf32>
    %slice3A_2 = vector.extract_strided_slice %reshape3A {offsets = [0, 0, 64], sizes = [64, 200, 64], strides = [1, 1, 1]} : vector<64x200x128xf32> to vector<64x200x64xf32>
    %bitcast_convert_type3A = tpu.bitcast %slice3A_2 : vector<64x200x64xf32> -> vector<64x200x64xi32>
    %shift_left3A = arith.constant 16 : i32
    %shift_left3A_3 = vector.broadcast %shift_left3A : i32 to vector<64x200x64xi32>
    %shift_left3A_4 = arith.shli %bitcast_convert_type3A, %shift_left3A_3 : vector<64x200x64xi32>
    %bitcast_convert_type3A_5 = tpu.bitcast %shift_left3A_4 : vector<64x200x64xi32> -> vector<64x200x64xf32>
    %and3A = arith.constant -65536 : i32
    %and3A_6 = vector.broadcast %and3A : i32 to vector<64x200x64xi32>
    %and3A_7 = arith.andi %bitcast_convert_type3A, %and3A_6 : vector<64x200x64xi32>
    %bitcast_convert_type3A_8 = tpu.bitcast %and3A_7 : vector<64x200x64xi32> -> vector<64x200x64xf32>
    %get3A_9 = arith.constant 0 : index
    %get3A_10 = arith.constant 0 : index
    %get3A_11 = vector.load %arg1[%get3A_9, %get3A_10] : memref<64x64xf32, #tpu.memory_space<vmem>>, vector<64x64xf32>
    %broadcast_in_dim3A = vector.shape_cast %get3A_11 : vector<64x64xf32> to vector<64x1x64xf32>
    %mul3A = vector.broadcast %broadcast_in_dim3A : vector<64x1x64xf32> to vector<64x200x64xf32>
    %mul3A_12 = arith.mulf %slice3A, %mul3A : vector<64x200x64xf32>
    %reduce_sum3A = arith.constant dense<0.000000e+00> : vector<64x200xf32>
    %reduce_sum3A_13 = vector.multi_reduction <add>, %mul3A_12, %reduce_sum3A [2] : vector<64x200x64xf32> to vector<64x200xf32>
    %reduce_max3A = arith.constant dense<0xFF800000> : vector<64xf32>
    %reduce_max3A_14 = vector.multi_reduction <maximumf>, %reduce_sum3A_13, %reduce_max3A [1] : vector<64x200xf32> to vector<64xf32>
    %max3A = arith.constant 0xFF800000 : f32
    %max3A_15 = vector.broadcast %max3A : f32 to vector<64xf32>
    %max3A_16 = arith.maximumf %max3A_15, %reduce_max3A_14 : vector<64xf32>
    %broadcast_in_dim3A_17 = vector.shape_cast %max3A_16 : vector<64xf32> to vector<64x1xf32>
    %sub3A = vector.broadcast %broadcast_in_dim3A_17 : vector<64x1xf32> to vector<64x200xf32>
    %sub3A_18 = arith.subf %reduce_sum3A_13, %sub3A : vector<64x200xf32>
    %exp3A = math.exp %sub3A_18 : vector<64x200xf32>
    %reduce_sum3A_19 = arith.constant dense<0.000000e+00> : vector<64xf32>
    %reduce_sum3A_20 = vector.multi_reduction <add>, %exp3A, %reduce_sum3A_19 [1] : vector<64x200xf32> to vector<64xf32>
    %broadcast_in_dim3A_21 = vector.shape_cast %reduce_sum3A_20 : vector<64xf32> to vector<64x1xf32>
    %div3A = vector.broadcast %broadcast_in_dim3A_21 : vector<64x1xf32> to vector<64x200xf32>
    %div3A_22 = arith.divf %exp3A, %div3A : vector<64x200xf32>
    %broadcast_in_dim3A_23 = vector.shape_cast %div3A_22 : vector<64x200xf32> to vector<64x200x1xf32>
    %mul3A_24 = vector.broadcast %broadcast_in_dim3A_23 : vector<64x200x1xf32> to vector<64x200x64xf32>
    %mul3A_25 = arith.mulf %bitcast_convert_type3A_5, %mul3A_24 : vector<64x200x64xf32>
    %reduce_sum3A_26 = arith.constant dense<0.000000e+00> : vector<64x64xf32>
    %reduce_sum3A_27 = vector.multi_reduction <add>, %mul3A_25, %reduce_sum3A_26 [1] : vector<64x200x64xf32> to vector<64x64xf32>
    %add3A = arith.addf %get3A_11, %reduce_sum3A_27 : vector<64x64xf32>
    %swap3A = arith.constant 0 : index
    %swap3A_28 = arith.constant 0 : index
    %swap3A_29 = vector.load %arg4[%swap3A, %swap3A_28] : memref<64x64xf32, #tpu.memory_space<vmem>>, vector<64x64xf32>
    tpu.vector_store %arg4[%swap3A, %swap3A_28], %add3A {strides = array<i32>} : memref<64x64xf32, #tpu.memory_space<vmem>>, vector<64x64xf32>,
    %broadcast_in_dim3A_30 = vector.shape_cast %add3A : vector<64x64xf32> to vector<64x1x64xf32>
    %mul3A_31 = vector.broadcast %broadcast_in_dim3A_30 : vector<64x1x64xf32> to vector<64x200x64xf32>
    %mul3A_32 = arith.mulf %bitcast_convert_type3A_5, %mul3A_31 : vector<64x200x64xf32>
    %reduce_sum3A_33 = arith.constant dense<0.000000e+00> : vector<64x200xf32>
    %reduce_sum3A_34 = vector.multi_reduction <add>, %mul3A_32, %reduce_sum3A_33 [2] : vector<64x200x64xf32> to vector<64x200xf32>
    %reduce_max3A_35 = arith.constant dense<0xFF800000> : vector<64xf32>
    %reduce_max3A_36 = vector.multi_reduction <maximumf>, %reduce_sum3A_34, %reduce_max3A_35 [1] : vector<64x200xf32> to vector<64xf32>
    %max3A_37 = arith.constant 0xFF800000 : f32
    %max3A_38 = vector.broadcast %max3A_37 : f32 to vector<64xf32>
    %max3A_39 = arith.maximumf %max3A_38, %reduce_max3A_36 : vector<64xf32>
    %broadcast_in_dim3A_40 = vector.shape_cast %max3A_39 : vector<64xf32> to vector<64x1xf32>
    %sub3A_41 = vector.broadcast %broadcast_in_dim3A_40 : vector<64x1xf32> to vector<64x200xf32>
    %sub3A_42 = arith.subf %reduce_sum3A_34, %sub3A_41 : vector<64x200xf32>
    %exp3A_43 = math.exp %sub3A_42 : vector<64x200xf32>
    %reduce_sum3A_44 = arith.constant dense<0.000000e+00> : vector<64xf32>
    %reduce_sum3A_45 = vector.multi_reduction <add>, %exp3A_43, %reduce_sum3A_44 [1] : vector<64x200xf32> to vector<64xf32>
    %broadcast_in_dim3A_46 = vector.shape_cast %reduce_sum3A_45 : vector<64xf32> to vector<64x1xf32>
    %div3A_47 = vector.broadcast %broadcast_in_dim3A_46 : vector<64x1xf32> to vector<64x200xf32>
    %div3A_48 = arith.divf %exp3A_43, %div3A_47 : vector<64x200xf32>
    %broadcast_in_dim3A_49 = vector.shape_cast %div3A_48 : vector<64x200xf32> to vector<64x200x1xf32>
    %mul3A_50 = vector.broadcast %broadcast_in_dim3A_49 : vector<64x200x1xf32> to vector<64x200x64xf32>
    %mul3A_51 = arith.mulf %bitcast_convert_type3A_8, %mul3A_50 : vector<64x200x64xf32>
    %reduce_sum3A_52 = arith.constant dense<0.000000e+00> : vector<64x64xf32>
    %reduce_sum3A_53 = vector.multi_reduction <add>, %mul3A_51, %reduce_sum3A_52 [1] : vector<64x200x64xf32> to vector<64x64xf32>
    %add3A_54 = arith.addf %add3A, %reduce_sum3A_53 : vector<64x64xf32>
    %broadcast_in_dim3A_55 = vector.shape_cast %add3A_54 : vector<64x64xf32> to vector<64x1x64xf32>
    %mul3A_56 = vector.broadcast %broadcast_in_dim3A_55 : vector<64x1x64xf32> to vector<64x200x64xf32>
    %mul3A_57 = arith.mulf %bitcast_convert_type3A_8, %mul3A_56 : vector<64x200x64xf32>
    %reduce_sum3A_58 = arith.constant dense<0.000000e+00> : vector<64x200xf32>
    %reduce_sum3A_59 = vector.multi_reduction <add>, %mul3A_57, %reduce_sum3A_58 [2] : vector<64x200x64xf32> to vector<64x200xf32>
    %swap3A_60 = arith.constant 0 : index
    %swap3A_61 = arith.constant 0 : index
    %swap3A_62 = vector.load %arg3[%swap3A_60, %swap3A_61] : memref<64x200xf32, #tpu.memory_space<vmem>>, vector<64x200xf32>
    tpu.vector_store %arg3[%swap3A_60, %swap3A_61], %reduce_sum3A_59 {strides = array<i32>} : memref<64x200xf32, #tpu.memory_space<vmem>>, vector<64x200xf32>,
    return
  }
  func.func @transform_0(%arg0: i32) -> (i32, i32) {
    %c0_i32 = arith.constant 0 : i32
    %c0_i32_0 = arith.constant 0 : i32
    return %arg0, %c0_i32 : i32, i32
  }
  func.func @transform_1(%arg0: i32) -> (i32, i32) {
    %c0_i32 = arith.constant 0 : i32
    %c0_i32_0 = arith.constant 0 : i32
    return %arg0, %c0_i32 : i32, i32
  }
  func.func @transform_2(%arg0: i32) -> (i32, i32) {
    %c0_i32 = arith.constant 0 : i32
    %c0_i32_0 = arith.constant 0 : i32
    return %arg0, %c0_i32 : i32, i32
  }
  func.func @transform_3(%arg0: i32) -> (i32, i32) {
    %c0_i32 = arith.constant 0 : i32
    %c0_i32_0 = arith.constant 0 : i32
    return %arg0, %c0_i32 : i32, i32
  }
}

</mosaic_0001>

<sc_bundles>
// kernel: kernel.10.cloned.1.call-start
scs
__scs_entry_jumppad:
0x0: {  	(pc) =	sbr.rel $0x88, $3  }
0x1: {  	(tag) =	ssettag $0x0;
	lr =	simm.s32 $0x1  }
0x2: {  	[smem:$0x3F9E] =	sst lr;
	_ =	strace $0xD0000000  }
0x3: {  	_ = 	snop  }
0x4: {  	_ = 	snop  }
0x5: {  	_ = 	snop  }
0x6: {  	_ = 	snop  }
0x7: {  	_ = 	snop  }
__scs_overlays_trampoline_lowered:
0x8: {  	[smem:$0x3FAD] =	sst s0  }
0x9: {  	[smem:$0x3FAE] =	sst s1  }
0xa: {  	[smem:$0x3FAF] =	sst s2  }
0xb: {  	[smem:$0x3FB0] =	sst s3  }
0xc: {  	[smem:$0x3FB1] =	sst s4  }
0xd: {  	[smem:$0x3FB2] =	sst s5  }
0xe: {  	[smem:$0x3FB3] =	sst s6  }
0xf: {  	[smem:$0x3FB4] =	sst s7  }
0x10: {  	[smem:$0x3FB5] =	sst s8  }
0x11: {  	[smem:$0x3FB6] =	sst s9;
	s0 =	simm.s32 @!p0 $0x0  }
0x12: {  	s1 =	sld [smem:$0x3F9C];
	s0 =	simm.s32 @p0 $0x1  }
0x13: {  	[smem:$0x3FB7] =	sst s0;
	s0 =	simm.s32 @!p1 $0x0  }
0x14: {  	s2 =	sld [smem:$0x3F9B];
	s0 =	simm.s32 @p1 $0x1  }
0x15: {  	[smem:$0x3FB8] =	sst s0;
	s0 =	simm.s32 @!p2 $0x0  }
0x16: {  	s3 =	sld [smem:$0x3FDB];
	s0 =	simm.s32 @p2 $0x1  }
0x17: {  	s4 =	simm.s32 $0x1BF5;
	[smem:$0x3FBA] =	sst s0  }
0x18: {  	s0 =	sld [smem:$0x3F9D];
	_ =	swait.ge [sflag:s4], $0x0  }
0x19: {  	s7 =	sld [smem:$0x3F9E]  }
0x1a: {  	s8 =	sadd.s32 $0xFFFFE003, lr  }
0x1b: {  	s9 =	sadd.s32 $0xFFFFFEF7, lr;
	s5 =	simm.s32 $0xFFFFFFFF;
	p2 =	slt.u32 s8, $0xFFFFF086  }
0x1c: {  	p1 =	slt.u32 s9, $0xF7A;
	s5 =	simm.s32 @!p2 $0x0  }
0x1d: {  	s5 =	simm.s32 @p1 $0x1;
	p0 =	seq.s32 s7, s2  }
0x1e: {  	s7 =	smul.u32 @!p0 $0xF7A, s2;
	p2 =	seq.s32 @!p0 s5, $0x0  }
0x1f: {  	s9 =	smul.u32 $0xF7A, s1;
	s8 =	simm.s32 @!p0 $0x1BF5;
	p2 =	por !p2, p0  }
0x20: {  	[sflag:s8] =	ssyncset.s32 @!p0 $0xFFFFF086;
	s6 =	sadd.s32 @!p0 s3, s7;
	s7 =	simm.s32 @!p0 $0x108  }
0x21: {  	s3 =	sadd.s32 s3, s9;
	s6 =	sadd.s32 @!p0 $0x88, s6;
	s7 =	simm.s32 @p2 $0x1082  }
0x22: {  	[simem:s7], [sflag:s8] =	dma.local @!p0 [hbm:s6], $0xF7A  }
0x23: {  	s9 =	sor.u32 $0xD0000000, s2;
	s6 =	simm.s32 $0x108;
	_ =	swait.ge @!p0 [sflag:s8], $0x0  }
0x24: {  	s3 =	sadd.s32 $0x88, s3;
	s6 =	simm.s32 @!p1 $0x1082;
	[sflag:s4] =	ssyncset.s32 $0xFFFFF086  }
0x25: {  	[simem:s6], [sflag:s4] =	dma.local [hbm:s3], $0xF7A  }
0x26: {  	[smem:$0x3F9E] =	sst s1;
	(tag) =	ssettag s2;
	_ =	strace s9  }
0x27: {  	s1 =	sld [smem:$0x3FAE]  }
0x28: {  	s2 =	sld [smem:$0x3FAF]  }
0x29: {  	s4 =	sld [smem:$0x3FB1]  }
0x2a: {  	p0 =	seq.s32 s5, $0x0;
	s5 =	sld [smem:$0x3FB2]  }
0x2b: {  	s6 =	sld [smem:$0x3FB3]  }
0x2c: {  	s7 =	sld [smem:$0x3FB4]  }
0x2d: {  	s3 =	simm.s32 $0x108;
	s8 =	sld [smem:$0x3FB5]  }
0x2e: {  	s3 =	simm.s32 @!p0 $0x1082;
	s9 =	sld [smem:$0x3FB6]  }
0x2f: {  	lr =	sadd.s32 s0, s3;
	s0 =	sld [smem:$0x3FAD]  }
0x30: {  	s3 =	sld [smem:$0x3FB0]  }
0x31: {  	[smem:$0x3FB9] =	sst s10  }
0x32: {  	s10 =	sld [smem:$0x3FB7];
	_ =	sdelay $0x3  }
0x33: {  	p0 =	seq.s32 s10, $0x1;
	s10 =	sld [smem:$0x3FB9];
	_ =	sdelay $0x3  }
0x34: {  	[smem:$0x3FB9] =	sst s10  }
0x35: {  	s10 =	sld [smem:$0x3FB8];
	_ =	sdelay $0x3  }
0x36: {  	p1 =	seq.s32 s10, $0x1;
	s10 =	sld [smem:$0x3FB9];
	_ =	sdelay $0x3  }
0x37: {  	[smem:$0x3FB9] =	sst s10  }
0x38: {  	s10 =	sld [smem:$0x3FBA]  }
0x39: {  	_ = 	snop;
	(pc) =	sbr.ind lr, $3  }
0x3a: {  	_ = 	snop  }
0x3b: {  	_ = 	snop  }
0x3c: {  	p2 =	seq.s32 s10, $0x1;
	s10 =	sld [smem:$0x3FB9]  }
0x3d: {  	_ =	shalt  }
0x3e: {  	_ =	shalt  }
0x3f: {  	_ =	shalt  }
0x40: {  	_ =	shalt  }
0x41: {  	_ =	shalt  }
0x42: {  	_ =	shalt  }
0x43: {  	_ =	shalt  }
0x44: {  	_ =	shalt  }
0x45: {  	_ =	shalt  }
0x46: {  	_ =	shalt  }
0x47: {  	_ =	shalt  }
0x48: {  	_ =	shalt  }
0x49: {  	_ =	shalt  }
0x4a: {  	_ =	shalt  }
0x4b: {  	_ =	shalt  }
0x4c: {  	_ =	shalt  }
0x4d: {  	_ =	shalt  }
0x4e: {  	_ =	shalt  }
0x4f: {  	_ =	shalt  }
0x50: {  	_ =	shalt  }
0x51: {  	_ =	shalt  }
0x52: {  	_ =	shalt  }
0x53: {  	_ =	shalt  }
0x54: {  	_ =	shalt  }
0x55: {  	_ =	shalt  }
0x56: {  	_ =	shalt  }
0x57: {  	_ =	shalt  }
0x58: {  	_ =	shalt  }
0x59: {  	_ =	shalt  }
0x5a: {  	_ =	shalt  }
0x5b: {  	_ =	shalt  }
0x5c: {  	_ =	shalt  }
0x5d: {  	_ =	shalt  }
0x5e: {  	_ =	shalt  }
0x5f: {  	_ =	shalt  }
0x60: {  	_ =	shalt  }
0x61: {  	_ =	shalt  }
0x62: {  	_ =	shalt  }
0x63: {  	_ =	shalt  }
0x64: {  	_ =	shalt  }
0x65: {  	_ =	shalt  }
0x66: {  	_ =	shalt  }
0x67: {  	_ =	shalt  }
0x68: {  	_ =	shalt  }
0x69: {  	_ =	shalt  }
0x6a: {  	_ =	shalt  }
0x6b: {  	_ =	shalt  }
0x6c: {  	_ =	shalt  }
0x6d: {  	_ =	shalt  }
0x6e: {  	_ =	shalt  }
0x6f: {  	_ =	shalt  }
0x70: {  	_ =	shalt  }
0x71: {  	_ =	shalt  }
0x72: {  	_ =	shalt  }
0x73: {  	_ =	shalt  }
0x74: {  	_ =	shalt  }
0x75: {  	_ =	shalt  }
0x76: {  	_ =	shalt  }
0x77: {  	_ =	shalt  }
0x78: {  	_ =	shalt  }
0x79: {  	_ =	shalt  }
0x7a: {  	_ =	shalt  }
0x7b: {  	_ =	shalt  }
0x7c: {  	_ =	shalt  }
0x7d: {  	_ =	shalt  }
0x7e: {  	_ =	shalt  }
0x7f: {  	_ =	shalt  }
0x80: {  	_ =	shalt  }
0x81: {  	_ =	shalt  }
0x82: {  	_ =	shalt  }
0x83: {  	_ =	shalt  }
0x84: {  	_ =	shalt  }
0x85: {  	_ =	shalt  }
0x86: {  	_ =	shalt  }
0x87: {  	_ =	shalt  }
.Lfunc_end0:
.L_simem_size_0:
called_computation.1_lowered:
.L_overlay_start_0:
0x88: {  	s2 =	sld [smem:$0x3FD9]  }
0x89: {  	s3 =	sld [smem:$0x3FFE];
	_ =	sdelay $0x1  }
0x8a: {  	s1 =	srdreg.scid  }
0x8b: {  	s0 =	sand.u32 $0x1, s1  }
0x8c: {  	s16 =	sshll.u32 s0, $0xA;
	s2 =	sadd.s32 s3, s2  }
0x8d: {  	s2 =	sadd.s32 s2, s16  }
0x8e: {  	[smem:$0x3FC5] =	sst s2  }
0x8f: {  	_ = 	snop  }
0x90: {  	(tm) =	ssettm $0x1  }
0x91: {  	s17 =	sld [smem:$0x3FFB];
	_ =	sdelay $0x3  }
0x92: {  	_ =	strace s17  }
0x93: {  	s2 =	sld [smem:$0x3FFC];
	_ =	sdelay $0x3  }
0x94: {  	_ =	strace s2  }
0x95: {  	s2 =	sld [smem:$0x3FFD];
	_ =	sdelay $0x3  }
0x96: {  	_ =	strace s2  }
0x97: {  	_ =	strace $0x8FFFFFFF  }
0x98: {  	s18 =	sld [smem:$0x3FDB];
	_ =	sdelay $0x1  }
0x99: {  	s19 =	simm.s32 $_scs_section_size  }
0x9a: {  	s4 =	simm.s32 $_size__tile_overlayer_lowered;
	s5 =	simm.s32 $_tile_overlayer_lowered  }
0x9b: {  	s22 =	simm.s32 $0x1BFF;
	s21 =	sshll.u32 s5, $0x1;
	s2 =	sadd.s32 s19, s18  }
0x9c: {  	s6 =	simm.s32 $0x0;
	s20 =	sshll.u32 s4, $0x1;
	s4 =	sadd.s32 s21, s2  }
0x9d: {  	[timem:s6], [sflag:s22] =	dma.local [hbm:s4], s20  }
0x9e: {  	_ =	swait.ge [sflag:s22], s20  }
0x9f: {  	s3 =	ssub.s32 $0x0, s20;
	[sflag:s22] =	ssyncset.done $0x0  }
0xa0: {  	[sflag:s22] =	ssyncadd.s32 s3;
	_ =	sdelay $0x1  }
0xa1: {  	s23 =	simm.s32 $0x1B8B  }
0xa2: {  	_ =	swait.ge [sflag:s23], $0x1  }
0xa3: {  	[sflag:s23] =	ssyncset.done $0x0  }
0xa4: {  	s25 =	simm.s32 $0x1B8E;
	s24 =	sld [smem:$0x3FFE];
	[sflag:s23] =	ssyncadd.s32 $0xFFFFFFFF  }
0xa5: {  	s26 =	simm.s32 $execute0_lowered;
	[smem:$0x3FD2] =	sst s25  }
0xa6: {  	s4 =	sshll.u32 s26, $0x1;
	_ =	strace $0x80000046;
	[dreg:$0x1] =	wrdreg $0xFFFFFFFF  }
0xa7: {  	s28 =	simm.s32 $_size_execute0_lowered;
	s2 =	sadd.s32 s2, s4;
	[dreg:$0x0] =	wrdreg $0x0  }
0xa8: {  	s4 =	sshll.u32 s28, $0x1;
	[dreg:$0x2] =	wrdreg s2  }
0xa9: {  	[dreg:$0x3] =	wrdreg s4  }
0xaa: {  	[dreg:$0x4] =	wrdreg $0xC0  }
0xab: {  	_ =	task [dreg:s6], $0x5FFFF  }
0xac: {  	[dreg:$0x1] =	wrdreg $0xFFFFFFFF  }
0xad: {  	[dreg:$0x0] =	wrdreg $0x60  }
0xae: {  	[dreg:$0x2] =	wrdreg s24  }
0xaf: {  	[dreg:$0x3] =	wrdreg $0xA  }
0xb0: {  	_ =	task.clear_ibuf [dreg:s6], $0x4FFFF;
	_ =	strace $0x90000046  }
0xb1: {  	s29 =	simm.s32 $0xA;
	_ =	strace $0x80000048  }
0xb2: {  	_ =	swait.ge [sflag:s29], $0x1  }
0xb3: {  	[sflag:s29] =	ssyncadd.s32 $0xFFFFFFFF  }
0xb4: {  	_ =	strace $0x90000048  }
0xb5: {  	_ =	sfence  }
0xb6: {  	s30 =	sld [smem:$0x0];
	_ =	sdelay $0x2  }
0xb7: {  	s31 =	sshll.u32 s1, $0xD;
	s1 =	sshrl.u32 s1, $0x2  }
0xb8: {  	s3 =	sand.u32 $0x4000, s31;
	s1 =	sadd.s32 s1, s30  }
0xb9: {  	s0 =	sor.u32 s3, s0;
	s1 =	sshll.u32 s1, $0x11  }
0xba: {  	s0 =	sor.u32 s1, s0  }
0xbb: {  	s0 =	sadd.s32 $0x8F2B, s0  }
0xbc: {  	[sflag:s0] =	ssyncadd.remote.s32 $0x1  }
0xbd: {  	_ =	sfence.sel $0xFFFF  }
0xbe: {  	[dreg:$0x0] =	wrdreg $0xFFFFFFFF;
	(pc) =	sbr.abs _section_cstart, $3  }
0xbf: {  	[dreg:$0x1] =	wrdreg $0xFFFFFFFF  }
0xc0: {  	_ =	task.clear_ibuf [dreg:s6], $0x2FFFF;
	_ =	strace $0x9FFFFFFF  }
0xc1: {  	(tm) =	ssettm $0x7FFFFFFF  }
tec
execute0_lowered:
.L_overlay_start_1:
0x0: {  	(tag) =	ssettag $0x1  }
0x1: {  	s10 =	rddreg [dreg:$0x0]  }
0x2: {  	s0 =	rddreg [dreg:$0x1];
	s2 =	simm.s32 $0x0;
	s4 =	srdreg.scid  }
0x3: {  	s1 =	stileid.u32;
	s12 =	simm.s32 $0x3;
	s13 =	simm.s32 $0x80  }
0x4: {  	s14 =	simm.s32 $0x200;
	s15 =	simm.s32 $0x4200;
	s16 =	simm.s32 $0x100  }
0x5: {  	s17 =	simm.s32 $0x8200;
	s18 =	simm.s32 $0x1;
	s19 =	simm.s32 $0xC200  }
0x6: {  	s20 =	simm.s32 $0x180;
	s21 =	simm.s32 $0xD200;
	s22 =	simm.s32 $0x2  }
0x7: {  	s23 =	simm.s32 $0x0;
	[smem:$0x7FF] =	sst s2;
	s3 =	sadd.s32 $0x1600, s10  }
0x8: {  	s5 =	sand.u32 $0x1, s4;
	s6 =	sshll.u32 s1, $0x1;
	s4 =	sadd.s32 $0x61BE00, s10  }
0x9: {  	_ =	strace $0x80000047;
	s7 =	ssub.s32 $0x2, s5;
	s8 =	sor.u32 s5, s6  }
0xa: {  	s5 =	sadd.s32 $0xDE00, s10;
	s9 =	sshrl.u32 s7, $0x1;
	s6 =	smul.u32 $0x19, s8  }
0xb: {  	s11 =	ssub.s32 s7, s9;
	s7 =	smul.u32 $0xC800, s8;
	s8 =	sadd.s32 $0xE000, s10  }
0xc: {  	s9 =	sadd.s32 $0xE200, s10;
	s10 =	sadd.s32 $0xE400, s10;
	s11 =	smax.u32 s11, $0x1  }
.LBB2_1:
0xd: {  	s24 =	simm.s32 $0x0  }
.LBB2_2:
0xe: {  	s25 =	sadd.s32 s6, s24  }
0xf: {  	s25 =	sshll.u32 s25, $0x6  }
0x10: {  	s26 =	simm.s32 $0x0;
	s25 =	sadd.s32 s3, s25  }
0x11: {  	[tilespmem:s26], [sflag:$0x3] =	stream.linear.gather [hbm4b:s25+s26], $0x200, $0x38;
	[tilespmem:$0xE200] =	vst v63  }
0x12: {  	_ =	swait.ge [sflag:s12], $0x200  }
0x13: {  	[sflag:s12] =	ssyncset.done $0x0  }
0x14: {  	[sflag:s12] =	ssyncadd.s32 $0xFFFFFE00  }
0x15: {  	[tilespmem:s14], [sflag:$0x1] =	stream.indirect.gather [hbm4b:s4+s13], $0x80, s26, s13, $0xb8;
	[tilespmem:$0xE200] =	vst v63  }
0x16: {  	_ = 	snop  }
0x17: {  	[tilespmem:s15], [sflag:$0x1] =	stream.indirect.gather [hbm4b:s4+s13], $0x80, s13, s13, $0xb8;
	[tilespmem:$0xE200] =	vst v63  }
0x18: {  	_ = 	snop  }
0x19: {  	[tilespmem:s17], [sflag:$0x1] =	stream.indirect.gather [hbm4b:s4+s13], $0x80, s16, s13, $0xb8;
	[tilespmem:$0xE200] =	vst v63  }
0x1a: {  	_ =	swait.ge [sflag:s18], $0x4000  }
0x1b: {  	[sflag:s18] =	ssyncset.done $0x0  }
0x1c: {  	s25 =	simm.s32 $0x300;
	[sflag:s18] =	ssyncadd.s32 $0xFFFFC000  }
0x1d: {  	v0 =	vld [tilespmem:s25+$0xFFFFFF80]  }
0x1e: {  	v1 =	vld [tilespmem:s25+$0xFFFFFF00];
	_ =	sdelay $0x1  }
0x1f: {  	v2 =	vld [tilespmem:s25+$0x0];
	_ =	sdelay $0x1  }
0x20: {  	v3 =	vld [tilespmem:s25+$0x80]  }
0x21: {  	v0 =	vadd.f32 v0, v1;
	_ =	sdelay $0x1  }
0x22: {  	v0 =	vadd.f32 v2, v0;
	_ =	sdelay $0x1  }
0x23: {  	v0 =	vadd.f32 v3, v0  }
0x24: {  	s26 =	simm.s32 $0x0  }
0x25: {  	[tilespmem:s26+$0xC200] =	vst v0  }
0x26: {  	v0 =	vld [tilespmem:s25+$0xFFFFFF10]  }
0x27: {  	v1 =	vld [tilespmem:s25+$0xFFFFFF90];
	_ =	sdelay $0x1  }
0x28: {  	v2 =	vld [tilespmem:s25+$0x10];
	_ =	sdelay $0x1  }
0x29: {  	v3 =	vld [tilespmem:s25+$0x90]  }
0x2a: {  	v0 =	vadd.f32 v1, v0;
	_ =	sdelay $0x1  }
0x2b: {  	v0 =	vadd.f32 v2, v0;
	_ =	sdelay $0x1  }
0x2c: {  	v0 =	vadd.f32 v3, v0;
	_ =	sdelay $0x1  }
0x2d: {  	[tilespmem:s26+$0xC210] =	vst v0  }
0x2e: {  	v0 =	vld [tilespmem:s25+$0xFFFFFF20]  }
0x2f: {  	v1 =	vld [tilespmem:s25+$0xFFFFFFA0];
	_ =	sdelay $0x1  }
0x30: {  	v2 =	vld [tilespmem:s25+$0x20];
	_ =	sdelay $0x1  }
0x31: {  	v3 =	vld [tilespmem:s25+$0xA0]  }
0x32: {  	v0 =	vadd.f32 v1, v0;
	_ =	sdelay $0x1  }
0x33: {  	v0 =	vadd.f32 v2, v0;
	_ =	sdelay $0x1  }
0x34: {  	v0 =	vadd.f32 v3, v0;
	_ =	sdelay $0x1  }
0x35: {  	[tilespmem:s26+$0xC220] =	vst v0  }
0x36: {  	v0 =	vld [tilespmem:s25+$0xFFFFFFB0]  }
0x37: {  	v1 =	vld [tilespmem:s25+$0xFFFFFF30];
	_ =	sdelay $0x1  }
0x38: {  	v2 =	vld [tilespmem:s25+$0x30];
	_ =	sdelay $0x1  }
0x39: {  	v3 =	vld [tilespmem:s25+$0xB0]  }
0x3a: {  	v0 =	vadd.f32 v0, v1;
	_ =	sdelay $0x1  }
0x3b: {  	v0 =	vadd.f32 v2, v0;
	_ =	sdelay $0x1  }
0x3c: {  	v0 =	vadd.f32 v3, v0;
	_ =	sdelay $0x1  }
0x3d: {  	[tilespmem:s26+$0xC230] =	vst v0  }
0x3e: {  	v0 =	vld [tilespmem:s25+$0xFFFFFF40]  }
0x3f: {  	v1 =	vld [tilespmem:s25+$0xFFFFFFC0];
	_ =	sdelay $0x1  }
0x40: {  	v2 =	vld [tilespmem:s25+$0x40];
	_ =	sdelay $0x1  }
0x41: {  	v4 =	vld [tilespmem:s25+$0xC0];
	v3 =	vand.u32 $0xFFFF0000, v0  }
0x42: {  	v0 =	vshll.u32 v0, $0x10;
	v5 =	vshll.u32 v1, $0x10;
	v1 =	vand.u32 $0xFFFF0000, v1  }
0x43: {  	v0 =	vadd.f32 v5, v0;
	v1 =	vadd.f32 v1, v3  }
0x44: {  	v3 =	vshll.u32 v2, $0x10;
	v2 =	vand.u32 $0xFFFF0000, v2  }
0x45: {  	v0 =	vadd.f32 v3, v0;
	v1 =	vadd.f32 v2, v1  }
0x46: {  	v2 =	vshll.u32 v4, $0x10;
	v3 =	vand.u32 $0xFFFF0000, v4  }
0x47: {  	v0 =	vadd.f32 v2, v0;
	v1 =	vadd.f32 v3, v1;
	_ =	sdelay $0x1  }
0x48: {  	v0 =	vadd.s32 $0x8000, v0;
	v1 =	vadd.s32 $0x8000, v1  }
0x49: {  	v0 =	vshrl.u32 v0, $0x10;
	v1 =	vand.u32 $0xFFFF0000, v1  }
0x4a: {  	v0 =	vor.u32 v1, v0  }
0x4b: {  	[tilespmem:s26+$0xC240] =	vst v0  }
0x4c: {  	v0 =	vld [tilespmem:s25+$0xFFFFFF50]  }
0x4d: {  	v1 =	vld [tilespmem:s25+$0xFFFFFFD0];
	_ =	sdelay $0x1  }
0x4e: {  	v2 =	vld [tilespmem:s25+$0x50];
	_ =	sdelay $0x1  }
0x4f: {  	v3 =	vld [tilespmem:s25+$0xD0];
	v4 =	vshll.u32 v0, $0x10  }
0x50: {  	v0 =	vand.u32 $0xFFFF0000, v0;
	v5 =	vshll.u32 v1, $0x10;
	v1 =	vand.u32 $0xFFFF0000, v1  }
0x51: {  	v4 =	vadd.f32 v5, v4;
	v0 =	vadd.f32 v1, v0  }
0x52: {  	v1 =	vshll.u32 v2, $0x10;
	v2 =	vand.u32 $0xFFFF0000, v2  }
0x53: {  	v1 =	vadd.f32 v1, v4;
	v0 =	vadd.f32 v2, v0  }
0x54: {  	v2 =	vshll.u32 v3, $0x10;
	v3 =	vand.u32 $0xFFFF0000, v3  }
0x55: {  	v1 =	vadd.f32 v2, v1;
	v0 =	vadd.f32 v3, v0;
	_ =	sdelay $0x1  }
0x56: {  	v1 =	vadd.s32 $0x8000, v1;
	v0 =	vadd.s32 $0x8000, v0  }
0x57: {  	v1 =	vshrl.u32 v1, $0x10;
	v0 =	vand.u32 $0xFFFF0000, v0  }
0x58: {  	v0 =	vor.u32 v0, v1  }
0x59: {  	[tilespmem:s26+$0xC250] =	vst v0  }
0x5a: {  	v0 =	vld [tilespmem:s25+$0xFFFFFF60]  }
0x5b: {  	v1 =	vld [tilespmem:s25+$0xFFFFFFE0];
	_ =	sdelay $0x1  }
0x5c: {  	v2 =	vld [tilespmem:s25+$0x60];
	_ =	sdelay $0x1  }
0x5d: {  	v3 =	vld [tilespmem:s25+$0xE0];
	v4 =	vand.u32 $0xFFFF0000, v0  }
0x5e: {  	v0 =	vshll.u32 v0, $0x10;
	v5 =	vshll.u32 v1, $0x10;
	v1 =	vand.u32 $0xFFFF0000, v1  }
0x5f: {  	v0 =	vadd.f32 v5, v0;
	v1 =	vadd.f32 v1, v4  }
0x60: {  	v4 =	vshll.u32 v2, $0x10;
	v2 =	vand.u32 $0xFFFF0000, v2  }
0x61: {  	v0 =	vadd.f32 v4, v0;
	v1 =	vadd.f32 v2, v1  }
0x62: {  	v2 =	vshll.u32 v3, $0x10;
	v3 =	vand.u32 $0xFFFF0000, v3  }
0x63: {  	v0 =	vadd.f32 v2, v0;
	v1 =	vadd.f32 v3, v1;
	_ =	sdelay $0x1  }
0x64: {  	v0 =	vadd.s32 $0x8000, v0;
	v1 =	vadd.s32 $0x8000, v1  }
0x65: {  	v0 =	vshrl.u32 v0, $0x10;
	v1 =	vand.u32 $0xFFFF0000, v1  }
0x66: {  	v0 =	vor.u32 v1, v0  }
0x67: {  	[tilespmem:s26+$0xC260] =	vst v0  }
0x68: {  	v3 =	vld [tilespmem:s25+$0xFFFFFF70]  }
0x69: {  	v2 =	vld [tilespmem:s25+$0xFFFFFFF0]  }
0x6a: {  	v1 =	vld [tilespmem:s25+$0x70]  }
0x6b: {  	s28 =	simm.s32 $0x200;
	v0 =	vld [tilespmem:s25+$0xF0]  }
.LBB2_3:
0x6c: {  	p0 =	sne.s32 s28, $0x3E00  }
0x6d: {  	s25 =	sadd.s32 $0x200, s25;
	s29 =	smov.u32 s28;
	s28 =	sadd.s32 $0x200, s28  }
0x6e: {  	v4 =	vshll.u32 v3, $0x10;
	v3 =	vand.u32 $0xFFFF0000, v3  }
0x6f: {  	v5 =	vshll.u32 v2, $0x10;
	v2 =	vand.u32 $0xFFFF0000, v2  }
0x70: {  	v4 =	vadd.f32 v5, v4;
	v2 =	vadd.f32 v2, v3;
	v3 =	vand.u32 $0xFFFF0000, v1  }
0x71: {  	v1 =	vshll.u32 v1, $0x10  }
0x72: {  	v1 =	vadd.f32 v1, v4;
	v2 =	vadd.f32 v3, v2;
	v3 =	vand.u32 $0xFFFF0000, v0  }
0x73: {  	v0 =	vshll.u32 v0, $0x10  }
0x74: {  	v0 =	vadd.f32 v0, v1;
	v1 =	vadd.f32 v3, v2;
	_ =	sdelay $0x1  }
0x75: {  	v0 =	vadd.s32 $0x8000, v0;
	v1 =	vadd.s32 $0x8000, v1  }
0x76: {  	v0 =	vshrl.u32 v0, $0x10;
	v1 =	vand.u32 $0xFFFF0000, v1  }
0x77: {  	v0 =	vor.u32 v1, v0  }
0x78: {  	[tilespmem:s26+$0xC270] =	vst v0  }
0x79: {  	v0 =	vld [tilespmem:s25+$0xFFFFFF80]  }
0x7a: {  	v1 =	vld [tilespmem:s25+$0xFFFFFF00]  }
0x7b: {  	v2 =	vld [tilespmem:s25+$0x0];
	_ =	sdelay $0x2  }
0x7c: {  	v3 =	vld [tilespmem:s25+$0x80]  }
0x7d: {  	v0 =	vadd.f32 v0, v1;
	_ =	sdelay $0x1  }
0x7e: {  	v0 =	vadd.f32 v2, v0;
	_ =	sdelay $0x1  }
0x7f: {  	v0 =	vadd.f32 v3, v0  }
0x80: {  	s26 =	sshra.s32 s29, $0x2  }
0x81: {  	[tilespmem:s26+$0xC200] =	vst v0  }
0x82: {  	v0 =	vld [tilespmem:s25+$0xFFFFFF10]  }
0x83: {  	v1 =	vld [tilespmem:s25+$0xFFFFFF90];
	_ =	sdelay $0x1  }
0x84: {  	v2 =	vld [tilespmem:s25+$0x10];
	_ =	sdelay $0x1  }
0x85: {  	v3 =	vld [tilespmem:s25+$0x90]  }
0x86: {  	v0 =	vadd.f32 v1, v0;
	_ =	sdelay $0x1  }
0x87: {  	v0 =	vadd.f32 v2, v0;
	_ =	sdelay $0x1  }
0x88: {  	v0 =	vadd.f32 v3, v0;
	_ =	sdelay $0x1  }
0x89: {  	[tilespmem:s26+$0xC210] =	vst v0  }
0x8a: {  	v0 =	vld [tilespmem:s25+$0xFFFFFF20]  }
0x8b: {  	v1 =	vld [tilespmem:s25+$0xFFFFFFA0];
	_ =	sdelay $0x1  }
0x8c: {  	v2 =	vld [tilespmem:s25+$0x20];
	_ =	sdelay $0x1  }
0x8d: {  	v3 =	vld [tilespmem:s25+$0xA0]  }
0x8e: {  	v0 =	vadd.f32 v1, v0;
	_ =	sdelay $0x1  }
0x8f: {  	v0 =	vadd.f32 v2, v0;
	_ =	sdelay $0x1  }
0x90: {  	v0 =	vadd.f32 v3, v0;
	_ =	sdelay $0x1  }
0x91: {  	[tilespmem:s26+$0xC220] =	vst v0  }
0x92: {  	v0 =	vld [tilespmem:s25+$0xFFFFFFB0]  }
0x93: {  	v1 =	vld [tilespmem:s25+$0xFFFFFF30];
	_ =	sdelay $0x1  }
0x94: {  	v2 =	vld [tilespmem:s25+$0x30];
	_ =	sdelay $0x1  }
0x95: {  	v3 =	vld [tilespmem:s25+$0xB0]  }
0x96: {  	v0 =	vadd.f32 v0, v1;
	_ =	sdelay $0x1  }
0x97: {  	v0 =	vadd.f32 v2, v0;
	_ =	sdelay $0x1  }
0x98: {  	v0 =	vadd.f32 v3, v0;
	_ =	sdelay $0x1  }
0x99: {  	[tilespmem:s26+$0xC230] =	vst v0  }
0x9a: {  	v0 =	vld [tilespmem:s25+$0xFFFFFF40]  }
0x9b: {  	v1 =	vld [tilespmem:s25+$0xFFFFFFC0];
	_ =	sdelay $0x1  }
0x9c: {  	v2 =	vld [tilespmem:s25+$0x40];
	_ =	sdelay $0x1  }
0x9d: {  	v3 =	vand.u32 $0xFFFF0000, v0;
	v4 =	vld [tilespmem:s25+$0xC0]  }
0x9e: {  	v0 =	vshll.u32 v0, $0x10;
	v5 =	vshll.u32 v1, $0x10;
	v1 =	vand.u32 $0xFFFF0000, v1  }
0x9f: {  	v0 =	vadd.f32 v5, v0;
	v1 =	vadd.f32 v1, v3  }
0xa0: {  	v3 =	vshll.u32 v2, $0x10;
	v2 =	vand.u32 $0xFFFF0000, v2  }
0xa1: {  	v0 =	vadd.f32 v3, v0;
	v1 =	vadd.f32 v2, v1  }
0xa2: {  	v2 =	vshll.u32 v4, $0x10;
	v3 =	vand.u32 $0xFFFF0000, v4  }
0xa3: {  	v0 =	vadd.f32 v2, v0;
	v1 =	vadd.f32 v3, v1;
	_ =	sdelay $0x1  }
0xa4: {  	v0 =	vadd.s32 $0x8000, v0;
	v1 =	vadd.s32 $0x8000, v1  }
0xa5: {  	v0 =	vshrl.u32 v0, $0x10;
	v1 =	vand.u32 $0xFFFF0000, v1  }
0xa6: {  	v0 =	vor.u32 v1, v0  }
0xa7: {  	[tilespmem:s26+$0xC240] =	vst v0  }
0xa8: {  	v0 =	vld [tilespmem:s25+$0xFFFFFF50]  }
0xa9: {  	v1 =	vld [tilespmem:s25+$0xFFFFFFD0]  }
0xaa: {  	v2 =	vld [tilespmem:s25+$0x50]  }
0xab: {  	v3 =	vld [tilespmem:s25+$0xD0];
	_ =	sdelay $0x1  }
0xac: {  	v4 =	vshll.u32 v0, $0x10  }
0xad: {  	v0 =	vand.u32 $0xFFFF0000, v0;
	v5 =	vshll.u32 v1, $0x10;
	v1 =	vand.u32 $0xFFFF0000, v1  }
0xae: {  	v4 =	vadd.f32 v5, v4;
	v0 =	vadd.f32 v1, v0  }
0xaf: {  	v1 =	vshll.u32 v2, $0x10;
	v2 =	vand.u32 $0xFFFF0000, v2  }
0xb0: {  	v1 =	vadd.f32 v1, v4;
	v0 =	vadd.f32 v2, v0  }
0xb1: {  	v2 =	vshll.u32 v3, $0x10;
	v3 =	vand.u32 $0xFFFF0000, v3  }
0xb2: {  	v1 =	vadd.f32 v2, v1;
	v0 =	vadd.f32 v3, v0;
	_ =	sdelay $0x1  }
0xb3: {  	v1 =	vadd.s32 $0x8000, v1;
	v0 =	vadd.s32 $0x8000, v0  }
0xb4: {  	v1 =	vshrl.u32 v1, $0x10;
	v0 =	vand.u32 $0xFFFF0000, v0  }
0xb5: {  	v0 =	vor.u32 v0, v1  }
0xb6: {  	[tilespmem:s26+$0xC250] =	vst v0  }
0xb7: {  	v0 =	vld [tilespmem:s25+$0xFFFFFF60]  }
0xb8: {  	v1 =	vld [tilespmem:s25+$0xFFFFFFE0]  }
0xb9: {  	v2 =	vld [tilespmem:s25+$0x60]  }
0xba: {  	v3 =	vld [tilespmem:s25+$0xE0];
	_ =	sdelay $0x1  }
0xbb: {  	v4 =	vand.u32 $0xFFFF0000, v0  }
0xbc: {  	v0 =	vshll.u32 v0, $0x10;
	v5 =	vshll.u32 v1, $0x10;
	v1 =	vand.u32 $0xFFFF0000, v1  }
0xbd: {  	v0 =	vadd.f32 v5, v0;
	v1 =	vadd.f32 v1, v4  }
0xbe: {  	v4 =	vshll.u32 v2, $0x10;
	v2 =	vand.u32 $0xFFFF0000, v2  }
0xbf: {  	v0 =	vadd.f32 v4, v0;
	v1 =	vadd.f32 v2, v1  }
0xc0: {  	v2 =	vshll.u32 v3, $0x10;
	v3 =	vand.u32 $0xFFFF0000, v3  }
0xc1: {  	v0 =	vadd.f32 v2, v0;
	v1 =	vadd.f32 v3, v1;
	_ =	sdelay $0x1  }
0xc2: {  	v0 =	vadd.s32 $0x8000, v0;
	v1 =	vadd.s32 $0x8000, v1  }
0xc3: {  	v0 =	vshrl.u32 v0, $0x10;
	v1 =	vand.u32 $0xFFFF0000, v1  }
0xc4: {  	v0 =	vor.u32 v1, v0  }
.Ltmp0:
0xc5: {  	[tilespmem:s26+$0xC260] =	vst v0;
	(pc) =	sbr.rel @p0 .LBB2_3-.Ltmp0, $4  }
0xc6: {  	v3 =	vld [tilespmem:s25+$0xFFFFFF70]  }
0xc7: {  	v2 =	vld [tilespmem:s25+$0xFFFFFFF0]  }
0xc8: {  	v1 =	vld [tilespmem:s25+$0x70]  }
0xc9: {  	v0 =	vld [tilespmem:s25+$0xF0]  }
0xca: {  	_ = 	snop  }
0xcb: {  	v4 =	vshll.u32 v3, $0x10  }
0xcc: {  	v3 =	vand.u32 $0xFFFF0000, v3;
	v5 =	vshll.u32 v2, $0x10;
	v2 =	vand.u32 $0xFFFF0000, v2  }
0xcd: {  	v4 =	vadd.f32 v5, v4;
	v2 =	vadd.f32 v2, v3  }
0xce: {  	v3 =	vand.u32 $0xFFFF0000, v1;
	v1 =	vshll.u32 v1, $0x10  }
0xcf: {  	v1 =	vadd.f32 v1, v4;
	v2 =	vadd.f32 v3, v2  }
0xd0: {  	v3 =	vand.u32 $0xFFFF0000, v0;
	v0 =	vshll.u32 v0, $0x10  }
0xd1: {  	v0 =	vadd.f32 v0, v1;
	v1 =	vadd.f32 v3, v2;
	_ =	sdelay $0x1  }
0xd2: {  	v0 =	vadd.s32 $0x8000, v0;
	v1 =	vadd.s32 $0x8000, v1  }
0xd3: {  	s25 =	sshll.u32 s24, $0xB;
	v0 =	vshrl.u32 v0, $0x10;
	v1 =	vand.u32 $0xFFFF0000, v1  }
0xd4: {  	s25 =	sadd.s32 s7, s25;
	v0 =	vor.u32 v1, v0  }
0xd5: {  	s28 =	simm.s32 $0x0;
	s31 =	sadd.s32 s5, s25;
	[tilespmem:s26+$0xC270] =	vst v0  }
0xd6: {  	[hbm4b:s31+s28] =	stream.linear.scatter [tilespmem:s19], [sflag:$0x2], $0x1000, $0x38;
	[tilespmem:$0xE200] =	vst v63  }
0xd7: {  	_ = 	snop  }
0xd8: {  	[tilespmem:s14], [sflag:$0x1] =	stream.indirect.gather [hbm4b:s4+s13], $0x80, s20, s13, $0xb8;
	[tilespmem:$0xE200] =	vst v63  }
0xd9: {  	_ =	swait.ge [sflag:s18], $0x4000  }
0xda: {  	[sflag:s18] =	ssyncset.done $0x0  }
0xdb: {  	s28 =	simm.s32 $0x0;
	[sflag:s18] =	ssyncadd.s32 $0xFFFFC000  }
0xdc: {  	v0 =	vld [tilespmem:s28+$0x4200]  }
0xdd: {  	v1 =	vld [tilespmem:s28+$0x4280];
	_ =	sdelay $0x1  }
0xde: {  	v2 =	vld [tilespmem:s28+$0x4300];
	_ =	sdelay $0x1  }
0xdf: {  	v3 =	vld [tilespmem:s28+$0x4380]  }
0xe0: {  	v0 =	vadd.f32 v1, v0;
	_ =	sdelay $0x1  }
0xe1: {  	v0 =	vadd.f32 v2, v0;
	_ =	sdelay $0x1  }
0xe2: {  	v0 =	vadd.f32 v3, v0  }
0xe3: {  	s26 =	simm.s32 $0xD270  }
0xe4: {  	[tilespmem:s26+$0xFFFFFF90] =	vst v0  }
0xe5: {  	v0 =	vld [tilespmem:s28+$0x4210]  }
0xe6: {  	v1 =	vld [tilespmem:s28+$0x4290];
	_ =	sdelay $0x1  }
0xe7: {  	v2 =	vld [tilespmem:s28+$0x4310];
	_ =	sdelay $0x1  }
0xe8: {  	v3 =	vld [tilespmem:s28+$0x4390]  }
0xe9: {  	v0 =	vadd.f32 v1, v0;
	_ =	sdelay $0x1  }
0xea: {  	v0 =	vadd.f32 v2, v0;
	_ =	sdelay $0x1  }
0xeb: {  	v0 =	vadd.f32 v3, v0;
	_ =	sdelay $0x1  }
0xec: {  	[tilespmem:s26+$0xFFFFFFA0] =	vst v0  }
0xed: {  	v0 =	vld [tilespmem:s28+$0x4220]  }
0xee: {  	v1 =	vld [tilespmem:s28+$0x42A0];
	_ =	sdelay $0x1  }
0xef: {  	v2 =	vld [tilespmem:s28+$0x4320];
	_ =	sdelay $0x1  }
0xf0: {  	v3 =	vld [tilespmem:s28+$0x43A0]  }
0xf1: {  	v0 =	vadd.f32 v1, v0;
	_ =	sdelay $0x1  }
0xf2: {  	v0 =	vadd.f32 v2, v0;
	_ =	sdelay $0x1  }
0xf3: {  	v0 =	vadd.f32 v3, v0;
	_ =	sdelay $0x1  }
0xf4: {  	[tilespmem:s26+$0xFFFFFFB0] =	vst v0  }
0xf5: {  	v0 =	vld [tilespmem:s28+$0x4230]  }
0xf6: {  	v1 =	vld [tilespmem:s28+$0x42B0];
	_ =	sdelay $0x1  }
0xf7: {  	v2 =	vld [tilespmem:s28+$0x4330];
	_ =	sdelay $0x1  }
0xf8: {  	v3 =	vld [tilespmem:s28+$0x43B0]  }
0xf9: {  	v0 =	vadd.f32 v1, v0;
	_ =	sdelay $0x1  }
0xfa: {  	v0 =	vadd.f32 v2, v0;
	_ =	sdelay $0x1  }
0xfb: {  	v0 =	vadd.f32 v3, v0;
	_ =	sdelay $0x1  }
0xfc: {  	[tilespmem:s26+$0xFFFFFFC0] =	vst v0  }
0xfd: {  	v0 =	vld [tilespmem:s28+$0x4240]  }
0xfe: {  	v1 =	vld [tilespmem:s28+$0x42C0];
	_ =	sdelay $0x1  }
0xff: {  	v2 =	vld [tilespmem:s28+$0x4340];
	_ =	sdelay $0x1  }
0x100: {  	v3 =	vld [tilespmem:s28+$0x43C0];
	v58 =	vshll.u32 v0, $0x10  }
0x101: {  	v0 =	vand.u32 $0xFFFF0000, v0;
	v59 =	vshll.u32 v1, $0x10;
	v1 =	vand.u32 $0xFFFF0000, v1  }
0x102: {  	v4 =	vadd.f32 v59, v58;
	v0 =	vadd.f32 v1, v0  }
0x103: {  	v1 =	vshll.u32 v2, $0x10;
	v2 =	vand.u32 $0xFFFF0000, v2  }
0x104: {  	v1 =	vadd.f32 v1, v4;
	v0 =	vadd.f32 v2, v0  }
0x105: {  	v2 =	vshll.u32 v3, $0x10;
	v3 =	vand.u32 $0xFFFF0000, v3  }
0x106: {  	v1 =	vadd.f32 v2, v1;
	v0 =	vadd.f32 v3, v0;
	_ =	sdelay $0x1  }
0x107: {  	v1 =	vadd.s32 $0x8000, v1;
	v0 =	vadd.s32 $0x8000, v0  }
0x108: {  	v1 =	vshrl.u32 v1, $0x10;
	v0 =	vand.u32 $0xFFFF0000, v0  }
0x109: {  	v0 =	vor.u32 v0, v1  }
0x10a: {  	[tilespmem:s26+$0xFFFFFFD0] =	vst v0  }
0x10b: {  	v0 =	vld [tilespmem:s28+$0x4250]  }
0x10c: {  	v1 =	vld [tilespmem:s28+$0x42D0];
	_ =	sdelay $0x1  }
0x10d: {  	v2 =	vld [tilespmem:s28+$0x4350];
	_ =	sdelay $0x1  }
0x10e: {  	v3 =	vld [tilespmem:s28+$0x43D0];
	v60 =	vshll.u32 v0, $0x10  }
0x10f: {  	v0 =	vand.u32 $0xFFFF0000, v0;
	v61 =	vshll.u32 v1, $0x10;
	v1 =	vand.u32 $0xFFFF0000, v1  }
0x110: {  	v4 =	vadd.f32 v61, v60;
	v0 =	vadd.f32 v1, v0  }
0x111: {  	v1 =	vshll.u32 v2, $0x10;
	v2 =	vand.u32 $0xFFFF0000, v2  }
0x112: {  	v1 =	vadd.f32 v1, v4;
	v0 =	vadd.f32 v2, v0  }
0x113: {  	v2 =	vshll.u32 v3, $0x10;
	v3 =	vand.u32 $0xFFFF0000, v3  }
0x114: {  	v1 =	vadd.f32 v2, v1;
	v0 =	vadd.f32 v3, v0;
	_ =	sdelay $0x1  }
0x115: {  	v1 =	vadd.s32 $0x8000, v1;
	v0 =	vadd.s32 $0x8000, v0  }
0x116: {  	v1 =	vshrl.u32 v1, $0x10;
	v0 =	vand.u32 $0xFFFF0000, v0  }
0x117: {  	v0 =	vor.u32 v0, v1  }
0x118: {  	[tilespmem:s26+$0xFFFFFFE0] =	vst v0  }
0x119: {  	v0 =	vld [tilespmem:s28+$0x4260]  }
0x11a: {  	v1 =	vld [tilespmem:s28+$0x42E0];
	_ =	sdelay $0x1  }
0x11b: {  	v2 =	vld [tilespmem:s28+$0x4360];
	_ =	sdelay $0x1  }
0x11c: {  	v3 =	vld [tilespmem:s28+$0x43E0];
	v62 =	vshll.u32 v0, $0x10  }
0x11d: {  	v0 =	vand.u32 $0xFFFF0000, v0;
	v63 =	vshll.u32 v1, $0x10;
	v1 =	vand.u32 $0xFFFF0000, v1  }
0x11e: {  	v4 =	vadd.f32 v63, v62;
	v0 =	vadd.f32 v1, v0  }
0x11f: {  	v1 =	vshll.u32 v2, $0x10;
	v2 =	vand.u32 $0xFFFF0000, v2  }
0x120: {  	v1 =	vadd.f32 v1, v4;
	v0 =	vadd.f32 v2, v0  }
0x121: {  	v2 =	vshll.u32 v3, $0x10;
	v3 =	vand.u32 $0xFFFF0000, v3  }
0x122: {  	v1 =	vadd.f32 v2, v1;
	v0 =	vadd.f32 v3, v0;
	_ =	sdelay $0x1  }
0x123: {  	v1 =	vadd.s32 $0x8000, v1;
	v0 =	vadd.s32 $0x8000, v0  }
0x124: {  	v1 =	vshrl.u32 v1, $0x10;
	v0 =	vand.u32 $0xFFFF0000, v0  }
0x125: {  	v0 =	vor.u32 v0, v1  }
0x126: {  	[tilespmem:s26+$0xFFFFFFF0] =	vst v0  }
0x127: {  	s30 =	simm.s32 $0x800;
	s29 =	simm.s32 $0xD270;
	v0 =	vld [tilespmem:s28+$0x4270]  }
.LBB2_5:
0x128: {  	p0 =	sne.s32 s30, $0xF800  }
0x129: {  	v1 =	vld [tilespmem:s28+$0x42F0];
	s26 =	sadd.s32 $0x80, s26;
	s31 =	smov.u32 s30;
	s30 =	sadd.s32 $0x800, s30  }
0x12a: {  	v2 =	vld [tilespmem:s28+$0x4370]  }
0x12b: {  	v3 =	vld [tilespmem:s28+$0x43F0];
	_ =	sdelay $0x1  }
0x12c: {  	v4 =	vshll.u32 v0, $0x10  }
0x12d: {  	v0 =	vand.u32 $0xFFFF0000, v0;
	v5 =	vshll.u32 v1, $0x10;
	v1 =	vand.u32 $0xFFFF0000, v1  }
0x12e: {  	v4 =	vadd.f32 v5, v4;
	v0 =	vadd.f32 v1, v0;
	v1 =	vand.u32 $0xFFFF0000, v2  }
0x12f: {  	v2 =	vshll.u32 v2, $0x10  }
0x130: {  	s28 =	sshra.s32 s31, $0x2;
	v2 =	vadd.f32 v2, v4;
	v0 =	vadd.f32 v1, v0;
	v1 =	vand.u32 $0xFFFF0000, v3  }
0x131: {  	v3 =	vshll.u32 v3, $0x10  }
0x132: {  	v2 =	vadd.f32 v3, v2;
	v0 =	vadd.f32 v1, v0;
	_ =	sdelay $0x1  }
0x133: {  	v1 =	vadd.s32 $0x8000, v2;
	v0 =	vadd.s32 $0x8000, v0  }
0x134: {  	v1 =	vshrl.u32 v1, $0x10;
	v0 =	vand.u32 $0xFFFF0000, v0  }
0x135: {  	v0 =	vor.u32 v0, v1  }
0x136: {  	[tilespmem:s29+$0x0] =	vst v0;
	s29 =	smov.u32 s26  }
0x137: {  	v0 =	vld [tilespmem:s28+$0x4200]  }
0x138: {  	v1 =	vld [tilespmem:s28+$0x4280]  }
0x139: {  	v2 =	vld [tilespmem:s28+$0x4380]  }
0x13a: {  	v3 =	vld [tilespmem:s28+$0x4300];
	_ =	sdelay $0x2  }
0x13b: {  	v0 =	vadd.f32 v1, v0;
	_ =	sdelay $0x1  }
0x13c: {  	v0 =	vadd.f32 v3, v0;
	_ =	sdelay $0x1  }
0x13d: {  	v0 =	vadd.f32 v2, v0;
	_ =	sdelay $0x1  }
0x13e: {  	[tilespmem:s26+$0xFFFFFF90] =	vst v0  }
0x13f: {  	v0 =	vld [tilespmem:s28+$0x4210]  }
0x140: {  	v1 =	vld [tilespmem:s28+$0x4290];
	_ =	sdelay $0x1  }
0x141: {  	v2 =	vld [tilespmem:s28+$0x4310];
	_ =	sdelay $0x1  }
0x142: {  	v3 =	vld [tilespmem:s28+$0x4390]  }
0x143: {  	v0 =	vadd.f32 v1, v0;
	_ =	sdelay $0x1  }
0x144: {  	v0 =	vadd.f32 v2, v0;
	_ =	sdelay $0x1  }
0x145: {  	v0 =	vadd.f32 v3, v0;
	_ =	sdelay $0x1  }
0x146: {  	[tilespmem:s26+$0xFFFFFFA0] =	vst v0  }
0x147: {  	v0 =	vld [tilespmem:s28+$0x4220]  }
0x148: {  	v1 =	vld [tilespmem:s28+$0x42A0];
	_ =	sdelay $0x1  }
0x149: {  	v2 =	vld [tilespmem:s28+$0x4320];
	_ =	sdelay $0x1  }
0x14a: {  	v3 =	vld [tilespmem:s28+$0x43A0]  }
0x14b: {  	v0 =	vadd.f32 v1, v0;
	_ =	sdelay $0x1  }
0x14c: {  	v0 =	vadd.f32 v2, v0;
	_ =	sdelay $0x1  }
0x14d: {  	v0 =	vadd.f32 v3, v0;
	_ =	sdelay $0x1  }
0x14e: {  	[tilespmem:s26+$0xFFFFFFB0] =	vst v0  }
0x14f: {  	v0 =	vld [tilespmem:s28+$0x4230]  }
0x150: {  	v1 =	vld [tilespmem:s28+$0x42B0];
	_ =	sdelay $0x1  }
0x151: {  	v2 =	vld [tilespmem:s28+$0x4330];
	_ =	sdelay $0x1  }
0x152: {  	v3 =	vld [tilespmem:s28+$0x43B0]  }
0x153: {  	v0 =	vadd.f32 v1, v0;
	_ =	sdelay $0x1  }
0x154: {  	v0 =	vadd.f32 v2, v0;
	_ =	sdelay $0x1  }
0x155: {  	v0 =	vadd.f32 v3, v0;
	_ =	sdelay $0x1  }
0x156: {  	[tilespmem:s26+$0xFFFFFFC0] =	vst v0  }
0x157: {  	v0 =	vld [tilespmem:s28+$0x4240]  }
0x158: {  	v1 =	vld [tilespmem:s28+$0x42C0]  }
0x159: {  	v2 =	vld [tilespmem:s28+$0x4340]  }
0x15a: {  	v3 =	vld [tilespmem:s28+$0x43C0];
	_ =	sdelay $0x1  }
0x15b: {  	v4 =	vshll.u32 v0, $0x10;
	v0 =	vand.u32 $0xFFFF0000, v0  }
0x15c: {  	v5 =	vshll.u32 v1, $0x10;
	v1 =	vand.u32 $0xFFFF0000, v1  }
0x15d: {  	v4 =	vadd.f32 v5, v4;
	v0 =	vadd.f32 v1, v0  }
0x15e: {  	v1 =	vshll.u32 v2, $0x10;
	v2 =	vand.u32 $0xFFFF0000, v2  }
0x15f: {  	v1 =	vadd.f32 v1, v4;
	v0 =	vadd.f32 v2, v0  }
0x160: {  	v2 =	vshll.u32 v3, $0x10;
	v3 =	vand.u32 $0xFFFF0000, v3  }
0x161: {  	v1 =	vadd.f32 v2, v1;
	v0 =	vadd.f32 v3, v0;
	_ =	sdelay $0x1  }
0x162: {  	v1 =	vadd.s32 $0x8000, v1;
	v0 =	vadd.s32 $0x8000, v0  }
0x163: {  	v1 =	vshrl.u32 v1, $0x10;
	v0 =	vand.u32 $0xFFFF0000, v0  }
0x164: {  	v0 =	vor.u32 v0, v1  }
0x165: {  	[tilespmem:s26+$0xFFFFFFD0] =	vst v0  }
0x166: {  	v0 =	vld [tilespmem:s28+$0x4250]  }
0x167: {  	v1 =	vld [tilespmem:s28+$0x42D0]  }
0x168: {  	v2 =	vld [tilespmem:s28+$0x4350]  }
0x169: {  	v3 =	vld [tilespmem:s28+$0x43D0];
	_ =	sdelay $0x1  }
0x16a: {  	v4 =	vshll.u32 v0, $0x10;
	v0 =	vand.u32 $0xFFFF0000, v0  }
0x16b: {  	v5 =	vshll.u32 v1, $0x10;
	v1 =	vand.u32 $0xFFFF0000, v1  }
0x16c: {  	v4 =	vadd.f32 v5, v4;
	v0 =	vadd.f32 v1, v0  }
0x16d: {  	v1 =	vshll.u32 v2, $0x10;
	v2 =	vand.u32 $0xFFFF0000, v2  }
0x16e: {  	v1 =	vadd.f32 v1, v4;
	v0 =	vadd.f32 v2, v0  }
0x16f: {  	v2 =	vshll.u32 v3, $0x10;
	v3 =	vand.u32 $0xFFFF0000, v3  }
0x170: {  	v1 =	vadd.f32 v2, v1;
	v0 =	vadd.f32 v3, v0;
	_ =	sdelay $0x1  }
0x171: {  	v1 =	vadd.s32 $0x8000, v1;
	v0 =	vadd.s32 $0x8000, v0  }
0x172: {  	v1 =	vshrl.u32 v1, $0x10;
	v0 =	vand.u32 $0xFFFF0000, v0  }
0x173: {  	v0 =	vor.u32 v0, v1  }
0x174: {  	[tilespmem:s26+$0xFFFFFFE0] =	vst v0  }
0x175: {  	v0 =	vld [tilespmem:s28+$0x4260]  }
0x176: {  	v1 =	vld [tilespmem:s28+$0x42E0]  }
0x177: {  	v2 =	vld [tilespmem:s28+$0x4360]  }
0x178: {  	v3 =	vld [tilespmem:s28+$0x43E0];
	_ =	sdelay $0x1  }
0x179: {  	v4 =	vshll.u32 v0, $0x10;
	v0 =	vand.u32 $0xFFFF0000, v0  }
0x17a: {  	v5 =	vshll.u32 v1, $0x10;
	v1 =	vand.u32 $0xFFFF0000, v1  }
0x17b: {  	v4 =	vadd.f32 v5, v4;
	v0 =	vadd.f32 v1, v0  }
0x17c: {  	v1 =	vshll.u32 v2, $0x10;
	v2 =	vand.u32 $0xFFFF0000, v2  }
0x17d: {  	v1 =	vadd.f32 v1, v4;
	v0 =	vadd.f32 v2, v0  }
0x17e: {  	v2 =	vshll.u32 v3, $0x10;
	v3 =	vand.u32 $0xFFFF0000, v3  }
0x17f: {  	v1 =	vadd.f32 v2, v1;
	v0 =	vadd.f32 v3, v0;
	_ =	sdelay $0x1  }
.Ltmp1:
0x180: {  	v1 =	vadd.s32 $0x8000, v1;
	v0 =	vadd.s32 $0x8000, v0;
	(pc) =	sbr.rel @p0 .LBB2_5-.Ltmp1, $4  }
0x181: {  	v1 =	vshrl.u32 v1, $0x10;
	v0 =	vand.u32 $0xFFFF0000, v0  }
0x182: {  	v0 =	vor.u32 v0, v1  }
0x183: {  	[tilespmem:s26+$0xFFFFFFF0] =	vst v0  }
0x184: {  	v0 =	vld [tilespmem:s28+$0x4270]  }
0x185: {  	v1 =	vld [tilespmem:s28+$0x42F0];
	_ =	sdelay $0x1  }
0x186: {  	v2 =	vld [tilespmem:s28+$0x4370];
	_ =	sdelay $0x1  }
0x187: {  	v3 =	vld [tilespmem:s28+$0x43F0];
	v4 =	vshll.u32 v0, $0x10  }
0x188: {  	v0 =	vand.u32 $0xFFFF0000, v0;
	v5 =	vshll.u32 v1, $0x10;
	v1 =	vand.u32 $0xFFFF0000, v1  }
0x189: {  	v4 =	vadd.f32 v5, v4;
	v0 =	vadd.f32 v1, v0  }
0x18a: {  	v1 =	vand.u32 $0xFFFF0000, v2;
	v2 =	vshll.u32 v2, $0x10  }
0x18b: {  	v2 =	vadd.f32 v2, v4;
	v0 =	vadd.f32 v1, v0  }
0x18c: {  	v1 =	vand.u32 $0xFFFF0000, v3;
	v3 =	vshll.u32 v3, $0x10  }
0x18d: {  	v2 =	vadd.f32 v3, v2;
	v0 =	vadd.f32 v1, v0;
	_ =	sdelay $0x1  }
0x18e: {  	v1 =	vadd.s32 $0x8000, v2;
	v0 =	vadd.s32 $0x8000, v0  }
0x18f: {  	v1 =	vshrl.u32 v1, $0x10;
	v0 =	vand.u32 $0xFFFF0000, v0  }
0x190: {  	v0 =	vor.u32 v0, v1  }
0x191: {  	s26 =	sadd.s32 s25, s8;
	s28 =	simm.s32 $0x0;
	[tilespmem:s29+$0x0] =	vst v0  }
0x192: {  	[hbm4b:s26+s28] =	stream.linear.scatter [tilespmem:s21], [sflag:$0x2], $0x1000, $0x38;
	[tilespmem:$0xE200] =	vst v63  }
0x193: {  	_ =	swait.ge [sflag:s18], $0x4000  }
0x194: {  	[sflag:s18] =	ssyncset.done $0x0  }
0x195: {  	[sflag:s18] =	ssyncadd.s32 $0xFFFFC000  }
0x196: {  	_ =	swait.ge [sflag:s22], $0x1000  }
0x197: {  	[sflag:s22] =	ssyncset.done $0x0  }
0x198: {  	s28 =	simm.s32 $0x0;
	[sflag:s22] =	ssyncadd.s32 $0xFFFFF000  }
0x199: {  	v0 =	vld [tilespmem:s28+$0x8200]  }
0x19a: {  	v1 =	vld [tilespmem:s28+$0x8280];
	_ =	sdelay $0x1  }
0x19b: {  	v2 =	vld [tilespmem:s28+$0x8300];
	_ =	sdelay $0x1  }
0x19c: {  	v3 =	vld [tilespmem:s28+$0x8380]  }
0x19d: {  	v0 =	vadd.f32 v1, v0;
	_ =	sdelay $0x1  }
0x19e: {  	v0 =	vadd.f32 v2, v0;
	_ =	sdelay $0x1  }
0x19f: {  	v0 =	vadd.f32 v3, v0  }
0x1a0: {  	s26 =	simm.s32 $0xC240  }
0x1a1: {  	[tilespmem:s26+$0xFFFFFFC0] =	vst v0  }
0x1a2: {  	v0 =	vld [tilespmem:s28+$0x8210]  }
0x1a3: {  	v1 =	vld [tilespmem:s28+$0x8290];
	_ =	sdelay $0x1  }
0x1a4: {  	v2 =	vld [tilespmem:s28+$0x8310];
	_ =	sdelay $0x1  }
0x1a5: {  	v3 =	vld [tilespmem:s28+$0x8390]  }
0x1a6: {  	v0 =	vadd.f32 v1, v0;
	_ =	sdelay $0x1  }
0x1a7: {  	v0 =	vadd.f32 v2, v0;
	_ =	sdelay $0x1  }
0x1a8: {  	v0 =	vadd.f32 v3, v0;
	_ =	sdelay $0x1  }
0x1a9: {  	[tilespmem:s26+$0xFFFFFFD0] =	vst v0  }
0x1aa: {  	v0 =	vld [tilespmem:s28+$0x8220]  }
0x1ab: {  	v1 =	vld [tilespmem:s28+$0x82A0];
	_ =	sdelay $0x1  }
0x1ac: {  	v2 =	vld [tilespmem:s28+$0x8320];
	_ =	sdelay $0x1  }
0x1ad: {  	v3 =	vld [tilespmem:s28+$0x83A0]  }
0x1ae: {  	v0 =	vadd.f32 v1, v0;
	_ =	sdelay $0x1  }
0x1af: {  	v0 =	vadd.f32 v2, v0;
	_ =	sdelay $0x1  }
0x1b0: {  	v0 =	vadd.f32 v3, v0;
	_ =	sdelay $0x1  }
0x1b1: {  	[tilespmem:s26+$0xFFFFFFE0] =	vst v0  }
0x1b2: {  	v0 =	vld [tilespmem:s28+$0x8230]  }
0x1b3: {  	v1 =	vld [tilespmem:s28+$0x82B0];
	_ =	sdelay $0x1  }
0x1b4: {  	v2 =	vld [tilespmem:s28+$0x8330];
	_ =	sdelay $0x1  }
0x1b5: {  	v3 =	vld [tilespmem:s28+$0x83B0]  }
0x1b6: {  	v0 =	vadd.f32 v1, v0;
	_ =	sdelay $0x1  }
0x1b7: {  	v0 =	vadd.f32 v2, v0;
	_ =	sdelay $0x1  }
0x1b8: {  	v0 =	vadd.f32 v3, v0;
	_ =	sdelay $0x1  }
0x1b9: {  	[tilespmem:s26+$0xFFFFFFF0] =	vst v0  }
0x1ba: {  	v0 =	vld [tilespmem:s28+$0x8240]  }
0x1bb: {  	v1 =	vld [tilespmem:s28+$0x82C0];
	_ =	sdelay $0x1  }
0x1bc: {  	v2 =	vld [tilespmem:s28+$0x8340];
	_ =	sdelay $0x1  }
0x1bd: {  	v3 =	vld [tilespmem:s28+$0x83C0];
	v58 =	vshll.u32 v0, $0x10  }
0x1be: {  	v0 =	vand.u32 $0xFFFF0000, v0;
	v59 =	vshll.u32 v1, $0x10;
	v1 =	vand.u32 $0xFFFF0000, v1  }
0x1bf: {  	v4 =	vadd.f32 v59, v58;
	v0 =	vadd.f32 v1, v0  }
0x1c0: {  	v1 =	vshll.u32 v2, $0x10;
	v2 =	vand.u32 $0xFFFF0000, v2  }
0x1c1: {  	v1 =	vadd.f32 v1, v4;
	v0 =	vadd.f32 v2, v0  }
0x1c2: {  	v2 =	vshll.u32 v3, $0x10;
	v3 =	vand.u32 $0xFFFF0000, v3  }
0x1c3: {  	v1 =	vadd.f32 v2, v1;
	v0 =	vadd.f32 v3, v0;
	_ =	sdelay $0x1  }
0x1c4: {  	v1 =	vadd.s32 $0x8000, v1;
	v0 =	vadd.s32 $0x8000, v0  }
0x1c5: {  	v1 =	vshrl.u32 v1, $0x10;
	v0 =	vand.u32 $0xFFFF0000, v0  }
0x1c6: {  	v0 =	vor.u32 v0, v1  }
0x1c7: {  	[tilespmem:s26+$0x0] =	vst v0  }
0x1c8: {  	v0 =	vld [tilespmem:s28+$0x8250]  }
0x1c9: {  	v1 =	vld [tilespmem:s28+$0x82D0];
	_ =	sdelay $0x1  }
0x1ca: {  	v2 =	vld [tilespmem:s28+$0x8350];
	_ =	sdelay $0x1  }
0x1cb: {  	v3 =	vld [tilespmem:s28+$0x83D0];
	v60 =	vshll.u32 v0, $0x10  }
0x1cc: {  	v0 =	vand.u32 $0xFFFF0000, v0;
	v61 =	vshll.u32 v1, $0x10;
	v1 =	vand.u32 $0xFFFF0000, v1  }
0x1cd: {  	v4 =	vadd.f32 v61, v60;
	v0 =	vadd.f32 v1, v0  }
0x1ce: {  	v1 =	vshll.u32 v2, $0x10;
	v2 =	vand.u32 $0xFFFF0000, v2  }
0x1cf: {  	v1 =	vadd.f32 v1, v4;
	v0 =	vadd.f32 v2, v0  }
0x1d0: {  	v2 =	vshll.u32 v3, $0x10;
	v3 =	vand.u32 $0xFFFF0000, v3  }
0x1d1: {  	v1 =	vadd.f32 v2, v1;
	v0 =	vadd.f32 v3, v0;
	_ =	sdelay $0x1  }
0x1d2: {  	v1 =	vadd.s32 $0x8000, v1;
	v0 =	vadd.s32 $0x8000, v0  }
0x1d3: {  	v1 =	vshrl.u32 v1, $0x10;
	v0 =	vand.u32 $0xFFFF0000, v0  }
0x1d4: {  	v0 =	vor.u32 v0, v1  }
0x1d5: {  	[tilespmem:s26+$0x10] =	vst v0  }
0x1d6: {  	v0 =	vld [tilespmem:s28+$0x8260]  }
0x1d7: {  	v1 =	vld [tilespmem:s28+$0x82E0];
	_ =	sdelay $0x1  }
0x1d8: {  	v2 =	vld [tilespmem:s28+$0x8360];
	_ =	sdelay $0x1  }
0x1d9: {  	v3 =	vld [tilespmem:s28+$0x83E0];
	v62 =	vshll.u32 v0, $0x10  }
0x1da: {  	v0 =	vand.u32 $0xFFFF0000, v0;
	v63 =	vshll.u32 v1, $0x10;
	v1 =	vand.u32 $0xFFFF0000, v1  }
0x1db: {  	v4 =	vadd.f32 v63, v62;
	v0 =	vadd.f32 v1, v0  }
0x1dc: {  	v1 =	vshll.u32 v2, $0x10;
	v2 =	vand.u32 $0xFFFF0000, v2  }
0x1dd: {  	v1 =	vadd.f32 v1, v4;
	v0 =	vadd.f32 v2, v0  }
0x1de: {  	v2 =	vshll.u32 v3, $0x10;
	v3 =	vand.u32 $0xFFFF0000, v3  }
0x1df: {  	v1 =	vadd.f32 v2, v1;
	v0 =	vadd.f32 v3, v0;
	_ =	sdelay $0x1  }
0x1e0: {  	v1 =	vadd.s32 $0x8000, v1;
	v0 =	vadd.s32 $0x8000, v0  }
0x1e1: {  	v1 =	vshrl.u32 v1, $0x10;
	v0 =	vand.u32 $0xFFFF0000, v0  }
0x1e2: {  	v0 =	vor.u32 v0, v1  }
0x1e3: {  	[tilespmem:s26+$0x20] =	vst v0  }
0x1e4: {  	s30 =	simm.s32 $0x800;
	s29 =	simm.s32 $0xC240;
	v0 =	vld [tilespmem:s28+$0x8270]  }
.LBB2_7:
0x1e5: {  	p0 =	sne.s32 s30, $0xF800  }
0x1e6: {  	v1 =	vld [tilespmem:s28+$0x82F0];
	s26 =	sadd.s32 $0x80, s26;
	s31 =	smov.u32 s30;
	s30 =	sadd.s32 $0x800, s30  }
0x1e7: {  	v2 =	vld [tilespmem:s28+$0x8370]  }
0x1e8: {  	v3 =	vld [tilespmem:s28+$0x83F0];
	_ =	sdelay $0x1  }
0x1e9: {  	v4 =	vshll.u32 v0, $0x10  }
0x1ea: {  	v0 =	vand.u32 $0xFFFF0000, v0;
	v5 =	vshll.u32 v1, $0x10;
	v1 =	vand.u32 $0xFFFF0000, v1  }
0x1eb: {  	v4 =	vadd.f32 v5, v4;
	v0 =	vadd.f32 v1, v0;
	v1 =	vand.u32 $0xFFFF0000, v2  }
0x1ec: {  	v2 =	vshll.u32 v2, $0x10  }
0x1ed: {  	s28 =	sshra.s32 s31, $0x2;
	v2 =	vadd.f32 v2, v4;
	v0 =	vadd.f32 v1, v0;
	v1 =	vand.u32 $0xFFFF0000, v3  }
0x1ee: {  	v3 =	vshll.u32 v3, $0x10  }
0x1ef: {  	v2 =	vadd.f32 v3, v2;
	v0 =	vadd.f32 v1, v0;
	_ =	sdelay $0x1  }
0x1f0: {  	v1 =	vadd.s32 $0x8000, v2;
	v0 =	vadd.s32 $0x8000, v0  }
0x1f1: {  	v1 =	vshrl.u32 v1, $0x10;
	v0 =	vand.u32 $0xFFFF0000, v0  }
0x1f2: {  	v0 =	vor.u32 v0, v1  }
0x1f3: {  	[tilespmem:s29+$0x30] =	vst v0;
	s29 =	smov.u32 s26  }
0x1f4: {  	v0 =	vld [tilespmem:s28+$0x8200]  }
0x1f5: {  	v1 =	vld [tilespmem:s28+$0x8280]  }
0x1f6: {  	v2 =	vld [tilespmem:s28+$0x8380]  }
0x1f7: {  	v3 =	vld [tilespmem:s28+$0x8300];
	_ =	sdelay $0x2  }
0x1f8: {  	v0 =	vadd.f32 v1, v0;
	_ =	sdelay $0x1  }
0x1f9: {  	v0 =	vadd.f32 v3, v0;
	_ =	sdelay $0x1  }
0x1fa: {  	v0 =	vadd.f32 v2, v0;
	_ =	sdelay $0x1  }
0x1fb: {  	[tilespmem:s26+$0xFFFFFFC0] =	vst v0  }
0x1fc: {  	v0 =	vld [tilespmem:s28+$0x8210]  }
0x1fd: {  	v1 =	vld [tilespmem:s28+$0x8290];
	_ =	sdelay $0x1  }
0x1fe: {  	v2 =	vld [tilespmem:s28+$0x8310];
	_ =	sdelay $0x1  }
0x1ff: {  	v3 =	vld [tilespmem:s28+$0x8390]  }
0x200: {  	v0 =	vadd.f32 v1, v0;
	_ =	sdelay $0x1  }
0x201: {  	v0 =	vadd.f32 v2, v0;
	_ =	sdelay $0x1  }
0x202: {  	v0 =	vadd.f32 v3, v0;
	_ =	sdelay $0x1  }
0x203: {  	[tilespmem:s26+$0xFFFFFFD0] =	vst v0  }
0x204: {  	v0 =	vld [tilespmem:s28+$0x8220]  }
0x205: {  	v1 =	vld [tilespmem:s28+$0x82A0];
	_ =	sdelay $0x1  }
0x206: {  	v2 =	vld [tilespmem:s28+$0x8320];
	_ =	sdelay $0x1  }
0x207: {  	v3 =	vld [tilespmem:s28+$0x83A0]  }
0x208: {  	v0 =	vadd.f32 v1, v0;
	_ =	sdelay $0x1  }
0x209: {  	v0 =	vadd.f32 v2, v0;
	_ =	sdelay $0x1  }
0x20a: {  	v0 =	vadd.f32 v3, v0;
	_ =	sdelay $0x1  }
0x20b: {  	[tilespmem:s26+$0xFFFFFFE0] =	vst v0  }
0x20c: {  	v0 =	vld [tilespmem:s28+$0x8230]  }
0x20d: {  	v1 =	vld [tilespmem:s28+$0x82B0];
	_ =	sdelay $0x1  }
0x20e: {  	v2 =	vld [tilespmem:s28+$0x8330];
	_ =	sdelay $0x1  }
0x20f: {  	v3 =	vld [tilespmem:s28+$0x83B0]  }
0x210: {  	v0 =	vadd.f32 v1, v0;
	_ =	sdelay $0x1  }
0x211: {  	v0 =	vadd.f32 v2, v0;
	_ =	sdelay $0x1  }
0x212: {  	v0 =	vadd.f32 v3, v0;
	_ =	sdelay $0x1  }
0x213: {  	[tilespmem:s26+$0xFFFFFFF0] =	vst v0  }
0x214: {  	v0 =	vld [tilespmem:s28+$0x8240]  }
0x215: {  	v1 =	vld [tilespmem:s28+$0x82C0]  }
0x216: {  	v2 =	vld [tilespmem:s28+$0x8340]  }
0x217: {  	v3 =	vld [tilespmem:s28+$0x83C0];
	_ =	sdelay $0x1  }
0x218: {  	v4 =	vshll.u32 v0, $0x10;
	v0 =	vand.u32 $0xFFFF0000, v0  }
0x219: {  	v5 =	vshll.u32 v1, $0x10;
	v1 =	vand.u32 $0xFFFF0000, v1  }
0x21a: {  	v4 =	vadd.f32 v5, v4;
	v0 =	vadd.f32 v1, v0  }
0x21b: {  	v1 =	vshll.u32 v2, $0x10;
	v2 =	vand.u32 $0xFFFF0000, v2  }
0x21c: {  	v1 =	vadd.f32 v1, v4;
	v0 =	vadd.f32 v2, v0  }
0x21d: {  	v2 =	vshll.u32 v3, $0x10;
	v3 =	vand.u32 $0xFFFF0000, v3  }
0x21e: {  	v1 =	vadd.f32 v2, v1;
	v0 =	vadd.f32 v3, v0;
	_ =	sdelay $0x1  }
0x21f: {  	v1 =	vadd.s32 $0x8000, v1;
	v0 =	vadd.s32 $0x8000, v0  }
0x220: {  	v1 =	vshrl.u32 v1, $0x10;
	v0 =	vand.u32 $0xFFFF0000, v0  }
0x221: {  	v0 =	vor.u32 v0, v1  }
0x222: {  	[tilespmem:s26+$0x0] =	vst v0  }
0x223: {  	v0 =	vld [tilespmem:s28+$0x8250]  }
0x224: {  	v1 =	vld [tilespmem:s28+$0x82D0]  }
0x225: {  	v2 =	vld [tilespmem:s28+$0x8350]  }
0x226: {  	v3 =	vld [tilespmem:s28+$0x83D0];
	_ =	sdelay $0x1  }
0x227: {  	v4 =	vshll.u32 v0, $0x10;
	v0 =	vand.u32 $0xFFFF0000, v0  }
0x228: {  	v5 =	vshll.u32 v1, $0x10;
	v1 =	vand.u32 $0xFFFF0000, v1  }
0x229: {  	v4 =	vadd.f32 v5, v4;
	v0 =	vadd.f32 v1, v0  }
0x22a: {  	v1 =	vshll.u32 v2, $0x10;
	v2 =	vand.u32 $0xFFFF0000, v2  }
0x22b: {  	v1 =	vadd.f32 v1, v4;
	v0 =	vadd.f32 v2, v0  }
0x22c: {  	v2 =	vshll.u32 v3, $0x10;
	v3 =	vand.u32 $0xFFFF0000, v3  }
0x22d: {  	v1 =	vadd.f32 v2, v1;
	v0 =	vadd.f32 v3, v0;
	_ =	sdelay $0x1  }
0x22e: {  	v1 =	vadd.s32 $0x8000, v1;
	v0 =	vadd.s32 $0x8000, v0  }
0x22f: {  	v1 =	vshrl.u32 v1, $0x10;
	v0 =	vand.u32 $0xFFFF0000, v0  }
0x230: {  	v0 =	vor.u32 v0, v1  }
0x231: {  	[tilespmem:s26+$0x10] =	vst v0  }
0x232: {  	v0 =	vld [tilespmem:s28+$0x8260]  }
0x233: {  	v1 =	vld [tilespmem:s28+$0x82E0]  }
0x234: {  	v2 =	vld [tilespmem:s28+$0x8360]  }
0x235: {  	v3 =	vld [tilespmem:s28+$0x83E0];
	_ =	sdelay $0x1  }
0x236: {  	v4 =	vshll.u32 v0, $0x10;
	v0 =	vand.u32 $0xFFFF0000, v0  }
0x237: {  	v5 =	vshll.u32 v1, $0x10;
	v1 =	vand.u32 $0xFFFF0000, v1  }
0x238: {  	v4 =	vadd.f32 v5, v4;
	v0 =	vadd.f32 v1, v0  }
0x239: {  	v1 =	vshll.u32 v2, $0x10;
	v2 =	vand.u32 $0xFFFF0000, v2  }
0x23a: {  	v1 =	vadd.f32 v1, v4;
	v0 =	vadd.f32 v2, v0  }
0x23b: {  	v2 =	vshll.u32 v3, $0x10;
	v3 =	vand.u32 $0xFFFF0000, v3  }
0x23c: {  	v1 =	vadd.f32 v2, v1;
	v0 =	vadd.f32 v3, v0;
	_ =	sdelay $0x1  }
.Ltmp2:
0x23d: {  	v1 =	vadd.s32 $0x8000, v1;
	v0 =	vadd.s32 $0x8000, v0;
	(pc) =	sbr.rel @p0 .LBB2_7-.Ltmp2, $4  }
0x23e: {  	v1 =	vshrl.u32 v1, $0x10;
	v0 =	vand.u32 $0xFFFF0000, v0  }
0x23f: {  	v0 =	vor.u32 v0, v1  }
0x240: {  	[tilespmem:s26+$0x20] =	vst v0  }
0x241: {  	v0 =	vld [tilespmem:s28+$0x8270]  }
0x242: {  	v1 =	vld [tilespmem:s28+$0x82F0];
	_ =	sdelay $0x1  }
0x243: {  	v2 =	vld [tilespmem:s28+$0x8370];
	_ =	sdelay $0x1  }
0x244: {  	v3 =	vld [tilespmem:s28+$0x83F0];
	v4 =	vshll.u32 v0, $0x10  }
0x245: {  	v0 =	vand.u32 $0xFFFF0000, v0;
	v5 =	vshll.u32 v1, $0x10;
	v1 =	vand.u32 $0xFFFF0000, v1  }
0x246: {  	v4 =	vadd.f32 v5, v4;
	v0 =	vadd.f32 v1, v0  }
0x247: {  	v1 =	vand.u32 $0xFFFF0000, v2;
	v2 =	vshll.u32 v2, $0x10  }
0x248: {  	v2 =	vadd.f32 v2, v4;
	v0 =	vadd.f32 v1, v0  }
0x249: {  	v1 =	vand.u32 $0xFFFF0000, v3;
	v3 =	vshll.u32 v3, $0x10  }
0x24a: {  	v2 =	vadd.f32 v3, v2;
	v0 =	vadd.f32 v1, v0;
	_ =	sdelay $0x1  }
0x24b: {  	v1 =	vadd.s32 $0x8000, v2;
	v0 =	vadd.s32 $0x8000, v0  }
0x24c: {  	v1 =	vshrl.u32 v1, $0x10;
	v0 =	vand.u32 $0xFFFF0000, v0  }
0x24d: {  	v0 =	vor.u32 v0, v1  }
0x24e: {  	s26 =	sadd.s32 s25, s9;
	s28 =	simm.s32 $0x0;
	[tilespmem:s29+$0x30] =	vst v0  }
0x24f: {  	[hbm4b:s26+s28] =	stream.linear.scatter [tilespmem:s19], [sflag:$0x2], $0x1000, $0x38;
	[tilespmem:$0xE200] =	vst v63  }
0x250: {  	_ =	swait.ge [sflag:s18], $0x4000  }
0x251: {  	[sflag:s18] =	ssyncset.done $0x0  }
0x252: {  	[sflag:s18] =	ssyncadd.s32 $0xFFFFC000  }
0x253: {  	_ =	swait.ge [sflag:s22], $0x1000  }
0x254: {  	[sflag:s22] =	ssyncset.done $0x0  }
0x255: {  	s26 =	simm.s32 $0x300;
	[sflag:s22] =	ssyncadd.s32 $0xFFFFF000  }
0x256: {  	v0 =	vld [tilespmem:s26+$0xFFFFFF80]  }
0x257: {  	v1 =	vld [tilespmem:s26+$0xFFFFFF00];
	_ =	sdelay $0x1  }
0x258: {  	v2 =	vld [tilespmem:s26+$0x0];
	_ =	sdelay $0x1  }
0x259: {  	v3 =	vld [tilespmem:s26+$0x80]  }
0x25a: {  	v0 =	vadd.f32 v0, v1;
	_ =	sdelay $0x1  }
0x25b: {  	v0 =	vadd.f32 v2, v0;
	_ =	sdelay $0x1  }
0x25c: {  	v0 =	vadd.f32 v3, v0  }
0x25d: {  	s28 =	simm.s32 $0x0  }
0x25e: {  	[tilespmem:s28+$0xD200] =	vst v0  }
0x25f: {  	v0 =	vld [tilespmem:s26+$0xFFFFFF10]  }
0x260: {  	v1 =	vld [tilespmem:s26+$0xFFFFFF90];
	_ =	sdelay $0x1  }
0x261: {  	v2 =	vld [tilespmem:s26+$0x10];
	_ =	sdelay $0x1  }
0x262: {  	v3 =	vld [tilespmem:s26+$0x90]  }
0x263: {  	v0 =	vadd.f32 v1, v0;
	_ =	sdelay $0x1  }
0x264: {  	v0 =	vadd.f32 v2, v0;
	_ =	sdelay $0x1  }
0x265: {  	v0 =	vadd.f32 v3, v0;
	_ =	sdelay $0x1  }
0x266: {  	[tilespmem:s28+$0xD210] =	vst v0  }
0x267: {  	v0 =	vld [tilespmem:s26+$0xFFFFFF20]  }
0x268: {  	v1 =	vld [tilespmem:s26+$0xFFFFFFA0];
	_ =	sdelay $0x1  }
0x269: {  	v2 =	vld [tilespmem:s26+$0x20];
	_ =	sdelay $0x1  }
0x26a: {  	v3 =	vld [tilespmem:s26+$0xA0]  }
0x26b: {  	v0 =	vadd.f32 v1, v0;
	_ =	sdelay $0x1  }
0x26c: {  	v0 =	vadd.f32 v2, v0;
	_ =	sdelay $0x1  }
0x26d: {  	v0 =	vadd.f32 v3, v0;
	_ =	sdelay $0x1  }
0x26e: {  	[tilespmem:s28+$0xD220] =	vst v0  }
0x26f: {  	v0 =	vld [tilespmem:s26+$0xFFFFFFB0]  }
0x270: {  	v1 =	vld [tilespmem:s26+$0xFFFFFF30];
	_ =	sdelay $0x1  }
0x271: {  	v2 =	vld [tilespmem:s26+$0x30];
	_ =	sdelay $0x1  }
0x272: {  	v3 =	vld [tilespmem:s26+$0xB0]  }
0x273: {  	v0 =	vadd.f32 v0, v1;
	_ =	sdelay $0x1  }
0x274: {  	v0 =	vadd.f32 v2, v0;
	_ =	sdelay $0x1  }
0x275: {  	v0 =	vadd.f32 v3, v0;
	_ =	sdelay $0x1  }
0x276: {  	[tilespmem:s28+$0xD230] =	vst v0  }
0x277: {  	v0 =	vld [tilespmem:s26+$0xFFFFFF40]  }
0x278: {  	v1 =	vld [tilespmem:s26+$0xFFFFFFC0];
	_ =	sdelay $0x1  }
0x279: {  	v2 =	vld [tilespmem:s26+$0x40];
	_ =	sdelay $0x1  }
0x27a: {  	v4 =	vld [tilespmem:s26+$0xC0];
	v3 =	vand.u32 $0xFFFF0000, v0  }
0x27b: {  	v0 =	vshll.u32 v0, $0x10;
	v5 =	vshll.u32 v1, $0x10;
	v1 =	vand.u32 $0xFFFF0000, v1  }
0x27c: {  	v0 =	vadd.f32 v5, v0;
	v1 =	vadd.f32 v1, v3  }
0x27d: {  	v3 =	vshll.u32 v2, $0x10;
	v2 =	vand.u32 $0xFFFF0000, v2  }
0x27e: {  	v0 =	vadd.f32 v3, v0;
	v1 =	vadd.f32 v2, v1  }
0x27f: {  	v2 =	vshll.u32 v4, $0x10;
	v3 =	vand.u32 $0xFFFF0000, v4  }
0x280: {  	v0 =	vadd.f32 v2, v0;
	v1 =	vadd.f32 v3, v1;
	_ =	sdelay $0x1  }
0x281: {  	v0 =	vadd.s32 $0x8000, v0;
	v1 =	vadd.s32 $0x8000, v1  }
0x282: {  	v0 =	vshrl.u32 v0, $0x10;
	v1 =	vand.u32 $0xFFFF0000, v1  }
0x283: {  	v0 =	vor.u32 v1, v0  }
0x284: {  	[tilespmem:s28+$0xD240] =	vst v0  }
0x285: {  	v0 =	vld [tilespmem:s26+$0xFFFFFF50]  }
0x286: {  	v1 =	vld [tilespmem:s26+$0xFFFFFFD0];
	_ =	sdelay $0x1  }
0x287: {  	v2 =	vld [tilespmem:s26+$0x50];
	_ =	sdelay $0x1  }
0x288: {  	v3 =	vld [tilespmem:s26+$0xD0];
	v4 =	vshll.u32 v0, $0x10  }
0x289: {  	v0 =	vand.u32 $0xFFFF0000, v0;
	v5 =	vshll.u32 v1, $0x10;
	v1 =	vand.u32 $0xFFFF0000, v1  }
0x28a: {  	v4 =	vadd.f32 v5, v4;
	v0 =	vadd.f32 v1, v0  }
0x28b: {  	v1 =	vshll.u32 v2, $0x10;
	v2 =	vand.u32 $0xFFFF0000, v2  }
0x28c: {  	v1 =	vadd.f32 v1, v4;
	v0 =	vadd.f32 v2, v0  }
0x28d: {  	v2 =	vshll.u32 v3, $0x10;
	v3 =	vand.u32 $0xFFFF0000, v3  }
0x28e: {  	v1 =	vadd.f32 v2, v1;
	v0 =	vadd.f32 v3, v0;
	_ =	sdelay $0x1  }
0x28f: {  	v1 =	vadd.s32 $0x8000, v1;
	v0 =	vadd.s32 $0x8000, v0  }
0x290: {  	v1 =	vshrl.u32 v1, $0x10;
	v0 =	vand.u32 $0xFFFF0000, v0  }
0x291: {  	v0 =	vor.u32 v0, v1  }
0x292: {  	[tilespmem:s28+$0xD250] =	vst v0  }
0x293: {  	v0 =	vld [tilespmem:s26+$0xFFFFFF60]  }
0x294: {  	v1 =	vld [tilespmem:s26+$0xFFFFFFE0];
	_ =	sdelay $0x1  }
0x295: {  	v2 =	vld [tilespmem:s26+$0x60];
	_ =	sdelay $0x1  }
0x296: {  	v3 =	vld [tilespmem:s26+$0xE0];
	v4 =	vand.u32 $0xFFFF0000, v0  }
0x297: {  	v0 =	vshll.u32 v0, $0x10;
	v5 =	vshll.u32 v1, $0x10;
	v1 =	vand.u32 $0xFFFF0000, v1  }
0x298: {  	v0 =	vadd.f32 v5, v0;
	v1 =	vadd.f32 v1, v4  }
0x299: {  	v4 =	vshll.u32 v2, $0x10;
	v2 =	vand.u32 $0xFFFF0000, v2  }
0x29a: {  	v0 =	vadd.f32 v4, v0;
	v1 =	vadd.f32 v2, v1  }
0x29b: {  	v2 =	vshll.u32 v3, $0x10;
	v3 =	vand.u32 $0xFFFF0000, v3  }
0x29c: {  	v0 =	vadd.f32 v2, v0;
	v1 =	vadd.f32 v3, v1;
	_ =	sdelay $0x1  }
0x29d: {  	v0 =	vadd.s32 $0x8000, v0;
	v1 =	vadd.s32 $0x8000, v1  }
0x29e: {  	v0 =	vshrl.u32 v0, $0x10;
	v1 =	vand.u32 $0xFFFF0000, v1  }
0x29f: {  	v0 =	vor.u32 v1, v0  }
0x2a0: {  	[tilespmem:s28+$0xD260] =	vst v0  }
0x2a1: {  	v3 =	vld [tilespmem:s26+$0xFFFFFF70]  }
0x2a2: {  	v2 =	vld [tilespmem:s26+$0xFFFFFFF0]  }
0x2a3: {  	v1 =	vld [tilespmem:s26+$0x70]  }
0x2a4: {  	s29 =	simm.s32 $0x200;
	v0 =	vld [tilespmem:s26+$0xF0]  }
.LBB2_9:
0x2a5: {  	p0 =	sne.s32 s29, $0x3E00  }
0x2a6: {  	s26 =	sadd.s32 $0x200, s26;
	s30 =	smov.u32 s29;
	s29 =	sadd.s32 $0x200, s29  }
0x2a7: {  	v4 =	vshll.u32 v3, $0x10;
	v3 =	vand.u32 $0xFFFF0000, v3  }
0x2a8: {  	v5 =	vshll.u32 v2, $0x10;
	v2 =	vand.u32 $0xFFFF0000, v2  }
0x2a9: {  	v4 =	vadd.f32 v5, v4;
	v2 =	vadd.f32 v2, v3;
	v3 =	vand.u32 $0xFFFF0000, v1  }
0x2aa: {  	v1 =	vshll.u32 v1, $0x10  }
0x2ab: {  	v1 =	vadd.f32 v1, v4;
	v2 =	vadd.f32 v3, v2;
	v3 =	vand.u32 $0xFFFF0000, v0  }
0x2ac: {  	v0 =	vshll.u32 v0, $0x10  }
0x2ad: {  	v0 =	vadd.f32 v0, v1;
	v1 =	vadd.f32 v3, v2;
	_ =	sdelay $0x1  }
0x2ae: {  	v0 =	vadd.s32 $0x8000, v0;
	v1 =	vadd.s32 $0x8000, v1  }
0x2af: {  	v0 =	vshrl.u32 v0, $0x10;
	v1 =	vand.u32 $0xFFFF0000, v1  }
0x2b0: {  	v0 =	vor.u32 v1, v0  }
0x2b1: {  	[tilespmem:s28+$0xD270] =	vst v0  }
0x2b2: {  	v0 =	vld [tilespmem:s26+$0xFFFFFF80]  }
0x2b3: {  	v1 =	vld [tilespmem:s26+$0xFFFFFF00]  }
0x2b4: {  	v2 =	vld [tilespmem:s26+$0x0];
	_ =	sdelay $0x2  }
0x2b5: {  	v3 =	vld [tilespmem:s26+$0x80]  }
0x2b6: {  	v0 =	vadd.f32 v0, v1;
	_ =	sdelay $0x1  }
0x2b7: {  	v0 =	vadd.f32 v2, v0;
	_ =	sdelay $0x1  }
0x2b8: {  	v0 =	vadd.f32 v3, v0  }
0x2b9: {  	s28 =	sshra.s32 s30, $0x2  }
0x2ba: {  	[tilespmem:s28+$0xD200] =	vst v0  }
0x2bb: {  	v0 =	vld [tilespmem:s26+$0xFFFFFF10]  }
0x2bc: {  	v1 =	vld [tilespmem:s26+$0xFFFFFF90];
	_ =	sdelay $0x1  }
0x2bd: {  	v2 =	vld [tilespmem:s26+$0x10];
	_ =	sdelay $0x1  }
0x2be: {  	v3 =	vld [tilespmem:s26+$0x90]  }
0x2bf: {  	v0 =	vadd.f32 v1, v0;
	_ =	sdelay $0x1  }
0x2c0: {  	v0 =	vadd.f32 v2, v0;
	_ =	sdelay $0x1  }
0x2c1: {  	v0 =	vadd.f32 v3, v0;
	_ =	sdelay $0x1  }
0x2c2: {  	[tilespmem:s28+$0xD210] =	vst v0  }
0x2c3: {  	v0 =	vld [tilespmem:s26+$0xFFFFFF20]  }
0x2c4: {  	v1 =	vld [tilespmem:s26+$0xFFFFFFA0];
	_ =	sdelay $0x1  }
0x2c5: {  	v2 =	vld [tilespmem:s26+$0x20];
	_ =	sdelay $0x1  }
0x2c6: {  	v3 =	vld [tilespmem:s26+$0xA0]  }
0x2c7: {  	v0 =	vadd.f32 v1, v0;
	_ =	sdelay $0x1  }
0x2c8: {  	v0 =	vadd.f32 v2, v0;
	_ =	sdelay $0x1  }
0x2c9: {  	v0 =	vadd.f32 v3, v0;
	_ =	sdelay $0x1  }
0x2ca: {  	[tilespmem:s28+$0xD220] =	vst v0  }
0x2cb: {  	v0 =	vld [tilespmem:s26+$0xFFFFFFB0]  }
0x2cc: {  	v1 =	vld [tilespmem:s26+$0xFFFFFF30];
	_ =	sdelay $0x1  }
0x2cd: {  	v2 =	vld [tilespmem:s26+$0x30];
	_ =	sdelay $0x1  }
0x2ce: {  	v3 =	vld [tilespmem:s26+$0xB0]  }
0x2cf: {  	v0 =	vadd.f32 v0, v1;
	_ =	sdelay $0x1  }
0x2d0: {  	v0 =	vadd.f32 v2, v0;
	_ =	sdelay $0x1  }
0x2d1: {  	v0 =	vadd.f32 v3, v0;
	_ =	sdelay $0x1  }
0x2d2: {  	[tilespmem:s28+$0xD230] =	vst v0  }
0x2d3: {  	v0 =	vld [tilespmem:s26+$0xFFFFFF40]  }
0x2d4: {  	v1 =	vld [tilespmem:s26+$0xFFFFFFC0];
	_ =	sdelay $0x1  }
0x2d5: {  	v2 =	vld [tilespmem:s26+$0x40];
	_ =	sdelay $0x1  }
0x2d6: {  	v3 =	vand.u32 $0xFFFF0000, v0;
	v4 =	vld [tilespmem:s26+$0xC0]  }
0x2d7: {  	v0 =	vshll.u32 v0, $0x10;
	v5 =	vshll.u32 v1, $0x10;
	v1 =	vand.u32 $0xFFFF0000, v1  }
0x2d8: {  	v0 =	vadd.f32 v5, v0;
	v1 =	vadd.f32 v1, v3  }
0x2d9: {  	v3 =	vshll.u32 v2, $0x10;
	v2 =	vand.u32 $0xFFFF0000, v2  }
0x2da: {  	v0 =	vadd.f32 v3, v0;
	v1 =	vadd.f32 v2, v1  }
0x2db: {  	v2 =	vshll.u32 v4, $0x10;
	v3 =	vand.u32 $0xFFFF0000, v4  }
0x2dc: {  	v0 =	vadd.f32 v2, v0;
	v1 =	vadd.f32 v3, v1;
	_ =	sdelay $0x1  }
0x2dd: {  	v0 =	vadd.s32 $0x8000, v0;
	v1 =	vadd.s32 $0x8000, v1  }
0x2de: {  	v0 =	vshrl.u32 v0, $0x10;
	v1 =	vand.u32 $0xFFFF0000, v1  }
0x2df: {  	v0 =	vor.u32 v1, v0  }
0x2e0: {  	[tilespmem:s28+$0xD240] =	vst v0  }
0x2e1: {  	v0 =	vld [tilespmem:s26+$0xFFFFFF50]  }
0x2e2: {  	v1 =	vld [tilespmem:s26+$0xFFFFFFD0]  }
0x2e3: {  	v2 =	vld [tilespmem:s26+$0x50]  }
0x2e4: {  	v3 =	vld [tilespmem:s26+$0xD0];
	_ =	sdelay $0x1  }
0x2e5: {  	v4 =	vshll.u32 v0, $0x10  }
0x2e6: {  	v0 =	vand.u32 $0xFFFF0000, v0;
	v5 =	vshll.u32 v1, $0x10;
	v1 =	vand.u32 $0xFFFF0000, v1  }
0x2e7: {  	v4 =	vadd.f32 v5, v4;
	v0 =	vadd.f32 v1, v0  }
0x2e8: {  	v1 =	vshll.u32 v2, $0x10;
	v2 =	vand.u32 $0xFFFF0000, v2  }
0x2e9: {  	v1 =	vadd.f32 v1, v4;
	v0 =	vadd.f32 v2, v0  }
0x2ea: {  	v2 =	vshll.u32 v3, $0x10;
	v3 =	vand.u32 $0xFFFF0000, v3  }
0x2eb: {  	v1 =	vadd.f32 v2, v1;
	v0 =	vadd.f32 v3, v0;
	_ =	sdelay $0x1  }
0x2ec: {  	v1 =	vadd.s32 $0x8000, v1;
	v0 =	vadd.s32 $0x8000, v0  }
0x2ed: {  	v1 =	vshrl.u32 v1, $0x10;
	v0 =	vand.u32 $0xFFFF0000, v0  }
0x2ee: {  	v0 =	vor.u32 v0, v1  }
0x2ef: {  	[tilespmem:s28+$0xD250] =	vst v0  }
0x2f0: {  	v0 =	vld [tilespmem:s26+$0xFFFFFF60]  }
0x2f1: {  	v1 =	vld [tilespmem:s26+$0xFFFFFFE0]  }
0x2f2: {  	v2 =	vld [tilespmem:s26+$0x60]  }
0x2f3: {  	v3 =	vld [tilespmem:s26+$0xE0];
	_ =	sdelay $0x1  }
0x2f4: {  	v4 =	vand.u32 $0xFFFF0000, v0  }
0x2f5: {  	v0 =	vshll.u32 v0, $0x10;
	v5 =	vshll.u32 v1, $0x10;
	v1 =	vand.u32 $0xFFFF0000, v1  }
0x2f6: {  	v0 =	vadd.f32 v5, v0;
	v1 =	vadd.f32 v1, v4  }
0x2f7: {  	v4 =	vshll.u32 v2, $0x10;
	v2 =	vand.u32 $0xFFFF0000, v2  }
0x2f8: {  	v0 =	vadd.f32 v4, v0;
	v1 =	vadd.f32 v2, v1  }
0x2f9: {  	v2 =	vshll.u32 v3, $0x10;
	v3 =	vand.u32 $0xFFFF0000, v3  }
0x2fa: {  	v0 =	vadd.f32 v2, v0;
	v1 =	vadd.f32 v3, v1;
	_ =	sdelay $0x1  }
0x2fb: {  	v0 =	vadd.s32 $0x8000, v0;
	v1 =	vadd.s32 $0x8000, v1  }
0x2fc: {  	v0 =	vshrl.u32 v0, $0x10;
	v1 =	vand.u32 $0xFFFF0000, v1  }
0x2fd: {  	v0 =	vor.u32 v1, v0  }
.Ltmp3:
0x2fe: {  	[tilespmem:s28+$0xD260] =	vst v0;
	(pc) =	sbr.rel @p0 .LBB2_9-.Ltmp3, $4  }
0x2ff: {  	v3 =	vld [tilespmem:s26+$0xFFFFFF70]  }
0x300: {  	v2 =	vld [tilespmem:s26+$0xFFFFFFF0]  }
0x301: {  	v1 =	vld [tilespmem:s26+$0x70]  }
0x302: {  	v0 =	vld [tilespmem:s26+$0xF0]  }
0x303: {  	_ = 	snop  }
0x304: {  	v4 =	vshll.u32 v3, $0x10  }
0x305: {  	v57 =	vand.u32 $0xFFFF0000, v3;
	v5 =	vshll.u32 v2, $0x10;
	v58 =	vand.u32 $0xFFFF0000, v2  }
0x306: {  	v4 =	vadd.f32 v5, v4;
	v2 =	vadd.f32 v58, v57  }
0x307: {  	v59 =	vand.u32 $0xFFFF0000, v1;
	v60 =	vshll.u32 v1, $0x10  }
0x308: {  	v1 =	vadd.f32 v60, v4;
	v2 =	vadd.f32 v59, v2  }
0x309: {  	v61 =	vand.u32 $0xFFFF0000, v0;
	v62 =	vshll.u32 v0, $0x10  }
0x30a: {  	v0 =	vadd.f32 v62, v1;
	v63 =	vadd.f32 v61, v2;
	_ =	sdelay $0x1  }
0x30b: {  	v0 =	vadd.s32 $0x8000, v0;
	v1 =	vadd.s32 $0x8000, v63  }
0x30c: {  	v0 =	vshrl.u32 v0, $0x10;
	v1 =	vand.u32 $0xFFFF0000, v1  }
0x30d: {  	v0 =	vor.u32 v1, v0  }
0x30e: {  	s25 =	sadd.s32 s25, s10;
	s24 =	sadd.s32 $0x1, s24;
	[tilespmem:s28+$0xD270] =	vst v0  }
0x30f: {  	[hbm4b:s25+s2] =	stream.linear.scatter [tilespmem:s21], [sflag:$0x2], $0x1000, $0x38;
	[tilespmem:$0xE200] =	vst v63  }
0x310: {  	p0 =	sne.s32 s24, $0x19;
	_ =	swait.ge [sflag:s22], $0x1000  }
.Ltmp4:
0x311: {  	[sflag:s22] =	ssyncset.done $0x0;
	(pc) =	sbr.rel @p0 .LBB2_2-.Ltmp4, $4  }
0x312: {  	[sflag:s22] =	ssyncadd.s32 $0xFFFFF000  }
0x313: {  	_ =	swait.ge [sflag:s22], $0x1000  }
0x314: {  	[sflag:s22] =	ssyncset.done $0x0  }
0x315: {  	[sflag:s22] =	ssyncadd.s32 $0xFFFFF000  }
0x316: {  	s23 =	sadd.s32 $0x1, s23  }
0x317: {  	p0 =	sne.s32 s23, s11  }
.Ltmp5:
0x318: {  	_ = 	snop;
	(pc) =	sbr.rel @p0 .LBB2_1-.Ltmp5, $1  }
0x319: {  	_ =	sdelay $0x3  }
0x31a: {  	_ =	sfence.sel $0x180000  }
0x31b: {  	[bflag:$0x0] =	sbarrier.arrive $0xFFFF  }
0x31c: {  	p0 =	sne.s32 s1, $0x0;
	_ =	strace $0x90000047  }
0x31d: {  	s0 =	sadd.s32 @!p0 $0x100000, s0;
	[bflag:$0x2] =	sbarrier.arrive $0xFFFF  }
0x31e: {  	[sflag:s0] =	ssyncadd.tile.s32 @!p0 $0x1;
	_ =	shalt  }
.Lfunc_end2:
_tile_overlayer_lowered:
.L_overlay_start_2:
0x31f: {  	(tag) =	ssettag $0x2  }
0x320: {  	s0 =	rddreg [dreg:$0x0];
	s2 =	stileid.u32  }
0x321: {  	s1 =	rddreg [dreg:$0x1];
	p0 =	sne.s32 s2, $0x0  }
0x322: {  	s3 =	rddreg [dreg:$0x2];
	[bflag:$0x3] =	sbarrier.arrive $0xFFFF;
	s2 =	simm.s32 @!p0 $0x1C03  }
0x323: {  	[timem:s3], [sflag:s2] =	dma.local @!p0 [hbm:s0], s1  }
0x324: {  	s0 =	simm.s32 @!p0 $0x3  }
0x325: {  	_ =	swait.ge @!p0 [sflag:s0], s1  }
0x326: {  	s1 =	ssub.s32 @!p0 $0x0, s1;
	[sflag:s0] =	ssyncset.done @!p0 $0x0  }
0x327: {  	[sflag:s0] =	ssyncadd.s32 @!p0 s1  }
0x328: {  	[bflag:$0x3] =	sbarrier.arrive $0xFFFF  }
0x329: {  	_ =	shalt  }

// kernel: kernel.7.cloned.1.call-start
scs
__scs_entry_jumppad:
0x0: {  	(pc) =	sbr.rel $0x88, $3  }
0x1: {  	(tag) =	ssettag $0x0;
	lr =	simm.s32 $0x1  }
0x2: {  	[smem:$0x3F9E] =	sst lr;
	_ =	strace $0xD0000000  }
0x3: {  	_ = 	snop  }
0x4: {  	_ = 	snop  }
0x5: {  	_ = 	snop  }
0x6: {  	_ = 	snop  }
0x7: {  	_ = 	snop  }
__scs_overlays_trampoline_lowered:
0x8: {  	[smem:$0x3FAD] =	sst s0  }
0x9: {  	[smem:$0x3FAE] =	sst s1  }
0xa: {  	[smem:$0x3FAF] =	sst s2  }
0xb: {  	[smem:$0x3FB0] =	sst s3  }
0xc: {  	[smem:$0x3FB1] =	sst s4  }
0xd: {  	[smem:$0x3FB2] =	sst s5  }
0xe: {  	[smem:$0x3FB3] =	sst s6  }
0xf: {  	[smem:$0x3FB4] =	sst s7  }
0x10: {  	[smem:$0x3FB5] =	sst s8  }
0x11: {  	[smem:$0x3FB6] =	sst s9;
	s0 =	simm.s32 @!p0 $0x0  }
0x12: {  	s1 =	sld [smem:$0x3F9C];
	s0 =	simm.s32 @p0 $0x1  }
0x13: {  	[smem:$0x3FB7] =	sst s0;
	s0 =	simm.s32 @!p1 $0x0  }
0x14: {  	s2 =	sld [smem:$0x3F9B];
	s0 =	simm.s32 @p1 $0x1  }
0x15: {  	[smem:$0x3FB8] =	sst s0;
	s0 =	simm.s32 @!p2 $0x0  }
0x16: {  	s3 =	sld [smem:$0x3FDB];
	s0 =	simm.s32 @p2 $0x1  }
0x17: {  	s4 =	simm.s32 $0x1BF5;
	[smem:$0x3FBA] =	sst s0  }
0x18: {  	s0 =	sld [smem:$0x3F9D];
	_ =	swait.ge [sflag:s4], $0x0  }
0x19: {  	s7 =	sld [smem:$0x3F9E]  }
0x1a: {  	s8 =	sadd.s32 $0xFFFFE003, lr  }
0x1b: {  	s9 =	sadd.s32 $0xFFFFFEF7, lr;
	s5 =	simm.s32 $0xFFFFFFFF;
	p2 =	slt.u32 s8, $0xFFFFF086  }
0x1c: {  	p1 =	slt.u32 s9, $0xF7A;
	s5 =	simm.s32 @!p2 $0x0  }
0x1d: {  	s5 =	simm.s32 @p1 $0x1;
	p0 =	seq.s32 s7, s2  }
0x1e: {  	s7 =	smul.u32 @!p0 $0xF7A, s2;
	p2 =	seq.s32 @!p0 s5, $0x0  }
0x1f: {  	s9 =	smul.u32 $0xF7A, s1;
	s8 =	simm.s32 @!p0 $0x1BF5;
	p2 =	por !p2, p0  }
0x20: {  	[sflag:s8] =	ssyncset.s32 @!p0 $0xFFFFF086;
	s6 =	sadd.s32 @!p0 s3, s7;
	s7 =	simm.s32 @!p0 $0x108  }
0x21: {  	s3 =	sadd.s32 s3, s9;
	s6 =	sadd.s32 @!p0 $0x88, s6;
	s7 =	simm.s32 @p2 $0x1082  }
0x22: {  	[simem:s7], [sflag:s8] =	dma.local @!p0 [hbm:s6], $0xF7A  }
0x23: {  	s9 =	sor.u32 $0xD0000000, s2;
	s6 =	simm.s32 $0x108;
	_ =	swait.ge @!p0 [sflag:s8], $0x0  }
0x24: {  	s3 =	sadd.s32 $0x88, s3;
	s6 =	simm.s32 @!p1 $0x1082;
	[sflag:s4] =	ssyncset.s32 $0xFFFFF086  }
0x25: {  	[simem:s6], [sflag:s4] =	dma.local [hbm:s3], $0xF7A  }
0x26: {  	[smem:$0x3F9E] =	sst s1;
	(tag) =	ssettag s2;
	_ =	strace s9  }
0x27: {  	s1 =	sld [smem:$0x3FAE]  }
0x28: {  	s2 =	sld [smem:$0x3FAF]  }
0x29: {  	s4 =	sld [smem:$0x3FB1]  }
0x2a: {  	p0 =	seq.s32 s5, $0x0;
	s5 =	sld [smem:$0x3FB2]  }
0x2b: {  	s6 =	sld [smem:$0x3FB3]  }
0x2c: {  	s7 =	sld [smem:$0x3FB4]  }
0x2d: {  	s3 =	simm.s32 $0x108;
	s8 =	sld [smem:$0x3FB5]  }
0x2e: {  	s3 =	simm.s32 @!p0 $0x1082;
	s9 =	sld [smem:$0x3FB6]  }
0x2f: {  	lr =	sadd.s32 s0, s3;
	s0 =	sld [smem:$0x3FAD]  }
0x30: {  	s3 =	sld [smem:$0x3FB0]  }
0x31: {  	[smem:$0x3FB9] =	sst s10  }
0x32: {  	s10 =	sld [smem:$0x3FB7];
	_ =	sdelay $0x3  }
0x33: {  	p0 =	seq.s32 s10, $0x1;
	s10 =	sld [smem:$0x3FB9];
	_ =	sdelay $0x3  }
0x34: {  	[smem:$0x3FB9] =	sst s10  }
0x35: {  	s10 =	sld [smem:$0x3FB8];
	_ =	sdelay $0x3  }
0x36: {  	p1 =	seq.s32 s10, $0x1;
	s10 =	sld [smem:$0x3FB9];
	_ =	sdelay $0x3  }
0x37: {  	[smem:$0x3FB9] =	sst s10  }
0x38: {  	s10 =	sld [smem:$0x3FBA]  }
0x39: {  	_ = 	snop;
	(pc) =	sbr.ind lr, $3  }
0x3a: {  	_ = 	snop  }
0x3b: {  	_ = 	snop  }
0x3c: {  	p2 =	seq.s32 s10, $0x1;
	s10 =	sld [smem:$0x3FB9]  }
0x3d: {  	_ =	shalt  }
0x3e: {  	_ =	shalt  }
0x3f: {  	_ =	shalt  }
0x40: {  	_ =	shalt  }
0x41: {  	_ =	shalt  }
0x42: {  	_ =	shalt  }
0x43: {  	_ =	shalt  }
0x44: {  	_ =	shalt  }
0x45: {  	_ =	shalt  }
0x46: {  	_ =	shalt  }
0x47: {  	_ =	shalt  }
0x48: {  	_ =	shalt  }
0x49: {  	_ =	shalt  }
0x4a: {  	_ =	shalt  }
0x4b: {  	_ =	shalt  }
0x4c: {  	_ =	shalt  }
0x4d: {  	_ =	shalt  }
0x4e: {  	_ =	shalt  }
0x4f: {  	_ =	shalt  }
0x50: {  	_ =	shalt  }
0x51: {  	_ =	shalt  }
0x52: {  	_ =	shalt  }
0x53: {  	_ =	shalt  }
0x54: {  	_ =	shalt  }
0x55: {  	_ =	shalt  }
0x56: {  	_ =	shalt  }
0x57: {  	_ =	shalt  }
0x58: {  	_ =	shalt  }
0x59: {  	_ =	shalt  }
0x5a: {  	_ =	shalt  }
0x5b: {  	_ =	shalt  }
0x5c: {  	_ =	shalt  }
0x5d: {  	_ =	shalt  }
0x5e: {  	_ =	shalt  }
0x5f: {  	_ =	shalt  }
0x60: {  	_ =	shalt  }
0x61: {  	_ =	shalt  }
0x62: {  	_ =	shalt  }
0x63: {  	_ =	shalt  }
0x64: {  	_ =	shalt  }
0x65: {  	_ =	shalt  }
0x66: {  	_ =	shalt  }
0x67: {  	_ =	shalt  }
0x68: {  	_ =	shalt  }
0x69: {  	_ =	shalt  }
0x6a: {  	_ =	shalt  }
0x6b: {  	_ =	shalt  }
0x6c: {  	_ =	shalt  }
0x6d: {  	_ =	shalt  }
0x6e: {  	_ =	shalt  }
0x6f: {  	_ =	shalt  }
0x70: {  	_ =	shalt  }
0x71: {  	_ =	shalt  }
0x72: {  	_ =	shalt  }
0x73: {  	_ =	shalt  }
0x74: {  	_ =	shalt  }
0x75: {  	_ =	shalt  }
0x76: {  	_ =	shalt  }
0x77: {  	_ =	shalt  }
0x78: {  	_ =	shalt  }
0x79: {  	_ =	shalt  }
0x7a: {  	_ =	shalt  }
0x7b: {  	_ =	shalt  }
0x7c: {  	_ =	shalt  }
0x7d: {  	_ =	shalt  }
0x7e: {  	_ =	shalt  }
0x7f: {  	_ =	shalt  }
0x80: {  	_ =	shalt  }
0x81: {  	_ =	shalt  }
0x82: {  	_ =	shalt  }
0x83: {  	_ =	shalt  }
0x84: {  	_ =	shalt  }
0x85: {  	_ =	shalt  }
0x86: {  	_ =	shalt  }
0x87: {  	_ =	shalt  }
.Lfunc_end0:
.L_simem_size_0:
called_computation_lowered:
.L_overlay_start_0:
0x88: {  	s2 =	sld [smem:$0x3FD9]  }
0x89: {  	s3 =	sld [smem:$0x3FFE];
	_ =	sdelay $0x1  }
0x8a: {  	s1 =	srdreg.scid  }
0x8b: {  	s0 =	sand.u32 $0x1, s1  }
0x8c: {  	s17 =	sshll.u32 s0, $0xA;
	s2 =	sadd.s32 s3, s2  }
0x8d: {  	s2 =	sadd.s32 s2, s17  }
0x8e: {  	[smem:$0x3FC5] =	sst s2  }
0x8f: {  	_ = 	snop  }
0x90: {  	(tm) =	ssettm $0x1  }
0x91: {  	s18 =	sld [smem:$0x3FFB];
	_ =	sdelay $0x3  }
0x92: {  	_ =	strace s18  }
0x93: {  	s2 =	sld [smem:$0x3FFC];
	_ =	sdelay $0x3  }
0x94: {  	_ =	strace s2  }
0x95: {  	s2 =	sld [smem:$0x3FFD];
	_ =	sdelay $0x3  }
0x96: {  	_ =	strace s2  }
0x97: {  	_ =	strace $0x8FFFFFFF  }
0x98: {  	s19 =	sld [smem:$0x3FDB];
	_ =	sdelay $0x1  }
0x99: {  	s20 =	simm.s32 $_scs_section_size  }
0x9a: {  	s4 =	simm.s32 $_size__tile_overlayer_lowered;
	s5 =	simm.s32 $_tile_overlayer_lowered  }
0x9b: {  	s6 =	simm.s32 $0x1BFF;
	s21 =	sshll.u32 s5, $0x1;
	s3 =	sadd.s32 s20, s19  }
0x9c: {  	s22 =	simm.s32 $0x0;
	s4 =	sshll.u32 s4, $0x1;
	s5 =	sadd.s32 s21, s3  }
0x9d: {  	[timem:s22], [sflag:s6] =	dma.local [hbm:s5], s4  }
0x9e: {  	_ =	swait.ge [sflag:s6], s4  }
0x9f: {  	s4 =	ssub.s32 $0x0, s4;
	[sflag:s6] =	ssyncset.done $0x0  }
0xa0: {  	[sflag:s6] =	ssyncadd.s32 s4;
	_ =	sdelay $0x1  }
0xa1: {  	s23 =	simm.s32 $0x1B8B  }
0xa2: {  	_ =	swait.ge [sflag:s23], $0x1  }
0xa3: {  	[sflag:s23] =	ssyncset.done $0x0  }
0xa4: {  	[sflag:s23] =	ssyncadd.s32 $0xFFFFFFFF  }
0xa5: {  	s4 =	sld [smem:$0x0]  }
0xa6: {  	s5 =	sand.u32 $0xFFFFFFFE, s1  }
0xa7: {  	p0 =	sne.s32 s1, s5  }
0xa8: {  	s5 =	sshll.u32 @p0 s5, $0xE  }
0xa9: {  	s5 =	sadd.s32 @p0 $0x11B8D, s5;
	s6 =	sshll.u32 @p0 s4, $0x11  }
0xaa: {  	s5 =	sor.u32 @p0 s6, s5  }
0xab: {  	[sflag:s5] =	ssyncadd.remote.s32 @p0 $0x1;
	_ =	sdelay $0x1  }
0xac: {  	s5 =	simm.s32 @p0 $0x1B8D  }
0xad: {  	_ =	swait.eq @p0 [sflag:s5], $0x1  }
0xae: {  	[sflag:s5] =	ssyncadd.s32 @p0 $0xFFFFFFFF  }
0xaf: {  	s6 =	sshll.u32 @!p0 s1, $0xE  }
0xb0: {  	s6 =	sor.u32 @!p0 $0x4000, s6;
	s5 =	simm.s32 @!p0 $0x1B8D  }
0xb1: {  	s4 =	sshll.u32 @!p0 s4, $0x11;
	s6 =	sadd.s32 @!p0 $0x11B8D, s6;
	_ =	swait.eq @!p0 [sflag:s5], $0x1  }
0xb2: {  	s4 =	sor.u32 @!p0 s4, s6;
	[sflag:s5] =	ssyncadd.s32 @!p0 $0xFFFFFFFF  }
0xb3: {  	s25 =	simm.s32 $0x1B8E;
	s24 =	sld [smem:$0x3FFE];
	[sflag:s4] =	ssyncadd.remote.s32 @!p0 $0x1  }
0xb4: {  	s26 =	simm.s32 $execute0_lowered;
	[smem:$0x3FD2] =	sst s25  }
0xb5: {  	s5 =	sshll.u32 s26, $0x1;
	_ =	strace $0x80000049;
	[dreg:$0x1] =	wrdreg $0xFFFFFFFF  }
0xb6: {  	s28 =	simm.s32 $_size_execute0_lowered;
	s3 =	sadd.s32 s3, s5;
	[dreg:$0x0] =	wrdreg $0x0  }
0xb7: {  	s5 =	sshll.u32 s28, $0x1;
	[dreg:$0x2] =	wrdreg s3  }
0xb8: {  	[dreg:$0x3] =	wrdreg s5  }
0xb9: {  	[dreg:$0x4] =	wrdreg $0xC0  }
0xba: {  	_ =	task [dreg:s22], $0x5FFFF  }
0xbb: {  	[dreg:$0x1] =	wrdreg $0xFFFFFFFF  }
0xbc: {  	[dreg:$0x0] =	wrdreg $0x60  }
0xbd: {  	[dreg:$0x2] =	wrdreg s24  }
0xbe: {  	[dreg:$0x3] =	wrdreg $0x9  }
0xbf: {  	_ =	task.clear_ibuf [dreg:s22], $0x4FFFF;
	_ =	strace $0x90000049  }
0xc0: {  	s29 =	simm.s32 $0x9;
	_ =	strace $0x8000004B  }
0xc1: {  	_ =	swait.ge [sflag:s29], $0x1  }
0xc2: {  	[sflag:s29] =	ssyncadd.s32 $0xFFFFFFFF  }
0xc3: {  	_ =	strace $0x9000004B  }
0xc4: {  	_ =	sfence  }
0xc5: {  	s30 =	sld [smem:$0x0];
	_ =	sdelay $0x2  }
0xc6: {  	s31 =	sshll.u32 s1, $0xD;
	s1 =	sshrl.u32 s1, $0x2  }
0xc7: {  	s4 =	sand.u32 $0x4000, s31;
	s1 =	sadd.s32 s1, s30  }
0xc8: {  	s0 =	sor.u32 s4, s0;
	s1 =	sshll.u32 s1, $0x11  }
0xc9: {  	s0 =	sor.u32 s1, s0  }
0xca: {  	s0 =	sadd.s32 $0x8F2B, s0  }
0xcb: {  	[sflag:s0] =	ssyncadd.remote.s32 $0x1  }
0xcc: {  	_ =	sfence.sel $0xFFFF  }
0xcd: {  	[dreg:$0x0] =	wrdreg $0xFFFFFFFF;
	(pc) =	sbr.abs _section_cstart, $3  }
0xce: {  	[dreg:$0x1] =	wrdreg $0xFFFFFFFF  }
0xcf: {  	_ =	task.clear_ibuf [dreg:s22], $0x2FFFF;
	_ =	strace $0x9FFFFFFF  }
0xd0: {  	(tm) =	ssettm $0x7FFFFFFF  }
0xd1: {  	_ =	shalt  }
tec
execute0_lowered:
.L_overlay_start_1:
0x0: {  	(tag) =	ssettag $0x1  }
0x1: {  	s10 =	rddreg [dreg:$0x0]  }
0x2: {  	s0 =	rddreg [dreg:$0x1];
	s2 =	simm.s32 $0x0;
	s4 =	srdreg.scid  }
0x3: {  	s1 =	stileid.u32;
	s12 =	simm.s32 $0x3;
	s13 =	simm.s32 $0x80  }
0x4: {  	s14 =	simm.s32 $0x200;
	s15 =	simm.s32 $0x4200;
	s16 =	simm.s32 $0x100  }
0x5: {  	s17 =	simm.s32 $0x8200;
	s18 =	simm.s32 $0x1;
	s19 =	simm.s32 $0xC200  }
0x6: {  	s20 =	simm.s32 $0x180;
	s21 =	simm.s32 $0xD200;
	s22 =	simm.s32 $0x2  }
0x7: {  	s23 =	simm.s32 $0x0;
	[smem:$0x7FF] =	sst s2;
	s3 =	sadd.s32 $0x32DE00, s10  }
0x8: {  	s5 =	sand.u32 $0x1, s4;
	s6 =	sshll.u32 s1, $0x1;
	s4 =	sadd.s32 $0x61BE00, s10  }
0x9: {  	_ =	strace $0x8000004A;
	s7 =	ssub.s32 $0x2, s5;
	s8 =	sor.u32 s5, s6  }
0xa: {  	s5 =	sadd.s32 $0x19DE00, s10;
	s9 =	sshrl.u32 s7, $0x1;
	s6 =	smul.u32 $0x19, s8  }
0xb: {  	s11 =	ssub.s32 s7, s9;
	s7 =	smul.u32 $0xC800, s8;
	s8 =	sadd.s32 $0x19E000, s10  }
0xc: {  	s9 =	sadd.s32 $0x19E200, s10;
	s10 =	sadd.s32 $0x19E400, s10;
	s11 =	smax.u32 s11, $0x1  }
.LBB2_1:
0xd: {  	s24 =	simm.s32 $0x0  }
.LBB2_2:
0xe: {  	s25 =	sadd.s32 s6, s24  }
0xf: {  	s25 =	sshll.u32 s25, $0x6  }
0x10: {  	s26 =	simm.s32 $0x0;
	s25 =	sadd.s32 s3, s25  }
0x11: {  	[tilespmem:s26], [sflag:$0x3] =	stream.linear.gather [hbm4b:s25+s26], $0x200, $0x38;
	[tilespmem:$0xE200] =	vst v63  }
0x12: {  	_ =	swait.ge [sflag:s12], $0x200  }
0x13: {  	[sflag:s12] =	ssyncset.done $0x0  }
0x14: {  	[sflag:s12] =	ssyncadd.s32 $0xFFFFFE00  }
0x15: {  	[tilespmem:s14], [sflag:$0x1] =	stream.indirect.gather [hbm4b:s4+s13], $0x80, s26, s13, $0xb8;
	[tilespmem:$0xE200] =	vst v63  }
0x16: {  	_ = 	snop  }
0x17: {  	[tilespmem:s15], [sflag:$0x1] =	stream.indirect.gather [hbm4b:s4+s13], $0x80, s13, s13, $0xb8;
	[tilespmem:$0xE200] =	vst v63  }
0x18: {  	_ = 	snop  }
0x19: {  	[tilespmem:s17], [sflag:$0x1] =	stream.indirect.gather [hbm4b:s4+s13], $0x80, s16, s13, $0xb8;
	[tilespmem:$0xE200] =	vst v63  }
0x1a: {  	_ =	swait.ge [sflag:s18], $0x4000  }
0x1b: {  	[sflag:s18] =	ssyncset.done $0x0  }
0x1c: {  	s25 =	simm.s32 $0x300;
	[sflag:s18] =	ssyncadd.s32 $0xFFFFC000  }
0x1d: {  	v0 =	vld [tilespmem:s25+$0xFFFFFF80]  }
0x1e: {  	v1 =	vld [tilespmem:s25+$0xFFFFFF00];
	_ =	sdelay $0x1  }
0x1f: {  	v2 =	vld [tilespmem:s25+$0x0];
	_ =	sdelay $0x1  }
0x20: {  	v3 =	vld [tilespmem:s25+$0x80]  }
0x21: {  	v0 =	vadd.f32 v0, v1;
	_ =	sdelay $0x1  }
0x22: {  	v0 =	vadd.f32 v2, v0;
	_ =	sdelay $0x1  }
0x23: {  	v0 =	vadd.f32 v3, v0  }
0x24: {  	s26 =	simm.s32 $0x0  }
0x25: {  	[tilespmem:s26+$0xC200] =	vst v0  }
0x26: {  	v0 =	vld [tilespmem:s25+$0xFFFFFF10]  }
0x27: {  	v1 =	vld [tilespmem:s25+$0xFFFFFF90];
	_ =	sdelay $0x1  }
0x28: {  	v2 =	vld [tilespmem:s25+$0x10];
	_ =	sdelay $0x1  }
0x29: {  	v3 =	vld [tilespmem:s25+$0x90]  }
0x2a: {  	v0 =	vadd.f32 v1, v0;
	_ =	sdelay $0x1  }
0x2b: {  	v0 =	vadd.f32 v2, v0;
	_ =	sdelay $0x1  }
0x2c: {  	v0 =	vadd.f32 v3, v0;
	_ =	sdelay $0x1  }
0x2d: {  	[tilespmem:s26+$0xC210] =	vst v0  }
0x2e: {  	v0 =	vld [tilespmem:s25+$0xFFFFFF20]  }
0x2f: {  	v1 =	vld [tilespmem:s25+$0xFFFFFFA0];
	_ =	sdelay $0x1  }
0x30: {  	v2 =	vld [tilespmem:s25+$0x20];
	_ =	sdelay $0x1  }
0x31: {  	v3 =	vld [tilespmem:s25+$0xA0]  }
0x32: {  	v0 =	vadd.f32 v1, v0;
	_ =	sdelay $0x1  }
0x33: {  	v0 =	vadd.f32 v2, v0;
	_ =	sdelay $0x1  }
0x34: {  	v0 =	vadd.f32 v3, v0;
	_ =	sdelay $0x1  }
0x35: {  	[tilespmem:s26+$0xC220] =	vst v0  }
0x36: {  	v0 =	vld [tilespmem:s25+$0xFFFFFFB0]  }
0x37: {  	v1 =	vld [tilespmem:s25+$0xFFFFFF30];
	_ =	sdelay $0x1  }
0x38: {  	v2 =	vld [tilespmem:s25+$0x30];
	_ =	sdelay $0x1  }
0x39: {  	v3 =	vld [tilespmem:s25+$0xB0]  }
0x3a: {  	v0 =	vadd.f32 v0, v1;
	_ =	sdelay $0x1  }
0x3b: {  	v0 =	vadd.f32 v2, v0;
	_ =	sdelay $0x1  }
0x3c: {  	v0 =	vadd.f32 v3, v0;
	_ =	sdelay $0x1  }
0x3d: {  	[tilespmem:s26+$0xC230] =	vst v0  }
0x3e: {  	v0 =	vld [tilespmem:s25+$0xFFFFFF40]  }
0x3f: {  	v1 =	vld [tilespmem:s25+$0xFFFFFFC0];
	_ =	sdelay $0x1  }
0x40: {  	v2 =	vld [tilespmem:s25+$0x40];
	_ =	sdelay $0x1  }
0x41: {  	v4 =	vld [tilespmem:s25+$0xC0];
	v3 =	vand.u32 $0xFFFF0000, v0  }
0x42: {  	v0 =	vshll.u32 v0, $0x10;
	v5 =	vshll.u32 v1, $0x10;
	v1 =	vand.u32 $0xFFFF0000, v1  }
0x43: {  	v0 =	vadd.f32 v5, v0;
	v1 =	vadd.f32 v1, v3  }
0x44: {  	v3 =	vshll.u32 v2, $0x10;
	v2 =	vand.u32 $0xFFFF0000, v2  }
0x45: {  	v0 =	vadd.f32 v3, v0;
	v1 =	vadd.f32 v2, v1  }
0x46: {  	v2 =	vshll.u32 v4, $0x10;
	v3 =	vand.u32 $0xFFFF0000, v4  }
0x47: {  	v0 =	vadd.f32 v2, v0;
	v1 =	vadd.f32 v3, v1;
	_ =	sdelay $0x1  }
0x48: {  	v0 =	vadd.s32 $0x8000, v0;
	v1 =	vadd.s32 $0x8000, v1  }
0x49: {  	v0 =	vshrl.u32 v0, $0x10;
	v1 =	vand.u32 $0xFFFF0000, v1  }
0x4a: {  	v0 =	vor.u32 v1, v0  }
0x4b: {  	[tilespmem:s26+$0xC240] =	vst v0  }
0x4c: {  	v0 =	vld [tilespmem:s25+$0xFFFFFF50]  }
0x4d: {  	v1 =	vld [tilespmem:s25+$0xFFFFFFD0];
	_ =	sdelay $0x1  }
0x4e: {  	v2 =	vld [tilespmem:s25+$0x50];
	_ =	sdelay $0x1  }
0x4f: {  	v3 =	vld [tilespmem:s25+$0xD0];
	v4 =	vshll.u32 v0, $0x10  }
0x50: {  	v0 =	vand.u32 $0xFFFF0000, v0;
	v5 =	vshll.u32 v1, $0x10;
	v1 =	vand.u32 $0xFFFF0000, v1  }
0x51: {  	v4 =	vadd.f32 v5, v4;
	v0 =	vadd.f32 v1, v0  }
0x52: {  	v1 =	vshll.u32 v2, $0x10;
	v2 =	vand.u32 $0xFFFF0000, v2  }
0x53: {  	v1 =	vadd.f32 v1, v4;
	v0 =	vadd.f32 v2, v0  }
0x54: {  	v2 =	vshll.u32 v3, $0x10;
	v3 =	vand.u32 $0xFFFF0000, v3  }
0x55: {  	v1 =	vadd.f32 v2, v1;
	v0 =	vadd.f32 v3, v0;
	_ =	sdelay $0x1  }
0x56: {  	v1 =	vadd.s32 $0x8000, v1;
	v0 =	vadd.s32 $0x8000, v0  }
0x57: {  	v1 =	vshrl.u32 v1, $0x10;
	v0 =	vand.u32 $0xFFFF0000, v0  }
0x58: {  	v0 =	vor.u32 v0, v1  }
0x59: {  	[tilespmem:s26+$0xC250] =	vst v0  }
0x5a: {  	v0 =	vld [tilespmem:s25+$0xFFFFFF60]  }
0x5b: {  	v1 =	vld [tilespmem:s25+$0xFFFFFFE0];
	_ =	sdelay $0x1  }
0x5c: {  	v2 =	vld [tilespmem:s25+$0x60];
	_ =	sdelay $0x1  }
0x5d: {  	v3 =	vld [tilespmem:s25+$0xE0];
	v4 =	vand.u32 $0xFFFF0000, v0  }
0x5e: {  	v0 =	vshll.u32 v0, $0x10;
	v5 =	vshll.u32 v1, $0x10;
	v1 =	vand.u32 $0xFFFF0000, v1  }
0x5f: {  	v0 =	vadd.f32 v5, v0;
	v1 =	vadd.f32 v1, v4  }
0x60: {  	v4 =	vshll.u32 v2, $0x10;
	v2 =	vand.u32 $0xFFFF0000, v2  }
0x61: {  	v0 =	vadd.f32 v4, v0;
	v1 =	vadd.f32 v2, v1  }
0x62: {  	v2 =	vshll.u32 v3, $0x10;
	v3 =	vand.u32 $0xFFFF0000, v3  }
0x63: {  	v0 =	vadd.f32 v2, v0;
	v1 =	vadd.f32 v3, v1;
	_ =	sdelay $0x1  }
0x64: {  	v0 =	vadd.s32 $0x8000, v0;
	v1 =	vadd.s32 $0x8000, v1  }
0x65: {  	v0 =	vshrl.u32 v0, $0x10;
	v1 =	vand.u32 $0xFFFF0000, v1  }
0x66: {  	v0 =	vor.u32 v1, v0  }
0x67: {  	[tilespmem:s26+$0xC260] =	vst v0  }
0x68: {  	v3 =	vld [tilespmem:s25+$0xFFFFFF70]  }
0x69: {  	v2 =	vld [tilespmem:s25+$0xFFFFFFF0]  }
0x6a: {  	v1 =	vld [tilespmem:s25+$0x70]  }
0x6b: {  	s28 =	simm.s32 $0x200;
	v0 =	vld [tilespmem:s25+$0xF0]  }
.LBB2_3:
0x6c: {  	p0 =	sne.s32 s28, $0x3E00  }
0x6d: {  	s25 =	sadd.s32 $0x200, s25;
	s29 =	smov.u32 s28;
	s28 =	sadd.s32 $0x200, s28  }
0x6e: {  	v4 =	vshll.u32 v3, $0x10;
	v3 =	vand.u32 $0xFFFF0000, v3  }
0x6f: {  	v5 =	vshll.u32 v2, $0x10;
	v2 =	vand.u32 $0xFFFF0000, v2  }
0x70: {  	v4 =	vadd.f32 v5, v4;
	v2 =	vadd.f32 v2, v3;
	v3 =	vand.u32 $0xFFFF0000, v1  }
0x71: {  	v1 =	vshll.u32 v1, $0x10  }
0x72: {  	v1 =	vadd.f32 v1, v4;
	v2 =	vadd.f32 v3, v2;
	v3 =	vand.u32 $0xFFFF0000, v0  }
0x73: {  	v0 =	vshll.u32 v0, $0x10  }
0x74: {  	v0 =	vadd.f32 v0, v1;
	v1 =	vadd.f32 v3, v2;
	_ =	sdelay $0x1  }
0x75: {  	v0 =	vadd.s32 $0x8000, v0;
	v1 =	vadd.s32 $0x8000, v1  }
0x76: {  	v0 =	vshrl.u32 v0, $0x10;
	v1 =	vand.u32 $0xFFFF0000, v1  }
0x77: {  	v0 =	vor.u32 v1, v0  }
0x78: {  	[tilespmem:s26+$0xC270] =	vst v0  }
0x79: {  	v0 =	vld [tilespmem:s25+$0xFFFFFF80]  }
0x7a: {  	v1 =	vld [tilespmem:s25+$0xFFFFFF00]  }
0x7b: {  	v2 =	vld [tilespmem:s25+$0x0];
	_ =	sdelay $0x2  }
0x7c: {  	v3 =	vld [tilespmem:s25+$0x80]  }
0x7d: {  	v0 =	vadd.f32 v0, v1;
	_ =	sdelay $0x1  }
0x7e: {  	v0 =	vadd.f32 v2, v0;
	_ =	sdelay $0x1  }
0x7f: {  	v0 =	vadd.f32 v3, v0  }
0x80: {  	s26 =	sshra.s32 s29, $0x2  }
0x81: {  	[tilespmem:s26+$0xC200] =	vst v0  }
0x82: {  	v0 =	vld [tilespmem:s25+$0xFFFFFF10]  }
0x83: {  	v1 =	vld [tilespmem:s25+$0xFFFFFF90];
	_ =	sdelay $0x1  }
0x84: {  	v2 =	vld [tilespmem:s25+$0x10];
	_ =	sdelay $0x1  }
0x85: {  	v3 =	vld [tilespmem:s25+$0x90]  }
0x86: {  	v0 =	vadd.f32 v1, v0;
	_ =	sdelay $0x1  }
0x87: {  	v0 =	vadd.f32 v2, v0;
	_ =	sdelay $0x1  }
0x88: {  	v0 =	vadd.f32 v3, v0;
	_ =	sdelay $0x1  }
0x89: {  	[tilespmem:s26+$0xC210] =	vst v0  }
0x8a: {  	v0 =	vld [tilespmem:s25+$0xFFFFFF20]  }
0x8b: {  	v1 =	vld [tilespmem:s25+$0xFFFFFFA0];
	_ =	sdelay $0x1  }
0x8c: {  	v2 =	vld [tilespmem:s25+$0x20];
	_ =	sdelay $0x1  }
0x8d: {  	v3 =	vld [tilespmem:s25+$0xA0]  }
0x8e: {  	v0 =	vadd.f32 v1, v0;
	_ =	sdelay $0x1  }
0x8f: {  	v0 =	vadd.f32 v2, v0;
	_ =	sdelay $0x1  }
0x90: {  	v0 =	vadd.f32 v3, v0;
	_ =	sdelay $0x1  }
0x91: {  	[tilespmem:s26+$0xC220] =	vst v0  }
0x92: {  	v0 =	vld [tilespmem:s25+$0xFFFFFFB0]  }
0x93: {  	v1 =	vld [tilespmem:s25+$0xFFFFFF30];
	_ =	sdelay $0x1  }
0x94: {  	v2 =	vld [tilespmem:s25+$0x30];
	_ =	sdelay $0x1  }
0x95: {  	v3 =	vld [tilespmem:s25+$0xB0]  }
0x96: {  	v0 =	vadd.f32 v0, v1;
	_ =	sdelay $0x1  }
0x97: {  	v0 =	vadd.f32 v2, v0;
	_ =	sdelay $0x1  }
0x98: {  	v0 =	vadd.f32 v3, v0;
	_ =	sdelay $0x1  }
0x99: {  	[tilespmem:s26+$0xC230] =	vst v0  }
0x9a: {  	v0 =	vld [tilespmem:s25+$0xFFFFFF40]  }
0x9b: {  	v1 =	vld [tilespmem:s25+$0xFFFFFFC0];
	_ =	sdelay $0x1  }
0x9c: {  	v2 =	vld [tilespmem:s25+$0x40];
	_ =	sdelay $0x1  }
0x9d: {  	v3 =	vand.u32 $0xFFFF0000, v0;
	v4 =	vld [tilespmem:s25+$0xC0]  }
0x9e: {  	v0 =	vshll.u32 v0, $0x10;
	v5 =	vshll.u32 v1, $0x10;
	v1 =	vand.u32 $0xFFFF0000, v1  }
0x9f: {  	v0 =	vadd.f32 v5, v0;
	v1 =	vadd.f32 v1, v3  }
0xa0: {  	v3 =	vshll.u32 v2, $0x10;
	v2 =	vand.u32 $0xFFFF0000, v2  }
0xa1: {  	v0 =	vadd.f32 v3, v0;
	v1 =	vadd.f32 v2, v1  }
0xa2: {  	v2 =	vshll.u32 v4, $0x10;
	v3 =	vand.u32 $0xFFFF0000, v4  }
0xa3: {  	v0 =	vadd.f32 v2, v0;
	v1 =	vadd.f32 v3, v1;
	_ =	sdelay $0x1  }
0xa4: {  	v0 =	vadd.s32 $0x8000, v0;
	v1 =	vadd.s32 $0x8000, v1  }
0xa5: {  	v0 =	vshrl.u32 v0, $0x10;
	v1 =	vand.u32 $0xFFFF0000, v1  }
0xa6: {  	v0 =	vor.u32 v1, v0  }
0xa7: {  	[tilespmem:s26+$0xC240] =	vst v0  }
0xa8: {  	v0 =	vld [tilespmem:s25+$0xFFFFFF50]  }
0xa9: {  	v1 =	vld [tilespmem:s25+$0xFFFFFFD0]  }
0xaa: {  	v2 =	vld [tilespmem:s25+$0x50]  }
0xab: {  	v3 =	vld [tilespmem:s25+$0xD0];
	_ =	sdelay $0x1  }
0xac: {  	v4 =	vshll.u32 v0, $0x10  }
0xad: {  	v0 =	vand.u32 $0xFFFF0000, v0;
	v5 =	vshll.u32 v1, $0x10;
	v1 =	vand.u32 $0xFFFF0000, v1  }
0xae: {  	v4 =	vadd.f32 v5, v4;
	v0 =	vadd.f32 v1, v0  }
0xaf: {  	v1 =	vshll.u32 v2, $0x10;
	v2 =	vand.u32 $0xFFFF0000, v2  }
0xb0: {  	v1 =	vadd.f32 v1, v4;
	v0 =	vadd.f32 v2, v0  }
0xb1: {  	v2 =	vshll.u32 v3, $0x10;
	v3 =	vand.u32 $0xFFFF0000, v3  }
0xb2: {  	v1 =	vadd.f32 v2, v1;
	v0 =	vadd.f32 v3, v0;
	_ =	sdelay $0x1  }
0xb3: {  	v1 =	vadd.s32 $0x8000, v1;
	v0 =	vadd.s32 $0x8000, v0  }
0xb4: {  	v1 =	vshrl.u32 v1, $0x10;
	v0 =	vand.u32 $0xFFFF0000, v0  }
0xb5: {  	v0 =	vor.u32 v0, v1  }
0xb6: {  	[tilespmem:s26+$0xC250] =	vst v0  }
0xb7: {  	v0 =	vld [tilespmem:s25+$0xFFFFFF60]  }
0xb8: {  	v1 =	vld [tilespmem:s25+$0xFFFFFFE0]  }
0xb9: {  	v2 =	vld [tilespmem:s25+$0x60]  }
0xba: {  	v3 =	vld [tilespmem:s25+$0xE0];
	_ =	sdelay $0x1  }
0xbb: {  	v4 =	vand.u32 $0xFFFF0000, v0  }
0xbc: {  	v0 =	vshll.u32 v0, $0x10;
	v5 =	vshll.u32 v1, $0x10;
	v1 =	vand.u32 $0xFFFF0000, v1  }
0xbd: {  	v0 =	vadd.f32 v5, v0;
	v1 =	vadd.f32 v1, v4  }
0xbe: {  	v4 =	vshll.u32 v2, $0x10;
	v2 =	vand.u32 $0xFFFF0000, v2  }
0xbf: {  	v0 =	vadd.f32 v4, v0;
	v1 =	vadd.f32 v2, v1  }
0xc0: {  	v2 =	vshll.u32 v3, $0x10;
	v3 =	vand.u32 $0xFFFF0000, v3  }
0xc1: {  	v0 =	vadd.f32 v2, v0;
	v1 =	vadd.f32 v3, v1;
	_ =	sdelay $0x1  }
0xc2: {  	v0 =	vadd.s32 $0x8000, v0;
	v1 =	vadd.s32 $0x8000, v1  }
0xc3: {  	v0 =	vshrl.u32 v0, $0x10;
	v1 =	vand.u32 $0xFFFF0000, v1  }
0xc4: {  	v0 =	vor.u32 v1, v0  }
.Ltmp0:
0xc5: {  	[tilespmem:s26+$0xC260] =	vst v0;
	(pc) =	sbr.rel @p0 .LBB2_3-.Ltmp0, $4  }
0xc6: {  	v3 =	vld [tilespmem:s25+$0xFFFFFF70]  }
0xc7: {  	v2 =	vld [tilespmem:s25+$0xFFFFFFF0]  }
0xc8: {  	v1 =	vld [tilespmem:s25+$0x70]  }
0xc9: {  	v0 =	vld [tilespmem:s25+$0xF0]  }
0xca: {  	_ = 	snop  }
0xcb: {  	v4 =	vshll.u32 v3, $0x10  }
0xcc: {  	v3 =	vand.u32 $0xFFFF0000, v3;
	v5 =	vshll.u32 v2, $0x10;
	v2 =	vand.u32 $0xFFFF0000, v2  }
0xcd: {  	v4 =	vadd.f32 v5, v4;
	v2 =	vadd.f32 v2, v3  }
0xce: {  	v3 =	vand.u32 $0xFFFF0000, v1;
	v1 =	vshll.u32 v1, $0x10  }
0xcf: {  	v1 =	vadd.f32 v1, v4;
	v2 =	vadd.f32 v3, v2  }
0xd0: {  	v3 =	vand.u32 $0xFFFF0000, v0;
	v0 =	vshll.u32 v0, $0x10  }
0xd1: {  	v0 =	vadd.f32 v0, v1;
	v1 =	vadd.f32 v3, v2;
	_ =	sdelay $0x1  }
0xd2: {  	v0 =	vadd.s32 $0x8000, v0;
	v1 =	vadd.s32 $0x8000, v1  }
0xd3: {  	s25 =	sshll.u32 s24, $0xB;
	v0 =	vshrl.u32 v0, $0x10;
	v1 =	vand.u32 $0xFFFF0000, v1  }
0xd4: {  	s25 =	sadd.s32 s7, s25;
	v0 =	vor.u32 v1, v0  }
0xd5: {  	s28 =	simm.s32 $0x0;
	s31 =	sadd.s32 s5, s25;
	[tilespmem:s26+$0xC270] =	vst v0  }
0xd6: {  	[hbm4b:s31+s28] =	stream.linear.scatter [tilespmem:s19], [sflag:$0x2], $0x1000, $0x38;
	[tilespmem:$0xE200] =	vst v63  }
0xd7: {  	_ = 	snop  }
0xd8: {  	[tilespmem:s14], [sflag:$0x1] =	stream.indirect.gather [hbm4b:s4+s13], $0x80, s20, s13, $0xb8;
	[tilespmem:$0xE200] =	vst v63  }
0xd9: {  	_ =	swait.ge [sflag:s18], $0x4000  }
0xda: {  	[sflag:s18] =	ssyncset.done $0x0  }
0xdb: {  	s28 =	simm.s32 $0x0;
	[sflag:s18] =	ssyncadd.s32 $0xFFFFC000  }
0xdc: {  	v0 =	vld [tilespmem:s28+$0x4200]  }
0xdd: {  	v1 =	vld [tilespmem:s28+$0x4280];
	_ =	sdelay $0x1  }
0xde: {  	v2 =	vld [tilespmem:s28+$0x4300];
	_ =	sdelay $0x1  }
0xdf: {  	v3 =	vld [tilespmem:s28+$0x4380]  }
0xe0: {  	v0 =	vadd.f32 v1, v0;
	_ =	sdelay $0x1  }
0xe1: {  	v0 =	vadd.f32 v2, v0;
	_ =	sdelay $0x1  }
0xe2: {  	v0 =	vadd.f32 v3, v0  }
0xe3: {  	s26 =	simm.s32 $0xD270  }
0xe4: {  	[tilespmem:s26+$0xFFFFFF90] =	vst v0  }
0xe5: {  	v0 =	vld [tilespmem:s28+$0x4210]  }
0xe6: {  	v1 =	vld [tilespmem:s28+$0x4290];
	_ =	sdelay $0x1  }
0xe7: {  	v2 =	vld [tilespmem:s28+$0x4310];
	_ =	sdelay $0x1  }
0xe8: {  	v3 =	vld [tilespmem:s28+$0x4390]  }
0xe9: {  	v0 =	vadd.f32 v1, v0;
	_ =	sdelay $0x1  }
0xea: {  	v0 =	vadd.f32 v2, v0;
	_ =	sdelay $0x1  }
0xeb: {  	v0 =	vadd.f32 v3, v0;
	_ =	sdelay $0x1  }
0xec: {  	[tilespmem:s26+$0xFFFFFFA0] =	vst v0  }
0xed: {  	v0 =	vld [tilespmem:s28+$0x4220]  }
0xee: {  	v1 =	vld [tilespmem:s28+$0x42A0];
	_ =	sdelay $0x1  }
0xef: {  	v2 =	vld [tilespmem:s28+$0x4320];
	_ =	sdelay $0x1  }
0xf0: {  	v3 =	vld [tilespmem:s28+$0x43A0]  }
0xf1: {  	v0 =	vadd.f32 v1, v0;
	_ =	sdelay $0x1  }
0xf2: {  	v0 =	vadd.f32 v2, v0;
	_ =	sdelay $0x1  }
0xf3: {  	v0 =	vadd.f32 v3, v0;
	_ =	sdelay $0x1  }
0xf4: {  	[tilespmem:s26+$0xFFFFFFB0] =	vst v0  }
0xf5: {  	v0 =	vld [tilespmem:s28+$0x4230]  }
0xf6: {  	v1 =	vld [tilespmem:s28+$0x42B0];
	_ =	sdelay $0x1  }
0xf7: {  	v2 =	vld [tilespmem:s28+$0x4330];
	_ =	sdelay $0x1  }
0xf8: {  	v3 =	vld [tilespmem:s28+$0x43B0]  }
0xf9: {  	v0 =	vadd.f32 v1, v0;
	_ =	sdelay $0x1  }
0xfa: {  	v0 =	vadd.f32 v2, v0;
	_ =	sdelay $0x1  }
0xfb: {  	v0 =	vadd.f32 v3, v0;
	_ =	sdelay $0x1  }
0xfc: {  	[tilespmem:s26+$0xFFFFFFC0] =	vst v0  }
0xfd: {  	v0 =	vld [tilespmem:s28+$0x4240]  }
0xfe: {  	v1 =	vld [tilespmem:s28+$0x42C0];
	_ =	sdelay $0x1  }
0xff: {  	v2 =	vld [tilespmem:s28+$0x4340];
	_ =	sdelay $0x1  }
0x100: {  	v3 =	vld [tilespmem:s28+$0x43C0];
	v58 =	vshll.u32 v0, $0x10  }
0x101: {  	v0 =	vand.u32 $0xFFFF0000, v0;
	v59 =	vshll.u32 v1, $0x10;
	v1 =	vand.u32 $0xFFFF0000, v1  }
0x102: {  	v4 =	vadd.f32 v59, v58;
	v0 =	vadd.f32 v1, v0  }
0x103: {  	v1 =	vshll.u32 v2, $0x10;
	v2 =	vand.u32 $0xFFFF0000, v2  }
0x104: {  	v1 =	vadd.f32 v1, v4;
	v0 =	vadd.f32 v2, v0  }
0x105: {  	v2 =	vshll.u32 v3, $0x10;
	v3 =	vand.u32 $0xFFFF0000, v3  }
0x106: {  	v1 =	vadd.f32 v2, v1;
	v0 =	vadd.f32 v3, v0;
	_ =	sdelay $0x1  }
0x107: {  	v1 =	vadd.s32 $0x8000, v1;
	v0 =	vadd.s32 $0x8000, v0  }
0x108: {  	v1 =	vshrl.u32 v1, $0x10;
	v0 =	vand.u32 $0xFFFF0000, v0  }
0x109: {  	v0 =	vor.u32 v0, v1  }
0x10a: {  	[tilespmem:s26+$0xFFFFFFD0] =	vst v0  }
0x10b: {  	v0 =	vld [tilespmem:s28+$0x4250]  }
0x10c: {  	v1 =	vld [tilespmem:s28+$0x42D0];
	_ =	sdelay $0x1  }
0x10d: {  	v2 =	vld [tilespmem:s28+$0x4350];
	_ =	sdelay $0x1  }
0x10e: {  	v3 =	vld [tilespmem:s28+$0x43D0];
	v60 =	vshll.u32 v0, $0x10  }
0x10f: {  	v0 =	vand.u32 $0xFFFF0000, v0;
	v61 =	vshll.u32 v1, $0x10;
	v1 =	vand.u32 $0xFFFF0000, v1  }
0x110: {  	v4 =	vadd.f32 v61, v60;
	v0 =	vadd.f32 v1, v0  }
0x111: {  	v1 =	vshll.u32 v2, $0x10;
	v2 =	vand.u32 $0xFFFF0000, v2  }
0x112: {  	v1 =	vadd.f32 v1, v4;
	v0 =	vadd.f32 v2, v0  }
0x113: {  	v2 =	vshll.u32 v3, $0x10;
	v3 =	vand.u32 $0xFFFF0000, v3  }
0x114: {  	v1 =	vadd.f32 v2, v1;
	v0 =	vadd.f32 v3, v0;
	_ =	sdelay $0x1  }
0x115: {  	v1 =	vadd.s32 $0x8000, v1;
	v0 =	vadd.s32 $0x8000, v0  }
0x116: {  	v1 =	vshrl.u32 v1, $0x10;
	v0 =	vand.u32 $0xFFFF0000, v0  }
0x117: {  	v0 =	vor.u32 v0, v1  }
0x118: {  	[tilespmem:s26+$0xFFFFFFE0] =	vst v0  }
0x119: {  	v0 =	vld [tilespmem:s28+$0x4260]  }
0x11a: {  	v1 =	vld [tilespmem:s28+$0x42E0];
	_ =	sdelay $0x1  }
0x11b: {  	v2 =	vld [tilespmem:s28+$0x4360];
	_ =	sdelay $0x1  }
0x11c: {  	v3 =	vld [tilespmem:s28+$0x43E0];
	v62 =	vshll.u32 v0, $0x10  }
0x11d: {  	v0 =	vand.u32 $0xFFFF0000, v0;
	v63 =	vshll.u32 v1, $0x10;
	v1 =	vand.u32 $0xFFFF0000, v1  }
0x11e: {  	v4 =	vadd.f32 v63, v62;
	v0 =	vadd.f32 v1, v0  }
0x11f: {  	v1 =	vshll.u32 v2, $0x10;
	v2 =	vand.u32 $0xFFFF0000, v2  }
0x120: {  	v1 =	vadd.f32 v1, v4;
	v0 =	vadd.f32 v2, v0  }
0x121: {  	v2 =	vshll.u32 v3, $0x10;
	v3 =	vand.u32 $0xFFFF0000, v3  }
0x122: {  	v1 =	vadd.f32 v2, v1;
	v0 =	vadd.f32 v3, v0;
	_ =	sdelay $0x1  }
0x123: {  	v1 =	vadd.s32 $0x8000, v1;
	v0 =	vadd.s32 $0x8000, v0  }
0x124: {  	v1 =	vshrl.u32 v1, $0x10;
	v0 =	vand.u32 $0xFFFF0000, v0  }
0x125: {  	v0 =	vor.u32 v0, v1  }
0x126: {  	[tilespmem:s26+$0xFFFFFFF0] =	vst v0  }
0x127: {  	s30 =	simm.s32 $0x800;
	s29 =	simm.s32 $0xD270;
	v0 =	vld [tilespmem:s28+$0x4270]  }
.LBB2_5:
0x128: {  	p0 =	sne.s32 s30, $0xF800  }
0x129: {  	v1 =	vld [tilespmem:s28+$0x42F0];
	s26 =	sadd.s32 $0x80, s26;
	s31 =	smov.u32 s30;
	s30 =	sadd.s32 $0x800, s30  }
0x12a: {  	v2 =	vld [tilespmem:s28+$0x4370]  }
0x12b: {  	v3 =	vld [tilespmem:s28+$0x43F0];
	_ =	sdelay $0x1  }
0x12c: {  	v4 =	vshll.u32 v0, $0x10  }
0x12d: {  	v0 =	vand.u32 $0xFFFF0000, v0;
	v5 =	vshll.u32 v1, $0x10;
	v1 =	vand.u32 $0xFFFF0000, v1  }
0x12e: {  	v4 =	vadd.f32 v5, v4;
	v0 =	vadd.f32 v1, v0;
	v1 =	vand.u32 $0xFFFF0000, v2  }
0x12f: {  	v2 =	vshll.u32 v2, $0x10  }
0x130: {  	s28 =	sshra.s32 s31, $0x2;
	v2 =	vadd.f32 v2, v4;
	v0 =	vadd.f32 v1, v0;
	v1 =	vand.u32 $0xFFFF0000, v3  }
0x131: {  	v3 =	vshll.u32 v3, $0x10  }
0x132: {  	v2 =	vadd.f32 v3, v2;
	v0 =	vadd.f32 v1, v0;
	_ =	sdelay $0x1  }
0x133: {  	v1 =	vadd.s32 $0x8000, v2;
	v0 =	vadd.s32 $0x8000, v0  }
0x134: {  	v1 =	vshrl.u32 v1, $0x10;
	v0 =	vand.u32 $0xFFFF0000, v0  }
0x135: {  	v0 =	vor.u32 v0, v1  }
0x136: {  	[tilespmem:s29+$0x0] =	vst v0;
	s29 =	smov.u32 s26  }
0x137: {  	v0 =	vld [tilespmem:s28+$0x4200]  }
0x138: {  	v1 =	vld [tilespmem:s28+$0x4280]  }
0x139: {  	v2 =	vld [tilespmem:s28+$0x4380]  }
0x13a: {  	v3 =	vld [tilespmem:s28+$0x4300];
	_ =	sdelay $0x2  }
0x13b: {  	v0 =	vadd.f32 v1, v0;
	_ =	sdelay $0x1  }
0x13c: {  	v0 =	vadd.f32 v3, v0;
	_ =	sdelay $0x1  }
0x13d: {  	v0 =	vadd.f32 v2, v0;
	_ =	sdelay $0x1  }
0x13e: {  	[tilespmem:s26+$0xFFFFFF90] =	vst v0  }
0x13f: {  	v0 =	vld [tilespmem:s28+$0x4210]  }
0x140: {  	v1 =	vld [tilespmem:s28+$0x4290];
	_ =	sdelay $0x1  }
0x141: {  	v2 =	vld [tilespmem:s28+$0x4310];
	_ =	sdelay $0x1  }
0x142: {  	v3 =	vld [tilespmem:s28+$0x4390]  }
0x143: {  	v0 =	vadd.f32 v1, v0;
	_ =	sdelay $0x1  }
0x144: {  	v0 =	vadd.f32 v2, v0;
	_ =	sdelay $0x1  }
0x145: {  	v0 =	vadd.f32 v3, v0;
	_ =	sdelay $0x1  }
0x146: {  	[tilespmem:s26+$0xFFFFFFA0] =	vst v0  }
0x147: {  	v0 =	vld [tilespmem:s28+$0x4220]  }
0x148: {  	v1 =	vld [tilespmem:s28+$0x42A0];
	_ =	sdelay $0x1  }
0x149: {  	v2 =	vld [tilespmem:s28+$0x4320];
	_ =	sdelay $0x1  }
0x14a: {  	v3 =	vld [tilespmem:s28+$0x43A0]  }
0x14b: {  	v0 =	vadd.f32 v1, v0;
	_ =	sdelay $0x1  }
0x14c: {  	v0 =	vadd.f32 v2, v0;
	_ =	sdelay $0x1  }
0x14d: {  	v0 =	vadd.f32 v3, v0;
	_ =	sdelay $0x1  }
0x14e: {  	[tilespmem:s26+$0xFFFFFFB0] =	vst v0  }
0x14f: {  	v0 =	vld [tilespmem:s28+$0x4230]  }
0x150: {  	v1 =	vld [tilespmem:s28+$0x42B0];
	_ =	sdelay $0x1  }
0x151: {  	v2 =	vld [tilespmem:s28+$0x4330];
	_ =	sdelay $0x1  }
0x152: {  	v3 =	vld [tilespmem:s28+$0x43B0]  }
0x153: {  	v0 =	vadd.f32 v1, v0;
	_ =	sdelay $0x1  }
0x154: {  	v0 =	vadd.f32 v2, v0;
	_ =	sdelay $0x1  }
0x155: {  	v0 =	vadd.f32 v3, v0;
	_ =	sdelay $0x1  }
0x156: {  	[tilespmem:s26+$0xFFFFFFC0] =	vst v0  }
0x157: {  	v0 =	vld [tilespmem:s28+$0x4240]  }
0x158: {  	v1 =	vld [tilespmem:s28+$0x42C0]  }
0x159: {  	v2 =	vld [tilespmem:s28+$0x4340]  }
0x15a: {  	v3 =	vld [tilespmem:s28+$0x43C0];
	_ =	sdelay $0x1  }
0x15b: {  	v4 =	vshll.u32 v0, $0x10;
	v0 =	vand.u32 $0xFFFF0000, v0  }
0x15c: {  	v5 =	vshll.u32 v1, $0x10;
	v1 =	vand.u32 $0xFFFF0000, v1  }
0x15d: {  	v4 =	vadd.f32 v5, v4;
	v0 =	vadd.f32 v1, v0  }
0x15e: {  	v1 =	vshll.u32 v2, $0x10;
	v2 =	vand.u32 $0xFFFF0000, v2  }
0x15f: {  	v1 =	vadd.f32 v1, v4;
	v0 =	vadd.f32 v2, v0  }
0x160: {  	v2 =	vshll.u32 v3, $0x10;
	v3 =	vand.u32 $0xFFFF0000, v3  }
0x161: {  	v1 =	vadd.f32 v2, v1;
	v0 =	vadd.f32 v3, v0;
	_ =	sdelay $0x1  }
0x162: {  	v1 =	vadd.s32 $0x8000, v1;
	v0 =	vadd.s32 $0x8000, v0  }
0x163: {  	v1 =	vshrl.u32 v1, $0x10;
	v0 =	vand.u32 $0xFFFF0000, v0  }
0x164: {  	v0 =	vor.u32 v0, v1  }
0x165: {  	[tilespmem:s26+$0xFFFFFFD0] =	vst v0  }
0x166: {  	v0 =	vld [tilespmem:s28+$0x4250]  }
0x167: {  	v1 =	vld [tilespmem:s28+$0x42D0]  }
0x168: {  	v2 =	vld [tilespmem:s28+$0x4350]  }
0x169: {  	v3 =	vld [tilespmem:s28+$0x43D0];
	_ =	sdelay $0x1  }
0x16a: {  	v4 =	vshll.u32 v0, $0x10;
	v0 =	vand.u32 $0xFFFF0000, v0  }
0x16b: {  	v5 =	vshll.u32 v1, $0x10;
	v1 =	vand.u32 $0xFFFF0000, v1  }
0x16c: {  	v4 =	vadd.f32 v5, v4;
	v0 =	vadd.f32 v1, v0  }
0x16d: {  	v1 =	vshll.u32 v2, $0x10;
	v2 =	vand.u32 $0xFFFF0000, v2  }
0x16e: {  	v1 =	vadd.f32 v1, v4;
	v0 =	vadd.f32 v2, v0  }
0x16f: {  	v2 =	vshll.u32 v3, $0x10;
	v3 =	vand.u32 $0xFFFF0000, v3  }
0x170: {  	v1 =	vadd.f32 v2, v1;
	v0 =	vadd.f32 v3, v0;
	_ =	sdelay $0x1  }
0x171: {  	v1 =	vadd.s32 $0x8000, v1;
	v0 =	vadd.s32 $0x8000, v0  }
0x172: {  	v1 =	vshrl.u32 v1, $0x10;
	v0 =	vand.u32 $0xFFFF0000, v0  }
0x173: {  	v0 =	vor.u32 v0, v1  }
0x174: {  	[tilespmem:s26+$0xFFFFFFE0] =	vst v0  }
0x175: {  	v0 =	vld [tilespmem:s28+$0x4260]  }
0x176: {  	v1 =	vld [tilespmem:s28+$0x42E0]  }
0x177: {  	v2 =	vld [tilespmem:s28+$0x4360]  }
0x178: {  	v3 =	vld [tilespmem:s28+$0x43E0];
	_ =	sdelay $0x1  }
0x179: {  	v4 =	vshll.u32 v0, $0x10;
	v0 =	vand.u32 $0xFFFF0000, v0  }
0x17a: {  	v5 =	vshll.u32 v1, $0x10;
	v1 =	vand.u32 $0xFFFF0000, v1  }
0x17b: {  	v4 =	vadd.f32 v5, v4;
	v0 =	vadd.f32 v1, v0  }
0x17c: {  	v1 =	vshll.u32 v2, $0x10;
	v2 =	vand.u32 $0xFFFF0000, v2  }
0x17d: {  	v1 =	vadd.f32 v1, v4;
	v0 =	vadd.f32 v2, v0  }
0x17e: {  	v2 =	vshll.u32 v3, $0x10;
	v3 =	vand.u32 $0xFFFF0000, v3  }
0x17f: {  	v1 =	vadd.f32 v2, v1;
	v0 =	vadd.f32 v3, v0;
	_ =	sdelay $0x1  }
.Ltmp1:
0x180: {  	v1 =	vadd.s32 $0x8000, v1;
	v0 =	vadd.s32 $0x8000, v0;
	(pc) =	sbr.rel @p0 .LBB2_5-.Ltmp1, $4  }
0x181: {  	v1 =	vshrl.u32 v1, $0x10;
	v0 =	vand.u32 $0xFFFF0000, v0  }
0x182: {  	v0 =	vor.u32 v0, v1  }
0x183: {  	[tilespmem:s26+$0xFFFFFFF0] =	vst v0  }
0x184: {  	v0 =	vld [tilespmem:s28+$0x4270]  }
0x185: {  	v1 =	vld [tilespmem:s28+$0x42F0];
	_ =	sdelay $0x1  }
0x186: {  	v2 =	vld [tilespmem:s28+$0x4370];
	_ =	sdelay $0x1  }
0x187: {  	v3 =	vld [tilespmem:s28+$0x43F0];
	v4 =	vshll.u32 v0, $0x10  }
0x188: {  	v0 =	vand.u32 $0xFFFF0000, v0;
	v5 =	vshll.u32 v1, $0x10;
	v1 =	vand.u32 $0xFFFF0000, v1  }
0x189: {  	v4 =	vadd.f32 v5, v4;
	v0 =	vadd.f32 v1, v0  }
0x18a: {  	v1 =	vand.u32 $0xFFFF0000, v2;
	v2 =	vshll.u32 v2, $0x10  }
0x18b: {  	v2 =	vadd.f32 v2, v4;
	v0 =	vadd.f32 v1, v0  }
0x18c: {  	v1 =	vand.u32 $0xFFFF0000, v3;
	v3 =	vshll.u32 v3, $0x10  }
0x18d: {  	v2 =	vadd.f32 v3, v2;
	v0 =	vadd.f32 v1, v0;
	_ =	sdelay $0x1  }
0x18e: {  	v1 =	vadd.s32 $0x8000, v2;
	v0 =	vadd.s32 $0x8000, v0  }
0x18f: {  	v1 =	vshrl.u32 v1, $0x10;
	v0 =	vand.u32 $0xFFFF0000, v0  }
0x190: {  	v0 =	vor.u32 v0, v1  }
0x191: {  	s26 =	sadd.s32 s25, s8;
	s28 =	simm.s32 $0x0;
	[tilespmem:s29+$0x0] =	vst v0  }
0x192: {  	[hbm4b:s26+s28] =	stream.linear.scatter [tilespmem:s21], [sflag:$0x2], $0x1000, $0x38;
	[tilespmem:$0xE200] =	vst v63  }
0x193: {  	_ =	swait.ge [sflag:s18], $0x4000  }
0x194: {  	[sflag:s18] =	ssyncset.done $0x0  }
0x195: {  	[sflag:s18] =	ssyncadd.s32 $0xFFFFC000  }
0x196: {  	_ =	swait.ge [sflag:s22], $0x1000  }
0x197: {  	[sflag:s22] =	ssyncset.done $0x0  }
0x198: {  	s28 =	simm.s32 $0x0;
	[sflag:s22] =	ssyncadd.s32 $0xFFFFF000  }
0x199: {  	v0 =	vld [tilespmem:s28+$0x8200]  }
0x19a: {  	v1 =	vld [tilespmem:s28+$0x8280];
	_ =	sdelay $0x1  }
0x19b: {  	v2 =	vld [tilespmem:s28+$0x8300];
	_ =	sdelay $0x1  }
0x19c: {  	v3 =	vld [tilespmem:s28+$0x8380]  }
0x19d: {  	v0 =	vadd.f32 v1, v0;
	_ =	sdelay $0x1  }
0x19e: {  	v0 =	vadd.f32 v2, v0;
	_ =	sdelay $0x1  }
0x19f: {  	v0 =	vadd.f32 v3, v0  }
0x1a0: {  	s26 =	simm.s32 $0xC240  }
0x1a1: {  	[tilespmem:s26+$0xFFFFFFC0] =	vst v0  }
0x1a2: {  	v0 =	vld [tilespmem:s28+$0x8210]  }
0x1a3: {  	v1 =	vld [tilespmem:s28+$0x8290];
	_ =	sdelay $0x1  }
0x1a4: {  	v2 =	vld [tilespmem:s28+$0x8310];
	_ =	sdelay $0x1  }
0x1a5: {  	v3 =	vld [tilespmem:s28+$0x8390]  }
0x1a6: {  	v0 =	vadd.f32 v1, v0;
	_ =	sdelay $0x1  }
0x1a7: {  	v0 =	vadd.f32 v2, v0;
	_ =	sdelay $0x1  }
0x1a8: {  	v0 =	vadd.f32 v3, v0;
	_ =	sdelay $0x1  }
0x1a9: {  	[tilespmem:s26+$0xFFFFFFD0] =	vst v0  }
0x1aa: {  	v0 =	vld [tilespmem:s28+$0x8220]  }
0x1ab: {  	v1 =	vld [tilespmem:s28+$0x82A0];
	_ =	sdelay $0x1  }
0x1ac: {  	v2 =	vld [tilespmem:s28+$0x8320];
	_ =	sdelay $0x1  }
0x1ad: {  	v3 =	vld [tilespmem:s28+$0x83A0]  }
0x1ae: {  	v0 =	vadd.f32 v1, v0;
	_ =	sdelay $0x1  }
0x1af: {  	v0 =	vadd.f32 v2, v0;
	_ =	sdelay $0x1  }
0x1b0: {  	v0 =	vadd.f32 v3, v0;
	_ =	sdelay $0x1  }
0x1b1: {  	[tilespmem:s26+$0xFFFFFFE0] =	vst v0  }
0x1b2: {  	v0 =	vld [tilespmem:s28+$0x8230]  }
0x1b3: {  	v1 =	vld [tilespmem:s28+$0x82B0];
	_ =	sdelay $0x1  }
0x1b4: {  	v2 =	vld [tilespmem:s28+$0x8330];
	_ =	sdelay $0x1  }
0x1b5: {  	v3 =	vld [tilespmem:s28+$0x83B0]  }
0x1b6: {  	v0 =	vadd.f32 v1, v0;
	_ =	sdelay $0x1  }
0x1b7: {  	v0 =	vadd.f32 v2, v0;
	_ =	sdelay $0x1  }
0x1b8: {  	v0 =	vadd.f32 v3, v0;
	_ =	sdelay $0x1  }
0x1b9: {  	[tilespmem:s26+$0xFFFFFFF0] =	vst v0  }
0x1ba: {  	v0 =	vld [tilespmem:s28+$0x8240]  }
0x1bb: {  	v1 =	vld [tilespmem:s28+$0x82C0];
	_ =	sdelay $0x1  }
0x1bc: {  	v2 =	vld [tilespmem:s28+$0x8340];
	_ =	sdelay $0x1  }
0x1bd: {  	v3 =	vld [tilespmem:s28+$0x83C0];
	v58 =	vshll.u32 v0, $0x10  }
0x1be: {  	v0 =	vand.u32 $0xFFFF0000, v0;
	v59 =	vshll.u32 v1, $0x10;
	v1 =	vand.u32 $0xFFFF0000, v1  }
0x1bf: {  	v4 =	vadd.f32 v59, v58;
	v0 =	vadd.f32 v1, v0  }
0x1c0: {  	v1 =	vshll.u32 v2, $0x10;
	v2 =	vand.u32 $0xFFFF0000, v2  }
0x1c1: {  	v1 =	vadd.f32 v1, v4;
	v0 =	vadd.f32 v2, v0  }
0x1c2: {  	v2 =	vshll.u32 v3, $0x10;
	v3 =	vand.u32 $0xFFFF0000, v3  }
0x1c3: {  	v1 =	vadd.f32 v2, v1;
	v0 =	vadd.f32 v3, v0;
	_ =	sdelay $0x1  }
0x1c4: {  	v1 =	vadd.s32 $0x8000, v1;
	v0 =	vadd.s32 $0x8000, v0  }
0x1c5: {  	v1 =	vshrl.u32 v1, $0x10;
	v0 =	vand.u32 $0xFFFF0000, v0  }
0x1c6: {  	v0 =	vor.u32 v0, v1  }
0x1c7: {  	[tilespmem:s26+$0x0] =	vst v0  }
0x1c8: {  	v0 =	vld [tilespmem:s28+$0x8250]  }
0x1c9: {  	v1 =	vld [tilespmem:s28+$0x82D0];
	_ =	sdelay $0x1  }
0x1ca: {  	v2 =	vld [tilespmem:s28+$0x8350];
	_ =	sdelay $0x1  }
0x1cb: {  	v3 =	vld [tilespmem:s28+$0x83D0];
	v60 =	vshll.u32 v0, $0x10  }
0x1cc: {  	v0 =	vand.u32 $0xFFFF0000, v0;
	v61 =	vshll.u32 v1, $0x10;
	v1 =	vand.u32 $0xFFFF0000, v1  }
0x1cd: {  	v4 =	vadd.f32 v61, v60;
	v0 =	vadd.f32 v1, v0  }
0x1ce: {  	v1 =	vshll.u32 v2, $0x10;
	v2 =	vand.u32 $0xFFFF0000, v2  }
0x1cf: {  	v1 =	vadd.f32 v1, v4;
	v0 =	vadd.f32 v2, v0  }
0x1d0: {  	v2 =	vshll.u32 v3, $0x10;
	v3 =	vand.u32 $0xFFFF0000, v3  }
0x1d1: {  	v1 =	vadd.f32 v2, v1;
	v0 =	vadd.f32 v3, v0;
	_ =	sdelay $0x1  }
0x1d2: {  	v1 =	vadd.s32 $0x8000, v1;
	v0 =	vadd.s32 $0x8000, v0  }
0x1d3: {  	v1 =	vshrl.u32 v1, $0x10;
	v0 =	vand.u32 $0xFFFF0000, v0  }
0x1d4: {  	v0 =	vor.u32 v0, v1  }
0x1d5: {  	[tilespmem:s26+$0x10] =	vst v0  }
0x1d6: {  	v0 =	vld [tilespmem:s28+$0x8260]  }
0x1d7: {  	v1 =	vld [tilespmem:s28+$0x82E0];
	_ =	sdelay $0x1  }
0x1d8: {  	v2 =	vld [tilespmem:s28+$0x8360];
	_ =	sdelay $0x1  }
0x1d9: {  	v3 =	vld [tilespmem:s28+$0x83E0];
	v62 =	vshll.u32 v0, $0x10  }
0x1da: {  	v0 =	vand.u32 $0xFFFF0000, v0;
	v63 =	vshll.u32 v1, $0x10;
	v1 =	vand.u32 $0xFFFF0000, v1  }
0x1db: {  	v4 =	vadd.f32 v63, v62;
	v0 =	vadd.f32 v1, v0  }
0x1dc: {  	v1 =	vshll.u32 v2, $0x10;
	v2 =	vand.u32 $0xFFFF0000, v2  }
0x1dd: {  	v1 =	vadd.f32 v1, v4;
	v0 =	vadd.f32 v2, v0  }
0x1de: {  	v2 =	vshll.u32 v3, $0x10;
	v3 =	vand.u32 $0xFFFF0000, v3  }
0x1df: {  	v1 =	vadd.f32 v2, v1;
	v0 =	vadd.f32 v3, v0;
	_ =	sdelay $0x1  }
0x1e0: {  	v1 =	vadd.s32 $0x8000, v1;
	v0 =	vadd.s32 $0x8000, v0  }
0x1e1: {  	v1 =	vshrl.u32 v1, $0x10;
	v0 =	vand.u32 $0xFFFF0000, v0  }
0x1e2: {  	v0 =	vor.u32 v0, v1  }
0x1e3: {  	[tilespmem:s26+$0x20] =	vst v0  }
0x1e4: {  	s30 =	simm.s32 $0x800;
	s29 =	simm.s32 $0xC240;
	v0 =	vld [tilespmem:s28+$0x8270]  }
.LBB2_7:
0x1e5: {  	p0 =	sne.s32 s30, $0xF800  }
0x1e6: {  	v1 =	vld [tilespmem:s28+$0x82F0];
	s26 =	sadd.s32 $0x80, s26;
	s31 =	smov.u32 s30;
	s30 =	sadd.s32 $0x800, s30  }
0x1e7: {  	v2 =	vld [tilespmem:s28+$0x8370]  }
0x1e8: {  	v3 =	vld [tilespmem:s28+$0x83F0];
	_ =	sdelay $0x1  }
0x1e9: {  	v4 =	vshll.u32 v0, $0x10  }
0x1ea: {  	v0 =	vand.u32 $0xFFFF0000, v0;
	v5 =	vshll.u32 v1, $0x10;
	v1 =	vand.u32 $0xFFFF0000, v1  }
0x1eb: {  	v4 =	vadd.f32 v5, v4;
	v0 =	vadd.f32 v1, v0;
	v1 =	vand.u32 $0xFFFF0000, v2  }
0x1ec: {  	v2 =	vshll.u32 v2, $0x10  }
0x1ed: {  	s28 =	sshra.s32 s31, $0x2;
	v2 =	vadd.f32 v2, v4;
	v0 =	vadd.f32 v1, v0;
	v1 =	vand.u32 $0xFFFF0000, v3  }
0x1ee: {  	v3 =	vshll.u32 v3, $0x10  }
0x1ef: {  	v2 =	vadd.f32 v3, v2;
	v0 =	vadd.f32 v1, v0;
	_ =	sdelay $0x1  }
0x1f0: {  	v1 =	vadd.s32 $0x8000, v2;
	v0 =	vadd.s32 $0x8000, v0  }
0x1f1: {  	v1 =	vshrl.u32 v1, $0x10;
	v0 =	vand.u32 $0xFFFF0000, v0  }
0x1f2: {  	v0 =	vor.u32 v0, v1  }
0x1f3: {  	[tilespmem:s29+$0x30] =	vst v0;
	s29 =	smov.u32 s26  }
0x1f4: {  	v0 =	vld [tilespmem:s28+$0x8200]  }
0x1f5: {  	v1 =	vld [tilespmem:s28+$0x8280]  }
0x1f6: {  	v2 =	vld [tilespmem:s28+$0x8380]  }
0x1f7: {  	v3 =	vld [tilespmem:s28+$0x8300];
	_ =	sdelay $0x2  }
0x1f8: {  	v0 =	vadd.f32 v1, v0;
	_ =	sdelay $0x1  }
0x1f9: {  	v0 =	vadd.f32 v3, v0;
	_ =	sdelay $0x1  }
0x1fa: {  	v0 =	vadd.f32 v2, v0;
	_ =	sdelay $0x1  }
0x1fb: {  	[tilespmem:s26+$0xFFFFFFC0] =	vst v0  }
0x1fc: {  	v0 =	vld [tilespmem:s28+$0x8210]  }
0x1fd: {  	v1 =	vld [tilespmem:s28+$0x8290];
	_ =	sdelay $0x1  }
0x1fe: {  	v2 =	vld [tilespmem:s28+$0x8310];
	_ =	sdelay $0x1  }
0x1ff: {  	v3 =	vld [tilespmem:s28+$0x8390]  }
0x200: {  	v0 =	vadd.f32 v1, v0;
	_ =	sdelay $0x1  }
0x201: {  	v0 =	vadd.f32 v2, v0;
	_ =	sdelay $0x1  }
0x202: {  	v0 =	vadd.f32 v3, v0;
	_ =	sdelay $0x1  }
0x203: {  	[tilespmem:s26+$0xFFFFFFD0] =	vst v0  }
0x204: {  	v0 =	vld [tilespmem:s28+$0x8220]  }
0x205: {  	v1 =	vld [tilespmem:s28+$0x82A0];
	_ =	sdelay $0x1  }
0x206: {  	v2 =	vld [tilespmem:s28+$0x8320];
	_ =	sdelay $0x1  }
0x207: {  	v3 =	vld [tilespmem:s28+$0x83A0]  }
0x208: {  	v0 =	vadd.f32 v1, v0;
	_ =	sdelay $0x1  }
0x209: {  	v0 =	vadd.f32 v2, v0;
	_ =	sdelay $0x1  }
0x20a: {  	v0 =	vadd.f32 v3, v0;
	_ =	sdelay $0x1  }
0x20b: {  	[tilespmem:s26+$0xFFFFFFE0] =	vst v0  }
0x20c: {  	v0 =	vld [tilespmem:s28+$0x8230]  }
0x20d: {  	v1 =	vld [tilespmem:s28+$0x82B0];
	_ =	sdelay $0x1  }
0x20e: {  	v2 =	vld [tilespmem:s28+$0x8330];
	_ =	sdelay $0x1  }
0x20f: {  	v3 =	vld [tilespmem:s28+$0x83B0]  }
0x210: {  	v0 =	vadd.f32 v1, v0;
	_ =	sdelay $0x1  }
0x211: {  	v0 =	vadd.f32 v2, v0;
	_ =	sdelay $0x1  }
0x212: {  	v0 =	vadd.f32 v3, v0;
	_ =	sdelay $0x1  }
0x213: {  	[tilespmem:s26+$0xFFFFFFF0] =	vst v0  }
0x214: {  	v0 =	vld [tilespmem:s28+$0x8240]  }
0x215: {  	v1 =	vld [tilespmem:s28+$0x82C0]  }
0x216: {  	v2 =	vld [tilespmem:s28+$0x8340]  }
0x217: {  	v3 =	vld [tilespmem:s28+$0x83C0];
	_ =	sdelay $0x1  }
0x218: {  	v4 =	vshll.u32 v0, $0x10;
	v0 =	vand.u32 $0xFFFF0000, v0  }
0x219: {  	v5 =	vshll.u32 v1, $0x10;
	v1 =	vand.u32 $0xFFFF0000, v1  }
0x21a: {  	v4 =	vadd.f32 v5, v4;
	v0 =	vadd.f32 v1, v0  }
0x21b: {  	v1 =	vshll.u32 v2, $0x10;
	v2 =	vand.u32 $0xFFFF0000, v2  }
0x21c: {  	v1 =	vadd.f32 v1, v4;
	v0 =	vadd.f32 v2, v0  }
0x21d: {  	v2 =	vshll.u32 v3, $0x10;
	v3 =	vand.u32 $0xFFFF0000, v3  }
0x21e: {  	v1 =	vadd.f32 v2, v1;
	v0 =	vadd.f32 v3, v0;
	_ =	sdelay $0x1  }
0x21f: {  	v1 =	vadd.s32 $0x8000, v1;
	v0 =	vadd.s32 $0x8000, v0  }
0x220: {  	v1 =	vshrl.u32 v1, $0x10;
	v0 =	vand.u32 $0xFFFF0000, v0  }
0x221: {  	v0 =	vor.u32 v0, v1  }
0x222: {  	[tilespmem:s26+$0x0] =	vst v0  }
0x223: {  	v0 =	vld [tilespmem:s28+$0x8250]  }
0x224: {  	v1 =	vld [tilespmem:s28+$0x82D0]  }
0x225: {  	v2 =	vld [tilespmem:s28+$0x8350]  }
0x226: {  	v3 =	vld [tilespmem:s28+$0x83D0];
	_ =	sdelay $0x1  }
0x227: {  	v4 =	vshll.u32 v0, $0x10;
	v0 =	vand.u32 $0xFFFF0000, v0  }
0x228: {  	v5 =	vshll.u32 v1, $0x10;
	v1 =	vand.u32 $0xFFFF0000, v1  }
0x229: {  	v4 =	vadd.f32 v5, v4;
	v0 =	vadd.f32 v1, v0  }
0x22a: {  	v1 =	vshll.u32 v2, $0x10;
	v2 =	vand.u32 $0xFFFF0000, v2  }
0x22b: {  	v1 =	vadd.f32 v1, v4;
	v0 =	vadd.f32 v2, v0  }
0x22c: {  	v2 =	vshll.u32 v3, $0x10;
	v3 =	vand.u32 $0xFFFF0000, v3  }
0x22d: {  	v1 =	vadd.f32 v2, v1;
	v0 =	vadd.f32 v3, v0;
	_ =	sdelay $0x1  }
0x22e: {  	v1 =	vadd.s32 $0x8000, v1;
	v0 =	vadd.s32 $0x8000, v0  }
0x22f: {  	v1 =	vshrl.u32 v1, $0x10;
	v0 =	vand.u32 $0xFFFF0000, v0  }
0x230: {  	v0 =	vor.u32 v0, v1  }
0x231: {  	[tilespmem:s26+$0x10] =	vst v0  }
0x232: {  	v0 =	vld [tilespmem:s28+$0x8260]  }
0x233: {  	v1 =	vld [tilespmem:s28+$0x82E0]  }
0x234: {  	v2 =	vld [tilespmem:s28+$0x8360]  }
0x235: {  	v3 =	vld [tilespmem:s28+$0x83E0];
	_ =	sdelay $0x1  }
0x236: {  	v4 =	vshll.u32 v0, $0x10;
	v0 =	vand.u32 $0xFFFF0000, v0  }
0x237: {  	v5 =	vshll.u32 v1, $0x10;
	v1 =	vand.u32 $0xFFFF0000, v1  }
0x238: {  	v4 =	vadd.f32 v5, v4;
	v0 =	vadd.f32 v1, v0  }
0x239: {  	v1 =	vshll.u32 v2, $0x10;
	v2 =	vand.u32 $0xFFFF0000, v2  }
0x23a: {  	v1 =	vadd.f32 v1, v4;
	v0 =	vadd.f32 v2, v0  }
0x23b: {  	v2 =	vshll.u32 v3, $0x10;
	v3 =	vand.u32 $0xFFFF0000, v3  }
0x23c: {  	v1 =	vadd.f32 v2, v1;
	v0 =	vadd.f32 v3, v0;
	_ =	sdelay $0x1  }
.Ltmp2:
0x23d: {  	v1 =	vadd.s32 $0x8000, v1;
	v0 =	vadd.s32 $0x8000, v0;
	(pc) =	sbr.rel @p0 .LBB2_7-.Ltmp2, $4  }
0x23e: {  	v1 =	vshrl.u32 v1, $0x10;
	v0 =	vand.u32 $0xFFFF0000, v0  }
0x23f: {  	v0 =	vor.u32 v0, v1  }
0x240: {  	[tilespmem:s26+$0x20] =	vst v0  }
0x241: {  	v0 =	vld [tilespmem:s28+$0x8270]  }
0x242: {  	v1 =	vld [tilespmem:s28+$0x82F0];
	_ =	sdelay $0x1  }
0x243: {  	v2 =	vld [tilespmem:s28+$0x8370];
	_ =	sdelay $0x1  }
0x244: {  	v3 =	vld [tilespmem:s28+$0x83F0];
	v4 =	vshll.u32 v0, $0x10  }
0x245: {  	v0 =	vand.u32 $0xFFFF0000, v0;
	v5 =	vshll.u32 v1, $0x10;
	v1 =	vand.u32 $0xFFFF0000, v1  }
0x246: {  	v4 =	vadd.f32 v5, v4;
	v0 =	vadd.f32 v1, v0  }
0x247: {  	v1 =	vand.u32 $0xFFFF0000, v2;
	v2 =	vshll.u32 v2, $0x10  }
0x248: {  	v2 =	vadd.f32 v2, v4;
	v0 =	vadd.f32 v1, v0  }
0x249: {  	v1 =	vand.u32 $0xFFFF0000, v3;
	v3 =	vshll.u32 v3, $0x10  }
0x24a: {  	v2 =	vadd.f32 v3, v2;
	v0 =	vadd.f32 v1, v0;
	_ =	sdelay $0x1  }
0x24b: {  	v1 =	vadd.s32 $0x8000, v2;
	v0 =	vadd.s32 $0x8000, v0  }
0x24c: {  	v1 =	vshrl.u32 v1, $0x10;
	v0 =	vand.u32 $0xFFFF0000, v0  }
0x24d: {  	v0 =	vor.u32 v0, v1  }
0x24e: {  	s26 =	sadd.s32 s25, s9;
	s28 =	simm.s32 $0x0;
	[tilespmem:s29+$0x30] =	vst v0  }
0x24f: {  	[hbm4b:s26+s28] =	stream.linear.scatter [tilespmem:s19], [sflag:$0x2], $0x1000, $0x38;
	[tilespmem:$0xE200] =	vst v63  }
0x250: {  	_ =	swait.ge [sflag:s18], $0x4000  }
0x251: {  	[sflag:s18] =	ssyncset.done $0x0  }
0x252: {  	[sflag:s18] =	ssyncadd.s32 $0xFFFFC000  }
0x253: {  	_ =	swait.ge [sflag:s22], $0x1000  }
0x254: {  	[sflag:s22] =	ssyncset.done $0x0  }
0x255: {  	s26 =	simm.s32 $0x300;
	[sflag:s22] =	ssyncadd.s32 $0xFFFFF000  }
0x256: {  	v0 =	vld [tilespmem:s26+$0xFFFFFF80]  }
0x257: {  	v1 =	vld [tilespmem:s26+$0xFFFFFF00];
	_ =	sdelay $0x1  }
0x258: {  	v2 =	vld [tilespmem:s26+$0x0];
	_ =	sdelay $0x1  }
0x259: {  	v3 =	vld [tilespmem:s26+$0x80]  }
0x25a: {  	v0 =	vadd.f32 v0, v1;
	_ =	sdelay $0x1  }
0x25b: {  	v0 =	vadd.f32 v2, v0;
	_ =	sdelay $0x1  }
0x25c: {  	v0 =	vadd.f32 v3, v0  }
0x25d: {  	s28 =	simm.s32 $0x0  }
0x25e: {  	[tilespmem:s28+$0xD200] =	vst v0  }
0x25f: {  	v0 =	vld [tilespmem:s26+$0xFFFFFF10]  }
0x260: {  	v1 =	vld [tilespmem:s26+$0xFFFFFF90];
	_ =	sdelay $0x1  }
0x261: {  	v2 =	vld [tilespmem:s26+$0x10];
	_ =	sdelay $0x1  }
0x262: {  	v3 =	vld [tilespmem:s26+$0x90]  }
0x263: {  	v0 =	vadd.f32 v1, v0;
	_ =	sdelay $0x1  }
0x264: {  	v0 =	vadd.f32 v2, v0;
	_ =	sdelay $0x1  }
0x265: {  	v0 =	vadd.f32 v3, v0;
	_ =	sdelay $0x1  }
0x266: {  	[tilespmem:s28+$0xD210] =	vst v0  }
0x267: {  	v0 =	vld [tilespmem:s26+$0xFFFFFF20]  }
0x268: {  	v1 =	vld [tilespmem:s26+$0xFFFFFFA0];
	_ =	sdelay $0x1  }
0x269: {  	v2 =	vld [tilespmem:s26+$0x20];
	_ =	sdelay $0x1  }
0x26a: {  	v3 =	vld [tilespmem:s26+$0xA0]  }
0x26b: {  	v0 =	vadd.f32 v1, v0;
	_ =	sdelay $0x1  }
0x26c: {  	v0 =	vadd.f32 v2, v0;
	_ =	sdelay $0x1  }
0x26d: {  	v0 =	vadd.f32 v3, v0;
	_ =	sdelay $0x1  }
0x26e: {  	[tilespmem:s28+$0xD220] =	vst v0  }
0x26f: {  	v0 =	vld [tilespmem:s26+$0xFFFFFFB0]  }
0x270: {  	v1 =	vld [tilespmem:s26+$0xFFFFFF30];
	_ =	sdelay $0x1  }
0x271: {  	v2 =	vld [tilespmem:s26+$0x30];
	_ =	sdelay $0x1  }
0x272: {  	v3 =	vld [tilespmem:s26+$0xB0]  }
0x273: {  	v0 =	vadd.f32 v0, v1;
	_ =	sdelay $0x1  }
0x274: {  	v0 =	vadd.f32 v2, v0;
	_ =	sdelay $0x1  }
0x275: {  	v0 =	vadd.f32 v3, v0;
	_ =	sdelay $0x1  }
0x276: {  	[tilespmem:s28+$0xD230] =	vst v0  }
0x277: {  	v0 =	vld [tilespmem:s26+$0xFFFFFF40]  }
0x278: {  	v1 =	vld [tilespmem:s26+$0xFFFFFFC0];
	_ =	sdelay $0x1  }
0x279: {  	v2 =	vld [tilespmem:s26+$0x40];
	_ =	sdelay $0x1  }
0x27a: {  	v4 =	vld [tilespmem:s26+$0xC0];
	v3 =	vand.u32 $0xFFFF0000, v0  }
0x27b: {  	v0 =	vshll.u32 v0, $0x10;
	v5 =	vshll.u32 v1, $0x10;
	v1 =	vand.u32 $0xFFFF0000, v1  }
0x27c: {  	v0 =	vadd.f32 v5, v0;
	v1 =	vadd.f32 v1, v3  }
0x27d: {  	v3 =	vshll.u32 v2, $0x10;
	v2 =	vand.u32 $0xFFFF0000, v2  }
0x27e: {  	v0 =	vadd.f32 v3, v0;
	v1 =	vadd.f32 v2, v1  }
0x27f: {  	v2 =	vshll.u32 v4, $0x10;
	v3 =	vand.u32 $0xFFFF0000, v4  }
0x280: {  	v0 =	vadd.f32 v2, v0;
	v1 =	vadd.f32 v3, v1;
	_ =	sdelay $0x1  }
0x281: {  	v0 =	vadd.s32 $0x8000, v0;
	v1 =	vadd.s32 $0x8000, v1  }
0x282: {  	v0 =	vshrl.u32 v0, $0x10;
	v1 =	vand.u32 $0xFFFF0000, v1  }
0x283: {  	v0 =	vor.u32 v1, v0  }
0x284: {  	[tilespmem:s28+$0xD240] =	vst v0  }
0x285: {  	v0 =	vld [tilespmem:s26+$0xFFFFFF50]  }
0x286: {  	v1 =	vld [tilespmem:s26+$0xFFFFFFD0];
	_ =	sdelay $0x1  }
0x287: {  	v2 =	vld [tilespmem:s26+$0x50];
	_ =	sdelay $0x1  }
0x288: {  	v3 =	vld [tilespmem:s26+$0xD0];
	v4 =	vshll.u32 v0, $0x10  }
0x289: {  	v0 =	vand.u32 $0xFFFF0000, v0;
	v5 =	vshll.u32 v1, $0x10;
	v1 =	vand.u32 $0xFFFF0000, v1  }
0x28a: {  	v4 =	vadd.f32 v5, v4;
	v0 =	vadd.f32 v1, v0  }
0x28b: {  	v1 =	vshll.u32 v2, $0x10;
	v2 =	vand.u32 $0xFFFF0000, v2  }
0x28c: {  	v1 =	vadd.f32 v1, v4;
	v0 =	vadd.f32 v2, v0  }
0x28d: {  	v2 =	vshll.u32 v3, $0x10;
	v3 =	vand.u32 $0xFFFF0000, v3  }
0x28e: {  	v1 =	vadd.f32 v2, v1;
	v0 =	vadd.f32 v3, v0;
	_ =	sdelay $0x1  }
0x28f: {  	v1 =	vadd.s32 $0x8000, v1;
	v0 =	vadd.s32 $0x8000, v0  }
0x290: {  	v1 =	vshrl.u32 v1, $0x10;
	v0 =	vand.u32 $0xFFFF0000, v0  }
0x291: {  	v0 =	vor.u32 v0, v1  }
0x292: {  	[tilespmem:s28+$0xD250] =	vst v0  }
0x293: {  	v0 =	vld [tilespmem:s26+$0xFFFFFF60]  }
0x294: {  	v1 =	vld [tilespmem:s26+$0xFFFFFFE0];
	_ =	sdelay $0x1  }
0x295: {  	v2 =	vld [tilespmem:s26+$0x60];
	_ =	sdelay $0x1  }
0x296: {  	v3 =	vld [tilespmem:s26+$0xE0];
	v4 =	vand.u32 $0xFFFF0000, v0  }
0x297: {  	v0 =	vshll.u32 v0, $0x10;
	v5 =	vshll.u32 v1, $0x10;
	v1 =	vand.u32 $0xFFFF0000, v1  }
0x298: {  	v0 =	vadd.f32 v5, v0;
	v1 =	vadd.f32 v1, v4  }
0x299: {  	v4 =	vshll.u32 v2, $0x10;
	v2 =	vand.u32 $0xFFFF0000, v2  }
0x29a: {  	v0 =	vadd.f32 v4, v0;
	v1 =	vadd.f32 v2, v1  }
0x29b: {  	v2 =	vshll.u32 v3, $0x10;
	v3 =	vand.u32 $0xFFFF0000, v3  }
0x29c: {  	v0 =	vadd.f32 v2, v0;
	v1 =	vadd.f32 v3, v1;
	_ =	sdelay $0x1  }
0x29d: {  	v0 =	vadd.s32 $0x8000, v0;
	v1 =	vadd.s32 $0x8000, v1  }
0x29e: {  	v0 =	vshrl.u32 v0, $0x10;
	v1 =	vand.u32 $0xFFFF0000, v1  }
0x29f: {  	v0 =	vor.u32 v1, v0  }
0x2a0: {  	[tilespmem:s28+$0xD260] =	vst v0  }
0x2a1: {  	v3 =	vld [tilespmem:s26+$0xFFFFFF70]  }
0x2a2: {  	v2 =	vld [tilespmem:s26+$0xFFFFFFF0]  }
0x2a3: {  	v1 =	vld [tilespmem:s26+$0x70]  }
0x2a4: {  	s29 =	simm.s32 $0x200;
	v0 =	vld [tilespmem:s26+$0xF0]  }
.LBB2_9:
0x2a5: {  	p0 =	sne.s32 s29, $0x3E00  }
0x2a6: {  	s26 =	sadd.s32 $0x200, s26;
	s30 =	smov.u32 s29;
	s29 =	sadd.s32 $0x200, s29  }
0x2a7: {  	v4 =	vshll.u32 v3, $0x10;
	v3 =	vand.u32 $0xFFFF0000, v3  }
0x2a8: {  	v5 =	vshll.u32 v2, $0x10;
	v2 =	vand.u32 $0xFFFF0000, v2  }
0x2a9: {  	v4 =	vadd.f32 v5, v4;
	v2 =	vadd.f32 v2, v3;
	v3 =	vand.u32 $0xFFFF0000, v1  }
0x2aa: {  	v1 =	vshll.u32 v1, $0x10  }
0x2ab: {  	v1 =	vadd.f32 v1, v4;
	v2 =	vadd.f32 v3, v2;
	v3 =	vand.u32 $0xFFFF0000, v0  }
0x2ac: {  	v0 =	vshll.u32 v0, $0x10  }
0x2ad: {  	v0 =	vadd.f32 v0, v1;
	v1 =	vadd.f32 v3, v2;
	_ =	sdelay $0x1  }
0x2ae: {  	v0 =	vadd.s32 $0x8000, v0;
	v1 =	vadd.s32 $0x8000, v1  }
0x2af: {  	v0 =	vshrl.u32 v0, $0x10;
	v1 =	vand.u32 $0xFFFF0000, v1  }
0x2b0: {  	v0 =	vor.u32 v1, v0  }
0x2b1: {  	[tilespmem:s28+$0xD270] =	vst v0  }
0x2b2: {  	v0 =	vld [tilespmem:s26+$0xFFFFFF80]  }
0x2b3: {  	v1 =	vld [tilespmem:s26+$0xFFFFFF00]  }
0x2b4: {  	v2 =	vld [tilespmem:s26+$0x0];
	_ =	sdelay $0x2  }
0x2b5: {  	v3 =	vld [tilespmem:s26+$0x80]  }
0x2b6: {  	v0 =	vadd.f32 v0, v1;
	_ =	sdelay $0x1  }
0x2b7: {  	v0 =	vadd.f32 v2, v0;
	_ =	sdelay $0x1  }
0x2b8: {  	v0 =	vadd.f32 v3, v0  }
0x2b9: {  	s28 =	sshra.s32 s30, $0x2  }
0x2ba: {  	[tilespmem:s28+$0xD200] =	vst v0  }
0x2bb: {  	v0 =	vld [tilespmem:s26+$0xFFFFFF10]  }
0x2bc: {  	v1 =	vld [tilespmem:s26+$0xFFFFFF90];
	_ =	sdelay $0x1  }
0x2bd: {  	v2 =	vld [tilespmem:s26+$0x10];
	_ =	sdelay $0x1  }
0x2be: {  	v3 =	vld [tilespmem:s26+$0x90]  }
0x2bf: {  	v0 =	vadd.f32 v1, v0;
	_ =	sdelay $0x1  }
0x2c0: {  	v0 =	vadd.f32 v2, v0;
	_ =	sdelay $0x1  }
0x2c1: {  	v0 =	vadd.f32 v3, v0;
	_ =	sdelay $0x1  }
0x2c2: {  	[tilespmem:s28+$0xD210] =	vst v0  }
0x2c3: {  	v0 =	vld [tilespmem:s26+$0xFFFFFF20]  }
0x2c4: {  	v1 =	vld [tilespmem:s26+$0xFFFFFFA0];
	_ =	sdelay $0x1  }
0x2c5: {  	v2 =	vld [tilespmem:s26+$0x20];
	_ =	sdelay $0x1  }
0x2c6: {  	v3 =	vld [tilespmem:s26+$0xA0]  }
0x2c7: {  	v0 =	vadd.f32 v1, v0;
	_ =	sdelay $0x1  }
0x2c8: {  	v0 =	vadd.f32 v2, v0;
	_ =	sdelay $0x1  }
0x2c9: {  	v0 =	vadd.f32 v3, v0;
	_ =	sdelay $0x1  }
0x2ca: {  	[tilespmem:s28+$0xD220] =	vst v0  }
0x2cb: {  	v0 =	vld [tilespmem:s26+$0xFFFFFFB0]  }
0x2cc: {  	v1 =	vld [tilespmem:s26+$0xFFFFFF30];
	_ =	sdelay $0x1  }
0x2cd: {  	v2 =	vld [tilespmem:s26+$0x30];
	_ =	sdelay $0x1  }
0x2ce: {  	v3 =	vld [tilespmem:s26+$0xB0]  }
0x2cf: {  	v0 =	vadd.f32 v0, v1;
	_ =	sdelay $0x1  }
0x2d0: {  	v0 =	vadd.f32 v2, v0;
	_ =	sdelay $0x1  }
0x2d1: {  	v0 =	vadd.f32 v3, v0;
	_ =	sdelay $0x1  }
0x2d2: {  	[tilespmem:s28+$0xD230] =	vst v0  }
0x2d3: {  	v0 =	vld [tilespmem:s26+$0xFFFFFF40]  }
0x2d4: {  	v1 =	vld [tilespmem:s26+$0xFFFFFFC0];
	_ =	sdelay $0x1  }
0x2d5: {  	v2 =	vld [tilespmem:s26+$0x40];
	_ =	sdelay $0x1  }
0x2d6: {  	v3 =	vand.u32 $0xFFFF0000, v0;
	v4 =	vld [tilespmem:s26+$0xC0]  }
0x2d7: {  	v0 =	vshll.u32 v0, $0x10;
	v5 =	vshll.u32 v1, $0x10;
	v1 =	vand.u32 $0xFFFF0000, v1  }
0x2d8: {  	v0 =	vadd.f32 v5, v0;
	v1 =	vadd.f32 v1, v3  }
0x2d9: {  	v3 =	vshll.u32 v2, $0x10;
	v2 =	vand.u32 $0xFFFF0000, v2  }
0x2da: {  	v0 =	vadd.f32 v3, v0;
	v1 =	vadd.f32 v2, v1  }
0x2db: {  	v2 =	vshll.u32 v4, $0x10;
	v3 =	vand.u32 $0xFFFF0000, v4  }
0x2dc: {  	v0 =	vadd.f32 v2, v0;
	v1 =	vadd.f32 v3, v1;
	_ =	sdelay $0x1  }
0x2dd: {  	v0 =	vadd.s32 $0x8000, v0;
	v1 =	vadd.s32 $0x8000, v1  }
0x2de: {  	v0 =	vshrl.u32 v0, $0x10;
	v1 =	vand.u32 $0xFFFF0000, v1  }
0x2df: {  	v0 =	vor.u32 v1, v0  }
0x2e0: {  	[tilespmem:s28+$0xD240] =	vst v0  }
0x2e1: {  	v0 =	vld [tilespmem:s26+$0xFFFFFF50]  }
0x2e2: {  	v1 =	vld [tilespmem:s26+$0xFFFFFFD0]  }
0x2e3: {  	v2 =	vld [tilespmem:s26+$0x50]  }
0x2e4: {  	v3 =	vld [tilespmem:s26+$0xD0];
	_ =	sdelay $0x1  }
0x2e5: {  	v4 =	vshll.u32 v0, $0x10  }
0x2e6: {  	v0 =	vand.u32 $0xFFFF0000, v0;
	v5 =	vshll.u32 v1, $0x10;
	v1 =	vand.u32 $0xFFFF0000, v1  }
0x2e7: {  	v4 =	vadd.f32 v5, v4;
	v0 =	vadd.f32 v1, v0  }
0x2e8: {  	v1 =	vshll.u32 v2, $0x10;
	v2 =	vand.u32 $0xFFFF0000, v2  }
0x2e9: {  	v1 =	vadd.f32 v1, v4;
	v0 =	vadd.f32 v2, v0  }
0x2ea: {  	v2 =	vshll.u32 v3, $0x10;
	v3 =	vand.u32 $0xFFFF0000, v3  }
0x2eb: {  	v1 =	vadd.f32 v2, v1;
	v0 =	vadd.f32 v3, v0;
	_ =	sdelay $0x1  }
0x2ec: {  	v1 =	vadd.s32 $0x8000, v1;
	v0 =	vadd.s32 $0x8000, v0  }
0x2ed: {  	v1 =	vshrl.u32 v1, $0x10;
	v0 =	vand.u32 $0xFFFF0000, v0  }
0x2ee: {  	v0 =	vor.u32 v0, v1  }
0x2ef: {  	[tilespmem:s28+$0xD250] =	vst v0  }
0x2f0: {  	v0 =	vld [tilespmem:s26+$0xFFFFFF60]  }
0x2f1: {  	v1 =	vld [tilespmem:s26+$0xFFFFFFE0]  }
0x2f2: {  	v2 =	vld [tilespmem:s26+$0x60]  }
0x2f3: {  	v3 =	vld [tilespmem:s26+$0xE0];
	_ =	sdelay $0x1  }
0x2f4: {  	v4 =	vand.u32 $0xFFFF0000, v0  }
0x2f5: {  	v0 =	vshll.u32 v0, $0x10;
	v5 =	vshll.u32 v1, $0x10;
	v1 =	vand.u32 $0xFFFF0000, v1  }
0x2f6: {  	v0 =	vadd.f32 v5, v0;
	v1 =	vadd.f32 v1, v4  }
0x2f7: {  	v4 =	vshll.u32 v2, $0x10;
	v2 =	vand.u32 $0xFFFF0000, v2  }
0x2f8: {  	v0 =	vadd.f32 v4, v0;
	v1 =	vadd.f32 v2, v1  }
0x2f9: {  	v2 =	vshll.u32 v3, $0x10;
	v3 =	vand.u32 $0xFFFF0000, v3  }
0x2fa: {  	v0 =	vadd.f32 v2, v0;
	v1 =	vadd.f32 v3, v1;
	_ =	sdelay $0x1  }
0x2fb: {  	v0 =	vadd.s32 $0x8000, v0;
	v1 =	vadd.s32 $0x8000, v1  }
0x2fc: {  	v0 =	vshrl.u32 v0, $0x10;
	v1 =	vand.u32 $0xFFFF0000, v1  }
0x2fd: {  	v0 =	vor.u32 v1, v0  }
.Ltmp3:
0x2fe: {  	[tilespmem:s28+$0xD260] =	vst v0;
	(pc) =	sbr.rel @p0 .LBB2_9-.Ltmp3, $4  }
0x2ff: {  	v3 =	vld [tilespmem:s26+$0xFFFFFF70]  }
0x300: {  	v2 =	vld [tilespmem:s26+$0xFFFFFFF0]  }
0x301: {  	v1 =	vld [tilespmem:s26+$0x70]  }
0x302: {  	v0 =	vld [tilespmem:s26+$0xF0]  }
0x303: {  	_ = 	snop  }
0x304: {  	v4 =	vshll.u32 v3, $0x10  }
0x305: {  	v57 =	vand.u32 $0xFFFF0000, v3;
	v5 =	vshll.u32 v2, $0x10;
	v58 =	vand.u32 $0xFFFF0000, v2  }
0x306: {  	v4 =	vadd.f32 v5, v4;
	v2 =	vadd.f32 v58, v57  }
0x307: {  	v59 =	vand.u32 $0xFFFF0000, v1;
	v60 =	vshll.u32 v1, $0x10  }
0x308: {  	v1 =	vadd.f32 v60, v4;
	v2 =	vadd.f32 v59, v2  }
0x309: {  	v61 =	vand.u32 $0xFFFF0000, v0;
	v62 =	vshll.u32 v0, $0x10  }
0x30a: {  	v0 =	vadd.f32 v62, v1;
	v63 =	vadd.f32 v61, v2;
	_ =	sdelay $0x1  }
0x30b: {  	v0 =	vadd.s32 $0x8000, v0;
	v1 =	vadd.s32 $0x8000, v63  }
0x30c: {  	v0 =	vshrl.u32 v0, $0x10;
	v1 =	vand.u32 $0xFFFF0000, v1  }
0x30d: {  	v0 =	vor.u32 v1, v0  }
0x30e: {  	s25 =	sadd.s32 s25, s10;
	s24 =	sadd.s32 $0x1, s24;
	[tilespmem:s28+$0xD270] =	vst v0  }
0x30f: {  	[hbm4b:s25+s2] =	stream.linear.scatter [tilespmem:s21], [sflag:$0x2], $0x1000, $0x38;
	[tilespmem:$0xE200] =	vst v63  }
0x310: {  	p0 =	sne.s32 s24, $0x19;
	_ =	swait.ge [sflag:s22], $0x1000  }
.Ltmp4:
0x311: {  	[sflag:s22] =	ssyncset.done $0x0;
	(pc) =	sbr.rel @p0 .LBB2_2-.Ltmp4, $4  }
0x312: {  	[sflag:s22] =	ssyncadd.s32 $0xFFFFF000  }
0x313: {  	_ =	swait.ge [sflag:s22], $0x1000  }
0x314: {  	[sflag:s22] =	ssyncset.done $0x0  }
0x315: {  	[sflag:s22] =	ssyncadd.s32 $0xFFFFF000  }
0x316: {  	s23 =	sadd.s32 $0x1, s23  }
0x317: {  	p0 =	sne.s32 s23, s11  }
.Ltmp5:
0x318: {  	_ = 	snop;
	(pc) =	sbr.rel @p0 .LBB2_1-.Ltmp5, $1  }
0x319: {  	_ =	sdelay $0x3  }
0x31a: {  	_ =	sfence.sel $0x180000  }
0x31b: {  	[bflag:$0x0] =	sbarrier.arrive $0xFFFF  }
0x31c: {  	p0 =	sne.s32 s1, $0x0;
	_ =	strace $0x9000004A  }
0x31d: {  	s0 =	sadd.s32 @!p0 $0x100000, s0;
	[bflag:$0x2] =	sbarrier.arrive $0xFFFF  }
0x31e: {  	[sflag:s0] =	ssyncadd.tile.s32 @!p0 $0x1;
	_ =	shalt  }
.Lfunc_end2:
_tile_overlayer_lowered:
.L_overlay_start_2:
0x31f: {  	(tag) =	ssettag $0x2  }
0x320: {  	s0 =	rddreg [dreg:$0x0];
	s2 =	stileid.u32  }
0x321: {  	s1 =	rddreg [dreg:$0x1];
	p0 =	sne.s32 s2, $0x0  }
0x322: {  	s3 =	rddreg [dreg:$0x2];
	[bflag:$0x3] =	sbarrier.arrive $0xFFFF;
	s2 =	simm.s32 @!p0 $0x1C03  }
0x323: {  	[timem:s3], [sflag:s2] =	dma.local @!p0 [hbm:s0], s1  }
0x324: {  	s0 =	simm.s32 @!p0 $0x3  }
0x325: {  	_ =	swait.ge @!p0 [sflag:s0], s1  }
0x326: {  	s1 =	ssub.s32 @!p0 $0x0, s1;
	[sflag:s0] =	ssyncset.done @!p0 $0x0  }
0x327: {  	[sflag:s0] =	ssyncadd.s32 @!p0 s1  }
0x328: {  	[bflag:$0x3] =	sbarrier.arrive $0xFFFF  }
0x329: {  	_ =	shalt  }

</sc_bundles>
